<compile_context>
chip_gen: v7x
topology: tpu7x:2x2x1
jax: 0.10.2.dev20260603
libtpu: 0.0.44.dev20260713+nightly
codegen_flags: <defaults>
</compile_context>

<pallas_src>
import functools

import jax
import jax.numpy as jnp
import numpy as np
from jax import lax
from jax.experimental import pallas as pl
from jax.experimental.pallas import tpu as pltpu
from jax.experimental.pallas import tpu_sc as plsc

N_NODES = 50000
CD = 12
CDP = 16
N_PAD = 51200
ROWS_PER_TILE = N_PAD // 16

N_EDGES = 1600000
NW = 32
BATCH = 128
N_BATCHES = N_EDGES // BATCH
NB = 13
SLABS = 30
EXTRA_TILES = N_BATCHES - SLABS * NB * NW

EPS = float(np.finfo(np.float64).eps)
MAX_STEP_LENGTH = 1.0


def _sc_segment_sums(x2dp, edges2d, zacc, probe):
    mesh = plsc.VectorSubcoreMesh(core_axis_name="c", subcore_axis_name="s")

    @functools.partial(
        pl.kernel,
        mesh=mesh,
        compiler_params=pltpu.CompilerParams(use_tc_tiling_on_sc=False),
        out_type=jax.ShapeDtypeStruct((2, N_PAD, CDP), jnp.float32),
        scratch_types=[
            pltpu.VMEM((2, NB, BATCH), jnp.int32),
            pltpu.VMEM((2, NB, BATCH), jnp.int32),
            pltpu.VMEM((2, NB, BATCH, CDP), jnp.float32),
            pltpu.VMEM_SHARED((N_PAD, CDP), jnp.float32),
            pltpu.SemaphoreType.DMA,
            pltpu.SemaphoreType.DMA,
        ],
    )
    def sweep(x_hbm, edges_hbm, zacc_hbm, probe_hbm, acc_out,
              sidx_v, ridx_v, rows_v, acc_sh, gsem, ssem):
        cid = lax.axis_index("c")
        sid = lax.axis_index("s")
        wid = cid * 16 + sid
        base = sid * ROWS_PER_TILE
        start = SLABS * NB * wid + jnp.minimum(wid, EXTRA_TILES)

        pltpu.sync_copy(zacc_hbm, acc_sh.at[pl.ds(base, ROWS_PER_TILE)])
        plsc.subcore_barrier()

        def load_idx(p, g):
            row = start + g * NB
            pltpu.sync_copy(edges_hbm.at[pl.ds(row, NB)], sidx_v.at[p])
            pltpu.sync_copy(edges_hbm.at[pl.ds(N_BATCHES + row, NB)],
                            ridx_v.at[p])

        def fire_gathers(p):
            return [
                pltpu.async_copy(x_hbm.at[sidx_v.at[p, b]], rows_v.at[p, b],
                                 gsem)
                for b in range(NB)
            ]

        def fire_scatters(p):
            return [
                pltpu.async_copy(rows_v.at[p, b], acc_sh.at[ridx_v.at[p, b]],
                                 ssem, add=True)
                for b in range(NB)
            ]

        def drain_sb():
            pltpu.make_async_copy(probe_hbm, rows_v.at[1], ssem).wait()

        def pair(h, carry):
            g0 = 2 * h
            load_idx(0, g0)
            ga = fire_gathers(0)

            @pl.when(h > 0)
            def _():
                drain_sb()

            load_idx(1, g0 + 1)
            for c in ga:
                c.wait()
            gb = fire_gathers(1)
            sa = fire_scatters(0)
            for c in gb:
                c.wait()
            for c in sa:
                c.wait()
            fire_scatters(1)
            return carry

        lax.fori_loop(0, SLABS // 2, pair, 0)
        drain_sb()

        @pl.when(wid < EXTRA_TILES)
        def _():
            row = start + SLABS * NB
            pltpu.sync_copy(edges_hbm.at[row], sidx_v.at[0, 0])
            pltpu.sync_copy(edges_hbm.at[N_BATCHES + row], ridx_v.at[0, 0])
            pltpu.async_copy(x_hbm.at[sidx_v.at[0, 0]], rows_v.at[0, 0],
                             gsem).wait()
            pltpu.async_copy(rows_v.at[0, 0], acc_sh.at[ridx_v.at[0, 0]],
                             ssem, add=True).wait()

        plsc.subcore_barrier()

        pltpu.sync_copy(acc_sh.at[pl.ds(base, ROWS_PER_TILE)],
                        acc_out.at[cid, pl.ds(base, ROWS_PER_TILE)])

    return sweep(x2dp, edges2d, zacc, probe)


NODES_PER_TILE = 1568
LAST_TILE_NODES = N_NODES - 31 * NODES_PER_TILE
N_XP = 32 * NODES_PER_TILE


def _rsqrt_nr(z):
    bits = plsc.bitcast(z, jnp.int32)
    y = plsc.bitcast(jnp.int32(0x5F3759DF) - (bits >> 1), jnp.float32)
    for _ in range(3):
        y = y * (1.5 - 0.5 * z * y * y)
    return y


def _sc_combine(x2dp, acc, tpad, dpad):
    mesh = plsc.VectorSubcoreMesh(core_axis_name="c", subcore_axis_name="s")

    @functools.partial(
        pl.kernel,
        mesh=mesh,
        compiler_params=pltpu.CompilerParams(
            use_tc_tiling_on_sc=False, needs_layout_passes=False),
        out_type=jax.ShapeDtypeStruct((N_NODES, CD), jnp.float32),
        scratch_types=[
            pltpu.VMEM((NODES_PER_TILE, CDP), jnp.float32),
            pltpu.VMEM((NODES_PER_TILE, CDP), jnp.float32),
            pltpu.VMEM((NODES_PER_TILE, CDP), jnp.float32),
            pltpu.VMEM((NODES_PER_TILE, CD), jnp.float32),
            pltpu.VMEM((4, 16), jnp.float32),
            pltpu.VMEM((4, 16), jnp.float32),
            pltpu.SemaphoreType.DMA,
        ],
    )
    def combine(x_hbm, acc_hbm, t_hbm, d_hbm, out_hbm,
                xv, a0v, a1v, outv, tv, dv, sem):
        cid = lax.axis_index("c")
        sid = lax.axis_index("s")
        wid = cid * 16 + sid
        start = wid * NODES_PER_TILE
        n_w = jnp.where(wid < 31, NODES_PER_TILE, LAST_TILE_NODES)
        n_groups = n_w // 16

        cx = pltpu.async_copy(x_hbm.at[pl.ds(start, NODES_PER_TILE)], xv, sem)
        c0 = pltpu.async_copy(acc_hbm.at[0, pl.ds(start, NODES_PER_TILE)],
                              a0v, sem)
        c1 = pltpu.async_copy(acc_hbm.at[1, pl.ds(start, NODES_PER_TILE)],
                              a1v, sem)
        pltpu.sync_copy(t_hbm, tv)
        pltpu.sync_copy(d_hbm, dv)
        cx.wait()
        c0.wait()
        c1.wait()

        lanes = lax.iota(jnp.int32, 16)
        tc = [tv[c] for c in range(4)]
        dc = [dv[c] for c in range(4)]

        def group(g, carry):
            row = g * 16 + lanes

            def col(ref, f):
                return plsc.load_gather(
                    ref, [row, jnp.full((16,), f, jnp.int32)])

            deg = col(a0v, CD) + col(a1v, CD)
            dmax = jnp.maximum(deg, 1.0)
            out_cols = []
            for c in range(4):
                v = []
                for dd in range(3):
                    f = 3 * c + dd
                    s = col(a0v, f) + col(a1v, f)
                    v.append((deg * col(xv, f) - s) / dmax)
                nrm2 = v[0] * v[0] + v[1] * v[1] + v[2] * v[2] + EPS
                rs = _rsqrt_nr(nrm2)
                nrm = nrm2 * rs
                alp = 1.0 / (1.0 + jnp.exp(dc[c] - nrm))
                scale = jnp.where(nrm * alp <= MAX_STEP_LENGTH, alp, rs)
                ts = tc[c] * scale
                for dd in range(3):
                    f = 3 * c + dd
                    out_cols.append((f, col(xv, f) - ts * v[dd]))
            for f, val in out_cols:
                plsc.store_scatter(
                    outv, [row, jnp.full((16,), f, jnp.int32)], val)
            return carry

        lax.fori_loop(0, n_groups, group, 0)

        @pl.when(wid < 31)
        def _():
            pltpu.sync_copy(outv.at[pl.ds(0, NODES_PER_TILE)],
                            out_hbm.at[pl.ds(start, NODES_PER_TILE)])

        @pl.when(wid == 31)
        def _():
            pltpu.sync_copy(outv.at[pl.ds(0, LAST_TILE_NODES)],
                            out_hbm.at[pl.ds(start, LAST_TILE_NODES)])

    return combine(x2dp, acc, tpad, dpad)


def kernel(x, edge_index, t_sqrt, delta_sqrt):
    x2d = x.reshape(N_NODES, CD)
    edges2d = edge_index.reshape(2 * N_BATCHES, BATCH)

    x2dp = jnp.concatenate(
        [x2d, jnp.ones((N_NODES, 1), jnp.float32),
         jnp.zeros((N_NODES, CDP - CD - 1), jnp.float32)], axis=1)
    x2dp = jnp.concatenate(
        [x2dp, jnp.zeros((N_XP - N_NODES, CDP), jnp.float32)], axis=0)
    zacc = jnp.zeros((ROWS_PER_TILE, CDP), jnp.float32)
    probe = jnp.zeros((NB, BATCH, CDP), jnp.float32)

    acc = _sc_segment_sums(x2dp, edges2d, zacc, probe)

    tpad = jnp.broadcast_to(
        (t_sqrt.astype(jnp.float32) ** 2)[:, None], (4, 16))
    dpad = jnp.broadcast_to(
        (delta_sqrt.astype(jnp.float32) ** 2)[:, None], (4, 16))

    out2d = _sc_combine(x2dp, acc, tpad, dpad)
    return out2d.reshape(N_NODES, 4, 3)

# --- scband reference (transcript-rebuilt; emitter-appended) ---
"""Pipeline reference for scband-flow-layer-28724741276121 (READ-ONLY COPY).

The authoritative reference and input builder live on the scoring server;
editing this copy changes nothing except your own understanding.
"""

import jax, jax.numpy as jnp
import numpy as np

N_NODES = 50000
N_CHANNELS = 4
POINT_DIM = 3
N_EDGES = 1600000
N_STEPS = 1
MAX_STEP_LENGTH = 1.0
EPS = float(jnp.finfo(jnp.float64).eps)


def _mfdg_laplace(channel, senders, receivers):
    # Manifold graph Laplacian for the Euclidean manifold:
    #   log_{x_r}(x_s) = x_s - x_r
    #   (Delta x)_i = -(1/deg_i) * sum_{j in N(i)} log_{x_i}(x_j)
    logs = channel[senders] - channel[receivers]
    lap = -jax.ops.segment_sum(logs, receivers, num_segments=N_NODES)
    deg = jax.ops.segment_sum(jnp.ones((logs.shape[0],), dtype=channel.dtype), receivers, num_segments=N_NODES)
    return lap / jnp.maximum(deg, 1.0)[:, None]


def _single_euler_step(x, senders, receivers, time, delta):
    # x: [n, c, d]
    v = jax.vmap(lambda ch: _mfdg_laplace(ch, senders, receivers), in_axes=1, out_axes=1)(x)
    delta_full = jnp.broadcast_to(delta[None, :], (x.shape[0], x.shape[1]))

    def _activation(feature, vector, d):
        # Euclidean metric inner product
        nrm = jnp.sqrt(jnp.sum(vector * vector) + EPS)
        alp = jax.nn.sigmoid(nrm - d)
        return jnp.where(nrm * alp <= MAX_STEP_LENGTH, alp * vector, vector * (MAX_STEP_LENGTH / nrm))

    v = jax.vmap(jax.vmap(_activation))(x, v, delta_full)
    v = -v * time.reshape((1, -1) + (1,) * (v.ndim - 2))
    # Euclidean exponential map: exp_p(v) = p + v
    return x + v


def setup_inputs(seed: int = 0):
    key = jax.random.key(seed)
    k1, k2, k3, k4 = jax.random.split(key, 4)
    x = jax.random.normal(k1, (N_NODES, N_CHANNELS, POINT_DIM), dtype=jnp.float32)
    edge_index = jax.random.randint(k2, (2, N_EDGES), 0, N_NODES)
    # hk.get_parameter with TruncatedNormal(stddev=1, mean=1)
    t_sqrt = 1.0 + jax.random.truncated_normal(k3, -2.0, 2.0, (N_CHANNELS,), dtype=jnp.float32)
    delta_sqrt = 1.0 + jax.random.truncated_normal(k4, -2.0, 2.0, (N_CHANNELS,), dtype=jnp.float32)
    return {"x": x, "edge_index": edge_index, "t_sqrt": t_sqrt, "delta_sqrt": delta_sqrt}


def reference(x, edge_index, t_sqrt, delta_sqrt):
    senders = edge_index[0]
    receivers = edge_index[1]
    t = t_sqrt ** 2
    delta = delta_sqrt ** 2

    def step(carry, _):
        return _single_euler_step(carry, senders, receivers, t / N_STEPS, delta), None

    out, _ = jax.lax.scan(step, x, None, length=N_STEPS, unroll=N_STEPS)
    return out

if __name__ == "__main__":
    import jax
    _d = setup_inputs()
    print(jax.jit(kernel)(*tuple(_d.values())))

</pallas_src>

<mosaic_0001>
#map = affine_map<(d0, d1) -> (0, 0)>
#map1 = affine_map<(d0, d1) -> (0, 0, 0)>
module attributes {stable_mosaic.version = 14 : i64} {
  func.func @sweep(%arg0: i32, %arg1: i32, %arg2: memref<50176x16xf32, #tpu.memory_space<hbm>>, %arg3: memref<25000x128xi32, #tpu.memory_space<hbm>>, %arg4: memref<3200x16xf32, #tpu.memory_space<hbm>>, %arg5: memref<13x128x16xf32, #tpu.memory_space<hbm>>, %arg6: memref<2x51200x16xf32, #tpu.memory_space<hbm>>, %arg7: memref<2x13x128xi32, #tpu.memory_space<vmem>>, %arg8: memref<2x13x128xi32, #tpu.memory_space<vmem>>, %arg9: memref<2x13x128x16xf32, #tpu.memory_space<vmem>>, %arg10: memref<51200x16xf32, #tpu.memory_space<vmem_shared>>, %arg11: memref<!tpu.dma_semaphore, #tpu.memory_space<semaphore_mem>>, %arg12: memref<!tpu.dma_semaphore, #tpu.memory_space<semaphore_mem>>) attributes {dimension_semantics = [#tpu.dimension_semantics<core_parallel>, #tpu.dimension_semantics<subcore_parallel>], iteration_bounds = array<i64: 2, 16>, scalar_prefetch = 0 : i64, scratch_operands = 6 : i64, tpu.core_type = #tpu.core_type<sc_vector_subcore>, window_params = [{transform_indices = #map}, {transform_indices = #map}, {transform_indices = #map}, {transform_indices = #map1}, {transform_indices = #map1}]} {
    %mul3A = arith.constant 16 : i32
    %mul3A_0 = arith.muli %arg0, %mul3A : i32
    %add3A = arith.addi %mul3A_0, %arg1 : i32
    %mul3A_1 = arith.constant 3200 : i32
    %mul3A_2 = arith.muli %arg1, %mul3A_1 : i32
    %mul3A_3 = arith.constant 390 : i32
    %mul3A_4 = arith.muli %mul3A_3, %add3A : i32
    %min3A = arith.constant 20 : i32
    %min3A_5 = arith.minsi %add3A, %min3A : i32
    %add3A_6 = arith.addi %mul3A_4, %min3A_5 : i32
    "tpu.region"() ({
      %run_scoped3A = tpu.sem_alloc : memref<!tpu.dma_semaphore, #tpu.memory_space<semaphore_mem>>
      %dma_start3A = arith.constant 0 : i32
      %dma_start3A_25 = tpu.memref_slice %arg10[%mul3A_2, %dma_start3A] : memref<51200x16xf32, #tpu.memory_space<vmem_shared>> -> memref<3200x16xf32, #tpu.memory_space<vmem_shared>>
      tpu.enqueue_dma source(%arg4 : memref<3200x16xf32, #tpu.memory_space<hbm>>) target(%dma_start3A_25 : memref<3200x16xf32, #tpu.memory_space<vmem_shared>>) target_semaphore(%run_scoped3A : memref<!tpu.dma_semaphore, #tpu.memory_space<semaphore_mem>>)
      %dma_wait3A_26 = arith.constant 0 : i32
      %dma_wait3A_27 = tpu.memref_slice %arg10[%mul3A_2, %dma_wait3A_26] : memref<51200x16xf32, #tpu.memory_space<vmem_shared>> -> memref<3200x16xf32, #tpu.memory_space<vmem_shared>>
      tpu.wait_dma2 semaphore(%run_scoped3A : memref<!tpu.dma_semaphore, #tpu.memory_space<semaphore_mem>>) src(%arg4 : memref<3200x16xf32, #tpu.memory_space<hbm>>) dst(%dma_wait3A_27 : memref<3200x16xf32, #tpu.memory_space<vmem_shared>>)
      tpu.yield
    }) : () -> ()
    %barrier3A = arith.constant 0 : index
    tpu.barrier barrier_id(%barrier3A)
    %scan3A = arith.constant 0 : i32
    %scan3A_7 = arith.constant 0 : i32
    %scan3A_8 = arith.constant 15 : i32
    %scan3A_9 = arith.addi %scan3A_7, %scan3A_8 : i32
    %scan3A_10 = arith.constant 1 : i32
    scf.for %scan3A_25 = %scan3A_7 to %scan3A_9 step %scan3A_10  : i32 {
      %mul3A_26 = arith.constant 2 : i32
      %mul3A_27 = arith.muli %mul3A_26, %scan3A_25 : i32
      %mul3A_28 = arith.constant 13 : i32
      %mul3A_29 = arith.muli %mul3A_27, %mul3A_28 : i32
      %add3A_30 = arith.addi %add3A_6, %mul3A_29 : i32
      %run_scoped3A = arith.constant 0 : i32
      "tpu.region"() ({
        %run_scoped3A_1320 = tpu.sem_alloc : memref<!tpu.dma_semaphore, #tpu.memory_space<semaphore_mem>>
        %dma_start3A_1321 = arith.constant 0 : i32
        %dma_start3A_1322 = arith.constant 0 : i32
        %dma_start3A_1323 = tpu.memref_slice %arg7[%run_scoped3A, %dma_start3A_1321, %dma_start3A_1322] : memref<2x13x128xi32, #tpu.memory_space<vmem>> -> memref<1x13x128xi32, #tpu.memory_space<vmem>>
        %dma_start3A_1324 = tpu.memref_squeeze %dma_start3A_1323 : memref<1x13x128xi32, #tpu.memory_space<vmem>> -> memref<13x128xi32, #tpu.memory_space<vmem>>
        %dma_start3A_1325 = arith.constant 0 : i32
        %dma_start3A_1326 = tpu.memref_slice %arg3[%add3A_30, %dma_start3A_1325] : memref<25000x128xi32, #tpu.memory_space<hbm>> -> memref<13x128xi32, #tpu.memory_space<hbm>>
        %dma_start3A_1327 = arith.constant 0 : i32
        %dma_start3A_1328 = arith.constant 0 : i32
        %dma_start3A_1329 = tpu.memref_slice %arg7[%run_scoped3A, %dma_start3A_1327, %dma_start3A_1328] : memref<2x13x128xi32, #tpu.memory_space<vmem>> -> memref<1x13x128xi32, #tpu.memory_space<vmem>>
        %dma_start3A_1330 = tpu.memref_squeeze %dma_start3A_1329 : memref<1x13x128xi32, #tpu.memory_space<vmem>> -> memref<13x128xi32, #tpu.memory_space<vmem>>
        %dma_start3A_1331 = arith.constant 0 : i32
        %dma_start3A_1332 = tpu.memref_slice %arg3[%add3A_30, %dma_start3A_1331] : memref<25000x128xi32, #tpu.memory_space<hbm>> -> memref<13x128xi32, #tpu.memory_space<hbm>>
        tpu.enqueue_dma source(%dma_start3A_1332 : memref<13x128xi32, #tpu.memory_space<hbm>>) target(%dma_start3A_1330 : memref<13x128xi32, #tpu.memory_space<vmem>>) target_semaphore(%run_scoped3A_1320 : memref<!tpu.dma_semaphore, #tpu.memory_space<semaphore_mem>>)
        %dma_wait3A_1333 = arith.constant 0 : i32
        %dma_wait3A_1334 = arith.constant 0 : i32
        %dma_wait3A_1335 = tpu.memref_slice %arg7[%run_scoped3A, %dma_wait3A_1333, %dma_wait3A_1334] : memref<2x13x128xi32, #tpu.memory_space<vmem>> -> memref<1x13x128xi32, #tpu.memory_space<vmem>>
        %dma_wait3A_1336 = tpu.memref_squeeze %dma_wait3A_1335 : memref<1x13x128xi32, #tpu.memory_space<vmem>> -> memref<13x128xi32, #tpu.memory_space<vmem>>
        %dma_wait3A_1337 = arith.constant 0 : i32
        %dma_wait3A_1338 = tpu.memref_slice %arg3[%add3A_30, %dma_wait3A_1337] : memref<25000x128xi32, #tpu.memory_space<hbm>> -> memref<13x128xi32, #tpu.memory_space<hbm>>
        %dma_wait3A_1339 = arith.constant 0 : i32
        %dma_wait3A_1340 = arith.constant 0 : i32
        %dma_wait3A_1341 = tpu.memref_slice %arg7[%run_scoped3A, %dma_wait3A_1339, %dma_wait3A_1340] : memref<2x13x128xi32, #tpu.memory_space<vmem>> -> memref<1x13x128xi32, #tpu.memory_space<vmem>>
        %dma_wait3A_1342 = tpu.memref_squeeze %dma_wait3A_1341 : memref<1x13x128xi32, #tpu.memory_space<vmem>> -> memref<13x128xi32, #tpu.memory_space<vmem>>
        %dma_wait3A_1343 = arith.constant 0 : i32
        %dma_wait3A_1344 = tpu.memref_slice %arg3[%add3A_30, %dma_wait3A_1343] : memref<25000x128xi32, #tpu.memory_space<hbm>> -> memref<13x128xi32, #tpu.memory_space<hbm>>
        tpu.wait_dma2 semaphore(%run_scoped3A_1320 : memref<!tpu.dma_semaphore, #tpu.memory_space<semaphore_mem>>) src(%dma_wait3A_1344 : memref<13x128xi32, #tpu.memory_space<hbm>>) dst(%dma_wait3A_1342 : memref<13x128xi32, #tpu.memory_space<vmem>>)
        tpu.yield
      }) : () -> ()
      %add3A_31 = arith.constant 12500 : i32
      %add3A_32 = arith.addi %add3A_31, %add3A_30 : i32
      %run_scoped3A_33 = arith.constant 0 : i32
      "tpu.region"() ({
        %run_scoped3A_1320 = tpu.sem_alloc : memref<!tpu.dma_semaphore, #tpu.memory_space<semaphore_mem>>
        %dma_start3A_1321 = arith.constant 0 : i32
        %dma_start3A_1322 = arith.constant 0 : i32
        %dma_start3A_1323 = tpu.memref_slice %arg8[%run_scoped3A_33, %dma_start3A_1321, %dma_start3A_1322] : memref<2x13x128xi32, #tpu.memory_space<vmem>> -> memref<1x13x128xi32, #tpu.memory_space<vmem>>
        %dma_start3A_1324 = tpu.memref_squeeze %dma_start3A_1323 : memref<1x13x128xi32, #tpu.memory_space<vmem>> -> memref<13x128xi32, #tpu.memory_space<vmem>>
        %dma_start3A_1325 = arith.constant 0 : i32
        %dma_start3A_1326 = tpu.memref_slice %arg3[%add3A_32, %dma_start3A_1325] : memref<25000x128xi32, #tpu.memory_space<hbm>> -> memref<13x128xi32, #tpu.memory_space<hbm>>
        %dma_start3A_1327 = arith.constant 0 : i32
        %dma_start3A_1328 = arith.constant 0 : i32
        %dma_start3A_1329 = tpu.memref_slice %arg8[%run_scoped3A_33, %dma_start3A_1327, %dma_start3A_1328] : memref<2x13x128xi32, #tpu.memory_space<vmem>> -> memref<1x13x128xi32, #tpu.memory_space<vmem>>
        %dma_start3A_1330 = tpu.memref_squeeze %dma_start3A_1329 : memref<1x13x128xi32, #tpu.memory_space<vmem>> -> memref<13x128xi32, #tpu.memory_space<vmem>>
        %dma_start3A_1331 = arith.constant 0 : i32
        %dma_start3A_1332 = tpu.memref_slice %arg3[%add3A_32, %dma_start3A_1331] : memref<25000x128xi32, #tpu.memory_space<hbm>> -> memref<13x128xi32, #tpu.memory_space<hbm>>
        tpu.enqueue_dma source(%dma_start3A_1332 : memref<13x128xi32, #tpu.memory_space<hbm>>) target(%dma_start3A_1330 : memref<13x128xi32, #tpu.memory_space<vmem>>) target_semaphore(%run_scoped3A_1320 : memref<!tpu.dma_semaphore, #tpu.memory_space<semaphore_mem>>)
        %dma_wait3A_1333 = arith.constant 0 : i32
        %dma_wait3A_1334 = arith.constant 0 : i32
        %dma_wait3A_1335 = tpu.memref_slice %arg8[%run_scoped3A_33, %dma_wait3A_1333, %dma_wait3A_1334] : memref<2x13x128xi32, #tpu.memory_space<vmem>> -> memref<1x13x128xi32, #tpu.memory_space<vmem>>
        %dma_wait3A_1336 = tpu.memref_squeeze %dma_wait3A_1335 : memref<1x13x128xi32, #tpu.memory_space<vmem>> -> memref<13x128xi32, #tpu.memory_space<vmem>>
        %dma_wait3A_1337 = arith.constant 0 : i32
        %dma_wait3A_1338 = tpu.memref_slice %arg3[%add3A_32, %dma_wait3A_1337] : memref<25000x128xi32, #tpu.memory_space<hbm>> -> memref<13x128xi32, #tpu.memory_space<hbm>>
        %dma_wait3A_1339 = arith.constant 0 : i32
        %dma_wait3A_1340 = arith.constant 0 : i32
        %dma_wait3A_1341 = tpu.memref_slice %arg8[%run_scoped3A_33, %dma_wait3A_1339, %dma_wait3A_1340] : memref<2x13x128xi32, #tpu.memory_space<vmem>> -> memref<1x13x128xi32, #tpu.memory_space<vmem>>
        %dma_wait3A_1342 = tpu.memref_squeeze %dma_wait3A_1341 : memref<1x13x128xi32, #tpu.memory_space<vmem>> -> memref<13x128xi32, #tpu.memory_space<vmem>>
        %dma_wait3A_1343 = arith.constant 0 : i32
        %dma_wait3A_1344 = tpu.memref_slice %arg3[%add3A_32, %dma_wait3A_1343] : memref<25000x128xi32, #tpu.memory_space<hbm>> -> memref<13x128xi32, #tpu.memory_space<hbm>>
        tpu.wait_dma2 semaphore(%run_scoped3A_1320 : memref<!tpu.dma_semaphore, #tpu.memory_space<semaphore_mem>>) src(%dma_wait3A_1344 : memref<13x128xi32, #tpu.memory_space<hbm>>) dst(%dma_wait3A_1342 : memref<13x128xi32, #tpu.memory_space<vmem>>)
        tpu.yield
      }) : () -> ()
      %dma_start3A = arith.constant 0 : i32
      %dma_start3A_34 = arith.constant 0 : i32
      %dma_start3A_35 = arith.constant 0 : i32
      %dma_start3A_36 = arith.constant 0 : i32
      %dma_start3A_37 = arith.constant 0 : i32
      %dma_start3A_38 = arith.constant 0 : i32
      %dma_start3A_39 = tpu.memref_slice %arg9[%dma_start3A_35, %dma_start3A_36, %dma_start3A_37, %dma_start3A_38] : memref<2x13x128x16xf32, #tpu.memory_space<vmem>> -> memref<1x1x128x16xf32, #tpu.memory_space<vmem>>
      %dma_start3A_40 = tpu.memref_squeeze %dma_start3A_39 : memref<1x1x128x16xf32, #tpu.memory_space<vmem>> -> memref<128x16xf32, #tpu.memory_space<vmem>>
      %dma_start3A_41 = arith.constant 0 : i32
      %dma_start3A_42 = tpu.memref_slice %arg7[%dma_start3A, %dma_start3A_34, %dma_start3A_41] : memref<2x13x128xi32, #tpu.memory_space<vmem>> -> memref<1x1x128xi32, #tpu.memory_space<vmem>>
      %dma_start3A_43 = tpu.memref_squeeze %dma_start3A_42 : memref<1x1x128xi32, #tpu.memory_space<vmem>> -> memref<128xi32, #tpu.memory_space<vmem>>
      %dma_start3A_44 = arith.constant 0 : i32
      %dma_start3A_45 = arith.constant 0 : i32
      %dma_start3A_46 = tpu.memref_slice %arg2[%dma_start3A_44, %dma_start3A_45] : memref<50176x16xf32, #tpu.memory_space<hbm>> -> memref<50176x16xf32, #tpu.memory_space<hbm>>
      tpu.enqueue_indirect_dma source(%dma_start3A_46 : memref<50176x16xf32, #tpu.memory_space<hbm>>) target(%dma_start3A_40 : memref<128x16xf32, #tpu.memory_space<vmem>>) offsets(%dma_start3A_43 : memref<128xi32, #tpu.memory_space<vmem>>) semaphore(%arg11 : memref<!tpu.dma_semaphore, #tpu.memory_space<semaphore_mem>>)
      %dma_start3A_47 = arith.constant 0 : i32
      %dma_start3A_48 = arith.constant 1 : i32
      %dma_start3A_49 = arith.constant 0 : i32
      %dma_start3A_50 = arith.constant 1 : i32
      %dma_start3A_51 = arith.constant 0 : i32
      %dma_start3A_52 = arith.constant 0 : i32
      %dma_start3A_53 = tpu.memref_slice %arg9[%dma_start3A_49, %dma_start3A_50, %dma_start3A_51, %dma_start3A_52] : memref<2x13x128x16xf32, #tpu.memory_space<vmem>> -> memref<1x1x128x16xf32, #tpu.memory_space<vmem>>
      %dma_start3A_54 = tpu.memref_squeeze %dma_start3A_53 : memref<1x1x128x16xf32, #tpu.memory_space<vmem>> -> memref<128x16xf32, #tpu.memory_space<vmem>>
      %dma_start3A_55 = arith.constant 0 : i32
      %dma_start3A_56 = tpu.memref_slice %arg7[%dma_start3A_47, %dma_start3A_48, %dma_start3A_55] : memref<2x13x128xi32, #tpu.memory_space<vmem>> -> memref<1x1x128xi32, #tpu.memory_space<vmem>>
      %dma_start3A_57 = tpu.memref_squeeze %dma_start3A_56 : memref<1x1x128xi32, #tpu.memory_space<vmem>> -> memref<128xi32, #tpu.memory_space<vmem>>
      %dma_start3A_58 = arith.constant 0 : i32
      %dma_start3A_59 = arith.constant 0 : i32
      %dma_start3A_60 = tpu.memref_slice %arg2[%dma_start3A_58, %dma_start3A_59] : memref<50176x16xf32, #tpu.memory_space<hbm>> -> memref<50176x16xf32, #tpu.memory_space<hbm>>
      tpu.enqueue_indirect_dma source(%dma_start3A_60 : memref<50176x16xf32, #tpu.memory_space<hbm>>) target(%dma_start3A_54 : memref<128x16xf32, #tpu.memory_space<vmem>>) offsets(%dma_start3A_57 : memref<128xi32, #tpu.memory_space<vmem>>) semaphore(%arg11 : memref<!tpu.dma_semaphore, #tpu.memory_space<semaphore_mem>>)
      %dma_start3A_61 = arith.constant 0 : i32
      %dma_start3A_62 = arith.constant 2 : i32
      %dma_start3A_63 = arith.constant 0 : i32
      %dma_start3A_64 = arith.constant 2 : i32
      %dma_start3A_65 = arith.constant 0 : i32
      %dma_start3A_66 = arith.constant 0 : i32
      %dma_start3A_67 = tpu.memref_slice %arg9[%dma_start3A_63, %dma_start3A_64, %dma_start3A_65, %dma_start3A_66] : memref<2x13x128x16xf32, #tpu.memory_space<vmem>> -> memref<1x1x128x16xf32, #tpu.memory_space<vmem>>
      %dma_start3A_68 = tpu.memref_squeeze %dma_start3A_67 : memref<1x1x128x16xf32, #tpu.memory_space<vmem>> -> memref<128x16xf32, #tpu.memory_space<vmem>>
      %dma_start3A_69 = arith.constant 0 : i32
      %dma_start3A_70 = tpu.memref_slice %arg7[%dma_start3A_61, %dma_start3A_62, %dma_start3A_69] : memref<2x13x128xi32, #tpu.memory_space<vmem>> -> memref<1x1x128xi32, #tpu.memory_space<vmem>>
      %dma_start3A_71 = tpu.memref_squeeze %dma_start3A_70 : memref<1x1x128xi32, #tpu.memory_space<vmem>> -> memref<128xi32, #tpu.memory_space<vmem>>
      %dma_start3A_72 = arith.constant 0 : i32
      %dma_start3A_73 = arith.constant 0 : i32
      %dma_start3A_74 = tpu.memref_slice %arg2[%dma_start3A_72, %dma_start3A_73] : memref<50176x16xf32, #tpu.memory_space<hbm>> -> memref<50176x16xf32, #tpu.memory_space<hbm>>
      tpu.enqueue_indirect_dma source(%dma_start3A_74 : memref<50176x16xf32, #tpu.memory_space<hbm>>) target(%dma_start3A_68 : memref<128x16xf32, #tpu.memory_space<vmem>>) offsets(%dma_start3A_71 : memref<128xi32, #tpu.memory_space<vmem>>) semaphore(%arg11 : memref<!tpu.dma_semaphore, #tpu.memory_space<semaphore_mem>>)
      %dma_start3A_75 = arith.constant 0 : i32
      %dma_start3A_76 = arith.constant 3 : i32
      %dma_start3A_77 = arith.constant 0 : i32
      %dma_start3A_78 = arith.constant 3 : i32
      %dma_start3A_79 = arith.constant 0 : i32
      %dma_start3A_80 = arith.constant 0 : i32
      %dma_start3A_81 = tpu.memref_slice %arg9[%dma_start3A_77, %dma_start3A_78, %dma_start3A_79, %dma_start3A_80] : memref<2x13x128x16xf32, #tpu.memory_space<vmem>> -> memref<1x1x128x16xf32, #tpu.memory_space<vmem>>
      %dma_start3A_82 = tpu.memref_squeeze %dma_start3A_81 : memref<1x1x128x16xf32, #tpu.memory_space<vmem>> -> memref<128x16xf32, #tpu.memory_space<vmem>>
      %dma_start3A_83 = arith.constant 0 : i32
      %dma_start3A_84 = tpu.memref_slice %arg7[%dma_start3A_75, %dma_start3A_76, %dma_start3A_83] : memref<2x13x128xi32, #tpu.memory_space<vmem>> -> memref<1x1x128xi32, #tpu.memory_space<vmem>>
      %dma_start3A_85 = tpu.memref_squeeze %dma_start3A_84 : memref<1x1x128xi32, #tpu.memory_space<vmem>> -> memref<128xi32, #tpu.memory_space<vmem>>
      %dma_start3A_86 = arith.constant 0 : i32
      %dma_start3A_87 = arith.constant 0 : i32
      %dma_start3A_88 = tpu.memref_slice %arg2[%dma_start3A_86, %dma_start3A_87] : memref<50176x16xf32, #tpu.memory_space<hbm>> -> memref<50176x16xf32, #tpu.memory_space<hbm>>
      tpu.enqueue_indirect_dma source(%dma_start3A_88 : memref<50176x16xf32, #tpu.memory_space<hbm>>) target(%dma_start3A_82 : memref<128x16xf32, #tpu.memory_space<vmem>>) offsets(%dma_start3A_85 : memref<128xi32, #tpu.memory_space<vmem>>) semaphore(%arg11 : memref<!tpu.dma_semaphore, #tpu.memory_space<semaphore_mem>>)
      %dma_start3A_89 = arith.constant 0 : i32
      %dma_start3A_90 = arith.constant 4 : i32
      %dma_start3A_91 = arith.constant 0 : i32
      %dma_start3A_92 = arith.constant 4 : i32
      %dma_start3A_93 = arith.constant 0 : i32
      %dma_start3A_94 = arith.constant 0 : i32
      %dma_start3A_95 = tpu.memref_slice %arg9[%dma_start3A_91, %dma_start3A_92, %dma_start3A_93, %dma_start3A_94] : memref<2x13x128x16xf32, #tpu.memory_space<vmem>> -> memref<1x1x128x16xf32, #tpu.memory_space<vmem>>
      %dma_start3A_96 = tpu.memref_squeeze %dma_start3A_95 : memref<1x1x128x16xf32, #tpu.memory_space<vmem>> -> memref<128x16xf32, #tpu.memory_space<vmem>>
      %dma_start3A_97 = arith.constant 0 : i32
      %dma_start3A_98 = tpu.memref_slice %arg7[%dma_start3A_89, %dma_start3A_90, %dma_start3A_97] : memref<2x13x128xi32, #tpu.memory_space<vmem>> -> memref<1x1x128xi32, #tpu.memory_space<vmem>>
      %dma_start3A_99 = tpu.memref_squeeze %dma_start3A_98 : memref<1x1x128xi32, #tpu.memory_space<vmem>> -> memref<128xi32, #tpu.memory_space<vmem>>
      %dma_start3A_100 = arith.constant 0 : i32
      %dma_start3A_101 = arith.constant 0 : i32
      %dma_start3A_102 = tpu.memref_slice %arg2[%dma_start3A_100, %dma_start3A_101] : memref<50176x16xf32, #tpu.memory_space<hbm>> -> memref<50176x16xf32, #tpu.memory_space<hbm>>
      tpu.enqueue_indirect_dma source(%dma_start3A_102 : memref<50176x16xf32, #tpu.memory_space<hbm>>) target(%dma_start3A_96 : memref<128x16xf32, #tpu.memory_space<vmem>>) offsets(%dma_start3A_99 : memref<128xi32, #tpu.memory_space<vmem>>) semaphore(%arg11 : memref<!tpu.dma_semaphore, #tpu.memory_space<semaphore_mem>>)
      %dma_start3A_103 = arith.constant 0 : i32
      %dma_start3A_104 = arith.constant 5 : i32
      %dma_start3A_105 = arith.constant 0 : i32
      %dma_start3A_106 = arith.constant 5 : i32
      %dma_start3A_107 = arith.constant 0 : i32
      %dma_start3A_108 = arith.constant 0 : i32
      %dma_start3A_109 = tpu.memref_slice %arg9[%dma_start3A_105, %dma_start3A_106, %dma_start3A_107, %dma_start3A_108] : memref<2x13x128x16xf32, #tpu.memory_space<vmem>> -> memref<1x1x128x16xf32, #tpu.memory_space<vmem>>
      %dma_start3A_110 = tpu.memref_squeeze %dma_start3A_109 : memref<1x1x128x16xf32, #tpu.memory_space<vmem>> -> memref<128x16xf32, #tpu.memory_space<vmem>>
      %dma_start3A_111 = arith.constant 0 : i32
      %dma_start3A_112 = tpu.memref_slice %arg7[%dma_start3A_103, %dma_start3A_104, %dma_start3A_111] : memref<2x13x128xi32, #tpu.memory_space<vmem>> -> memref<1x1x128xi32, #tpu.memory_space<vmem>>
      %dma_start3A_113 = tpu.memref_squeeze %dma_start3A_112 : memref<1x1x128xi32, #tpu.memory_space<vmem>> -> memref<128xi32, #tpu.memory_space<vmem>>
      %dma_start3A_114 = arith.constant 0 : i32
      %dma_start3A_115 = arith.constant 0 : i32
      %dma_start3A_116 = tpu.memref_slice %arg2[%dma_start3A_114, %dma_start3A_115] : memref<50176x16xf32, #tpu.memory_space<hbm>> -> memref<50176x16xf32, #tpu.memory_space<hbm>>
      tpu.enqueue_indirect_dma source(%dma_start3A_116 : memref<50176x16xf32, #tpu.memory_space<hbm>>) target(%dma_start3A_110 : memref<128x16xf32, #tpu.memory_space<vmem>>) offsets(%dma_start3A_113 : memref<128xi32, #tpu.memory_space<vmem>>) semaphore(%arg11 : memref<!tpu.dma_semaphore, #tpu.memory_space<semaphore_mem>>)
      %dma_start3A_117 = arith.constant 0 : i32
      %dma_start3A_118 = arith.constant 6 : i32
      %dma_start3A_119 = arith.constant 0 : i32
      %dma_start3A_120 = arith.constant 6 : i32
      %dma_start3A_121 = arith.constant 0 : i32
      %dma_start3A_122 = arith.constant 0 : i32
      %dma_start3A_123 = tpu.memref_slice %arg9[%dma_start3A_119, %dma_start3A_120, %dma_start3A_121, %dma_start3A_122] : memref<2x13x128x16xf32, #tpu.memory_space<vmem>> -> memref<1x1x128x16xf32, #tpu.memory_space<vmem>>
      %dma_start3A_124 = tpu.memref_squeeze %dma_start3A_123 : memref<1x1x128x16xf32, #tpu.memory_space<vmem>> -> memref<128x16xf32, #tpu.memory_space<vmem>>
      %dma_start3A_125 = arith.constant 0 : i32
      %dma_start3A_126 = tpu.memref_slice %arg7[%dma_start3A_117, %dma_start3A_118, %dma_start3A_125] : memref<2x13x128xi32, #tpu.memory_space<vmem>> -> memref<1x1x128xi32, #tpu.memory_space<vmem>>
      %dma_start3A_127 = tpu.memref_squeeze %dma_start3A_126 : memref<1x1x128xi32, #tpu.memory_space<vmem>> -> memref<128xi32, #tpu.memory_space<vmem>>
      %dma_start3A_128 = arith.constant 0 : i32
      %dma_start3A_129 = arith.constant 0 : i32
      %dma_start3A_130 = tpu.memref_slice %arg2[%dma_start3A_128, %dma_start3A_129] : memref<50176x16xf32, #tpu.memory_space<hbm>> -> memref<50176x16xf32, #tpu.memory_space<hbm>>
      tpu.enqueue_indirect_dma source(%dma_start3A_130 : memref<50176x16xf32, #tpu.memory_space<hbm>>) target(%dma_start3A_124 : memref<128x16xf32, #tpu.memory_space<vmem>>) offsets(%dma_start3A_127 : memref<128xi32, #tpu.memory_space<vmem>>) semaphore(%arg11 : memref<!tpu.dma_semaphore, #tpu.memory_space<semaphore_mem>>)
      %dma_start3A_131 = arith.constant 0 : i32
      %dma_start3A_132 = arith.constant 7 : i32
      %dma_start3A_133 = arith.constant 0 : i32
      %dma_start3A_134 = arith.constant 7 : i32
      %dma_start3A_135 = arith.constant 0 : i32
      %dma_start3A_136 = arith.constant 0 : i32
      %dma_start3A_137 = tpu.memref_slice %arg9[%dma_start3A_133, %dma_start3A_134, %dma_start3A_135, %dma_start3A_136] : memref<2x13x128x16xf32, #tpu.memory_space<vmem>> -> memref<1x1x128x16xf32, #tpu.memory_space<vmem>>
      %dma_start3A_138 = tpu.memref_squeeze %dma_start3A_137 : memref<1x1x128x16xf32, #tpu.memory_space<vmem>> -> memref<128x16xf32, #tpu.memory_space<vmem>>
      %dma_start3A_139 = arith.constant 0 : i32
      %dma_start3A_140 = tpu.memref_slice %arg7[%dma_start3A_131, %dma_start3A_132, %dma_start3A_139] : memref<2x13x128xi32, #tpu.memory_space<vmem>> -> memref<1x1x128xi32, #tpu.memory_space<vmem>>
      %dma_start3A_141 = tpu.memref_squeeze %dma_start3A_140 : memref<1x1x128xi32, #tpu.memory_space<vmem>> -> memref<128xi32, #tpu.memory_space<vmem>>
      %dma_start3A_142 = arith.constant 0 : i32
      %dma_start3A_143 = arith.constant 0 : i32
      %dma_start3A_144 = tpu.memref_slice %arg2[%dma_start3A_142, %dma_start3A_143] : memref<50176x16xf32, #tpu.memory_space<hbm>> -> memref<50176x16xf32, #tpu.memory_space<hbm>>
      tpu.enqueue_indirect_dma source(%dma_start3A_144 : memref<50176x16xf32, #tpu.memory_space<hbm>>) target(%dma_start3A_138 : memref<128x16xf32, #tpu.memory_space<vmem>>) offsets(%dma_start3A_141 : memref<128xi32, #tpu.memory_space<vmem>>) semaphore(%arg11 : memref<!tpu.dma_semaphore, #tpu.memory_space<semaphore_mem>>)
      %dma_start3A_145 = arith.constant 0 : i32
      %dma_start3A_146 = arith.constant 8 : i32
      %dma_start3A_147 = arith.constant 0 : i32
      %dma_start3A_148 = arith.constant 8 : i32
      %dma_start3A_149 = arith.constant 0 : i32
      %dma_start3A_150 = arith.constant 0 : i32
      %dma_start3A_151 = tpu.memref_slice %arg9[%dma_start3A_147, %dma_start3A_148, %dma_start3A_149, %dma_start3A_150] : memref<2x13x128x16xf32, #tpu.memory_space<vmem>> -> memref<1x1x128x16xf32, #tpu.memory_space<vmem>>
      %dma_start3A_152 = tpu.memref_squeeze %dma_start3A_151 : memref<1x1x128x16xf32, #tpu.memory_space<vmem>> -> memref<128x16xf32, #tpu.memory_space<vmem>>
      %dma_start3A_153 = arith.constant 0 : i32
      %dma_start3A_154 = tpu.memref_slice %arg7[%dma_start3A_145, %dma_start3A_146, %dma_start3A_153] : memref<2x13x128xi32, #tpu.memory_space<vmem>> -> memref<1x1x128xi32, #tpu.memory_space<vmem>>
      %dma_start3A_155 = tpu.memref_squeeze %dma_start3A_154 : memref<1x1x128xi32, #tpu.memory_space<vmem>> -> memref<128xi32, #tpu.memory_space<vmem>>
      %dma_start3A_156 = arith.constant 0 : i32
      %dma_start3A_157 = arith.constant 0 : i32
      %dma_start3A_158 = tpu.memref_slice %arg2[%dma_start3A_156, %dma_start3A_157] : memref<50176x16xf32, #tpu.memory_space<hbm>> -> memref<50176x16xf32, #tpu.memory_space<hbm>>
      tpu.enqueue_indirect_dma source(%dma_start3A_158 : memref<50176x16xf32, #tpu.memory_space<hbm>>) target(%dma_start3A_152 : memref<128x16xf32, #tpu.memory_space<vmem>>) offsets(%dma_start3A_155 : memref<128xi32, #tpu.memory_space<vmem>>) semaphore(%arg11 : memref<!tpu.dma_semaphore, #tpu.memory_space<semaphore_mem>>)
      %dma_start3A_159 = arith.constant 0 : i32
      %dma_start3A_160 = arith.constant 9 : i32
      %dma_start3A_161 = arith.constant 0 : i32
      %dma_start3A_162 = arith.constant 9 : i32
      %dma_start3A_163 = arith.constant 0 : i32
      %dma_start3A_164 = arith.constant 0 : i32
      %dma_start3A_165 = tpu.memref_slice %arg9[%dma_start3A_161, %dma_start3A_162, %dma_start3A_163, %dma_start3A_164] : memref<2x13x128x16xf32, #tpu.memory_space<vmem>> -> memref<1x1x128x16xf32, #tpu.memory_space<vmem>>
      %dma_start3A_166 = tpu.memref_squeeze %dma_start3A_165 : memref<1x1x128x16xf32, #tpu.memory_space<vmem>> -> memref<128x16xf32, #tpu.memory_space<vmem>>
      %dma_start3A_167 = arith.constant 0 : i32
      %dma_start3A_168 = tpu.memref_slice %arg7[%dma_start3A_159, %dma_start3A_160, %dma_start3A_167] : memref<2x13x128xi32, #tpu.memory_space<vmem>> -> memref<1x1x128xi32, #tpu.memory_space<vmem>>
      %dma_start3A_169 = tpu.memref_squeeze %dma_start3A_168 : memref<1x1x128xi32, #tpu.memory_space<vmem>> -> memref<128xi32, #tpu.memory_space<vmem>>
      %dma_start3A_170 = arith.constant 0 : i32
      %dma_start3A_171 = arith.constant 0 : i32
      %dma_start3A_172 = tpu.memref_slice %arg2[%dma_start3A_170, %dma_start3A_171] : memref<50176x16xf32, #tpu.memory_space<hbm>> -> memref<50176x16xf32, #tpu.memory_space<hbm>>
      tpu.enqueue_indirect_dma source(%dma_start3A_172 : memref<50176x16xf32, #tpu.memory_space<hbm>>) target(%dma_start3A_166 : memref<128x16xf32, #tpu.memory_space<vmem>>) offsets(%dma_start3A_169 : memref<128xi32, #tpu.memory_space<vmem>>) semaphore(%arg11 : memref<!tpu.dma_semaphore, #tpu.memory_space<semaphore_mem>>)
      %dma_start3A_173 = arith.constant 0 : i32
      %dma_start3A_174 = arith.constant 10 : i32
      %dma_start3A_175 = arith.constant 0 : i32
      %dma_start3A_176 = arith.constant 10 : i32
      %dma_start3A_177 = arith.constant 0 : i32
      %dma_start3A_178 = arith.constant 0 : i32
      %dma_start3A_179 = tpu.memref_slice %arg9[%dma_start3A_175, %dma_start3A_176, %dma_start3A_177, %dma_start3A_178] : memref<2x13x128x16xf32, #tpu.memory_space<vmem>> -> memref<1x1x128x16xf32, #tpu.memory_space<vmem>>
      %dma_start3A_180 = tpu.memref_squeeze %dma_start3A_179 : memref<1x1x128x16xf32, #tpu.memory_space<vmem>> -> memref<128x16xf32, #tpu.memory_space<vmem>>
      %dma_start3A_181 = arith.constant 0 : i32
      %dma_start3A_182 = tpu.memref_slice %arg7[%dma_start3A_173, %dma_start3A_174, %dma_start3A_181] : memref<2x13x128xi32, #tpu.memory_space<vmem>> -> memref<1x1x128xi32, #tpu.memory_space<vmem>>
      %dma_start3A_183 = tpu.memref_squeeze %dma_start3A_182 : memref<1x1x128xi32, #tpu.memory_space<vmem>> -> memref<128xi32, #tpu.memory_space<vmem>>
      %dma_start3A_184 = arith.constant 0 : i32
      %dma_start3A_185 = arith.constant 0 : i32
      %dma_start3A_186 = tpu.memref_slice %arg2[%dma_start3A_184, %dma_start3A_185] : memref<50176x16xf32, #tpu.memory_space<hbm>> -> memref<50176x16xf32, #tpu.memory_space<hbm>>
      tpu.enqueue_indirect_dma source(%dma_start3A_186 : memref<50176x16xf32, #tpu.memory_space<hbm>>) target(%dma_start3A_180 : memref<128x16xf32, #tpu.memory_space<vmem>>) offsets(%dma_start3A_183 : memref<128xi32, #tpu.memory_space<vmem>>) semaphore(%arg11 : memref<!tpu.dma_semaphore, #tpu.memory_space<semaphore_mem>>)
      %dma_start3A_187 = arith.constant 0 : i32
      %dma_start3A_188 = arith.constant 11 : i32
      %dma_start3A_189 = arith.constant 0 : i32
      %dma_start3A_190 = arith.constant 11 : i32
      %dma_start3A_191 = arith.constant 0 : i32
      %dma_start3A_192 = arith.constant 0 : i32
      %dma_start3A_193 = tpu.memref_slice %arg9[%dma_start3A_189, %dma_start3A_190, %dma_start3A_191, %dma_start3A_192] : memref<2x13x128x16xf32, #tpu.memory_space<vmem>> -> memref<1x1x128x16xf32, #tpu.memory_space<vmem>>
      %dma_start3A_194 = tpu.memref_squeeze %dma_start3A_193 : memref<1x1x128x16xf32, #tpu.memory_space<vmem>> -> memref<128x16xf32, #tpu.memory_space<vmem>>
      %dma_start3A_195 = arith.constant 0 : i32
      %dma_start3A_196 = tpu.memref_slice %arg7[%dma_start3A_187, %dma_start3A_188, %dma_start3A_195] : memref<2x13x128xi32, #tpu.memory_space<vmem>> -> memref<1x1x128xi32, #tpu.memory_space<vmem>>
      %dma_start3A_197 = tpu.memref_squeeze %dma_start3A_196 : memref<1x1x128xi32, #tpu.memory_space<vmem>> -> memref<128xi32, #tpu.memory_space<vmem>>
      %dma_start3A_198 = arith.constant 0 : i32
      %dma_start3A_199 = arith.constant 0 : i32
      %dma_start3A_200 = tpu.memref_slice %arg2[%dma_start3A_198, %dma_start3A_199] : memref<50176x16xf32, #tpu.memory_space<hbm>> -> memref<50176x16xf32, #tpu.memory_space<hbm>>
      tpu.enqueue_indirect_dma source(%dma_start3A_200 : memref<50176x16xf32, #tpu.memory_space<hbm>>) target(%dma_start3A_194 : memref<128x16xf32, #tpu.memory_space<vmem>>) offsets(%dma_start3A_197 : memref<128xi32, #tpu.memory_space<vmem>>) semaphore(%arg11 : memref<!tpu.dma_semaphore, #tpu.memory_space<semaphore_mem>>)
      %dma_start3A_201 = arith.constant 0 : i32
      %dma_start3A_202 = arith.constant 12 : i32
      %dma_start3A_203 = arith.constant 0 : i32
      %dma_start3A_204 = arith.constant 12 : i32
      %dma_start3A_205 = arith.constant 0 : i32
      %dma_start3A_206 = arith.constant 0 : i32
      %dma_start3A_207 = tpu.memref_slice %arg9[%dma_start3A_203, %dma_start3A_204, %dma_start3A_205, %dma_start3A_206] : memref<2x13x128x16xf32, #tpu.memory_space<vmem>> -> memref<1x1x128x16xf32, #tpu.memory_space<vmem>>
      %dma_start3A_208 = tpu.memref_squeeze %dma_start3A_207 : memref<1x1x128x16xf32, #tpu.memory_space<vmem>> -> memref<128x16xf32, #tpu.memory_space<vmem>>
      %dma_start3A_209 = arith.constant 0 : i32
      %dma_start3A_210 = tpu.memref_slice %arg7[%dma_start3A_201, %dma_start3A_202, %dma_start3A_209] : memref<2x13x128xi32, #tpu.memory_space<vmem>> -> memref<1x1x128xi32, #tpu.memory_space<vmem>>
      %dma_start3A_211 = tpu.memref_squeeze %dma_start3A_210 : memref<1x1x128xi32, #tpu.memory_space<vmem>> -> memref<128xi32, #tpu.memory_space<vmem>>
      %dma_start3A_212 = arith.constant 0 : i32
      %dma_start3A_213 = arith.constant 0 : i32
      %dma_start3A_214 = tpu.memref_slice %arg2[%dma_start3A_212, %dma_start3A_213] : memref<50176x16xf32, #tpu.memory_space<hbm>> -> memref<50176x16xf32, #tpu.memory_space<hbm>>
      tpu.enqueue_indirect_dma source(%dma_start3A_214 : memref<50176x16xf32, #tpu.memory_space<hbm>>) target(%dma_start3A_208 : memref<128x16xf32, #tpu.memory_space<vmem>>) offsets(%dma_start3A_211 : memref<128xi32, #tpu.memory_space<vmem>>) semaphore(%arg11 : memref<!tpu.dma_semaphore, #tpu.memory_space<semaphore_mem>>)
      %gt3A = arith.constant 0 : i32
      %gt3A_215 = arith.cmpi sgt, %scan3A_25, %gt3A : i32
      %convert_element_type3A_216 = arith.extui %gt3A_215 : i1 to i32
      %cond3A_217 = arith.constant 0 : i32
      %cond3A_218 = arith.cmpi ne, %convert_element_type3A_216, %cond3A_217 : i32
      scf.if %cond3A_218 {
        %dma_wait3A_1320 = arith.constant 1 : i32
        %dma_wait3A_1321 = arith.constant 0 : i32
        %dma_wait3A_1322 = arith.constant 0 : i32
        %dma_wait3A_1323 = arith.constant 0 : i32
        %dma_wait3A_1324 = tpu.memref_slice %arg9[%dma_wait3A_1320, %dma_wait3A_1321, %dma_wait3A_1322, %dma_wait3A_1323] : memref<2x13x128x16xf32, #tpu.memory_space<vmem>> -> memref<1x13x128x16xf32, #tpu.memory_space<vmem>>
        %dma_wait3A_1325 = tpu.memref_squeeze %dma_wait3A_1324 : memref<1x13x128x16xf32, #tpu.memory_space<vmem>> -> memref<13x128x16xf32, #tpu.memory_space<vmem>>
        %dma_wait3A_1326 = arith.constant 0 : i32
        %dma_wait3A_1327 = arith.constant 0 : i32
        %dma_wait3A_1328 = arith.constant 0 : i32
        %dma_wait3A_1329 = tpu.memref_slice %arg9[%dma_wait3A_1320, %dma_wait3A_1326, %dma_wait3A_1327, %dma_wait3A_1328] : memref<2x13x128x16xf32, #tpu.memory_space<vmem>> -> memref<1x13x128x16xf32, #tpu.memory_space<vmem>>
        %dma_wait3A_1330 = tpu.memref_squeeze %dma_wait3A_1329 : memref<1x13x128x16xf32, #tpu.memory_space<vmem>> -> memref<13x128x16xf32, #tpu.memory_space<vmem>>
        tpu.wait_dma2 semaphore(%arg12 : memref<!tpu.dma_semaphore, #tpu.memory_space<semaphore_mem>>) src(%arg5 : memref<13x128x16xf32, #tpu.memory_space<hbm>>) dst(%dma_wait3A_1330 : memref<13x128x16xf32, #tpu.memory_space<vmem>>)
      } else {
      }
      %add3A_219 = arith.constant 1 : i32
      %add3A_220 = arith.addi %mul3A_27, %add3A_219 : i32
      %mul3A_221 = arith.constant 13 : i32
      %mul3A_222 = arith.muli %add3A_220, %mul3A_221 : i32
      %add3A_223 = arith.addi %add3A_6, %mul3A_222 : i32
      %run_scoped3A_224 = arith.constant 1 : i32
      "tpu.region"() ({
        %run_scoped3A_1320 = tpu.sem_alloc : memref<!tpu.dma_semaphore, #tpu.memory_space<semaphore_mem>>
        %dma_start3A_1321 = arith.constant 0 : i32
        %dma_start3A_1322 = arith.constant 0 : i32
        %dma_start3A_1323 = tpu.memref_slice %arg7[%run_scoped3A_224, %dma_start3A_1321, %dma_start3A_1322] : memref<2x13x128xi32, #tpu.memory_space<vmem>> -> memref<1x13x128xi32, #tpu.memory_space<vmem>>
        %dma_start3A_1324 = tpu.memref_squeeze %dma_start3A_1323 : memref<1x13x128xi32, #tpu.memory_space<vmem>> -> memref<13x128xi32, #tpu.memory_space<vmem>>
        %dma_start3A_1325 = arith.constant 0 : i32
        %dma_start3A_1326 = tpu.memref_slice %arg3[%add3A_223, %dma_start3A_1325] : memref<25000x128xi32, #tpu.memory_space<hbm>> -> memref<13x128xi32, #tpu.memory_space<hbm>>
        %dma_start3A_1327 = arith.constant 0 : i32
        %dma_start3A_1328 = arith.constant 0 : i32
        %dma_start3A_1329 = tpu.memref_slice %arg7[%run_scoped3A_224, %dma_start3A_1327, %dma_start3A_1328] : memref<2x13x128xi32, #tpu.memory_space<vmem>> -> memref<1x13x128xi32, #tpu.memory_space<vmem>>
        %dma_start3A_1330 = tpu.memref_squeeze %dma_start3A_1329 : memref<1x13x128xi32, #tpu.memory_space<vmem>> -> memref<13x128xi32, #tpu.memory_space<vmem>>
        %dma_start3A_1331 = arith.constant 0 : i32
        %dma_start3A_1332 = tpu.memref_slice %arg3[%add3A_223, %dma_start3A_1331] : memref<25000x128xi32, #tpu.memory_space<hbm>> -> memref<13x128xi32, #tpu.memory_space<hbm>>
        tpu.enqueue_dma source(%dma_start3A_1332 : memref<13x128xi32, #tpu.memory_space<hbm>>) target(%dma_start3A_1330 : memref<13x128xi32, #tpu.memory_space<vmem>>) target_semaphore(%run_scoped3A_1320 : memref<!tpu.dma_semaphore, #tpu.memory_space<semaphore_mem>>)
        %dma_wait3A_1333 = arith.constant 0 : i32
        %dma_wait3A_1334 = arith.constant 0 : i32
        %dma_wait3A_1335 = tpu.memref_slice %arg7[%run_scoped3A_224, %dma_wait3A_1333, %dma_wait3A_1334] : memref<2x13x128xi32, #tpu.memory_space<vmem>> -> memref<1x13x128xi32, #tpu.memory_space<vmem>>
        %dma_wait3A_1336 = tpu.memref_squeeze %dma_wait3A_1335 : memref<1x13x128xi32, #tpu.memory_space<vmem>> -> memref<13x128xi32, #tpu.memory_space<vmem>>
        %dma_wait3A_1337 = arith.constant 0 : i32
        %dma_wait3A_1338 = tpu.memref_slice %arg3[%add3A_223, %dma_wait3A_1337] : memref<25000x128xi32, #tpu.memory_space<hbm>> -> memref<13x128xi32, #tpu.memory_space<hbm>>
        %dma_wait3A_1339 = arith.constant 0 : i32
        %dma_wait3A_1340 = arith.constant 0 : i32
        %dma_wait3A_1341 = tpu.memref_slice %arg7[%run_scoped3A_224, %dma_wait3A_1339, %dma_wait3A_1340] : memref<2x13x128xi32, #tpu.memory_space<vmem>> -> memref<1x13x128xi32, #tpu.memory_space<vmem>>
        %dma_wait3A_1342 = tpu.memref_squeeze %dma_wait3A_1341 : memref<1x13x128xi32, #tpu.memory_space<vmem>> -> memref<13x128xi32, #tpu.memory_space<vmem>>
        %dma_wait3A_1343 = arith.constant 0 : i32
        %dma_wait3A_1344 = tpu.memref_slice %arg3[%add3A_223, %dma_wait3A_1343] : memref<25000x128xi32, #tpu.memory_space<hbm>> -> memref<13x128xi32, #tpu.memory_space<hbm>>
        tpu.wait_dma2 semaphore(%run_scoped3A_1320 : memref<!tpu.dma_semaphore, #tpu.memory_space<semaphore_mem>>) src(%dma_wait3A_1344 : memref<13x128xi32, #tpu.memory_space<hbm>>) dst(%dma_wait3A_1342 : memref<13x128xi32, #tpu.memory_space<vmem>>)
        tpu.yield
      }) : () -> ()
      %add3A_225 = arith.constant 12500 : i32
      %add3A_226 = arith.addi %add3A_225, %add3A_223 : i32
      %run_scoped3A_227 = arith.constant 1 : i32
      "tpu.region"() ({
        %run_scoped3A_1320 = tpu.sem_alloc : memref<!tpu.dma_semaphore, #tpu.memory_space<semaphore_mem>>
        %dma_start3A_1321 = arith.constant 0 : i32
        %dma_start3A_1322 = arith.constant 0 : i32
        %dma_start3A_1323 = tpu.memref_slice %arg8[%run_scoped3A_227, %dma_start3A_1321, %dma_start3A_1322] : memref<2x13x128xi32, #tpu.memory_space<vmem>> -> memref<1x13x128xi32, #tpu.memory_space<vmem>>
        %dma_start3A_1324 = tpu.memref_squeeze %dma_start3A_1323 : memref<1x13x128xi32, #tpu.memory_space<vmem>> -> memref<13x128xi32, #tpu.memory_space<vmem>>
        %dma_start3A_1325 = arith.constant 0 : i32
        %dma_start3A_1326 = tpu.memref_slice %arg3[%add3A_226, %dma_start3A_1325] : memref<25000x128xi32, #tpu.memory_space<hbm>> -> memref<13x128xi32, #tpu.memory_space<hbm>>
        %dma_start3A_1327 = arith.constant 0 : i32
        %dma_start3A_1328 = arith.constant 0 : i32
        %dma_start3A_1329 = tpu.memref_slice %arg8[%run_scoped3A_227, %dma_start3A_1327, %dma_start3A_1328] : memref<2x13x128xi32, #tpu.memory_space<vmem>> -> memref<1x13x128xi32, #tpu.memory_space<vmem>>
        %dma_start3A_1330 = tpu.memref_squeeze %dma_start3A_1329 : memref<1x13x128xi32, #tpu.memory_space<vmem>> -> memref<13x128xi32, #tpu.memory_space<vmem>>
        %dma_start3A_1331 = arith.constant 0 : i32
        %dma_start3A_1332 = tpu.memref_slice %arg3[%add3A_226, %dma_start3A_1331] : memref<25000x128xi32, #tpu.memory_space<hbm>> -> memref<13x128xi32, #tpu.memory_space<hbm>>
        tpu.enqueue_dma source(%dma_start3A_1332 : memref<13x128xi32, #tpu.memory_space<hbm>>) target(%dma_start3A_1330 : memref<13x128xi32, #tpu.memory_space<vmem>>) target_semaphore(%run_scoped3A_1320 : memref<!tpu.dma_semaphore, #tpu.memory_space<semaphore_mem>>)
        %dma_wait3A_1333 = arith.constant 0 : i32
        %dma_wait3A_1334 = arith.constant 0 : i32
        %dma_wait3A_1335 = tpu.memref_slice %arg8[%run_scoped3A_227, %dma_wait3A_1333, %dma_wait3A_1334] : memref<2x13x128xi32, #tpu.memory_space<vmem>> -> memref<1x13x128xi32, #tpu.memory_space<vmem>>
        %dma_wait3A_1336 = tpu.memref_squeeze %dma_wait3A_1335 : memref<1x13x128xi32, #tpu.memory_space<vmem>> -> memref<13x128xi32, #tpu.memory_space<vmem>>
        %dma_wait3A_1337 = arith.constant 0 : i32
        %dma_wait3A_1338 = tpu.memref_slice %arg3[%add3A_226, %dma_wait3A_1337] : memref<25000x128xi32, #tpu.memory_space<hbm>> -> memref<13x128xi32, #tpu.memory_space<hbm>>
        %dma_wait3A_1339 = arith.constant 0 : i32
        %dma_wait3A_1340 = arith.constant 0 : i32
        %dma_wait3A_1341 = tpu.memref_slice %arg8[%run_scoped3A_227, %dma_wait3A_1339, %dma_wait3A_1340] : memref<2x13x128xi32, #tpu.memory_space<vmem>> -> memref<1x13x128xi32, #tpu.memory_space<vmem>>
        %dma_wait3A_1342 = tpu.memref_squeeze %dma_wait3A_1341 : memref<1x13x128xi32, #tpu.memory_space<vmem>> -> memref<13x128xi32, #tpu.memory_space<vmem>>
        %dma_wait3A_1343 = arith.constant 0 : i32
        %dma_wait3A_1344 = tpu.memref_slice %arg3[%add3A_226, %dma_wait3A_1343] : memref<25000x128xi32, #tpu.memory_space<hbm>> -> memref<13x128xi32, #tpu.memory_space<hbm>>
        tpu.wait_dma2 semaphore(%run_scoped3A_1320 : memref<!tpu.dma_semaphore, #tpu.memory_space<semaphore_mem>>) src(%dma_wait3A_1344 : memref<13x128xi32, #tpu.memory_space<hbm>>) dst(%dma_wait3A_1342 : memref<13x128xi32, #tpu.memory_space<vmem>>)
        tpu.yield
      }) : () -> ()
      %dma_wait3A_228 = arith.constant 0 : i32
      %dma_wait3A_229 = arith.constant 0 : i32
      %dma_wait3A_230 = arith.constant 0 : i32
      %dma_wait3A_231 = arith.constant 0 : i32
      %dma_wait3A_232 = arith.constant 0 : i32
      %dma_wait3A_233 = arith.constant 0 : i32
      %dma_wait3A_234 = tpu.memref_slice %arg9[%dma_wait3A_230, %dma_wait3A_231, %dma_wait3A_232, %dma_wait3A_233] : memref<2x13x128x16xf32, #tpu.memory_space<vmem>> -> memref<1x1x128x16xf32, #tpu.memory_space<vmem>>
      %dma_wait3A_235 = tpu.memref_squeeze %dma_wait3A_234 : memref<1x1x128x16xf32, #tpu.memory_space<vmem>> -> memref<128x16xf32, #tpu.memory_space<vmem>>
      %dma_wait3A_236 = arith.constant 0 : i32
      %dma_wait3A_237 = tpu.memref_slice %arg7[%dma_wait3A_228, %dma_wait3A_229, %dma_wait3A_236] : memref<2x13x128xi32, #tpu.memory_space<vmem>> -> memref<1x1x128xi32, #tpu.memory_space<vmem>>
      %dma_wait3A_238 = tpu.memref_squeeze %dma_wait3A_237 : memref<1x1x128xi32, #tpu.memory_space<vmem>> -> memref<128xi32, #tpu.memory_space<vmem>>
      %dma_wait3A_239 = arith.constant 0 : i32
      %dma_wait3A_240 = arith.constant 0 : i32
      %dma_wait3A_241 = tpu.memref_slice %arg2[%dma_wait3A_239, %dma_wait3A_240] : memref<50176x16xf32, #tpu.memory_space<hbm>> -> memref<50176x16xf32, #tpu.memory_space<hbm>>
      tpu.wait_indirect_dma semaphore(%arg11 : memref<!tpu.dma_semaphore, #tpu.memory_space<semaphore_mem>>) src(%dma_wait3A_241 : memref<50176x16xf32, #tpu.memory_space<hbm>>) dst(%dma_wait3A_235 : memref<128x16xf32, #tpu.memory_space<vmem>>)
      %dma_wait3A_242 = arith.constant 0 : i32
      %dma_wait3A_243 = arith.constant 1 : i32
      %dma_wait3A_244 = arith.constant 0 : i32
      %dma_wait3A_245 = arith.constant 1 : i32
      %dma_wait3A_246 = arith.constant 0 : i32
      %dma_wait3A_247 = arith.constant 0 : i32
      %dma_wait3A_248 = tpu.memref_slice %arg9[%dma_wait3A_244, %dma_wait3A_245, %dma_wait3A_246, %dma_wait3A_247] : memref<2x13x128x16xf32, #tpu.memory_space<vmem>> -> memref<1x1x128x16xf32, #tpu.memory_space<vmem>>
      %dma_wait3A_249 = tpu.memref_squeeze %dma_wait3A_248 : memref<1x1x128x16xf32, #tpu.memory_space<vmem>> -> memref<128x16xf32, #tpu.memory_space<vmem>>
      %dma_wait3A_250 = arith.constant 0 : i32
      %dma_wait3A_251 = tpu.memref_slice %arg7[%dma_wait3A_242, %dma_wait3A_243, %dma_wait3A_250] : memref<2x13x128xi32, #tpu.memory_space<vmem>> -> memref<1x1x128xi32, #tpu.memory_space<vmem>>
      %dma_wait3A_252 = tpu.memref_squeeze %dma_wait3A_251 : memref<1x1x128xi32, #tpu.memory_space<vmem>> -> memref<128xi32, #tpu.memory_space<vmem>>
      %dma_wait3A_253 = arith.constant 0 : i32
      %dma_wait3A_254 = arith.constant 0 : i32
      %dma_wait3A_255 = tpu.memref_slice %arg2[%dma_wait3A_253, %dma_wait3A_254] : memref<50176x16xf32, #tpu.memory_space<hbm>> -> memref<50176x16xf32, #tpu.memory_space<hbm>>
      tpu.wait_indirect_dma semaphore(%arg11 : memref<!tpu.dma_semaphore, #tpu.memory_space<semaphore_mem>>) src(%dma_wait3A_255 : memref<50176x16xf32, #tpu.memory_space<hbm>>) dst(%dma_wait3A_249 : memref<128x16xf32, #tpu.memory_space<vmem>>)
      %dma_wait3A_256 = arith.constant 0 : i32
      %dma_wait3A_257 = arith.constant 2 : i32
      %dma_wait3A_258 = arith.constant 0 : i32
      %dma_wait3A_259 = arith.constant 2 : i32
      %dma_wait3A_260 = arith.constant 0 : i32
      %dma_wait3A_261 = arith.constant 0 : i32
      %dma_wait3A_262 = tpu.memref_slice %arg9[%dma_wait3A_258, %dma_wait3A_259, %dma_wait3A_260, %dma_wait3A_261] : memref<2x13x128x16xf32, #tpu.memory_space<vmem>> -> memref<1x1x128x16xf32, #tpu.memory_space<vmem>>
      %dma_wait3A_263 = tpu.memref_squeeze %dma_wait3A_262 : memref<1x1x128x16xf32, #tpu.memory_space<vmem>> -> memref<128x16xf32, #tpu.memory_space<vmem>>
      %dma_wait3A_264 = arith.constant 0 : i32
      %dma_wait3A_265 = tpu.memref_slice %arg7[%dma_wait3A_256, %dma_wait3A_257, %dma_wait3A_264] : memref<2x13x128xi32, #tpu.memory_space<vmem>> -> memref<1x1x128xi32, #tpu.memory_space<vmem>>
      %dma_wait3A_266 = tpu.memref_squeeze %dma_wait3A_265 : memref<1x1x128xi32, #tpu.memory_space<vmem>> -> memref<128xi32, #tpu.memory_space<vmem>>
      %dma_wait3A_267 = arith.constant 0 : i32
      %dma_wait3A_268 = arith.constant 0 : i32
      %dma_wait3A_269 = tpu.memref_slice %arg2[%dma_wait3A_267, %dma_wait3A_268] : memref<50176x16xf32, #tpu.memory_space<hbm>> -> memref<50176x16xf32, #tpu.memory_space<hbm>>
      tpu.wait_indirect_dma semaphore(%arg11 : memref<!tpu.dma_semaphore, #tpu.memory_space<semaphore_mem>>) src(%dma_wait3A_269 : memref<50176x16xf32, #tpu.memory_space<hbm>>) dst(%dma_wait3A_263 : memref<128x16xf32, #tpu.memory_space<vmem>>)
      %dma_wait3A_270 = arith.constant 0 : i32
      %dma_wait3A_271 = arith.constant 3 : i32
      %dma_wait3A_272 = arith.constant 0 : i32
      %dma_wait3A_273 = arith.constant 3 : i32
      %dma_wait3A_274 = arith.constant 0 : i32
      %dma_wait3A_275 = arith.constant 0 : i32
      %dma_wait3A_276 = tpu.memref_slice %arg9[%dma_wait3A_272, %dma_wait3A_273, %dma_wait3A_274, %dma_wait3A_275] : memref<2x13x128x16xf32, #tpu.memory_space<vmem>> -> memref<1x1x128x16xf32, #tpu.memory_space<vmem>>
      %dma_wait3A_277 = tpu.memref_squeeze %dma_wait3A_276 : memref<1x1x128x16xf32, #tpu.memory_space<vmem>> -> memref<128x16xf32, #tpu.memory_space<vmem>>
      %dma_wait3A_278 = arith.constant 0 : i32
      %dma_wait3A_279 = tpu.memref_slice %arg7[%dma_wait3A_270, %dma_wait3A_271, %dma_wait3A_278] : memref<2x13x128xi32, #tpu.memory_space<vmem>> -> memref<1x1x128xi32, #tpu.memory_space<vmem>>
      %dma_wait3A_280 = tpu.memref_squeeze %dma_wait3A_279 : memref<1x1x128xi32, #tpu.memory_space<vmem>> -> memref<128xi32, #tpu.memory_space<vmem>>
      %dma_wait3A_281 = arith.constant 0 : i32
      %dma_wait3A_282 = arith.constant 0 : i32
      %dma_wait3A_283 = tpu.memref_slice %arg2[%dma_wait3A_281, %dma_wait3A_282] : memref<50176x16xf32, #tpu.memory_space<hbm>> -> memref<50176x16xf32, #tpu.memory_space<hbm>>
      tpu.wait_indirect_dma semaphore(%arg11 : memref<!tpu.dma_semaphore, #tpu.memory_space<semaphore_mem>>) src(%dma_wait3A_283 : memref<50176x16xf32, #tpu.memory_space<hbm>>) dst(%dma_wait3A_277 : memref<128x16xf32, #tpu.memory_space<vmem>>)
      %dma_wait3A_284 = arith.constant 0 : i32
      %dma_wait3A_285 = arith.constant 4 : i32
      %dma_wait3A_286 = arith.constant 0 : i32
      %dma_wait3A_287 = arith.constant 4 : i32
      %dma_wait3A_288 = arith.constant 0 : i32
      %dma_wait3A_289 = arith.constant 0 : i32
      %dma_wait3A_290 = tpu.memref_slice %arg9[%dma_wait3A_286, %dma_wait3A_287, %dma_wait3A_288, %dma_wait3A_289] : memref<2x13x128x16xf32, #tpu.memory_space<vmem>> -> memref<1x1x128x16xf32, #tpu.memory_space<vmem>>
      %dma_wait3A_291 = tpu.memref_squeeze %dma_wait3A_290 : memref<1x1x128x16xf32, #tpu.memory_space<vmem>> -> memref<128x16xf32, #tpu.memory_space<vmem>>
      %dma_wait3A_292 = arith.constant 0 : i32
      %dma_wait3A_293 = tpu.memref_slice %arg7[%dma_wait3A_284, %dma_wait3A_285, %dma_wait3A_292] : memref<2x13x128xi32, #tpu.memory_space<vmem>> -> memref<1x1x128xi32, #tpu.memory_space<vmem>>
      %dma_wait3A_294 = tpu.memref_squeeze %dma_wait3A_293 : memref<1x1x128xi32, #tpu.memory_space<vmem>> -> memref<128xi32, #tpu.memory_space<vmem>>
      %dma_wait3A_295 = arith.constant 0 : i32
      %dma_wait3A_296 = arith.constant 0 : i32
      %dma_wait3A_297 = tpu.memref_slice %arg2[%dma_wait3A_295, %dma_wait3A_296] : memref<50176x16xf32, #tpu.memory_space<hbm>> -> memref<50176x16xf32, #tpu.memory_space<hbm>>
      tpu.wait_indirect_dma semaphore(%arg11 : memref<!tpu.dma_semaphore, #tpu.memory_space<semaphore_mem>>) src(%dma_wait3A_297 : memref<50176x16xf32, #tpu.memory_space<hbm>>) dst(%dma_wait3A_291 : memref<128x16xf32, #tpu.memory_space<vmem>>)
      %dma_wait3A_298 = arith.constant 0 : i32
      %dma_wait3A_299 = arith.constant 5 : i32
      %dma_wait3A_300 = arith.constant 0 : i32
      %dma_wait3A_301 = arith.constant 5 : i32
      %dma_wait3A_302 = arith.constant 0 : i32
      %dma_wait3A_303 = arith.constant 0 : i32
      %dma_wait3A_304 = tpu.memref_slice %arg9[%dma_wait3A_300, %dma_wait3A_301, %dma_wait3A_302, %dma_wait3A_303] : memref<2x13x128x16xf32, #tpu.memory_space<vmem>> -> memref<1x1x128x16xf32, #tpu.memory_space<vmem>>
      %dma_wait3A_305 = tpu.memref_squeeze %dma_wait3A_304 : memref<1x1x128x16xf32, #tpu.memory_space<vmem>> -> memref<128x16xf32, #tpu.memory_space<vmem>>
      %dma_wait3A_306 = arith.constant 0 : i32
      %dma_wait3A_307 = tpu.memref_slice %arg7[%dma_wait3A_298, %dma_wait3A_299, %dma_wait3A_306] : memref<2x13x128xi32, #tpu.memory_space<vmem>> -> memref<1x1x128xi32, #tpu.memory_space<vmem>>
      %dma_wait3A_308 = tpu.memref_squeeze %dma_wait3A_307 : memref<1x1x128xi32, #tpu.memory_space<vmem>> -> memref<128xi32, #tpu.memory_space<vmem>>
      %dma_wait3A_309 = arith.constant 0 : i32
      %dma_wait3A_310 = arith.constant 0 : i32
      %dma_wait3A_311 = tpu.memref_slice %arg2[%dma_wait3A_309, %dma_wait3A_310] : memref<50176x16xf32, #tpu.memory_space<hbm>> -> memref<50176x16xf32, #tpu.memory_space<hbm>>
      tpu.wait_indirect_dma semaphore(%arg11 : memref<!tpu.dma_semaphore, #tpu.memory_space<semaphore_mem>>) src(%dma_wait3A_311 : memref<50176x16xf32, #tpu.memory_space<hbm>>) dst(%dma_wait3A_305 : memref<128x16xf32, #tpu.memory_space<vmem>>)
      %dma_wait3A_312 = arith.constant 0 : i32
      %dma_wait3A_313 = arith.constant 6 : i32
      %dma_wait3A_314 = arith.constant 0 : i32
      %dma_wait3A_315 = arith.constant 6 : i32
      %dma_wait3A_316 = arith.constant 0 : i32
      %dma_wait3A_317 = arith.constant 0 : i32
      %dma_wait3A_318 = tpu.memref_slice %arg9[%dma_wait3A_314, %dma_wait3A_315, %dma_wait3A_316, %dma_wait3A_317] : memref<2x13x128x16xf32, #tpu.memory_space<vmem>> -> memref<1x1x128x16xf32, #tpu.memory_space<vmem>>
      %dma_wait3A_319 = tpu.memref_squeeze %dma_wait3A_318 : memref<1x1x128x16xf32, #tpu.memory_space<vmem>> -> memref<128x16xf32, #tpu.memory_space<vmem>>
      %dma_wait3A_320 = arith.constant 0 : i32
      %dma_wait3A_321 = tpu.memref_slice %arg7[%dma_wait3A_312, %dma_wait3A_313, %dma_wait3A_320] : memref<2x13x128xi32, #tpu.memory_space<vmem>> -> memref<1x1x128xi32, #tpu.memory_space<vmem>>
      %dma_wait3A_322 = tpu.memref_squeeze %dma_wait3A_321 : memref<1x1x128xi32, #tpu.memory_space<vmem>> -> memref<128xi32, #tpu.memory_space<vmem>>
      %dma_wait3A_323 = arith.constant 0 : i32
      %dma_wait3A_324 = arith.constant 0 : i32
      %dma_wait3A_325 = tpu.memref_slice %arg2[%dma_wait3A_323, %dma_wait3A_324] : memref<50176x16xf32, #tpu.memory_space<hbm>> -> memref<50176x16xf32, #tpu.memory_space<hbm>>
      tpu.wait_indirect_dma semaphore(%arg11 : memref<!tpu.dma_semaphore, #tpu.memory_space<semaphore_mem>>) src(%dma_wait3A_325 : memref<50176x16xf32, #tpu.memory_space<hbm>>) dst(%dma_wait3A_319 : memref<128x16xf32, #tpu.memory_space<vmem>>)
      %dma_wait3A_326 = arith.constant 0 : i32
      %dma_wait3A_327 = arith.constant 7 : i32
      %dma_wait3A_328 = arith.constant 0 : i32
      %dma_wait3A_329 = arith.constant 7 : i32
      %dma_wait3A_330 = arith.constant 0 : i32
      %dma_wait3A_331 = arith.constant 0 : i32
      %dma_wait3A_332 = tpu.memref_slice %arg9[%dma_wait3A_328, %dma_wait3A_329, %dma_wait3A_330, %dma_wait3A_331] : memref<2x13x128x16xf32, #tpu.memory_space<vmem>> -> memref<1x1x128x16xf32, #tpu.memory_space<vmem>>
      %dma_wait3A_333 = tpu.memref_squeeze %dma_wait3A_332 : memref<1x1x128x16xf32, #tpu.memory_space<vmem>> -> memref<128x16xf32, #tpu.memory_space<vmem>>
      %dma_wait3A_334 = arith.constant 0 : i32
      %dma_wait3A_335 = tpu.memref_slice %arg7[%dma_wait3A_326, %dma_wait3A_327, %dma_wait3A_334] : memref<2x13x128xi32, #tpu.memory_space<vmem>> -> memref<1x1x128xi32, #tpu.memory_space<vmem>>
      %dma_wait3A_336 = tpu.memref_squeeze %dma_wait3A_335 : memref<1x1x128xi32, #tpu.memory_space<vmem>> -> memref<128xi32, #tpu.memory_space<vmem>>
      %dma_wait3A_337 = arith.constant 0 : i32
      %dma_wait3A_338 = arith.constant 0 : i32
      %dma_wait3A_339 = tpu.memref_slice %arg2[%dma_wait3A_337, %dma_wait3A_338] : memref<50176x16xf32, #tpu.memory_space<hbm>> -> memref<50176x16xf32, #tpu.memory_space<hbm>>
      tpu.wait_indirect_dma semaphore(%arg11 : memref<!tpu.dma_semaphore, #tpu.memory_space<semaphore_mem>>) src(%dma_wait3A_339 : memref<50176x16xf32, #tpu.memory_space<hbm>>) dst(%dma_wait3A_333 : memref<128x16xf32, #tpu.memory_space<vmem>>)
      %dma_wait3A_340 = arith.constant 0 : i32
      %dma_wait3A_341 = arith.constant 8 : i32
      %dma_wait3A_342 = arith.constant 0 : i32
      %dma_wait3A_343 = arith.constant 8 : i32
      %dma_wait3A_344 = arith.constant 0 : i32
      %dma_wait3A_345 = arith.constant 0 : i32
      %dma_wait3A_346 = tpu.memref_slice %arg9[%dma_wait3A_342, %dma_wait3A_343, %dma_wait3A_344, %dma_wait3A_345] : memref<2x13x128x16xf32, #tpu.memory_space<vmem>> -> memref<1x1x128x16xf32, #tpu.memory_space<vmem>>
      %dma_wait3A_347 = tpu.memref_squeeze %dma_wait3A_346 : memref<1x1x128x16xf32, #tpu.memory_space<vmem>> -> memref<128x16xf32, #tpu.memory_space<vmem>>
      %dma_wait3A_348 = arith.constant 0 : i32
      %dma_wait3A_349 = tpu.memref_slice %arg7[%dma_wait3A_340, %dma_wait3A_341, %dma_wait3A_348] : memref<2x13x128xi32, #tpu.memory_space<vmem>> -> memref<1x1x128xi32, #tpu.memory_space<vmem>>
      %dma_wait3A_350 = tpu.memref_squeeze %dma_wait3A_349 : memref<1x1x128xi32, #tpu.memory_space<vmem>> -> memref<128xi32, #tpu.memory_space<vmem>>
      %dma_wait3A_351 = arith.constant 0 : i32
      %dma_wait3A_352 = arith.constant 0 : i32
      %dma_wait3A_353 = tpu.memref_slice %arg2[%dma_wait3A_351, %dma_wait3A_352] : memref<50176x16xf32, #tpu.memory_space<hbm>> -> memref<50176x16xf32, #tpu.memory_space<hbm>>
      tpu.wait_indirect_dma semaphore(%arg11 : memref<!tpu.dma_semaphore, #tpu.memory_space<semaphore_mem>>) src(%dma_wait3A_353 : memref<50176x16xf32, #tpu.memory_space<hbm>>) dst(%dma_wait3A_347 : memref<128x16xf32, #tpu.memory_space<vmem>>)
      %dma_wait3A_354 = arith.constant 0 : i32
      %dma_wait3A_355 = arith.constant 9 : i32
      %dma_wait3A_356 = arith.constant 0 : i32
      %dma_wait3A_357 = arith.constant 9 : i32
      %dma_wait3A_358 = arith.constant 0 : i32
      %dma_wait3A_359 = arith.constant 0 : i32
      %dma_wait3A_360 = tpu.memref_slice %arg9[%dma_wait3A_356, %dma_wait3A_357, %dma_wait3A_358, %dma_wait3A_359] : memref<2x13x128x16xf32, #tpu.memory_space<vmem>> -> memref<1x1x128x16xf32, #tpu.memory_space<vmem>>
      %dma_wait3A_361 = tpu.memref_squeeze %dma_wait3A_360 : memref<1x1x128x16xf32, #tpu.memory_space<vmem>> -> memref<128x16xf32, #tpu.memory_space<vmem>>
      %dma_wait3A_362 = arith.constant 0 : i32
      %dma_wait3A_363 = tpu.memref_slice %arg7[%dma_wait3A_354, %dma_wait3A_355, %dma_wait3A_362] : memref<2x13x128xi32, #tpu.memory_space<vmem>> -> memref<1x1x128xi32, #tpu.memory_space<vmem>>
      %dma_wait3A_364 = tpu.memref_squeeze %dma_wait3A_363 : memref<1x1x128xi32, #tpu.memory_space<vmem>> -> memref<128xi32, #tpu.memory_space<vmem>>
      %dma_wait3A_365 = arith.constant 0 : i32
      %dma_wait3A_366 = arith.constant 0 : i32
      %dma_wait3A_367 = tpu.memref_slice %arg2[%dma_wait3A_365, %dma_wait3A_366] : memref<50176x16xf32, #tpu.memory_space<hbm>> -> memref<50176x16xf32, #tpu.memory_space<hbm>>
      tpu.wait_indirect_dma semaphore(%arg11 : memref<!tpu.dma_semaphore, #tpu.memory_space<semaphore_mem>>) src(%dma_wait3A_367 : memref<50176x16xf32, #tpu.memory_space<hbm>>) dst(%dma_wait3A_361 : memref<128x16xf32, #tpu.memory_space<vmem>>)
      %dma_wait3A_368 = arith.constant 0 : i32
      %dma_wait3A_369 = arith.constant 10 : i32
      %dma_wait3A_370 = arith.constant 0 : i32
      %dma_wait3A_371 = arith.constant 10 : i32
      %dma_wait3A_372 = arith.constant 0 : i32
      %dma_wait3A_373 = arith.constant 0 : i32
      %dma_wait3A_374 = tpu.memref_slice %arg9[%dma_wait3A_370, %dma_wait3A_371, %dma_wait3A_372, %dma_wait3A_373] : memref<2x13x128x16xf32, #tpu.memory_space<vmem>> -> memref<1x1x128x16xf32, #tpu.memory_space<vmem>>
      %dma_wait3A_375 = tpu.memref_squeeze %dma_wait3A_374 : memref<1x1x128x16xf32, #tpu.memory_space<vmem>> -> memref<128x16xf32, #tpu.memory_space<vmem>>
      %dma_wait3A_376 = arith.constant 0 : i32
      %dma_wait3A_377 = tpu.memref_slice %arg7[%dma_wait3A_368, %dma_wait3A_369, %dma_wait3A_376] : memref<2x13x128xi32, #tpu.memory_space<vmem>> -> memref<1x1x128xi32, #tpu.memory_space<vmem>>
      %dma_wait3A_378 = tpu.memref_squeeze %dma_wait3A_377 : memref<1x1x128xi32, #tpu.memory_space<vmem>> -> memref<128xi32, #tpu.memory_space<vmem>>
      %dma_wait3A_379 = arith.constant 0 : i32
      %dma_wait3A_380 = arith.constant 0 : i32
      %dma_wait3A_381 = tpu.memref_slice %arg2[%dma_wait3A_379, %dma_wait3A_380] : memref<50176x16xf32, #tpu.memory_space<hbm>> -> memref<50176x16xf32, #tpu.memory_space<hbm>>
      tpu.wait_indirect_dma semaphore(%arg11 : memref<!tpu.dma_semaphore, #tpu.memory_space<semaphore_mem>>) src(%dma_wait3A_381 : memref<50176x16xf32, #tpu.memory_space<hbm>>) dst(%dma_wait3A_375 : memref<128x16xf32, #tpu.memory_space<vmem>>)
      %dma_wait3A_382 = arith.constant 0 : i32
      %dma_wait3A_383 = arith.constant 11 : i32
      %dma_wait3A_384 = arith.constant 0 : i32
      %dma_wait3A_385 = arith.constant 11 : i32
      %dma_wait3A_386 = arith.constant 0 : i32
      %dma_wait3A_387 = arith.constant 0 : i32
      %dma_wait3A_388 = tpu.memref_slice %arg9[%dma_wait3A_384, %dma_wait3A_385, %dma_wait3A_386, %dma_wait3A_387] : memref<2x13x128x16xf32, #tpu.memory_space<vmem>> -> memref<1x1x128x16xf32, #tpu.memory_space<vmem>>
      %dma_wait3A_389 = tpu.memref_squeeze %dma_wait3A_388 : memref<1x1x128x16xf32, #tpu.memory_space<vmem>> -> memref<128x16xf32, #tpu.memory_space<vmem>>
      %dma_wait3A_390 = arith.constant 0 : i32
      %dma_wait3A_391 = tpu.memref_slice %arg7[%dma_wait3A_382, %dma_wait3A_383, %dma_wait3A_390] : memref<2x13x128xi32, #tpu.memory_space<vmem>> -> memref<1x1x128xi32, #tpu.memory_space<vmem>>
      %dma_wait3A_392 = tpu.memref_squeeze %dma_wait3A_391 : memref<1x1x128xi32, #tpu.memory_space<vmem>> -> memref<128xi32, #tpu.memory_space<vmem>>
      %dma_wait3A_393 = arith.constant 0 : i32
      %dma_wait3A_394 = arith.constant 0 : i32
      %dma_wait3A_395 = tpu.memref_slice %arg2[%dma_wait3A_393, %dma_wait3A_394] : memref<50176x16xf32, #tpu.memory_space<hbm>> -> memref<50176x16xf32, #tpu.memory_space<hbm>>
      tpu.wait_indirect_dma semaphore(%arg11 : memref<!tpu.dma_semaphore, #tpu.memory_space<semaphore_mem>>) src(%dma_wait3A_395 : memref<50176x16xf32, #tpu.memory_space<hbm>>) dst(%dma_wait3A_389 : memref<128x16xf32, #tpu.memory_space<vmem>>)
      %dma_wait3A_396 = arith.constant 0 : i32
      %dma_wait3A_397 = arith.constant 12 : i32
      %dma_wait3A_398 = arith.constant 0 : i32
      %dma_wait3A_399 = arith.constant 12 : i32
      %dma_wait3A_400 = arith.constant 0 : i32
      %dma_wait3A_401 = arith.constant 0 : i32
      %dma_wait3A_402 = tpu.memref_slice %arg9[%dma_wait3A_398, %dma_wait3A_399, %dma_wait3A_400, %dma_wait3A_401] : memref<2x13x128x16xf32, #tpu.memory_space<vmem>> -> memref<1x1x128x16xf32, #tpu.memory_space<vmem>>
      %dma_wait3A_403 = tpu.memref_squeeze %dma_wait3A_402 : memref<1x1x128x16xf32, #tpu.memory_space<vmem>> -> memref<128x16xf32, #tpu.memory_space<vmem>>
      %dma_wait3A_404 = arith.constant 0 : i32
      %dma_wait3A_405 = tpu.memref_slice %arg7[%dma_wait3A_396, %dma_wait3A_397, %dma_wait3A_404] : memref<2x13x128xi32, #tpu.memory_space<vmem>> -> memref<1x1x128xi32, #tpu.memory_space<vmem>>
      %dma_wait3A_406 = tpu.memref_squeeze %dma_wait3A_405 : memref<1x1x128xi32, #tpu.memory_space<vmem>> -> memref<128xi32, #tpu.memory_space<vmem>>
      %dma_wait3A_407 = arith.constant 0 : i32
      %dma_wait3A_408 = arith.constant 0 : i32
      %dma_wait3A_409 = tpu.memref_slice %arg2[%dma_wait3A_407, %dma_wait3A_408] : memref<50176x16xf32, #tpu.memory_space<hbm>> -> memref<50176x16xf32, #tpu.memory_space<hbm>>
      tpu.wait_indirect_dma semaphore(%arg11 : memref<!tpu.dma_semaphore, #tpu.memory_space<semaphore_mem>>) src(%dma_wait3A_409 : memref<50176x16xf32, #tpu.memory_space<hbm>>) dst(%dma_wait3A_403 : memref<128x16xf32, #tpu.memory_space<vmem>>)
      %dma_start3A_410 = arith.constant 1 : i32
      %dma_start3A_411 = arith.constant 0 : i32
      %dma_start3A_412 = arith.constant 1 : i32
      %dma_start3A_413 = arith.constant 0 : i32
      %dma_start3A_414 = arith.constant 0 : i32
      %dma_start3A_415 = arith.constant 0 : i32
      %dma_start3A_416 = tpu.memref_slice %arg9[%dma_start3A_412, %dma_start3A_413, %dma_start3A_414, %dma_start3A_415] : memref<2x13x128x16xf32, #tpu.memory_space<vmem>> -> memref<1x1x128x16xf32, #tpu.memory_space<vmem>>
      %dma_start3A_417 = tpu.memref_squeeze %dma_start3A_416 : memref<1x1x128x16xf32, #tpu.memory_space<vmem>> -> memref<128x16xf32, #tpu.memory_space<vmem>>
      %dma_start3A_418 = arith.constant 0 : i32
      %dma_start3A_419 = tpu.memref_slice %arg7[%dma_start3A_410, %dma_start3A_411, %dma_start3A_418] : memref<2x13x128xi32, #tpu.memory_space<vmem>> -> memref<1x1x128xi32, #tpu.memory_space<vmem>>
      %dma_start3A_420 = tpu.memref_squeeze %dma_start3A_419 : memref<1x1x128xi32, #tpu.memory_space<vmem>> -> memref<128xi32, #tpu.memory_space<vmem>>
      %dma_start3A_421 = arith.constant 0 : i32
      %dma_start3A_422 = arith.constant 0 : i32
      %dma_start3A_423 = tpu.memref_slice %arg2[%dma_start3A_421, %dma_start3A_422] : memref<50176x16xf32, #tpu.memory_space<hbm>> -> memref<50176x16xf32, #tpu.memory_space<hbm>>
      tpu.enqueue_indirect_dma source(%dma_start3A_423 : memref<50176x16xf32, #tpu.memory_space<hbm>>) target(%dma_start3A_417 : memref<128x16xf32, #tpu.memory_space<vmem>>) offsets(%dma_start3A_420 : memref<128xi32, #tpu.memory_space<vmem>>) semaphore(%arg11 : memref<!tpu.dma_semaphore, #tpu.memory_space<semaphore_mem>>)
      %dma_start3A_424 = arith.constant 1 : i32
      %dma_start3A_425 = arith.constant 1 : i32
      %dma_start3A_426 = arith.constant 1 : i32
      %dma_start3A_427 = arith.constant 1 : i32
      %dma_start3A_428 = arith.constant 0 : i32
      %dma_start3A_429 = arith.constant 0 : i32
      %dma_start3A_430 = tpu.memref_slice %arg9[%dma_start3A_426, %dma_start3A_427, %dma_start3A_428, %dma_start3A_429] : memref<2x13x128x16xf32, #tpu.memory_space<vmem>> -> memref<1x1x128x16xf32, #tpu.memory_space<vmem>>
      %dma_start3A_431 = tpu.memref_squeeze %dma_start3A_430 : memref<1x1x128x16xf32, #tpu.memory_space<vmem>> -> memref<128x16xf32, #tpu.memory_space<vmem>>
      %dma_start3A_432 = arith.constant 0 : i32
      %dma_start3A_433 = tpu.memref_slice %arg7[%dma_start3A_424, %dma_start3A_425, %dma_start3A_432] : memref<2x13x128xi32, #tpu.memory_space<vmem>> -> memref<1x1x128xi32, #tpu.memory_space<vmem>>
      %dma_start3A_434 = tpu.memref_squeeze %dma_start3A_433 : memref<1x1x128xi32, #tpu.memory_space<vmem>> -> memref<128xi32, #tpu.memory_space<vmem>>
      %dma_start3A_435 = arith.constant 0 : i32
      %dma_start3A_436 = arith.constant 0 : i32
      %dma_start3A_437 = tpu.memref_slice %arg2[%dma_start3A_435, %dma_start3A_436] : memref<50176x16xf32, #tpu.memory_space<hbm>> -> memref<50176x16xf32, #tpu.memory_space<hbm>>
      tpu.enqueue_indirect_dma source(%dma_start3A_437 : memref<50176x16xf32, #tpu.memory_space<hbm>>) target(%dma_start3A_431 : memref<128x16xf32, #tpu.memory_space<vmem>>) offsets(%dma_start3A_434 : memref<128xi32, #tpu.memory_space<vmem>>) semaphore(%arg11 : memref<!tpu.dma_semaphore, #tpu.memory_space<semaphore_mem>>)
      %dma_start3A_438 = arith.constant 1 : i32
      %dma_start3A_439 = arith.constant 2 : i32
      %dma_start3A_440 = arith.constant 1 : i32
      %dma_start3A_441 = arith.constant 2 : i32
      %dma_start3A_442 = arith.constant 0 : i32
      %dma_start3A_443 = arith.constant 0 : i32
      %dma_start3A_444 = tpu.memref_slice %arg9[%dma_start3A_440, %dma_start3A_441, %dma_start3A_442, %dma_start3A_443] : memref<2x13x128x16xf32, #tpu.memory_space<vmem>> -> memref<1x1x128x16xf32, #tpu.memory_space<vmem>>
      %dma_start3A_445 = tpu.memref_squeeze %dma_start3A_444 : memref<1x1x128x16xf32, #tpu.memory_space<vmem>> -> memref<128x16xf32, #tpu.memory_space<vmem>>
      %dma_start3A_446 = arith.constant 0 : i32
      %dma_start3A_447 = tpu.memref_slice %arg7[%dma_start3A_438, %dma_start3A_439, %dma_start3A_446] : memref<2x13x128xi32, #tpu.memory_space<vmem>> -> memref<1x1x128xi32, #tpu.memory_space<vmem>>
      %dma_start3A_448 = tpu.memref_squeeze %dma_start3A_447 : memref<1x1x128xi32, #tpu.memory_space<vmem>> -> memref<128xi32, #tpu.memory_space<vmem>>
      %dma_start3A_449 = arith.constant 0 : i32
      %dma_start3A_450 = arith.constant 0 : i32
      %dma_start3A_451 = tpu.memref_slice %arg2[%dma_start3A_449, %dma_start3A_450] : memref<50176x16xf32, #tpu.memory_space<hbm>> -> memref<50176x16xf32, #tpu.memory_space<hbm>>
      tpu.enqueue_indirect_dma source(%dma_start3A_451 : memref<50176x16xf32, #tpu.memory_space<hbm>>) target(%dma_start3A_445 : memref<128x16xf32, #tpu.memory_space<vmem>>) offsets(%dma_start3A_448 : memref<128xi32, #tpu.memory_space<vmem>>) semaphore(%arg11 : memref<!tpu.dma_semaphore, #tpu.memory_space<semaphore_mem>>)
      %dma_start3A_452 = arith.constant 1 : i32
      %dma_start3A_453 = arith.constant 3 : i32
      %dma_start3A_454 = arith.constant 1 : i32
      %dma_start3A_455 = arith.constant 3 : i32
      %dma_start3A_456 = arith.constant 0 : i32
      %dma_start3A_457 = arith.constant 0 : i32
      %dma_start3A_458 = tpu.memref_slice %arg9[%dma_start3A_454, %dma_start3A_455, %dma_start3A_456, %dma_start3A_457] : memref<2x13x128x16xf32, #tpu.memory_space<vmem>> -> memref<1x1x128x16xf32, #tpu.memory_space<vmem>>
      %dma_start3A_459 = tpu.memref_squeeze %dma_start3A_458 : memref<1x1x128x16xf32, #tpu.memory_space<vmem>> -> memref<128x16xf32, #tpu.memory_space<vmem>>
      %dma_start3A_460 = arith.constant 0 : i32
      %dma_start3A_461 = tpu.memref_slice %arg7[%dma_start3A_452, %dma_start3A_453, %dma_start3A_460] : memref<2x13x128xi32, #tpu.memory_space<vmem>> -> memref<1x1x128xi32, #tpu.memory_space<vmem>>
      %dma_start3A_462 = tpu.memref_squeeze %dma_start3A_461 : memref<1x1x128xi32, #tpu.memory_space<vmem>> -> memref<128xi32, #tpu.memory_space<vmem>>
      %dma_start3A_463 = arith.constant 0 : i32
      %dma_start3A_464 = arith.constant 0 : i32
      %dma_start3A_465 = tpu.memref_slice %arg2[%dma_start3A_463, %dma_start3A_464] : memref<50176x16xf32, #tpu.memory_space<hbm>> -> memref<50176x16xf32, #tpu.memory_space<hbm>>
      tpu.enqueue_indirect_dma source(%dma_start3A_465 : memref<50176x16xf32, #tpu.memory_space<hbm>>) target(%dma_start3A_459 : memref<128x16xf32, #tpu.memory_space<vmem>>) offsets(%dma_start3A_462 : memref<128xi32, #tpu.memory_space<vmem>>) semaphore(%arg11 : memref<!tpu.dma_semaphore, #tpu.memory_space<semaphore_mem>>)
      %dma_start3A_466 = arith.constant 1 : i32
      %dma_start3A_467 = arith.constant 4 : i32
      %dma_start3A_468 = arith.constant 1 : i32
      %dma_start3A_469 = arith.constant 4 : i32
      %dma_start3A_470 = arith.constant 0 : i32
      %dma_start3A_471 = arith.constant 0 : i32
      %dma_start3A_472 = tpu.memref_slice %arg9[%dma_start3A_468, %dma_start3A_469, %dma_start3A_470, %dma_start3A_471] : memref<2x13x128x16xf32, #tpu.memory_space<vmem>> -> memref<1x1x128x16xf32, #tpu.memory_space<vmem>>
      %dma_start3A_473 = tpu.memref_squeeze %dma_start3A_472 : memref<1x1x128x16xf32, #tpu.memory_space<vmem>> -> memref<128x16xf32, #tpu.memory_space<vmem>>
      %dma_start3A_474 = arith.constant 0 : i32
      %dma_start3A_475 = tpu.memref_slice %arg7[%dma_start3A_466, %dma_start3A_467, %dma_start3A_474] : memref<2x13x128xi32, #tpu.memory_space<vmem>> -> memref<1x1x128xi32, #tpu.memory_space<vmem>>
      %dma_start3A_476 = tpu.memref_squeeze %dma_start3A_475 : memref<1x1x128xi32, #tpu.memory_space<vmem>> -> memref<128xi32, #tpu.memory_space<vmem>>
      %dma_start3A_477 = arith.constant 0 : i32
      %dma_start3A_478 = arith.constant 0 : i32
      %dma_start3A_479 = tpu.memref_slice %arg2[%dma_start3A_477, %dma_start3A_478] : memref<50176x16xf32, #tpu.memory_space<hbm>> -> memref<50176x16xf32, #tpu.memory_space<hbm>>
      tpu.enqueue_indirect_dma source(%dma_start3A_479 : memref<50176x16xf32, #tpu.memory_space<hbm>>) target(%dma_start3A_473 : memref<128x16xf32, #tpu.memory_space<vmem>>) offsets(%dma_start3A_476 : memref<128xi32, #tpu.memory_space<vmem>>) semaphore(%arg11 : memref<!tpu.dma_semaphore, #tpu.memory_space<semaphore_mem>>)
      %dma_start3A_480 = arith.constant 1 : i32
      %dma_start3A_481 = arith.constant 5 : i32
      %dma_start3A_482 = arith.constant 1 : i32
      %dma_start3A_483 = arith.constant 5 : i32
      %dma_start3A_484 = arith.constant 0 : i32
      %dma_start3A_485 = arith.constant 0 : i32
      %dma_start3A_486 = tpu.memref_slice %arg9[%dma_start3A_482, %dma_start3A_483, %dma_start3A_484, %dma_start3A_485] : memref<2x13x128x16xf32, #tpu.memory_space<vmem>> -> memref<1x1x128x16xf32, #tpu.memory_space<vmem>>
      %dma_start3A_487 = tpu.memref_squeeze %dma_start3A_486 : memref<1x1x128x16xf32, #tpu.memory_space<vmem>> -> memref<128x16xf32, #tpu.memory_space<vmem>>
      %dma_start3A_488 = arith.constant 0 : i32
      %dma_start3A_489 = tpu.memref_slice %arg7[%dma_start3A_480, %dma_start3A_481, %dma_start3A_488] : memref<2x13x128xi32, #tpu.memory_space<vmem>> -> memref<1x1x128xi32, #tpu.memory_space<vmem>>
      %dma_start3A_490 = tpu.memref_squeeze %dma_start3A_489 : memref<1x1x128xi32, #tpu.memory_space<vmem>> -> memref<128xi32, #tpu.memory_space<vmem>>
      %dma_start3A_491 = arith.constant 0 : i32
      %dma_start3A_492 = arith.constant 0 : i32
      %dma_start3A_493 = tpu.memref_slice %arg2[%dma_start3A_491, %dma_start3A_492] : memref<50176x16xf32, #tpu.memory_space<hbm>> -> memref<50176x16xf32, #tpu.memory_space<hbm>>
      tpu.enqueue_indirect_dma source(%dma_start3A_493 : memref<50176x16xf32, #tpu.memory_space<hbm>>) target(%dma_start3A_487 : memref<128x16xf32, #tpu.memory_space<vmem>>) offsets(%dma_start3A_490 : memref<128xi32, #tpu.memory_space<vmem>>) semaphore(%arg11 : memref<!tpu.dma_semaphore, #tpu.memory_space<semaphore_mem>>)
      %dma_start3A_494 = arith.constant 1 : i32
      %dma_start3A_495 = arith.constant 6 : i32
      %dma_start3A_496 = arith.constant 1 : i32
      %dma_start3A_497 = arith.constant 6 : i32
      %dma_start3A_498 = arith.constant 0 : i32
      %dma_start3A_499 = arith.constant 0 : i32
      %dma_start3A_500 = tpu.memref_slice %arg9[%dma_start3A_496, %dma_start3A_497, %dma_start3A_498, %dma_start3A_499] : memref<2x13x128x16xf32, #tpu.memory_space<vmem>> -> memref<1x1x128x16xf32, #tpu.memory_space<vmem>>
      %dma_start3A_501 = tpu.memref_squeeze %dma_start3A_500 : memref<1x1x128x16xf32, #tpu.memory_space<vmem>> -> memref<128x16xf32, #tpu.memory_space<vmem>>
      %dma_start3A_502 = arith.constant 0 : i32
      %dma_start3A_503 = tpu.memref_slice %arg7[%dma_start3A_494, %dma_start3A_495, %dma_start3A_502] : memref<2x13x128xi32, #tpu.memory_space<vmem>> -> memref<1x1x128xi32, #tpu.memory_space<vmem>>
      %dma_start3A_504 = tpu.memref_squeeze %dma_start3A_503 : memref<1x1x128xi32, #tpu.memory_space<vmem>> -> memref<128xi32, #tpu.memory_space<vmem>>
      %dma_start3A_505 = arith.constant 0 : i32
      %dma_start3A_506 = arith.constant 0 : i32
      %dma_start3A_507 = tpu.memref_slice %arg2[%dma_start3A_505, %dma_start3A_506] : memref<50176x16xf32, #tpu.memory_space<hbm>> -> memref<50176x16xf32, #tpu.memory_space<hbm>>
      tpu.enqueue_indirect_dma source(%dma_start3A_507 : memref<50176x16xf32, #tpu.memory_space<hbm>>) target(%dma_start3A_501 : memref<128x16xf32, #tpu.memory_space<vmem>>) offsets(%dma_start3A_504 : memref<128xi32, #tpu.memory_space<vmem>>) semaphore(%arg11 : memref<!tpu.dma_semaphore, #tpu.memory_space<semaphore_mem>>)
      %dma_start3A_508 = arith.constant 1 : i32
      %dma_start3A_509 = arith.constant 7 : i32
      %dma_start3A_510 = arith.constant 1 : i32
      %dma_start3A_511 = arith.constant 7 : i32
      %dma_start3A_512 = arith.constant 0 : i32
      %dma_start3A_513 = arith.constant 0 : i32
      %dma_start3A_514 = tpu.memref_slice %arg9[%dma_start3A_510, %dma_start3A_511, %dma_start3A_512, %dma_start3A_513] : memref<2x13x128x16xf32, #tpu.memory_space<vmem>> -> memref<1x1x128x16xf32, #tpu.memory_space<vmem>>
      %dma_start3A_515 = tpu.memref_squeeze %dma_start3A_514 : memref<1x1x128x16xf32, #tpu.memory_space<vmem>> -> memref<128x16xf32, #tpu.memory_space<vmem>>
      %dma_start3A_516 = arith.constant 0 : i32
      %dma_start3A_517 = tpu.memref_slice %arg7[%dma_start3A_508, %dma_start3A_509, %dma_start3A_516] : memref<2x13x128xi32, #tpu.memory_space<vmem>> -> memref<1x1x128xi32, #tpu.memory_space<vmem>>
      %dma_start3A_518 = tpu.memref_squeeze %dma_start3A_517 : memref<1x1x128xi32, #tpu.memory_space<vmem>> -> memref<128xi32, #tpu.memory_space<vmem>>
      %dma_start3A_519 = arith.constant 0 : i32
      %dma_start3A_520 = arith.constant 0 : i32
      %dma_start3A_521 = tpu.memref_slice %arg2[%dma_start3A_519, %dma_start3A_520] : memref<50176x16xf32, #tpu.memory_space<hbm>> -> memref<50176x16xf32, #tpu.memory_space<hbm>>
      tpu.enqueue_indirect_dma source(%dma_start3A_521 : memref<50176x16xf32, #tpu.memory_space<hbm>>) target(%dma_start3A_515 : memref<128x16xf32, #tpu.memory_space<vmem>>) offsets(%dma_start3A_518 : memref<128xi32, #tpu.memory_space<vmem>>) semaphore(%arg11 : memref<!tpu.dma_semaphore, #tpu.memory_space<semaphore_mem>>)
      %dma_start3A_522 = arith.constant 1 : i32
      %dma_start3A_523 = arith.constant 8 : i32
      %dma_start3A_524 = arith.constant 1 : i32
      %dma_start3A_525 = arith.constant 8 : i32
      %dma_start3A_526 = arith.constant 0 : i32
      %dma_start3A_527 = arith.constant 0 : i32
      %dma_start3A_528 = tpu.memref_slice %arg9[%dma_start3A_524, %dma_start3A_525, %dma_start3A_526, %dma_start3A_527] : memref<2x13x128x16xf32, #tpu.memory_space<vmem>> -> memref<1x1x128x16xf32, #tpu.memory_space<vmem>>
      %dma_start3A_529 = tpu.memref_squeeze %dma_start3A_528 : memref<1x1x128x16xf32, #tpu.memory_space<vmem>> -> memref<128x16xf32, #tpu.memory_space<vmem>>
      %dma_start3A_530 = arith.constant 0 : i32
      %dma_start3A_531 = tpu.memref_slice %arg7[%dma_start3A_522, %dma_start3A_523, %dma_start3A_530] : memref<2x13x128xi32, #tpu.memory_space<vmem>> -> memref<1x1x128xi32, #tpu.memory_space<vmem>>
      %dma_start3A_532 = tpu.memref_squeeze %dma_start3A_531 : memref<1x1x128xi32, #tpu.memory_space<vmem>> -> memref<128xi32, #tpu.memory_space<vmem>>
      %dma_start3A_533 = arith.constant 0 : i32
      %dma_start3A_534 = arith.constant 0 : i32
      %dma_start3A_535 = tpu.memref_slice %arg2[%dma_start3A_533, %dma_start3A_534] : memref<50176x16xf32, #tpu.memory_space<hbm>> -> memref<50176x16xf32, #tpu.memory_space<hbm>>
      tpu.enqueue_indirect_dma source(%dma_start3A_535 : memref<50176x16xf32, #tpu.memory_space<hbm>>) target(%dma_start3A_529 : memref<128x16xf32, #tpu.memory_space<vmem>>) offsets(%dma_start3A_532 : memref<128xi32, #tpu.memory_space<vmem>>) semaphore(%arg11 : memref<!tpu.dma_semaphore, #tpu.memory_space<semaphore_mem>>)
      %dma_start3A_536 = arith.constant 1 : i32
      %dma_start3A_537 = arith.constant 9 : i32
      %dma_start3A_538 = arith.constant 1 : i32
      %dma_start3A_539 = arith.constant 9 : i32
      %dma_start3A_540 = arith.constant 0 : i32
      %dma_start3A_541 = arith.constant 0 : i32
      %dma_start3A_542 = tpu.memref_slice %arg9[%dma_start3A_538, %dma_start3A_539, %dma_start3A_540, %dma_start3A_541] : memref<2x13x128x16xf32, #tpu.memory_space<vmem>> -> memref<1x1x128x16xf32, #tpu.memory_space<vmem>>
      %dma_start3A_543 = tpu.memref_squeeze %dma_start3A_542 : memref<1x1x128x16xf32, #tpu.memory_space<vmem>> -> memref<128x16xf32, #tpu.memory_space<vmem>>
      %dma_start3A_544 = arith.constant 0 : i32
      %dma_start3A_545 = tpu.memref_slice %arg7[%dma_start3A_536, %dma_start3A_537, %dma_start3A_544] : memref<2x13x128xi32, #tpu.memory_space<vmem>> -> memref<1x1x128xi32, #tpu.memory_space<vmem>>
      %dma_start3A_546 = tpu.memref_squeeze %dma_start3A_545 : memref<1x1x128xi32, #tpu.memory_space<vmem>> -> memref<128xi32, #tpu.memory_space<vmem>>
      %dma_start3A_547 = arith.constant 0 : i32
      %dma_start3A_548 = arith.constant 0 : i32
      %dma_start3A_549 = tpu.memref_slice %arg2[%dma_start3A_547, %dma_start3A_548] : memref<50176x16xf32, #tpu.memory_space<hbm>> -> memref<50176x16xf32, #tpu.memory_space<hbm>>
      tpu.enqueue_indirect_dma source(%dma_start3A_549 : memref<50176x16xf32, #tpu.memory_space<hbm>>) target(%dma_start3A_543 : memref<128x16xf32, #tpu.memory_space<vmem>>) offsets(%dma_start3A_546 : memref<128xi32, #tpu.memory_space<vmem>>) semaphore(%arg11 : memref<!tpu.dma_semaphore, #tpu.memory_space<semaphore_mem>>)
      %dma_start3A_550 = arith.constant 1 : i32
      %dma_start3A_551 = arith.constant 10 : i32
      %dma_start3A_552 = arith.constant 1 : i32
      %dma_start3A_553 = arith.constant 10 : i32
      %dma_start3A_554 = arith.constant 0 : i32
      %dma_start3A_555 = arith.constant 0 : i32
      %dma_start3A_556 = tpu.memref_slice %arg9[%dma_start3A_552, %dma_start3A_553, %dma_start3A_554, %dma_start3A_555] : memref<2x13x128x16xf32, #tpu.memory_space<vmem>> -> memref<1x1x128x16xf32, #tpu.memory_space<vmem>>
      %dma_start3A_557 = tpu.memref_squeeze %dma_start3A_556 : memref<1x1x128x16xf32, #tpu.memory_space<vmem>> -> memref<128x16xf32, #tpu.memory_space<vmem>>
      %dma_start3A_558 = arith.constant 0 : i32
      %dma_start3A_559 = tpu.memref_slice %arg7[%dma_start3A_550, %dma_start3A_551, %dma_start3A_558] : memref<2x13x128xi32, #tpu.memory_space<vmem>> -> memref<1x1x128xi32, #tpu.memory_space<vmem>>
      %dma_start3A_560 = tpu.memref_squeeze %dma_start3A_559 : memref<1x1x128xi32, #tpu.memory_space<vmem>> -> memref<128xi32, #tpu.memory_space<vmem>>
      %dma_start3A_561 = arith.constant 0 : i32
      %dma_start3A_562 = arith.constant 0 : i32
      %dma_start3A_563 = tpu.memref_slice %arg2[%dma_start3A_561, %dma_start3A_562] : memref<50176x16xf32, #tpu.memory_space<hbm>> -> memref<50176x16xf32, #tpu.memory_space<hbm>>
      tpu.enqueue_indirect_dma source(%dma_start3A_563 : memref<50176x16xf32, #tpu.memory_space<hbm>>) target(%dma_start3A_557 : memref<128x16xf32, #tpu.memory_space<vmem>>) offsets(%dma_start3A_560 : memref<128xi32, #tpu.memory_space<vmem>>) semaphore(%arg11 : memref<!tpu.dma_semaphore, #tpu.memory_space<semaphore_mem>>)
      %dma_start3A_564 = arith.constant 1 : i32
      %dma_start3A_565 = arith.constant 11 : i32
      %dma_start3A_566 = arith.constant 1 : i32
      %dma_start3A_567 = arith.constant 11 : i32
      %dma_start3A_568 = arith.constant 0 : i32
      %dma_start3A_569 = arith.constant 0 : i32
      %dma_start3A_570 = tpu.memref_slice %arg9[%dma_start3A_566, %dma_start3A_567, %dma_start3A_568, %dma_start3A_569] : memref<2x13x128x16xf32, #tpu.memory_space<vmem>> -> memref<1x1x128x16xf32, #tpu.memory_space<vmem>>
      %dma_start3A_571 = tpu.memref_squeeze %dma_start3A_570 : memref<1x1x128x16xf32, #tpu.memory_space<vmem>> -> memref<128x16xf32, #tpu.memory_space<vmem>>
      %dma_start3A_572 = arith.constant 0 : i32
      %dma_start3A_573 = tpu.memref_slice %arg7[%dma_start3A_564, %dma_start3A_565, %dma_start3A_572] : memref<2x13x128xi32, #tpu.memory_space<vmem>> -> memref<1x1x128xi32, #tpu.memory_space<vmem>>
      %dma_start3A_574 = tpu.memref_squeeze %dma_start3A_573 : memref<1x1x128xi32, #tpu.memory_space<vmem>> -> memref<128xi32, #tpu.memory_space<vmem>>
      %dma_start3A_575 = arith.constant 0 : i32
      %dma_start3A_576 = arith.constant 0 : i32
      %dma_start3A_577 = tpu.memref_slice %arg2[%dma_start3A_575, %dma_start3A_576] : memref<50176x16xf32, #tpu.memory_space<hbm>> -> memref<50176x16xf32, #tpu.memory_space<hbm>>
      tpu.enqueue_indirect_dma source(%dma_start3A_577 : memref<50176x16xf32, #tpu.memory_space<hbm>>) target(%dma_start3A_571 : memref<128x16xf32, #tpu.memory_space<vmem>>) offsets(%dma_start3A_574 : memref<128xi32, #tpu.memory_space<vmem>>) semaphore(%arg11 : memref<!tpu.dma_semaphore, #tpu.memory_space<semaphore_mem>>)
      %dma_start3A_578 = arith.constant 1 : i32
      %dma_start3A_579 = arith.constant 12 : i32
      %dma_start3A_580 = arith.constant 1 : i32
      %dma_start3A_581 = arith.constant 12 : i32
      %dma_start3A_582 = arith.constant 0 : i32
      %dma_start3A_583 = arith.constant 0 : i32
      %dma_start3A_584 = tpu.memref_slice %arg9[%dma_start3A_580, %dma_start3A_581, %dma_start3A_582, %dma_start3A_583] : memref<2x13x128x16xf32, #tpu.memory_space<vmem>> -> memref<1x1x128x16xf32, #tpu.memory_space<vmem>>
      %dma_start3A_585 = tpu.memref_squeeze %dma_start3A_584 : memref<1x1x128x16xf32, #tpu.memory_space<vmem>> -> memref<128x16xf32, #tpu.memory_space<vmem>>
      %dma_start3A_586 = arith.constant 0 : i32
      %dma_start3A_587 = tpu.memref_slice %arg7[%dma_start3A_578, %dma_start3A_579, %dma_start3A_586] : memref<2x13x128xi32, #tpu.memory_space<vmem>> -> memref<1x1x128xi32, #tpu.memory_space<vmem>>
      %dma_start3A_588 = tpu.memref_squeeze %dma_start3A_587 : memref<1x1x128xi32, #tpu.memory_space<vmem>> -> memref<128xi32, #tpu.memory_space<vmem>>
      %dma_start3A_589 = arith.constant 0 : i32
      %dma_start3A_590 = arith.constant 0 : i32
      %dma_start3A_591 = tpu.memref_slice %arg2[%dma_start3A_589, %dma_start3A_590] : memref<50176x16xf32, #tpu.memory_space<hbm>> -> memref<50176x16xf32, #tpu.memory_space<hbm>>
      tpu.enqueue_indirect_dma source(%dma_start3A_591 : memref<50176x16xf32, #tpu.memory_space<hbm>>) target(%dma_start3A_585 : memref<128x16xf32, #tpu.memory_space<vmem>>) offsets(%dma_start3A_588 : memref<128xi32, #tpu.memory_space<vmem>>) semaphore(%arg11 : memref<!tpu.dma_semaphore, #tpu.memory_space<semaphore_mem>>)
      %dma_start3A_592 = arith.constant 0 : i32
      %dma_start3A_593 = arith.constant 0 : i32
      %dma_start3A_594 = arith.constant 0 : i32
      %dma_start3A_595 = arith.constant 0 : i32
      %dma_start3A_596 = arith.constant 0 : i32
      %dma_start3A_597 = arith.constant 0 : i32
      %dma_start3A_598 = tpu.memref_slice %arg9[%dma_start3A_592, %dma_start3A_593, %dma_start3A_596, %dma_start3A_597] : memref<2x13x128x16xf32, #tpu.memory_space<vmem>> -> memref<1x1x128x16xf32, #tpu.memory_space<vmem>>
      %dma_start3A_599 = tpu.memref_squeeze %dma_start3A_598 : memref<1x1x128x16xf32, #tpu.memory_space<vmem>> -> memref<128x16xf32, #tpu.memory_space<vmem>>
      %dma_start3A_600 = arith.constant 0 : i32
      %dma_start3A_601 = tpu.memref_slice %arg8[%dma_start3A_594, %dma_start3A_595, %dma_start3A_600] : memref<2x13x128xi32, #tpu.memory_space<vmem>> -> memref<1x1x128xi32, #tpu.memory_space<vmem>>
      %dma_start3A_602 = tpu.memref_squeeze %dma_start3A_601 : memref<1x1x128xi32, #tpu.memory_space<vmem>> -> memref<128xi32, #tpu.memory_space<vmem>>
      %dma_start3A_603 = arith.constant 0 : i32
      %dma_start3A_604 = arith.constant 0 : i32
      %dma_start3A_605 = tpu.memref_slice %arg10[%dma_start3A_603, %dma_start3A_604] : memref<51200x16xf32, #tpu.memory_space<vmem_shared>> -> memref<51200x16xf32, #tpu.memory_space<vmem_shared>>
      tpu.enqueue_indirect_dma source(%dma_start3A_599 : memref<128x16xf32, #tpu.memory_space<vmem>>) target(%dma_start3A_605 : memref<51200x16xf32, #tpu.memory_space<vmem_shared>>) offsets(%dma_start3A_602 : memref<128xi32, #tpu.memory_space<vmem>>) semaphore(%arg12 : memref<!tpu.dma_semaphore, #tpu.memory_space<semaphore_mem>>) {add = true}
      %dma_start3A_606 = arith.constant 0 : i32
      %dma_start3A_607 = arith.constant 1 : i32
      %dma_start3A_608 = arith.constant 0 : i32
      %dma_start3A_609 = arith.constant 1 : i32
      %dma_start3A_610 = arith.constant 0 : i32
      %dma_start3A_611 = arith.constant 0 : i32
      %dma_start3A_612 = tpu.memref_slice %arg9[%dma_start3A_606, %dma_start3A_607, %dma_start3A_610, %dma_start3A_611] : memref<2x13x128x16xf32, #tpu.memory_space<vmem>> -> memref<1x1x128x16xf32, #tpu.memory_space<vmem>>
      %dma_start3A_613 = tpu.memref_squeeze %dma_start3A_612 : memref<1x1x128x16xf32, #tpu.memory_space<vmem>> -> memref<128x16xf32, #tpu.memory_space<vmem>>
      %dma_start3A_614 = arith.constant 0 : i32
      %dma_start3A_615 = tpu.memref_slice %arg8[%dma_start3A_608, %dma_start3A_609, %dma_start3A_614] : memref<2x13x128xi32, #tpu.memory_space<vmem>> -> memref<1x1x128xi32, #tpu.memory_space<vmem>>
      %dma_start3A_616 = tpu.memref_squeeze %dma_start3A_615 : memref<1x1x128xi32, #tpu.memory_space<vmem>> -> memref<128xi32, #tpu.memory_space<vmem>>
      %dma_start3A_617 = arith.constant 0 : i32
      %dma_start3A_618 = arith.constant 0 : i32
      %dma_start3A_619 = tpu.memref_slice %arg10[%dma_start3A_617, %dma_start3A_618] : memref<51200x16xf32, #tpu.memory_space<vmem_shared>> -> memref<51200x16xf32, #tpu.memory_space<vmem_shared>>
      tpu.enqueue_indirect_dma source(%dma_start3A_613 : memref<128x16xf32, #tpu.memory_space<vmem>>) target(%dma_start3A_619 : memref<51200x16xf32, #tpu.memory_space<vmem_shared>>) offsets(%dma_start3A_616 : memref<128xi32, #tpu.memory_space<vmem>>) semaphore(%arg12 : memref<!tpu.dma_semaphore, #tpu.memory_space<semaphore_mem>>) {add = true}
      %dma_start3A_620 = arith.constant 0 : i32
      %dma_start3A_621 = arith.constant 2 : i32
      %dma_start3A_622 = arith.constant 0 : i32
      %dma_start3A_623 = arith.constant 2 : i32
      %dma_start3A_624 = arith.constant 0 : i32
      %dma_start3A_625 = arith.constant 0 : i32
      %dma_start3A_626 = tpu.memref_slice %arg9[%dma_start3A_620, %dma_start3A_621, %dma_start3A_624, %dma_start3A_625] : memref<2x13x128x16xf32, #tpu.memory_space<vmem>> -> memref<1x1x128x16xf32, #tpu.memory_space<vmem>>
      %dma_start3A_627 = tpu.memref_squeeze %dma_start3A_626 : memref<1x1x128x16xf32, #tpu.memory_space<vmem>> -> memref<128x16xf32, #tpu.memory_space<vmem>>
      %dma_start3A_628 = arith.constant 0 : i32
      %dma_start3A_629 = tpu.memref_slice %arg8[%dma_start3A_622, %dma_start3A_623, %dma_start3A_628] : memref<2x13x128xi32, #tpu.memory_space<vmem>> -> memref<1x1x128xi32, #tpu.memory_space<vmem>>
      %dma_start3A_630 = tpu.memref_squeeze %dma_start3A_629 : memref<1x1x128xi32, #tpu.memory_space<vmem>> -> memref<128xi32, #tpu.memory_space<vmem>>
      %dma_start3A_631 = arith.constant 0 : i32
      %dma_start3A_632 = arith.constant 0 : i32
      %dma_start3A_633 = tpu.memref_slice %arg10[%dma_start3A_631, %dma_start3A_632] : memref<51200x16xf32, #tpu.memory_space<vmem_shared>> -> memref<51200x16xf32, #tpu.memory_space<vmem_shared>>
      tpu.enqueue_indirect_dma source(%dma_start3A_627 : memref<128x16xf32, #tpu.memory_space<vmem>>) target(%dma_start3A_633 : memref<51200x16xf32, #tpu.memory_space<vmem_shared>>) offsets(%dma_start3A_630 : memref<128xi32, #tpu.memory_space<vmem>>) semaphore(%arg12 : memref<!tpu.dma_semaphore, #tpu.memory_space<semaphore_mem>>) {add = true}
      %dma_start3A_634 = arith.constant 0 : i32
      %dma_start3A_635 = arith.constant 3 : i32
      %dma_start3A_636 = arith.constant 0 : i32
      %dma_start3A_637 = arith.constant 3 : i32
      %dma_start3A_638 = arith.constant 0 : i32
      %dma_start3A_639 = arith.constant 0 : i32
      %dma_start3A_640 = tpu.memref_slice %arg9[%dma_start3A_634, %dma_start3A_635, %dma_start3A_638, %dma_start3A_639] : memref<2x13x128x16xf32, #tpu.memory_space<vmem>> -> memref<1x1x128x16xf32, #tpu.memory_space<vmem>>
      %dma_start3A_641 = tpu.memref_squeeze %dma_start3A_640 : memref<1x1x128x16xf32, #tpu.memory_space<vmem>> -> memref<128x16xf32, #tpu.memory_space<vmem>>
      %dma_start3A_642 = arith.constant 0 : i32
      %dma_start3A_643 = tpu.memref_slice %arg8[%dma_start3A_636, %dma_start3A_637, %dma_start3A_642] : memref<2x13x128xi32, #tpu.memory_space<vmem>> -> memref<1x1x128xi32, #tpu.memory_space<vmem>>
      %dma_start3A_644 = tpu.memref_squeeze %dma_start3A_643 : memref<1x1x128xi32, #tpu.memory_space<vmem>> -> memref<128xi32, #tpu.memory_space<vmem>>
      %dma_start3A_645 = arith.constant 0 : i32
      %dma_start3A_646 = arith.constant 0 : i32
      %dma_start3A_647 = tpu.memref_slice %arg10[%dma_start3A_645, %dma_start3A_646] : memref<51200x16xf32, #tpu.memory_space<vmem_shared>> -> memref<51200x16xf32, #tpu.memory_space<vmem_shared>>
      tpu.enqueue_indirect_dma source(%dma_start3A_641 : memref<128x16xf32, #tpu.memory_space<vmem>>) target(%dma_start3A_647 : memref<51200x16xf32, #tpu.memory_space<vmem_shared>>) offsets(%dma_start3A_644 : memref<128xi32, #tpu.memory_space<vmem>>) semaphore(%arg12 : memref<!tpu.dma_semaphore, #tpu.memory_space<semaphore_mem>>) {add = true}
      %dma_start3A_648 = arith.constant 0 : i32
      %dma_start3A_649 = arith.constant 4 : i32
      %dma_start3A_650 = arith.constant 0 : i32
      %dma_start3A_651 = arith.constant 4 : i32
      %dma_start3A_652 = arith.constant 0 : i32
      %dma_start3A_653 = arith.constant 0 : i32
      %dma_start3A_654 = tpu.memref_slice %arg9[%dma_start3A_648, %dma_start3A_649, %dma_start3A_652, %dma_start3A_653] : memref<2x13x128x16xf32, #tpu.memory_space<vmem>> -> memref<1x1x128x16xf32, #tpu.memory_space<vmem>>
      %dma_start3A_655 = tpu.memref_squeeze %dma_start3A_654 : memref<1x1x128x16xf32, #tpu.memory_space<vmem>> -> memref<128x16xf32, #tpu.memory_space<vmem>>
      %dma_start3A_656 = arith.constant 0 : i32
      %dma_start3A_657 = tpu.memref_slice %arg8[%dma_start3A_650, %dma_start3A_651, %dma_start3A_656] : memref<2x13x128xi32, #tpu.memory_space<vmem>> -> memref<1x1x128xi32, #tpu.memory_space<vmem>>
      %dma_start3A_658 = tpu.memref_squeeze %dma_start3A_657 : memref<1x1x128xi32, #tpu.memory_space<vmem>> -> memref<128xi32, #tpu.memory_space<vmem>>
      %dma_start3A_659 = arith.constant 0 : i32
      %dma_start3A_660 = arith.constant 0 : i32
      %dma_start3A_661 = tpu.memref_slice %arg10[%dma_start3A_659, %dma_start3A_660] : memref<51200x16xf32, #tpu.memory_space<vmem_shared>> -> memref<51200x16xf32, #tpu.memory_space<vmem_shared>>
      tpu.enqueue_indirect_dma source(%dma_start3A_655 : memref<128x16xf32, #tpu.memory_space<vmem>>) target(%dma_start3A_661 : memref<51200x16xf32, #tpu.memory_space<vmem_shared>>) offsets(%dma_start3A_658 : memref<128xi32, #tpu.memory_space<vmem>>) semaphore(%arg12 : memref<!tpu.dma_semaphore, #tpu.memory_space<semaphore_mem>>) {add = true}
      %dma_start3A_662 = arith.constant 0 : i32
      %dma_start3A_663 = arith.constant 5 : i32
      %dma_start3A_664 = arith.constant 0 : i32
      %dma_start3A_665 = arith.constant 5 : i32
      %dma_start3A_666 = arith.constant 0 : i32
      %dma_start3A_667 = arith.constant 0 : i32
      %dma_start3A_668 = tpu.memref_slice %arg9[%dma_start3A_662, %dma_start3A_663, %dma_start3A_666, %dma_start3A_667] : memref<2x13x128x16xf32, #tpu.memory_space<vmem>> -> memref<1x1x128x16xf32, #tpu.memory_space<vmem>>
      %dma_start3A_669 = tpu.memref_squeeze %dma_start3A_668 : memref<1x1x128x16xf32, #tpu.memory_space<vmem>> -> memref<128x16xf32, #tpu.memory_space<vmem>>
      %dma_start3A_670 = arith.constant 0 : i32
      %dma_start3A_671 = tpu.memref_slice %arg8[%dma_start3A_664, %dma_start3A_665, %dma_start3A_670] : memref<2x13x128xi32, #tpu.memory_space<vmem>> -> memref<1x1x128xi32, #tpu.memory_space<vmem>>
      %dma_start3A_672 = tpu.memref_squeeze %dma_start3A_671 : memref<1x1x128xi32, #tpu.memory_space<vmem>> -> memref<128xi32, #tpu.memory_space<vmem>>
      %dma_start3A_673 = arith.constant 0 : i32
      %dma_start3A_674 = arith.constant 0 : i32
      %dma_start3A_675 = tpu.memref_slice %arg10[%dma_start3A_673, %dma_start3A_674] : memref<51200x16xf32, #tpu.memory_space<vmem_shared>> -> memref<51200x16xf32, #tpu.memory_space<vmem_shared>>
      tpu.enqueue_indirect_dma source(%dma_start3A_669 : memref<128x16xf32, #tpu.memory_space<vmem>>) target(%dma_start3A_675 : memref<51200x16xf32, #tpu.memory_space<vmem_shared>>) offsets(%dma_start3A_672 : memref<128xi32, #tpu.memory_space<vmem>>) semaphore(%arg12 : memref<!tpu.dma_semaphore, #tpu.memory_space<semaphore_mem>>) {add = true}
      %dma_start3A_676 = arith.constant 0 : i32
      %dma_start3A_677 = arith.constant 6 : i32
      %dma_start3A_678 = arith.constant 0 : i32
      %dma_start3A_679 = arith.constant 6 : i32
      %dma_start3A_680 = arith.constant 0 : i32
      %dma_start3A_681 = arith.constant 0 : i32
      %dma_start3A_682 = tpu.memref_slice %arg9[%dma_start3A_676, %dma_start3A_677, %dma_start3A_680, %dma_start3A_681] : memref<2x13x128x16xf32, #tpu.memory_space<vmem>> -> memref<1x1x128x16xf32, #tpu.memory_space<vmem>>
      %dma_start3A_683 = tpu.memref_squeeze %dma_start3A_682 : memref<1x1x128x16xf32, #tpu.memory_space<vmem>> -> memref<128x16xf32, #tpu.memory_space<vmem>>
      %dma_start3A_684 = arith.constant 0 : i32
      %dma_start3A_685 = tpu.memref_slice %arg8[%dma_start3A_678, %dma_start3A_679, %dma_start3A_684] : memref<2x13x128xi32, #tpu.memory_space<vmem>> -> memref<1x1x128xi32, #tpu.memory_space<vmem>>
      %dma_start3A_686 = tpu.memref_squeeze %dma_start3A_685 : memref<1x1x128xi32, #tpu.memory_space<vmem>> -> memref<128xi32, #tpu.memory_space<vmem>>
      %dma_start3A_687 = arith.constant 0 : i32
      %dma_start3A_688 = arith.constant 0 : i32
      %dma_start3A_689 = tpu.memref_slice %arg10[%dma_start3A_687, %dma_start3A_688] : memref<51200x16xf32, #tpu.memory_space<vmem_shared>> -> memref<51200x16xf32, #tpu.memory_space<vmem_shared>>
      tpu.enqueue_indirect_dma source(%dma_start3A_683 : memref<128x16xf32, #tpu.memory_space<vmem>>) target(%dma_start3A_689 : memref<51200x16xf32, #tpu.memory_space<vmem_shared>>) offsets(%dma_start3A_686 : memref<128xi32, #tpu.memory_space<vmem>>) semaphore(%arg12 : memref<!tpu.dma_semaphore, #tpu.memory_space<semaphore_mem>>) {add = true}
      %dma_start3A_690 = arith.constant 0 : i32
      %dma_start3A_691 = arith.constant 7 : i32
      %dma_start3A_692 = arith.constant 0 : i32
      %dma_start3A_693 = arith.constant 7 : i32
      %dma_start3A_694 = arith.constant 0 : i32
      %dma_start3A_695 = arith.constant 0 : i32
      %dma_start3A_696 = tpu.memref_slice %arg9[%dma_start3A_690, %dma_start3A_691, %dma_start3A_694, %dma_start3A_695] : memref<2x13x128x16xf32, #tpu.memory_space<vmem>> -> memref<1x1x128x16xf32, #tpu.memory_space<vmem>>
      %dma_start3A_697 = tpu.memref_squeeze %dma_start3A_696 : memref<1x1x128x16xf32, #tpu.memory_space<vmem>> -> memref<128x16xf32, #tpu.memory_space<vmem>>
      %dma_start3A_698 = arith.constant 0 : i32
      %dma_start3A_699 = tpu.memref_slice %arg8[%dma_start3A_692, %dma_start3A_693, %dma_start3A_698] : memref<2x13x128xi32, #tpu.memory_space<vmem>> -> memref<1x1x128xi32, #tpu.memory_space<vmem>>
      %dma_start3A_700 = tpu.memref_squeeze %dma_start3A_699 : memref<1x1x128xi32, #tpu.memory_space<vmem>> -> memref<128xi32, #tpu.memory_space<vmem>>
      %dma_start3A_701 = arith.constant 0 : i32
      %dma_start3A_702 = arith.constant 0 : i32
      %dma_start3A_703 = tpu.memref_slice %arg10[%dma_start3A_701, %dma_start3A_702] : memref<51200x16xf32, #tpu.memory_space<vmem_shared>> -> memref<51200x16xf32, #tpu.memory_space<vmem_shared>>
      tpu.enqueue_indirect_dma source(%dma_start3A_697 : memref<128x16xf32, #tpu.memory_space<vmem>>) target(%dma_start3A_703 : memref<51200x16xf32, #tpu.memory_space<vmem_shared>>) offsets(%dma_start3A_700 : memref<128xi32, #tpu.memory_space<vmem>>) semaphore(%arg12 : memref<!tpu.dma_semaphore, #tpu.memory_space<semaphore_mem>>) {add = true}
      %dma_start3A_704 = arith.constant 0 : i32
      %dma_start3A_705 = arith.constant 8 : i32
      %dma_start3A_706 = arith.constant 0 : i32
      %dma_start3A_707 = arith.constant 8 : i32
      %dma_start3A_708 = arith.constant 0 : i32
      %dma_start3A_709 = arith.constant 0 : i32
      %dma_start3A_710 = tpu.memref_slice %arg9[%dma_start3A_704, %dma_start3A_705, %dma_start3A_708, %dma_start3A_709] : memref<2x13x128x16xf32, #tpu.memory_space<vmem>> -> memref<1x1x128x16xf32, #tpu.memory_space<vmem>>
      %dma_start3A_711 = tpu.memref_squeeze %dma_start3A_710 : memref<1x1x128x16xf32, #tpu.memory_space<vmem>> -> memref<128x16xf32, #tpu.memory_space<vmem>>
      %dma_start3A_712 = arith.constant 0 : i32
      %dma_start3A_713 = tpu.memref_slice %arg8[%dma_start3A_706, %dma_start3A_707, %dma_start3A_712] : memref<2x13x128xi32, #tpu.memory_space<vmem>> -> memref<1x1x128xi32, #tpu.memory_space<vmem>>
      %dma_start3A_714 = tpu.memref_squeeze %dma_start3A_713 : memref<1x1x128xi32, #tpu.memory_space<vmem>> -> memref<128xi32, #tpu.memory_space<vmem>>
      %dma_start3A_715 = arith.constant 0 : i32
      %dma_start3A_716 = arith.constant 0 : i32
      %dma_start3A_717 = tpu.memref_slice %arg10[%dma_start3A_715, %dma_start3A_716] : memref<51200x16xf32, #tpu.memory_space<vmem_shared>> -> memref<51200x16xf32, #tpu.memory_space<vmem_shared>>
      tpu.enqueue_indirect_dma source(%dma_start3A_711 : memref<128x16xf32, #tpu.memory_space<vmem>>) target(%dma_start3A_717 : memref<51200x16xf32, #tpu.memory_space<vmem_shared>>) offsets(%dma_start3A_714 : memref<128xi32, #tpu.memory_space<vmem>>) semaphore(%arg12 : memref<!tpu.dma_semaphore, #tpu.memory_space<semaphore_mem>>) {add = true}
      %dma_start3A_718 = arith.constant 0 : i32
      %dma_start3A_719 = arith.constant 9 : i32
      %dma_start3A_720 = arith.constant 0 : i32
      %dma_start3A_721 = arith.constant 9 : i32
      %dma_start3A_722 = arith.constant 0 : i32
      %dma_start3A_723 = arith.constant 0 : i32
      %dma_start3A_724 = tpu.memref_slice %arg9[%dma_start3A_718, %dma_start3A_719, %dma_start3A_722, %dma_start3A_723] : memref<2x13x128x16xf32, #tpu.memory_space<vmem>> -> memref<1x1x128x16xf32, #tpu.memory_space<vmem>>
      %dma_start3A_725 = tpu.memref_squeeze %dma_start3A_724 : memref<1x1x128x16xf32, #tpu.memory_space<vmem>> -> memref<128x16xf32, #tpu.memory_space<vmem>>
      %dma_start3A_726 = arith.constant 0 : i32
      %dma_start3A_727 = tpu.memref_slice %arg8[%dma_start3A_720, %dma_start3A_721, %dma_start3A_726] : memref<2x13x128xi32, #tpu.memory_space<vmem>> -> memref<1x1x128xi32, #tpu.memory_space<vmem>>
      %dma_start3A_728 = tpu.memref_squeeze %dma_start3A_727 : memref<1x1x128xi32, #tpu.memory_space<vmem>> -> memref<128xi32, #tpu.memory_space<vmem>>
      %dma_start3A_729 = arith.constant 0 : i32
      %dma_start3A_730 = arith.constant 0 : i32
      %dma_start3A_731 = tpu.memref_slice %arg10[%dma_start3A_729, %dma_start3A_730] : memref<51200x16xf32, #tpu.memory_space<vmem_shared>> -> memref<51200x16xf32, #tpu.memory_space<vmem_shared>>
      tpu.enqueue_indirect_dma source(%dma_start3A_725 : memref<128x16xf32, #tpu.memory_space<vmem>>) target(%dma_start3A_731 : memref<51200x16xf32, #tpu.memory_space<vmem_shared>>) offsets(%dma_start3A_728 : memref<128xi32, #tpu.memory_space<vmem>>) semaphore(%arg12 : memref<!tpu.dma_semaphore, #tpu.memory_space<semaphore_mem>>) {add = true}
      %dma_start3A_732 = arith.constant 0 : i32
      %dma_start3A_733 = arith.constant 10 : i32
      %dma_start3A_734 = arith.constant 0 : i32
      %dma_start3A_735 = arith.constant 10 : i32
      %dma_start3A_736 = arith.constant 0 : i32
      %dma_start3A_737 = arith.constant 0 : i32
      %dma_start3A_738 = tpu.memref_slice %arg9[%dma_start3A_732, %dma_start3A_733, %dma_start3A_736, %dma_start3A_737] : memref<2x13x128x16xf32, #tpu.memory_space<vmem>> -> memref<1x1x128x16xf32, #tpu.memory_space<vmem>>
      %dma_start3A_739 = tpu.memref_squeeze %dma_start3A_738 : memref<1x1x128x16xf32, #tpu.memory_space<vmem>> -> memref<128x16xf32, #tpu.memory_space<vmem>>
      %dma_start3A_740 = arith.constant 0 : i32
      %dma_start3A_741 = tpu.memref_slice %arg8[%dma_start3A_734, %dma_start3A_735, %dma_start3A_740] : memref<2x13x128xi32, #tpu.memory_space<vmem>> -> memref<1x1x128xi32, #tpu.memory_space<vmem>>
      %dma_start3A_742 = tpu.memref_squeeze %dma_start3A_741 : memref<1x1x128xi32, #tpu.memory_space<vmem>> -> memref<128xi32, #tpu.memory_space<vmem>>
      %dma_start3A_743 = arith.constant 0 : i32
      %dma_start3A_744 = arith.constant 0 : i32
      %dma_start3A_745 = tpu.memref_slice %arg10[%dma_start3A_743, %dma_start3A_744] : memref<51200x16xf32, #tpu.memory_space<vmem_shared>> -> memref<51200x16xf32, #tpu.memory_space<vmem_shared>>
      tpu.enqueue_indirect_dma source(%dma_start3A_739 : memref<128x16xf32, #tpu.memory_space<vmem>>) target(%dma_start3A_745 : memref<51200x16xf32, #tpu.memory_space<vmem_shared>>) offsets(%dma_start3A_742 : memref<128xi32, #tpu.memory_space<vmem>>) semaphore(%arg12 : memref<!tpu.dma_semaphore, #tpu.memory_space<semaphore_mem>>) {add = true}
      %dma_start3A_746 = arith.constant 0 : i32
      %dma_start3A_747 = arith.constant 11 : i32
      %dma_start3A_748 = arith.constant 0 : i32
      %dma_start3A_749 = arith.constant 11 : i32
      %dma_start3A_750 = arith.constant 0 : i32
      %dma_start3A_751 = arith.constant 0 : i32
      %dma_start3A_752 = tpu.memref_slice %arg9[%dma_start3A_746, %dma_start3A_747, %dma_start3A_750, %dma_start3A_751] : memref<2x13x128x16xf32, #tpu.memory_space<vmem>> -> memref<1x1x128x16xf32, #tpu.memory_space<vmem>>
      %dma_start3A_753 = tpu.memref_squeeze %dma_start3A_752 : memref<1x1x128x16xf32, #tpu.memory_space<vmem>> -> memref<128x16xf32, #tpu.memory_space<vmem>>
      %dma_start3A_754 = arith.constant 0 : i32
      %dma_start3A_755 = tpu.memref_slice %arg8[%dma_start3A_748, %dma_start3A_749, %dma_start3A_754] : memref<2x13x128xi32, #tpu.memory_space<vmem>> -> memref<1x1x128xi32, #tpu.memory_space<vmem>>
      %dma_start3A_756 = tpu.memref_squeeze %dma_start3A_755 : memref<1x1x128xi32, #tpu.memory_space<vmem>> -> memref<128xi32, #tpu.memory_space<vmem>>
      %dma_start3A_757 = arith.constant 0 : i32
      %dma_start3A_758 = arith.constant 0 : i32
      %dma_start3A_759 = tpu.memref_slice %arg10[%dma_start3A_757, %dma_start3A_758] : memref<51200x16xf32, #tpu.memory_space<vmem_shared>> -> memref<51200x16xf32, #tpu.memory_space<vmem_shared>>
      tpu.enqueue_indirect_dma source(%dma_start3A_753 : memref<128x16xf32, #tpu.memory_space<vmem>>) target(%dma_start3A_759 : memref<51200x16xf32, #tpu.memory_space<vmem_shared>>) offsets(%dma_start3A_756 : memref<128xi32, #tpu.memory_space<vmem>>) semaphore(%arg12 : memref<!tpu.dma_semaphore, #tpu.memory_space<semaphore_mem>>) {add = true}
      %dma_start3A_760 = arith.constant 0 : i32
      %dma_start3A_761 = arith.constant 12 : i32
      %dma_start3A_762 = arith.constant 0 : i32
      %dma_start3A_763 = arith.constant 12 : i32
      %dma_start3A_764 = arith.constant 0 : i32
      %dma_start3A_765 = arith.constant 0 : i32
      %dma_start3A_766 = tpu.memref_slice %arg9[%dma_start3A_760, %dma_start3A_761, %dma_start3A_764, %dma_start3A_765] : memref<2x13x128x16xf32, #tpu.memory_space<vmem>> -> memref<1x1x128x16xf32, #tpu.memory_space<vmem>>
      %dma_start3A_767 = tpu.memref_squeeze %dma_start3A_766 : memref<1x1x128x16xf32, #tpu.memory_space<vmem>> -> memref<128x16xf32, #tpu.memory_space<vmem>>
      %dma_start3A_768 = arith.constant 0 : i32
      %dma_start3A_769 = tpu.memref_slice %arg8[%dma_start3A_762, %dma_start3A_763, %dma_start3A_768] : memref<2x13x128xi32, #tpu.memory_space<vmem>> -> memref<1x1x128xi32, #tpu.memory_space<vmem>>
      %dma_start3A_770 = tpu.memref_squeeze %dma_start3A_769 : memref<1x1x128xi32, #tpu.memory_space<vmem>> -> memref<128xi32, #tpu.memory_space<vmem>>
      %dma_start3A_771 = arith.constant 0 : i32
      %dma_start3A_772 = arith.constant 0 : i32
      %dma_start3A_773 = tpu.memref_slice %arg10[%dma_start3A_771, %dma_start3A_772] : memref<51200x16xf32, #tpu.memory_space<vmem_shared>> -> memref<51200x16xf32, #tpu.memory_space<vmem_shared>>
      tpu.enqueue_indirect_dma source(%dma_start3A_767 : memref<128x16xf32, #tpu.memory_space<vmem>>) target(%dma_start3A_773 : memref<51200x16xf32, #tpu.memory_space<vmem_shared>>) offsets(%dma_start3A_770 : memref<128xi32, #tpu.memory_space<vmem>>) semaphore(%arg12 : memref<!tpu.dma_semaphore, #tpu.memory_space<semaphore_mem>>) {add = true}
      %dma_wait3A_774 = arith.constant 1 : i32
      %dma_wait3A_775 = arith.constant 0 : i32
      %dma_wait3A_776 = arith.constant 1 : i32
      %dma_wait3A_777 = arith.constant 0 : i32
      %dma_wait3A_778 = arith.constant 0 : i32
      %dma_wait3A_779 = arith.constant 0 : i32
      %dma_wait3A_780 = tpu.memref_slice %arg9[%dma_wait3A_776, %dma_wait3A_777, %dma_wait3A_778, %dma_wait3A_779] : memref<2x13x128x16xf32, #tpu.memory_space<vmem>> -> memref<1x1x128x16xf32, #tpu.memory_space<vmem>>
      %dma_wait3A_781 = tpu.memref_squeeze %dma_wait3A_780 : memref<1x1x128x16xf32, #tpu.memory_space<vmem>> -> memref<128x16xf32, #tpu.memory_space<vmem>>
      %dma_wait3A_782 = arith.constant 0 : i32
      %dma_wait3A_783 = tpu.memref_slice %arg7[%dma_wait3A_774, %dma_wait3A_775, %dma_wait3A_782] : memref<2x13x128xi32, #tpu.memory_space<vmem>> -> memref<1x1x128xi32, #tpu.memory_space<vmem>>
      %dma_wait3A_784 = tpu.memref_squeeze %dma_wait3A_783 : memref<1x1x128xi32, #tpu.memory_space<vmem>> -> memref<128xi32, #tpu.memory_space<vmem>>
      %dma_wait3A_785 = arith.constant 0 : i32
      %dma_wait3A_786 = arith.constant 0 : i32
      %dma_wait3A_787 = tpu.memref_slice %arg2[%dma_wait3A_785, %dma_wait3A_786] : memref<50176x16xf32, #tpu.memory_space<hbm>> -> memref<50176x16xf32, #tpu.memory_space<hbm>>
      tpu.wait_indirect_dma semaphore(%arg11 : memref<!tpu.dma_semaphore, #tpu.memory_space<semaphore_mem>>) src(%dma_wait3A_787 : memref<50176x16xf32, #tpu.memory_space<hbm>>) dst(%dma_wait3A_781 : memref<128x16xf32, #tpu.memory_space<vmem>>)
      %dma_wait3A_788 = arith.constant 1 : i32
      %dma_wait3A_789 = arith.constant 1 : i32
      %dma_wait3A_790 = arith.constant 1 : i32
      %dma_wait3A_791 = arith.constant 1 : i32
      %dma_wait3A_792 = arith.constant 0 : i32
      %dma_wait3A_793 = arith.constant 0 : i32
      %dma_wait3A_794 = tpu.memref_slice %arg9[%dma_wait3A_790, %dma_wait3A_791, %dma_wait3A_792, %dma_wait3A_793] : memref<2x13x128x16xf32, #tpu.memory_space<vmem>> -> memref<1x1x128x16xf32, #tpu.memory_space<vmem>>
      %dma_wait3A_795 = tpu.memref_squeeze %dma_wait3A_794 : memref<1x1x128x16xf32, #tpu.memory_space<vmem>> -> memref<128x16xf32, #tpu.memory_space<vmem>>
      %dma_wait3A_796 = arith.constant 0 : i32
      %dma_wait3A_797 = tpu.memref_slice %arg7[%dma_wait3A_788, %dma_wait3A_789, %dma_wait3A_796] : memref<2x13x128xi32, #tpu.memory_space<vmem>> -> memref<1x1x128xi32, #tpu.memory_space<vmem>>
      %dma_wait3A_798 = tpu.memref_squeeze %dma_wait3A_797 : memref<1x1x128xi32, #tpu.memory_space<vmem>> -> memref<128xi32, #tpu.memory_space<vmem>>
      %dma_wait3A_799 = arith.constant 0 : i32
      %dma_wait3A_800 = arith.constant 0 : i32
      %dma_wait3A_801 = tpu.memref_slice %arg2[%dma_wait3A_799, %dma_wait3A_800] : memref<50176x16xf32, #tpu.memory_space<hbm>> -> memref<50176x16xf32, #tpu.memory_space<hbm>>
      tpu.wait_indirect_dma semaphore(%arg11 : memref<!tpu.dma_semaphore, #tpu.memory_space<semaphore_mem>>) src(%dma_wait3A_801 : memref<50176x16xf32, #tpu.memory_space<hbm>>) dst(%dma_wait3A_795 : memref<128x16xf32, #tpu.memory_space<vmem>>)
      %dma_wait3A_802 = arith.constant 1 : i32
      %dma_wait3A_803 = arith.constant 2 : i32
      %dma_wait3A_804 = arith.constant 1 : i32
      %dma_wait3A_805 = arith.constant 2 : i32
      %dma_wait3A_806 = arith.constant 0 : i32
      %dma_wait3A_807 = arith.constant 0 : i32
      %dma_wait3A_808 = tpu.memref_slice %arg9[%dma_wait3A_804, %dma_wait3A_805, %dma_wait3A_806, %dma_wait3A_807] : memref<2x13x128x16xf32, #tpu.memory_space<vmem>> -> memref<1x1x128x16xf32, #tpu.memory_space<vmem>>
      %dma_wait3A_809 = tpu.memref_squeeze %dma_wait3A_808 : memref<1x1x128x16xf32, #tpu.memory_space<vmem>> -> memref<128x16xf32, #tpu.memory_space<vmem>>
      %dma_wait3A_810 = arith.constant 0 : i32
      %dma_wait3A_811 = tpu.memref_slice %arg7[%dma_wait3A_802, %dma_wait3A_803, %dma_wait3A_810] : memref<2x13x128xi32, #tpu.memory_space<vmem>> -> memref<1x1x128xi32, #tpu.memory_space<vmem>>
      %dma_wait3A_812 = tpu.memref_squeeze %dma_wait3A_811 : memref<1x1x128xi32, #tpu.memory_space<vmem>> -> memref<128xi32, #tpu.memory_space<vmem>>
      %dma_wait3A_813 = arith.constant 0 : i32
      %dma_wait3A_814 = arith.constant 0 : i32
      %dma_wait3A_815 = tpu.memref_slice %arg2[%dma_wait3A_813, %dma_wait3A_814] : memref<50176x16xf32, #tpu.memory_space<hbm>> -> memref<50176x16xf32, #tpu.memory_space<hbm>>
      tpu.wait_indirect_dma semaphore(%arg11 : memref<!tpu.dma_semaphore, #tpu.memory_space<semaphore_mem>>) src(%dma_wait3A_815 : memref<50176x16xf32, #tpu.memory_space<hbm>>) dst(%dma_wait3A_809 : memref<128x16xf32, #tpu.memory_space<vmem>>)
      %dma_wait3A_816 = arith.constant 1 : i32
      %dma_wait3A_817 = arith.constant 3 : i32
      %dma_wait3A_818 = arith.constant 1 : i32
      %dma_wait3A_819 = arith.constant 3 : i32
      %dma_wait3A_820 = arith.constant 0 : i32
      %dma_wait3A_821 = arith.constant 0 : i32
      %dma_wait3A_822 = tpu.memref_slice %arg9[%dma_wait3A_818, %dma_wait3A_819, %dma_wait3A_820, %dma_wait3A_821] : memref<2x13x128x16xf32, #tpu.memory_space<vmem>> -> memref<1x1x128x16xf32, #tpu.memory_space<vmem>>
      %dma_wait3A_823 = tpu.memref_squeeze %dma_wait3A_822 : memref<1x1x128x16xf32, #tpu.memory_space<vmem>> -> memref<128x16xf32, #tpu.memory_space<vmem>>
      %dma_wait3A_824 = arith.constant 0 : i32
      %dma_wait3A_825 = tpu.memref_slice %arg7[%dma_wait3A_816, %dma_wait3A_817, %dma_wait3A_824] : memref<2x13x128xi32, #tpu.memory_space<vmem>> -> memref<1x1x128xi32, #tpu.memory_space<vmem>>
      %dma_wait3A_826 = tpu.memref_squeeze %dma_wait3A_825 : memref<1x1x128xi32, #tpu.memory_space<vmem>> -> memref<128xi32, #tpu.memory_space<vmem>>
      %dma_wait3A_827 = arith.constant 0 : i32
      %dma_wait3A_828 = arith.constant 0 : i32
      %dma_wait3A_829 = tpu.memref_slice %arg2[%dma_wait3A_827, %dma_wait3A_828] : memref<50176x16xf32, #tpu.memory_space<hbm>> -> memref<50176x16xf32, #tpu.memory_space<hbm>>
      tpu.wait_indirect_dma semaphore(%arg11 : memref<!tpu.dma_semaphore, #tpu.memory_space<semaphore_mem>>) src(%dma_wait3A_829 : memref<50176x16xf32, #tpu.memory_space<hbm>>) dst(%dma_wait3A_823 : memref<128x16xf32, #tpu.memory_space<vmem>>)
      %dma_wait3A_830 = arith.constant 1 : i32
      %dma_wait3A_831 = arith.constant 4 : i32
      %dma_wait3A_832 = arith.constant 1 : i32
      %dma_wait3A_833 = arith.constant 4 : i32
      %dma_wait3A_834 = arith.constant 0 : i32
      %dma_wait3A_835 = arith.constant 0 : i32
      %dma_wait3A_836 = tpu.memref_slice %arg9[%dma_wait3A_832, %dma_wait3A_833, %dma_wait3A_834, %dma_wait3A_835] : memref<2x13x128x16xf32, #tpu.memory_space<vmem>> -> memref<1x1x128x16xf32, #tpu.memory_space<vmem>>
      %dma_wait3A_837 = tpu.memref_squeeze %dma_wait3A_836 : memref<1x1x128x16xf32, #tpu.memory_space<vmem>> -> memref<128x16xf32, #tpu.memory_space<vmem>>
      %dma_wait3A_838 = arith.constant 0 : i32
      %dma_wait3A_839 = tpu.memref_slice %arg7[%dma_wait3A_830, %dma_wait3A_831, %dma_wait3A_838] : memref<2x13x128xi32, #tpu.memory_space<vmem>> -> memref<1x1x128xi32, #tpu.memory_space<vmem>>
      %dma_wait3A_840 = tpu.memref_squeeze %dma_wait3A_839 : memref<1x1x128xi32, #tpu.memory_space<vmem>> -> memref<128xi32, #tpu.memory_space<vmem>>
      %dma_wait3A_841 = arith.constant 0 : i32
      %dma_wait3A_842 = arith.constant 0 : i32
      %dma_wait3A_843 = tpu.memref_slice %arg2[%dma_wait3A_841, %dma_wait3A_842] : memref<50176x16xf32, #tpu.memory_space<hbm>> -> memref<50176x16xf32, #tpu.memory_space<hbm>>
      tpu.wait_indirect_dma semaphore(%arg11 : memref<!tpu.dma_semaphore, #tpu.memory_space<semaphore_mem>>) src(%dma_wait3A_843 : memref<50176x16xf32, #tpu.memory_space<hbm>>) dst(%dma_wait3A_837 : memref<128x16xf32, #tpu.memory_space<vmem>>)
      %dma_wait3A_844 = arith.constant 1 : i32
      %dma_wait3A_845 = arith.constant 5 : i32
      %dma_wait3A_846 = arith.constant 1 : i32
      %dma_wait3A_847 = arith.constant 5 : i32
      %dma_wait3A_848 = arith.constant 0 : i32
      %dma_wait3A_849 = arith.constant 0 : i32
      %dma_wait3A_850 = tpu.memref_slice %arg9[%dma_wait3A_846, %dma_wait3A_847, %dma_wait3A_848, %dma_wait3A_849] : memref<2x13x128x16xf32, #tpu.memory_space<vmem>> -> memref<1x1x128x16xf32, #tpu.memory_space<vmem>>
      %dma_wait3A_851 = tpu.memref_squeeze %dma_wait3A_850 : memref<1x1x128x16xf32, #tpu.memory_space<vmem>> -> memref<128x16xf32, #tpu.memory_space<vmem>>
      %dma_wait3A_852 = arith.constant 0 : i32
      %dma_wait3A_853 = tpu.memref_slice %arg7[%dma_wait3A_844, %dma_wait3A_845, %dma_wait3A_852] : memref<2x13x128xi32, #tpu.memory_space<vmem>> -> memref<1x1x128xi32, #tpu.memory_space<vmem>>
      %dma_wait3A_854 = tpu.memref_squeeze %dma_wait3A_853 : memref<1x1x128xi32, #tpu.memory_space<vmem>> -> memref<128xi32, #tpu.memory_space<vmem>>
      %dma_wait3A_855 = arith.constant 0 : i32
      %dma_wait3A_856 = arith.constant 0 : i32
      %dma_wait3A_857 = tpu.memref_slice %arg2[%dma_wait3A_855, %dma_wait3A_856] : memref<50176x16xf32, #tpu.memory_space<hbm>> -> memref<50176x16xf32, #tpu.memory_space<hbm>>
      tpu.wait_indirect_dma semaphore(%arg11 : memref<!tpu.dma_semaphore, #tpu.memory_space<semaphore_mem>>) src(%dma_wait3A_857 : memref<50176x16xf32, #tpu.memory_space<hbm>>) dst(%dma_wait3A_851 : memref<128x16xf32, #tpu.memory_space<vmem>>)
      %dma_wait3A_858 = arith.constant 1 : i32
      %dma_wait3A_859 = arith.constant 6 : i32
      %dma_wait3A_860 = arith.constant 1 : i32
      %dma_wait3A_861 = arith.constant 6 : i32
      %dma_wait3A_862 = arith.constant 0 : i32
      %dma_wait3A_863 = arith.constant 0 : i32
      %dma_wait3A_864 = tpu.memref_slice %arg9[%dma_wait3A_860, %dma_wait3A_861, %dma_wait3A_862, %dma_wait3A_863] : memref<2x13x128x16xf32, #tpu.memory_space<vmem>> -> memref<1x1x128x16xf32, #tpu.memory_space<vmem>>
      %dma_wait3A_865 = tpu.memref_squeeze %dma_wait3A_864 : memref<1x1x128x16xf32, #tpu.memory_space<vmem>> -> memref<128x16xf32, #tpu.memory_space<vmem>>
      %dma_wait3A_866 = arith.constant 0 : i32
      %dma_wait3A_867 = tpu.memref_slice %arg7[%dma_wait3A_858, %dma_wait3A_859, %dma_wait3A_866] : memref<2x13x128xi32, #tpu.memory_space<vmem>> -> memref<1x1x128xi32, #tpu.memory_space<vmem>>
      %dma_wait3A_868 = tpu.memref_squeeze %dma_wait3A_867 : memref<1x1x128xi32, #tpu.memory_space<vmem>> -> memref<128xi32, #tpu.memory_space<vmem>>
      %dma_wait3A_869 = arith.constant 0 : i32
      %dma_wait3A_870 = arith.constant 0 : i32
      %dma_wait3A_871 = tpu.memref_slice %arg2[%dma_wait3A_869, %dma_wait3A_870] : memref<50176x16xf32, #tpu.memory_space<hbm>> -> memref<50176x16xf32, #tpu.memory_space<hbm>>
      tpu.wait_indirect_dma semaphore(%arg11 : memref<!tpu.dma_semaphore, #tpu.memory_space<semaphore_mem>>) src(%dma_wait3A_871 : memref<50176x16xf32, #tpu.memory_space<hbm>>) dst(%dma_wait3A_865 : memref<128x16xf32, #tpu.memory_space<vmem>>)
      %dma_wait3A_872 = arith.constant 1 : i32
      %dma_wait3A_873 = arith.constant 7 : i32
      %dma_wait3A_874 = arith.constant 1 : i32
      %dma_wait3A_875 = arith.constant 7 : i32
      %dma_wait3A_876 = arith.constant 0 : i32
      %dma_wait3A_877 = arith.constant 0 : i32
      %dma_wait3A_878 = tpu.memref_slice %arg9[%dma_wait3A_874, %dma_wait3A_875, %dma_wait3A_876, %dma_wait3A_877] : memref<2x13x128x16xf32, #tpu.memory_space<vmem>> -> memref<1x1x128x16xf32, #tpu.memory_space<vmem>>
      %dma_wait3A_879 = tpu.memref_squeeze %dma_wait3A_878 : memref<1x1x128x16xf32, #tpu.memory_space<vmem>> -> memref<128x16xf32, #tpu.memory_space<vmem>>
      %dma_wait3A_880 = arith.constant 0 : i32
      %dma_wait3A_881 = tpu.memref_slice %arg7[%dma_wait3A_872, %dma_wait3A_873, %dma_wait3A_880] : memref<2x13x128xi32, #tpu.memory_space<vmem>> -> memref<1x1x128xi32, #tpu.memory_space<vmem>>
      %dma_wait3A_882 = tpu.memref_squeeze %dma_wait3A_881 : memref<1x1x128xi32, #tpu.memory_space<vmem>> -> memref<128xi32, #tpu.memory_space<vmem>>
      %dma_wait3A_883 = arith.constant 0 : i32
      %dma_wait3A_884 = arith.constant 0 : i32
      %dma_wait3A_885 = tpu.memref_slice %arg2[%dma_wait3A_883, %dma_wait3A_884] : memref<50176x16xf32, #tpu.memory_space<hbm>> -> memref<50176x16xf32, #tpu.memory_space<hbm>>
      tpu.wait_indirect_dma semaphore(%arg11 : memref<!tpu.dma_semaphore, #tpu.memory_space<semaphore_mem>>) src(%dma_wait3A_885 : memref<50176x16xf32, #tpu.memory_space<hbm>>) dst(%dma_wait3A_879 : memref<128x16xf32, #tpu.memory_space<vmem>>)
      %dma_wait3A_886 = arith.constant 1 : i32
      %dma_wait3A_887 = arith.constant 8 : i32
      %dma_wait3A_888 = arith.constant 1 : i32
      %dma_wait3A_889 = arith.constant 8 : i32
      %dma_wait3A_890 = arith.constant 0 : i32
      %dma_wait3A_891 = arith.constant 0 : i32
      %dma_wait3A_892 = tpu.memref_slice %arg9[%dma_wait3A_888, %dma_wait3A_889, %dma_wait3A_890, %dma_wait3A_891] : memref<2x13x128x16xf32, #tpu.memory_space<vmem>> -> memref<1x1x128x16xf32, #tpu.memory_space<vmem>>
      %dma_wait3A_893 = tpu.memref_squeeze %dma_wait3A_892 : memref<1x1x128x16xf32, #tpu.memory_space<vmem>> -> memref<128x16xf32, #tpu.memory_space<vmem>>
      %dma_wait3A_894 = arith.constant 0 : i32
      %dma_wait3A_895 = tpu.memref_slice %arg7[%dma_wait3A_886, %dma_wait3A_887, %dma_wait3A_894] : memref<2x13x128xi32, #tpu.memory_space<vmem>> -> memref<1x1x128xi32, #tpu.memory_space<vmem>>
      %dma_wait3A_896 = tpu.memref_squeeze %dma_wait3A_895 : memref<1x1x128xi32, #tpu.memory_space<vmem>> -> memref<128xi32, #tpu.memory_space<vmem>>
      %dma_wait3A_897 = arith.constant 0 : i32
      %dma_wait3A_898 = arith.constant 0 : i32
      %dma_wait3A_899 = tpu.memref_slice %arg2[%dma_wait3A_897, %dma_wait3A_898] : memref<50176x16xf32, #tpu.memory_space<hbm>> -> memref<50176x16xf32, #tpu.memory_space<hbm>>
      tpu.wait_indirect_dma semaphore(%arg11 : memref<!tpu.dma_semaphore, #tpu.memory_space<semaphore_mem>>) src(%dma_wait3A_899 : memref<50176x16xf32, #tpu.memory_space<hbm>>) dst(%dma_wait3A_893 : memref<128x16xf32, #tpu.memory_space<vmem>>)
      %dma_wait3A_900 = arith.constant 1 : i32
      %dma_wait3A_901 = arith.constant 9 : i32
      %dma_wait3A_902 = arith.constant 1 : i32
      %dma_wait3A_903 = arith.constant 9 : i32
      %dma_wait3A_904 = arith.constant 0 : i32
      %dma_wait3A_905 = arith.constant 0 : i32
      %dma_wait3A_906 = tpu.memref_slice %arg9[%dma_wait3A_902, %dma_wait3A_903, %dma_wait3A_904, %dma_wait3A_905] : memref<2x13x128x16xf32, #tpu.memory_space<vmem>> -> memref<1x1x128x16xf32, #tpu.memory_space<vmem>>
      %dma_wait3A_907 = tpu.memref_squeeze %dma_wait3A_906 : memref<1x1x128x16xf32, #tpu.memory_space<vmem>> -> memref<128x16xf32, #tpu.memory_space<vmem>>
      %dma_wait3A_908 = arith.constant 0 : i32
      %dma_wait3A_909 = tpu.memref_slice %arg7[%dma_wait3A_900, %dma_wait3A_901, %dma_wait3A_908] : memref<2x13x128xi32, #tpu.memory_space<vmem>> -> memref<1x1x128xi32, #tpu.memory_space<vmem>>
      %dma_wait3A_910 = tpu.memref_squeeze %dma_wait3A_909 : memref<1x1x128xi32, #tpu.memory_space<vmem>> -> memref<128xi32, #tpu.memory_space<vmem>>
      %dma_wait3A_911 = arith.constant 0 : i32
      %dma_wait3A_912 = arith.constant 0 : i32
      %dma_wait3A_913 = tpu.memref_slice %arg2[%dma_wait3A_911, %dma_wait3A_912] : memref<50176x16xf32, #tpu.memory_space<hbm>> -> memref<50176x16xf32, #tpu.memory_space<hbm>>
      tpu.wait_indirect_dma semaphore(%arg11 : memref<!tpu.dma_semaphore, #tpu.memory_space<semaphore_mem>>) src(%dma_wait3A_913 : memref<50176x16xf32, #tpu.memory_space<hbm>>) dst(%dma_wait3A_907 : memref<128x16xf32, #tpu.memory_space<vmem>>)
      %dma_wait3A_914 = arith.constant 1 : i32
      %dma_wait3A_915 = arith.constant 10 : i32
      %dma_wait3A_916 = arith.constant 1 : i32
      %dma_wait3A_917 = arith.constant 10 : i32
      %dma_wait3A_918 = arith.constant 0 : i32
      %dma_wait3A_919 = arith.constant 0 : i32
      %dma_wait3A_920 = tpu.memref_slice %arg9[%dma_wait3A_916, %dma_wait3A_917, %dma_wait3A_918, %dma_wait3A_919] : memref<2x13x128x16xf32, #tpu.memory_space<vmem>> -> memref<1x1x128x16xf32, #tpu.memory_space<vmem>>
      %dma_wait3A_921 = tpu.memref_squeeze %dma_wait3A_920 : memref<1x1x128x16xf32, #tpu.memory_space<vmem>> -> memref<128x16xf32, #tpu.memory_space<vmem>>
      %dma_wait3A_922 = arith.constant 0 : i32
      %dma_wait3A_923 = tpu.memref_slice %arg7[%dma_wait3A_914, %dma_wait3A_915, %dma_wait3A_922] : memref<2x13x128xi32, #tpu.memory_space<vmem>> -> memref<1x1x128xi32, #tpu.memory_space<vmem>>
      %dma_wait3A_924 = tpu.memref_squeeze %dma_wait3A_923 : memref<1x1x128xi32, #tpu.memory_space<vmem>> -> memref<128xi32, #tpu.memory_space<vmem>>
      %dma_wait3A_925 = arith.constant 0 : i32
      %dma_wait3A_926 = arith.constant 0 : i32
      %dma_wait3A_927 = tpu.memref_slice %arg2[%dma_wait3A_925, %dma_wait3A_926] : memref<50176x16xf32, #tpu.memory_space<hbm>> -> memref<50176x16xf32, #tpu.memory_space<hbm>>
      tpu.wait_indirect_dma semaphore(%arg11 : memref<!tpu.dma_semaphore, #tpu.memory_space<semaphore_mem>>) src(%dma_wait3A_927 : memref<50176x16xf32, #tpu.memory_space<hbm>>) dst(%dma_wait3A_921 : memref<128x16xf32, #tpu.memory_space<vmem>>)
      %dma_wait3A_928 = arith.constant 1 : i32
      %dma_wait3A_929 = arith.constant 11 : i32
      %dma_wait3A_930 = arith.constant 1 : i32
      %dma_wait3A_931 = arith.constant 11 : i32
      %dma_wait3A_932 = arith.constant 0 : i32
      %dma_wait3A_933 = arith.constant 0 : i32
      %dma_wait3A_934 = tpu.memref_slice %arg9[%dma_wait3A_930, %dma_wait3A_931, %dma_wait3A_932, %dma_wait3A_933] : memref<2x13x128x16xf32, #tpu.memory_space<vmem>> -> memref<1x1x128x16xf32, #tpu.memory_space<vmem>>
      %dma_wait3A_935 = tpu.memref_squeeze %dma_wait3A_934 : memref<1x1x128x16xf32, #tpu.memory_space<vmem>> -> memref<128x16xf32, #tpu.memory_space<vmem>>
      %dma_wait3A_936 = arith.constant 0 : i32
      %dma_wait3A_937 = tpu.memref_slice %arg7[%dma_wait3A_928, %dma_wait3A_929, %dma_wait3A_936] : memref<2x13x128xi32, #tpu.memory_space<vmem>> -> memref<1x1x128xi32, #tpu.memory_space<vmem>>
      %dma_wait3A_938 = tpu.memref_squeeze %dma_wait3A_937 : memref<1x1x128xi32, #tpu.memory_space<vmem>> -> memref<128xi32, #tpu.memory_space<vmem>>
      %dma_wait3A_939 = arith.constant 0 : i32
      %dma_wait3A_940 = arith.constant 0 : i32
      %dma_wait3A_941 = tpu.memref_slice %arg2[%dma_wait3A_939, %dma_wait3A_940] : memref<50176x16xf32, #tpu.memory_space<hbm>> -> memref<50176x16xf32, #tpu.memory_space<hbm>>
      tpu.wait_indirect_dma semaphore(%arg11 : memref<!tpu.dma_semaphore, #tpu.memory_space<semaphore_mem>>) src(%dma_wait3A_941 : memref<50176x16xf32, #tpu.memory_space<hbm>>) dst(%dma_wait3A_935 : memref<128x16xf32, #tpu.memory_space<vmem>>)
      %dma_wait3A_942 = arith.constant 1 : i32
      %dma_wait3A_943 = arith.constant 12 : i32
      %dma_wait3A_944 = arith.constant 1 : i32
      %dma_wait3A_945 = arith.constant 12 : i32
      %dma_wait3A_946 = arith.constant 0 : i32
      %dma_wait3A_947 = arith.constant 0 : i32
      %dma_wait3A_948 = tpu.memref_slice %arg9[%dma_wait3A_944, %dma_wait3A_945, %dma_wait3A_946, %dma_wait3A_947] : memref<2x13x128x16xf32, #tpu.memory_space<vmem>> -> memref<1x1x128x16xf32, #tpu.memory_space<vmem>>
      %dma_wait3A_949 = tpu.memref_squeeze %dma_wait3A_948 : memref<1x1x128x16xf32, #tpu.memory_space<vmem>> -> memref<128x16xf32, #tpu.memory_space<vmem>>
      %dma_wait3A_950 = arith.constant 0 : i32
      %dma_wait3A_951 = tpu.memref_slice %arg7[%dma_wait3A_942, %dma_wait3A_943, %dma_wait3A_950] : memref<2x13x128xi32, #tpu.memory_space<vmem>> -> memref<1x1x128xi32, #tpu.memory_space<vmem>>
      %dma_wait3A_952 = tpu.memref_squeeze %dma_wait3A_951 : memref<1x1x128xi32, #tpu.memory_space<vmem>> -> memref<128xi32, #tpu.memory_space<vmem>>
      %dma_wait3A_953 = arith.constant 0 : i32
      %dma_wait3A_954 = arith.constant 0 : i32
      %dma_wait3A_955 = tpu.memref_slice %arg2[%dma_wait3A_953, %dma_wait3A_954] : memref<50176x16xf32, #tpu.memory_space<hbm>> -> memref<50176x16xf32, #tpu.memory_space<hbm>>
      tpu.wait_indirect_dma semaphore(%arg11 : memref<!tpu.dma_semaphore, #tpu.memory_space<semaphore_mem>>) src(%dma_wait3A_955 : memref<50176x16xf32, #tpu.memory_space<hbm>>) dst(%dma_wait3A_949 : memref<128x16xf32, #tpu.memory_space<vmem>>)
      %dma_wait3A_956 = arith.constant 0 : i32
      %dma_wait3A_957 = arith.constant 0 : i32
      %dma_wait3A_958 = arith.constant 0 : i32
      %dma_wait3A_959 = arith.constant 0 : i32
      %dma_wait3A_960 = arith.constant 0 : i32
      %dma_wait3A_961 = arith.constant 0 : i32
      %dma_wait3A_962 = tpu.memref_slice %arg9[%dma_wait3A_956, %dma_wait3A_957, %dma_wait3A_960, %dma_wait3A_961] : memref<2x13x128x16xf32, #tpu.memory_space<vmem>> -> memref<1x1x128x16xf32, #tpu.memory_space<vmem>>
      %dma_wait3A_963 = tpu.memref_squeeze %dma_wait3A_962 : memref<1x1x128x16xf32, #tpu.memory_space<vmem>> -> memref<128x16xf32, #tpu.memory_space<vmem>>
      %dma_wait3A_964 = arith.constant 0 : i32
      %dma_wait3A_965 = tpu.memref_slice %arg8[%dma_wait3A_958, %dma_wait3A_959, %dma_wait3A_964] : memref<2x13x128xi32, #tpu.memory_space<vmem>> -> memref<1x1x128xi32, #tpu.memory_space<vmem>>
      %dma_wait3A_966 = tpu.memref_squeeze %dma_wait3A_965 : memref<1x1x128xi32, #tpu.memory_space<vmem>> -> memref<128xi32, #tpu.memory_space<vmem>>
      %dma_wait3A_967 = arith.constant 0 : i32
      %dma_wait3A_968 = arith.constant 0 : i32
      %dma_wait3A_969 = tpu.memref_slice %arg10[%dma_wait3A_967, %dma_wait3A_968] : memref<51200x16xf32, #tpu.memory_space<vmem_shared>> -> memref<51200x16xf32, #tpu.memory_space<vmem_shared>>
      tpu.wait_indirect_dma semaphore(%arg12 : memref<!tpu.dma_semaphore, #tpu.memory_space<semaphore_mem>>) src(%dma_wait3A_963 : memref<128x16xf32, #tpu.memory_space<vmem>>) dst(%dma_wait3A_969 : memref<51200x16xf32, #tpu.memory_space<vmem_shared>>)
      %dma_wait3A_970 = arith.constant 0 : i32
      %dma_wait3A_971 = arith.constant 1 : i32
      %dma_wait3A_972 = arith.constant 0 : i32
      %dma_wait3A_973 = arith.constant 1 : i32
      %dma_wait3A_974 = arith.constant 0 : i32
      %dma_wait3A_975 = arith.constant 0 : i32
      %dma_wait3A_976 = tpu.memref_slice %arg9[%dma_wait3A_970, %dma_wait3A_971, %dma_wait3A_974, %dma_wait3A_975] : memref<2x13x128x16xf32, #tpu.memory_space<vmem>> -> memref<1x1x128x16xf32, #tpu.memory_space<vmem>>
      %dma_wait3A_977 = tpu.memref_squeeze %dma_wait3A_976 : memref<1x1x128x16xf32, #tpu.memory_space<vmem>> -> memref<128x16xf32, #tpu.memory_space<vmem>>
      %dma_wait3A_978 = arith.constant 0 : i32
      %dma_wait3A_979 = tpu.memref_slice %arg8[%dma_wait3A_972, %dma_wait3A_973, %dma_wait3A_978] : memref<2x13x128xi32, #tpu.memory_space<vmem>> -> memref<1x1x128xi32, #tpu.memory_space<vmem>>
      %dma_wait3A_980 = tpu.memref_squeeze %dma_wait3A_979 : memref<1x1x128xi32, #tpu.memory_space<vmem>> -> memref<128xi32, #tpu.memory_space<vmem>>
      %dma_wait3A_981 = arith.constant 0 : i32
      %dma_wait3A_982 = arith.constant 0 : i32
      %dma_wait3A_983 = tpu.memref_slice %arg10[%dma_wait3A_981, %dma_wait3A_982] : memref<51200x16xf32, #tpu.memory_space<vmem_shared>> -> memref<51200x16xf32, #tpu.memory_space<vmem_shared>>
      tpu.wait_indirect_dma semaphore(%arg12 : memref<!tpu.dma_semaphore, #tpu.memory_space<semaphore_mem>>) src(%dma_wait3A_977 : memref<128x16xf32, #tpu.memory_space<vmem>>) dst(%dma_wait3A_983 : memref<51200x16xf32, #tpu.memory_space<vmem_shared>>)
      %dma_wait3A_984 = arith.constant 0 : i32
      %dma_wait3A_985 = arith.constant 2 : i32
      %dma_wait3A_986 = arith.constant 0 : i32
      %dma_wait3A_987 = arith.constant 2 : i32
      %dma_wait3A_988 = arith.constant 0 : i32
      %dma_wait3A_989 = arith.constant 0 : i32
      %dma_wait3A_990 = tpu.memref_slice %arg9[%dma_wait3A_984, %dma_wait3A_985, %dma_wait3A_988, %dma_wait3A_989] : memref<2x13x128x16xf32, #tpu.memory_space<vmem>> -> memref<1x1x128x16xf32, #tpu.memory_space<vmem>>
      %dma_wait3A_991 = tpu.memref_squeeze %dma_wait3A_990 : memref<1x1x128x16xf32, #tpu.memory_space<vmem>> -> memref<128x16xf32, #tpu.memory_space<vmem>>
      %dma_wait3A_992 = arith.constant 0 : i32
      %dma_wait3A_993 = tpu.memref_slice %arg8[%dma_wait3A_986, %dma_wait3A_987, %dma_wait3A_992] : memref<2x13x128xi32, #tpu.memory_space<vmem>> -> memref<1x1x128xi32, #tpu.memory_space<vmem>>
      %dma_wait3A_994 = tpu.memref_squeeze %dma_wait3A_993 : memref<1x1x128xi32, #tpu.memory_space<vmem>> -> memref<128xi32, #tpu.memory_space<vmem>>
      %dma_wait3A_995 = arith.constant 0 : i32
      %dma_wait3A_996 = arith.constant 0 : i32
      %dma_wait3A_997 = tpu.memref_slice %arg10[%dma_wait3A_995, %dma_wait3A_996] : memref<51200x16xf32, #tpu.memory_space<vmem_shared>> -> memref<51200x16xf32, #tpu.memory_space<vmem_shared>>
      tpu.wait_indirect_dma semaphore(%arg12 : memref<!tpu.dma_semaphore, #tpu.memory_space<semaphore_mem>>) src(%dma_wait3A_991 : memref<128x16xf32, #tpu.memory_space<vmem>>) dst(%dma_wait3A_997 : memref<51200x16xf32, #tpu.memory_space<vmem_shared>>)
      %dma_wait3A_998 = arith.constant 0 : i32
      %dma_wait3A_999 = arith.constant 3 : i32
      %dma_wait3A_1000 = arith.constant 0 : i32
      %dma_wait3A_1001 = arith.constant 3 : i32
      %dma_wait3A_1002 = arith.constant 0 : i32
      %dma_wait3A_1003 = arith.constant 0 : i32
      %dma_wait3A_1004 = tpu.memref_slice %arg9[%dma_wait3A_998, %dma_wait3A_999, %dma_wait3A_1002, %dma_wait3A_1003] : memref<2x13x128x16xf32, #tpu.memory_space<vmem>> -> memref<1x1x128x16xf32, #tpu.memory_space<vmem>>
      %dma_wait3A_1005 = tpu.memref_squeeze %dma_wait3A_1004 : memref<1x1x128x16xf32, #tpu.memory_space<vmem>> -> memref<128x16xf32, #tpu.memory_space<vmem>>
      %dma_wait3A_1006 = arith.constant 0 : i32
      %dma_wait3A_1007 = tpu.memref_slice %arg8[%dma_wait3A_1000, %dma_wait3A_1001, %dma_wait3A_1006] : memref<2x13x128xi32, #tpu.memory_space<vmem>> -> memref<1x1x128xi32, #tpu.memory_space<vmem>>
      %dma_wait3A_1008 = tpu.memref_squeeze %dma_wait3A_1007 : memref<1x1x128xi32, #tpu.memory_space<vmem>> -> memref<128xi32, #tpu.memory_space<vmem>>
      %dma_wait3A_1009 = arith.constant 0 : i32
      %dma_wait3A_1010 = arith.constant 0 : i32
      %dma_wait3A_1011 = tpu.memref_slice %arg10[%dma_wait3A_1009, %dma_wait3A_1010] : memref<51200x16xf32, #tpu.memory_space<vmem_shared>> -> memref<51200x16xf32, #tpu.memory_space<vmem_shared>>
      tpu.wait_indirect_dma semaphore(%arg12 : memref<!tpu.dma_semaphore, #tpu.memory_space<semaphore_mem>>) src(%dma_wait3A_1005 : memref<128x16xf32, #tpu.memory_space<vmem>>) dst(%dma_wait3A_1011 : memref<51200x16xf32, #tpu.memory_space<vmem_shared>>)
      %dma_wait3A_1012 = arith.constant 0 : i32
      %dma_wait3A_1013 = arith.constant 4 : i32
      %dma_wait3A_1014 = arith.constant 0 : i32
      %dma_wait3A_1015 = arith.constant 4 : i32
      %dma_wait3A_1016 = arith.constant 0 : i32
      %dma_wait3A_1017 = arith.constant 0 : i32
      %dma_wait3A_1018 = tpu.memref_slice %arg9[%dma_wait3A_1012, %dma_wait3A_1013, %dma_wait3A_1016, %dma_wait3A_1017] : memref<2x13x128x16xf32, #tpu.memory_space<vmem>> -> memref<1x1x128x16xf32, #tpu.memory_space<vmem>>
      %dma_wait3A_1019 = tpu.memref_squeeze %dma_wait3A_1018 : memref<1x1x128x16xf32, #tpu.memory_space<vmem>> -> memref<128x16xf32, #tpu.memory_space<vmem>>
      %dma_wait3A_1020 = arith.constant 0 : i32
      %dma_wait3A_1021 = tpu.memref_slice %arg8[%dma_wait3A_1014, %dma_wait3A_1015, %dma_wait3A_1020] : memref<2x13x128xi32, #tpu.memory_space<vmem>> -> memref<1x1x128xi32, #tpu.memory_space<vmem>>
      %dma_wait3A_1022 = tpu.memref_squeeze %dma_wait3A_1021 : memref<1x1x128xi32, #tpu.memory_space<vmem>> -> memref<128xi32, #tpu.memory_space<vmem>>
      %dma_wait3A_1023 = arith.constant 0 : i32
      %dma_wait3A_1024 = arith.constant 0 : i32
      %dma_wait3A_1025 = tpu.memref_slice %arg10[%dma_wait3A_1023, %dma_wait3A_1024] : memref<51200x16xf32, #tpu.memory_space<vmem_shared>> -> memref<51200x16xf32, #tpu.memory_space<vmem_shared>>
      tpu.wait_indirect_dma semaphore(%arg12 : memref<!tpu.dma_semaphore, #tpu.memory_space<semaphore_mem>>) src(%dma_wait3A_1019 : memref<128x16xf32, #tpu.memory_space<vmem>>) dst(%dma_wait3A_1025 : memref<51200x16xf32, #tpu.memory_space<vmem_shared>>)
      %dma_wait3A_1026 = arith.constant 0 : i32
      %dma_wait3A_1027 = arith.constant 5 : i32
      %dma_wait3A_1028 = arith.constant 0 : i32
      %dma_wait3A_1029 = arith.constant 5 : i32
      %dma_wait3A_1030 = arith.constant 0 : i32
      %dma_wait3A_1031 = arith.constant 0 : i32
      %dma_wait3A_1032 = tpu.memref_slice %arg9[%dma_wait3A_1026, %dma_wait3A_1027, %dma_wait3A_1030, %dma_wait3A_1031] : memref<2x13x128x16xf32, #tpu.memory_space<vmem>> -> memref<1x1x128x16xf32, #tpu.memory_space<vmem>>
      %dma_wait3A_1033 = tpu.memref_squeeze %dma_wait3A_1032 : memref<1x1x128x16xf32, #tpu.memory_space<vmem>> -> memref<128x16xf32, #tpu.memory_space<vmem>>
      %dma_wait3A_1034 = arith.constant 0 : i32
      %dma_wait3A_1035 = tpu.memref_slice %arg8[%dma_wait3A_1028, %dma_wait3A_1029, %dma_wait3A_1034] : memref<2x13x128xi32, #tpu.memory_space<vmem>> -> memref<1x1x128xi32, #tpu.memory_space<vmem>>
      %dma_wait3A_1036 = tpu.memref_squeeze %dma_wait3A_1035 : memref<1x1x128xi32, #tpu.memory_space<vmem>> -> memref<128xi32, #tpu.memory_space<vmem>>
      %dma_wait3A_1037 = arith.constant 0 : i32
      %dma_wait3A_1038 = arith.constant 0 : i32
      %dma_wait3A_1039 = tpu.memref_slice %arg10[%dma_wait3A_1037, %dma_wait3A_1038] : memref<51200x16xf32, #tpu.memory_space<vmem_shared>> -> memref<51200x16xf32, #tpu.memory_space<vmem_shared>>
      tpu.wait_indirect_dma semaphore(%arg12 : memref<!tpu.dma_semaphore, #tpu.memory_space<semaphore_mem>>) src(%dma_wait3A_1033 : memref<128x16xf32, #tpu.memory_space<vmem>>) dst(%dma_wait3A_1039 : memref<51200x16xf32, #tpu.memory_space<vmem_shared>>)
      %dma_wait3A_1040 = arith.constant 0 : i32
      %dma_wait3A_1041 = arith.constant 6 : i32
      %dma_wait3A_1042 = arith.constant 0 : i32
      %dma_wait3A_1043 = arith.constant 6 : i32
      %dma_wait3A_1044 = arith.constant 0 : i32
      %dma_wait3A_1045 = arith.constant 0 : i32
      %dma_wait3A_1046 = tpu.memref_slice %arg9[%dma_wait3A_1040, %dma_wait3A_1041, %dma_wait3A_1044, %dma_wait3A_1045] : memref<2x13x128x16xf32, #tpu.memory_space<vmem>> -> memref<1x1x128x16xf32, #tpu.memory_space<vmem>>
      %dma_wait3A_1047 = tpu.memref_squeeze %dma_wait3A_1046 : memref<1x1x128x16xf32, #tpu.memory_space<vmem>> -> memref<128x16xf32, #tpu.memory_space<vmem>>
      %dma_wait3A_1048 = arith.constant 0 : i32
      %dma_wait3A_1049 = tpu.memref_slice %arg8[%dma_wait3A_1042, %dma_wait3A_1043, %dma_wait3A_1048] : memref<2x13x128xi32, #tpu.memory_space<vmem>> -> memref<1x1x128xi32, #tpu.memory_space<vmem>>
      %dma_wait3A_1050 = tpu.memref_squeeze %dma_wait3A_1049 : memref<1x1x128xi32, #tpu.memory_space<vmem>> -> memref<128xi32, #tpu.memory_space<vmem>>
      %dma_wait3A_1051 = arith.constant 0 : i32
      %dma_wait3A_1052 = arith.constant 0 : i32
      %dma_wait3A_1053 = tpu.memref_slice %arg10[%dma_wait3A_1051, %dma_wait3A_1052] : memref<51200x16xf32, #tpu.memory_space<vmem_shared>> -> memref<51200x16xf32, #tpu.memory_space<vmem_shared>>
      tpu.wait_indirect_dma semaphore(%arg12 : memref<!tpu.dma_semaphore, #tpu.memory_space<semaphore_mem>>) src(%dma_wait3A_1047 : memref<128x16xf32, #tpu.memory_space<vmem>>) dst(%dma_wait3A_1053 : memref<51200x16xf32, #tpu.memory_space<vmem_shared>>)
      %dma_wait3A_1054 = arith.constant 0 : i32
      %dma_wait3A_1055 = arith.constant 7 : i32
      %dma_wait3A_1056 = arith.constant 0 : i32
      %dma_wait3A_1057 = arith.constant 7 : i32
      %dma_wait3A_1058 = arith.constant 0 : i32
      %dma_wait3A_1059 = arith.constant 0 : i32
      %dma_wait3A_1060 = tpu.memref_slice %arg9[%dma_wait3A_1054, %dma_wait3A_1055, %dma_wait3A_1058, %dma_wait3A_1059] : memref<2x13x128x16xf32, #tpu.memory_space<vmem>> -> memref<1x1x128x16xf32, #tpu.memory_space<vmem>>
      %dma_wait3A_1061 = tpu.memref_squeeze %dma_wait3A_1060 : memref<1x1x128x16xf32, #tpu.memory_space<vmem>> -> memref<128x16xf32, #tpu.memory_space<vmem>>
      %dma_wait3A_1062 = arith.constant 0 : i32
      %dma_wait3A_1063 = tpu.memref_slice %arg8[%dma_wait3A_1056, %dma_wait3A_1057, %dma_wait3A_1062] : memref<2x13x128xi32, #tpu.memory_space<vmem>> -> memref<1x1x128xi32, #tpu.memory_space<vmem>>
      %dma_wait3A_1064 = tpu.memref_squeeze %dma_wait3A_1063 : memref<1x1x128xi32, #tpu.memory_space<vmem>> -> memref<128xi32, #tpu.memory_space<vmem>>
      %dma_wait3A_1065 = arith.constant 0 : i32
      %dma_wait3A_1066 = arith.constant 0 : i32
      %dma_wait3A_1067 = tpu.memref_slice %arg10[%dma_wait3A_1065, %dma_wait3A_1066] : memref<51200x16xf32, #tpu.memory_space<vmem_shared>> -> memref<51200x16xf32, #tpu.memory_space<vmem_shared>>
      tpu.wait_indirect_dma semaphore(%arg12 : memref<!tpu.dma_semaphore, #tpu.memory_space<semaphore_mem>>) src(%dma_wait3A_1061 : memref<128x16xf32, #tpu.memory_space<vmem>>) dst(%dma_wait3A_1067 : memref<51200x16xf32, #tpu.memory_space<vmem_shared>>)
      %dma_wait3A_1068 = arith.constant 0 : i32
      %dma_wait3A_1069 = arith.constant 8 : i32
      %dma_wait3A_1070 = arith.constant 0 : i32
      %dma_wait3A_1071 = arith.constant 8 : i32
      %dma_wait3A_1072 = arith.constant 0 : i32
      %dma_wait3A_1073 = arith.constant 0 : i32
      %dma_wait3A_1074 = tpu.memref_slice %arg9[%dma_wait3A_1068, %dma_wait3A_1069, %dma_wait3A_1072, %dma_wait3A_1073] : memref<2x13x128x16xf32, #tpu.memory_space<vmem>> -> memref<1x1x128x16xf32, #tpu.memory_space<vmem>>
      %dma_wait3A_1075 = tpu.memref_squeeze %dma_wait3A_1074 : memref<1x1x128x16xf32, #tpu.memory_space<vmem>> -> memref<128x16xf32, #tpu.memory_space<vmem>>
      %dma_wait3A_1076 = arith.constant 0 : i32
      %dma_wait3A_1077 = tpu.memref_slice %arg8[%dma_wait3A_1070, %dma_wait3A_1071, %dma_wait3A_1076] : memref<2x13x128xi32, #tpu.memory_space<vmem>> -> memref<1x1x128xi32, #tpu.memory_space<vmem>>
      %dma_wait3A_1078 = tpu.memref_squeeze %dma_wait3A_1077 : memref<1x1x128xi32, #tpu.memory_space<vmem>> -> memref<128xi32, #tpu.memory_space<vmem>>
      %dma_wait3A_1079 = arith.constant 0 : i32
      %dma_wait3A_1080 = arith.constant 0 : i32
      %dma_wait3A_1081 = tpu.memref_slice %arg10[%dma_wait3A_1079, %dma_wait3A_1080] : memref<51200x16xf32, #tpu.memory_space<vmem_shared>> -> memref<51200x16xf32, #tpu.memory_space<vmem_shared>>
      tpu.wait_indirect_dma semaphore(%arg12 : memref<!tpu.dma_semaphore, #tpu.memory_space<semaphore_mem>>) src(%dma_wait3A_1075 : memref<128x16xf32, #tpu.memory_space<vmem>>) dst(%dma_wait3A_1081 : memref<51200x16xf32, #tpu.memory_space<vmem_shared>>)
      %dma_wait3A_1082 = arith.constant 0 : i32
      %dma_wait3A_1083 = arith.constant 9 : i32
      %dma_wait3A_1084 = arith.constant 0 : i32
      %dma_wait3A_1085 = arith.constant 9 : i32
      %dma_wait3A_1086 = arith.constant 0 : i32
      %dma_wait3A_1087 = arith.constant 0 : i32
      %dma_wait3A_1088 = tpu.memref_slice %arg9[%dma_wait3A_1082, %dma_wait3A_1083, %dma_wait3A_1086, %dma_wait3A_1087] : memref<2x13x128x16xf32, #tpu.memory_space<vmem>> -> memref<1x1x128x16xf32, #tpu.memory_space<vmem>>
      %dma_wait3A_1089 = tpu.memref_squeeze %dma_wait3A_1088 : memref<1x1x128x16xf32, #tpu.memory_space<vmem>> -> memref<128x16xf32, #tpu.memory_space<vmem>>
      %dma_wait3A_1090 = arith.constant 0 : i32
      %dma_wait3A_1091 = tpu.memref_slice %arg8[%dma_wait3A_1084, %dma_wait3A_1085, %dma_wait3A_1090] : memref<2x13x128xi32, #tpu.memory_space<vmem>> -> memref<1x1x128xi32, #tpu.memory_space<vmem>>
      %dma_wait3A_1092 = tpu.memref_squeeze %dma_wait3A_1091 : memref<1x1x128xi32, #tpu.memory_space<vmem>> -> memref<128xi32, #tpu.memory_space<vmem>>
      %dma_wait3A_1093 = arith.constant 0 : i32
      %dma_wait3A_1094 = arith.constant 0 : i32
      %dma_wait3A_1095 = tpu.memref_slice %arg10[%dma_wait3A_1093, %dma_wait3A_1094] : memref<51200x16xf32, #tpu.memory_space<vmem_shared>> -> memref<51200x16xf32, #tpu.memory_space<vmem_shared>>
      tpu.wait_indirect_dma semaphore(%arg12 : memref<!tpu.dma_semaphore, #tpu.memory_space<semaphore_mem>>) src(%dma_wait3A_1089 : memref<128x16xf32, #tpu.memory_space<vmem>>) dst(%dma_wait3A_1095 : memref<51200x16xf32, #tpu.memory_space<vmem_shared>>)
      %dma_wait3A_1096 = arith.constant 0 : i32
      %dma_wait3A_1097 = arith.constant 10 : i32
      %dma_wait3A_1098 = arith.constant 0 : i32
      %dma_wait3A_1099 = arith.constant 10 : i32
      %dma_wait3A_1100 = arith.constant 0 : i32
      %dma_wait3A_1101 = arith.constant 0 : i32
      %dma_wait3A_1102 = tpu.memref_slice %arg9[%dma_wait3A_1096, %dma_wait3A_1097, %dma_wait3A_1100, %dma_wait3A_1101] : memref<2x13x128x16xf32, #tpu.memory_space<vmem>> -> memref<1x1x128x16xf32, #tpu.memory_space<vmem>>
      %dma_wait3A_1103 = tpu.memref_squeeze %dma_wait3A_1102 : memref<1x1x128x16xf32, #tpu.memory_space<vmem>> -> memref<128x16xf32, #tpu.memory_space<vmem>>
      %dma_wait3A_1104 = arith.constant 0 : i32
      %dma_wait3A_1105 = tpu.memref_slice %arg8[%dma_wait3A_1098, %dma_wait3A_1099, %dma_wait3A_1104] : memref<2x13x128xi32, #tpu.memory_space<vmem>> -> memref<1x1x128xi32, #tpu.memory_space<vmem>>
      %dma_wait3A_1106 = tpu.memref_squeeze %dma_wait3A_1105 : memref<1x1x128xi32, #tpu.memory_space<vmem>> -> memref<128xi32, #tpu.memory_space<vmem>>
      %dma_wait3A_1107 = arith.constant 0 : i32
      %dma_wait3A_1108 = arith.constant 0 : i32
      %dma_wait3A_1109 = tpu.memref_slice %arg10[%dma_wait3A_1107, %dma_wait3A_1108] : memref<51200x16xf32, #tpu.memory_space<vmem_shared>> -> memref<51200x16xf32, #tpu.memory_space<vmem_shared>>
      tpu.wait_indirect_dma semaphore(%arg12 : memref<!tpu.dma_semaphore, #tpu.memory_space<semaphore_mem>>) src(%dma_wait3A_1103 : memref<128x16xf32, #tpu.memory_space<vmem>>) dst(%dma_wait3A_1109 : memref<51200x16xf32, #tpu.memory_space<vmem_shared>>)
      %dma_wait3A_1110 = arith.constant 0 : i32
      %dma_wait3A_1111 = arith.constant 11 : i32
      %dma_wait3A_1112 = arith.constant 0 : i32
      %dma_wait3A_1113 = arith.constant 11 : i32
      %dma_wait3A_1114 = arith.constant 0 : i32
      %dma_wait3A_1115 = arith.constant 0 : i32
      %dma_wait3A_1116 = tpu.memref_slice %arg9[%dma_wait3A_1110, %dma_wait3A_1111, %dma_wait3A_1114, %dma_wait3A_1115] : memref<2x13x128x16xf32, #tpu.memory_space<vmem>> -> memref<1x1x128x16xf32, #tpu.memory_space<vmem>>
      %dma_wait3A_1117 = tpu.memref_squeeze %dma_wait3A_1116 : memref<1x1x128x16xf32, #tpu.memory_space<vmem>> -> memref<128x16xf32, #tpu.memory_space<vmem>>
      %dma_wait3A_1118 = arith.constant 0 : i32
      %dma_wait3A_1119 = tpu.memref_slice %arg8[%dma_wait3A_1112, %dma_wait3A_1113, %dma_wait3A_1118] : memref<2x13x128xi32, #tpu.memory_space<vmem>> -> memref<1x1x128xi32, #tpu.memory_space<vmem>>
      %dma_wait3A_1120 = tpu.memref_squeeze %dma_wait3A_1119 : memref<1x1x128xi32, #tpu.memory_space<vmem>> -> memref<128xi32, #tpu.memory_space<vmem>>
      %dma_wait3A_1121 = arith.constant 0 : i32
      %dma_wait3A_1122 = arith.constant 0 : i32
      %dma_wait3A_1123 = tpu.memref_slice %arg10[%dma_wait3A_1121, %dma_wait3A_1122] : memref<51200x16xf32, #tpu.memory_space<vmem_shared>> -> memref<51200x16xf32, #tpu.memory_space<vmem_shared>>
      tpu.wait_indirect_dma semaphore(%arg12 : memref<!tpu.dma_semaphore, #tpu.memory_space<semaphore_mem>>) src(%dma_wait3A_1117 : memref<128x16xf32, #tpu.memory_space<vmem>>) dst(%dma_wait3A_1123 : memref<51200x16xf32, #tpu.memory_space<vmem_shared>>)
      %dma_wait3A_1124 = arith.constant 0 : i32
      %dma_wait3A_1125 = arith.constant 12 : i32
      %dma_wait3A_1126 = arith.constant 0 : i32
      %dma_wait3A_1127 = arith.constant 12 : i32
      %dma_wait3A_1128 = arith.constant 0 : i32
      %dma_wait3A_1129 = arith.constant 0 : i32
      %dma_wait3A_1130 = tpu.memref_slice %arg9[%dma_wait3A_1124, %dma_wait3A_1125, %dma_wait3A_1128, %dma_wait3A_1129] : memref<2x13x128x16xf32, #tpu.memory_space<vmem>> -> memref<1x1x128x16xf32, #tpu.memory_space<vmem>>
      %dma_wait3A_1131 = tpu.memref_squeeze %dma_wait3A_1130 : memref<1x1x128x16xf32, #tpu.memory_space<vmem>> -> memref<128x16xf32, #tpu.memory_space<vmem>>
      %dma_wait3A_1132 = arith.constant 0 : i32
      %dma_wait3A_1133 = tpu.memref_slice %arg8[%dma_wait3A_1126, %dma_wait3A_1127, %dma_wait3A_1132] : memref<2x13x128xi32, #tpu.memory_space<vmem>> -> memref<1x1x128xi32, #tpu.memory_space<vmem>>
      %dma_wait3A_1134 = tpu.memref_squeeze %dma_wait3A_1133 : memref<1x1x128xi32, #tpu.memory_space<vmem>> -> memref<128xi32, #tpu.memory_space<vmem>>
      %dma_wait3A_1135 = arith.constant 0 : i32
      %dma_wait3A_1136 = arith.constant 0 : i32
      %dma_wait3A_1137 = tpu.memref_slice %arg10[%dma_wait3A_1135, %dma_wait3A_1136] : memref<51200x16xf32, #tpu.memory_space<vmem_shared>> -> memref<51200x16xf32, #tpu.memory_space<vmem_shared>>
      tpu.wait_indirect_dma semaphore(%arg12 : memref<!tpu.dma_semaphore, #tpu.memory_space<semaphore_mem>>) src(%dma_wait3A_1131 : memref<128x16xf32, #tpu.memory_space<vmem>>) dst(%dma_wait3A_1137 : memref<51200x16xf32, #tpu.memory_space<vmem_shared>>)
      %dma_start3A_1138 = arith.constant 1 : i32
      %dma_start3A_1139 = arith.constant 0 : i32
      %dma_start3A_1140 = arith.constant 1 : i32
      %dma_start3A_1141 = arith.constant 0 : i32
      %dma_start3A_1142 = arith.constant 0 : i32
      %dma_start3A_1143 = arith.constant 0 : i32
      %dma_start3A_1144 = tpu.memref_slice %arg9[%dma_start3A_1138, %dma_start3A_1139, %dma_start3A_1142, %dma_start3A_1143] : memref<2x13x128x16xf32, #tpu.memory_space<vmem>> -> memref<1x1x128x16xf32, #tpu.memory_space<vmem>>
      %dma_start3A_1145 = tpu.memref_squeeze %dma_start3A_1144 : memref<1x1x128x16xf32, #tpu.memory_space<vmem>> -> memref<128x16xf32, #tpu.memory_space<vmem>>
      %dma_start3A_1146 = arith.constant 0 : i32
      %dma_start3A_1147 = tpu.memref_slice %arg8[%dma_start3A_1140, %dma_start3A_1141, %dma_start3A_1146] : memref<2x13x128xi32, #tpu.memory_space<vmem>> -> memref<1x1x128xi32, #tpu.memory_space<vmem>>
      %dma_start3A_1148 = tpu.memref_squeeze %dma_start3A_1147 : memref<1x1x128xi32, #tpu.memory_space<vmem>> -> memref<128xi32, #tpu.memory_space<vmem>>
      %dma_start3A_1149 = arith.constant 0 : i32
      %dma_start3A_1150 = arith.constant 0 : i32
      %dma_start3A_1151 = tpu.memref_slice %arg10[%dma_start3A_1149, %dma_start3A_1150] : memref<51200x16xf32, #tpu.memory_space<vmem_shared>> -> memref<51200x16xf32, #tpu.memory_space<vmem_shared>>
      tpu.enqueue_indirect_dma source(%dma_start3A_1145 : memref<128x16xf32, #tpu.memory_space<vmem>>) target(%dma_start3A_1151 : memref<51200x16xf32, #tpu.memory_space<vmem_shared>>) offsets(%dma_start3A_1148 : memref<128xi32, #tpu.memory_space<vmem>>) semaphore(%arg12 : memref<!tpu.dma_semaphore, #tpu.memory_space<semaphore_mem>>) {add = true}
      %dma_start3A_1152 = arith.constant 1 : i32
      %dma_start3A_1153 = arith.constant 1 : i32
      %dma_start3A_1154 = arith.constant 1 : i32
      %dma_start3A_1155 = arith.constant 1 : i32
      %dma_start3A_1156 = arith.constant 0 : i32
      %dma_start3A_1157 = arith.constant 0 : i32
      %dma_start3A_1158 = tpu.memref_slice %arg9[%dma_start3A_1152, %dma_start3A_1153, %dma_start3A_1156, %dma_start3A_1157] : memref<2x13x128x16xf32, #tpu.memory_space<vmem>> -> memref<1x1x128x16xf32, #tpu.memory_space<vmem>>
      %dma_start3A_1159 = tpu.memref_squeeze %dma_start3A_1158 : memref<1x1x128x16xf32, #tpu.memory_space<vmem>> -> memref<128x16xf32, #tpu.memory_space<vmem>>
      %dma_start3A_1160 = arith.constant 0 : i32
      %dma_start3A_1161 = tpu.memref_slice %arg8[%dma_start3A_1154, %dma_start3A_1155, %dma_start3A_1160] : memref<2x13x128xi32, #tpu.memory_space<vmem>> -> memref<1x1x128xi32, #tpu.memory_space<vmem>>
      %dma_start3A_1162 = tpu.memref_squeeze %dma_start3A_1161 : memref<1x1x128xi32, #tpu.memory_space<vmem>> -> memref<128xi32, #tpu.memory_space<vmem>>
      %dma_start3A_1163 = arith.constant 0 : i32
      %dma_start3A_1164 = arith.constant 0 : i32
      %dma_start3A_1165 = tpu.memref_slice %arg10[%dma_start3A_1163, %dma_start3A_1164] : memref<51200x16xf32, #tpu.memory_space<vmem_shared>> -> memref<51200x16xf32, #tpu.memory_space<vmem_shared>>
      tpu.enqueue_indirect_dma source(%dma_start3A_1159 : memref<128x16xf32, #tpu.memory_space<vmem>>) target(%dma_start3A_1165 : memref<51200x16xf32, #tpu.memory_space<vmem_shared>>) offsets(%dma_start3A_1162 : memref<128xi32, #tpu.memory_space<vmem>>) semaphore(%arg12 : memref<!tpu.dma_semaphore, #tpu.memory_space<semaphore_mem>>) {add = true}
      %dma_start3A_1166 = arith.constant 1 : i32
      %dma_start3A_1167 = arith.constant 2 : i32
      %dma_start3A_1168 = arith.constant 1 : i32
      %dma_start3A_1169 = arith.constant 2 : i32
      %dma_start3A_1170 = arith.constant 0 : i32
      %dma_start3A_1171 = arith.constant 0 : i32
      %dma_start3A_1172 = tpu.memref_slice %arg9[%dma_start3A_1166, %dma_start3A_1167, %dma_start3A_1170, %dma_start3A_1171] : memref<2x13x128x16xf32, #tpu.memory_space<vmem>> -> memref<1x1x128x16xf32, #tpu.memory_space<vmem>>
      %dma_start3A_1173 = tpu.memref_squeeze %dma_start3A_1172 : memref<1x1x128x16xf32, #tpu.memory_space<vmem>> -> memref<128x16xf32, #tpu.memory_space<vmem>>
      %dma_start3A_1174 = arith.constant 0 : i32
      %dma_start3A_1175 = tpu.memref_slice %arg8[%dma_start3A_1168, %dma_start3A_1169, %dma_start3A_1174] : memref<2x13x128xi32, #tpu.memory_space<vmem>> -> memref<1x1x128xi32, #tpu.memory_space<vmem>>
      %dma_start3A_1176 = tpu.memref_squeeze %dma_start3A_1175 : memref<1x1x128xi32, #tpu.memory_space<vmem>> -> memref<128xi32, #tpu.memory_space<vmem>>
      %dma_start3A_1177 = arith.constant 0 : i32
      %dma_start3A_1178 = arith.constant 0 : i32
      %dma_start3A_1179 = tpu.memref_slice %arg10[%dma_start3A_1177, %dma_start3A_1178] : memref<51200x16xf32, #tpu.memory_space<vmem_shared>> -> memref<51200x16xf32, #tpu.memory_space<vmem_shared>>
      tpu.enqueue_indirect_dma source(%dma_start3A_1173 : memref<128x16xf32, #tpu.memory_space<vmem>>) target(%dma_start3A_1179 : memref<51200x16xf32, #tpu.memory_space<vmem_shared>>) offsets(%dma_start3A_1176 : memref<128xi32, #tpu.memory_space<vmem>>) semaphore(%arg12 : memref<!tpu.dma_semaphore, #tpu.memory_space<semaphore_mem>>) {add = true}
      %dma_start3A_1180 = arith.constant 1 : i32
      %dma_start3A_1181 = arith.constant 3 : i32
      %dma_start3A_1182 = arith.constant 1 : i32
      %dma_start3A_1183 = arith.constant 3 : i32
      %dma_start3A_1184 = arith.constant 0 : i32
      %dma_start3A_1185 = arith.constant 0 : i32
      %dma_start3A_1186 = tpu.memref_slice %arg9[%dma_start3A_1180, %dma_start3A_1181, %dma_start3A_1184, %dma_start3A_1185] : memref<2x13x128x16xf32, #tpu.memory_space<vmem>> -> memref<1x1x128x16xf32, #tpu.memory_space<vmem>>
      %dma_start3A_1187 = tpu.memref_squeeze %dma_start3A_1186 : memref<1x1x128x16xf32, #tpu.memory_space<vmem>> -> memref<128x16xf32, #tpu.memory_space<vmem>>
      %dma_start3A_1188 = arith.constant 0 : i32
      %dma_start3A_1189 = tpu.memref_slice %arg8[%dma_start3A_1182, %dma_start3A_1183, %dma_start3A_1188] : memref<2x13x128xi32, #tpu.memory_space<vmem>> -> memref<1x1x128xi32, #tpu.memory_space<vmem>>
      %dma_start3A_1190 = tpu.memref_squeeze %dma_start3A_1189 : memref<1x1x128xi32, #tpu.memory_space<vmem>> -> memref<128xi32, #tpu.memory_space<vmem>>
      %dma_start3A_1191 = arith.constant 0 : i32
      %dma_start3A_1192 = arith.constant 0 : i32
      %dma_start3A_1193 = tpu.memref_slice %arg10[%dma_start3A_1191, %dma_start3A_1192] : memref<51200x16xf32, #tpu.memory_space<vmem_shared>> -> memref<51200x16xf32, #tpu.memory_space<vmem_shared>>
      tpu.enqueue_indirect_dma source(%dma_start3A_1187 : memref<128x16xf32, #tpu.memory_space<vmem>>) target(%dma_start3A_1193 : memref<51200x16xf32, #tpu.memory_space<vmem_shared>>) offsets(%dma_start3A_1190 : memref<128xi32, #tpu.memory_space<vmem>>) semaphore(%arg12 : memref<!tpu.dma_semaphore, #tpu.memory_space<semaphore_mem>>) {add = true}
      %dma_start3A_1194 = arith.constant 1 : i32
      %dma_start3A_1195 = arith.constant 4 : i32
      %dma_start3A_1196 = arith.constant 1 : i32
      %dma_start3A_1197 = arith.constant 4 : i32
      %dma_start3A_1198 = arith.constant 0 : i32
      %dma_start3A_1199 = arith.constant 0 : i32
      %dma_start3A_1200 = tpu.memref_slice %arg9[%dma_start3A_1194, %dma_start3A_1195, %dma_start3A_1198, %dma_start3A_1199] : memref<2x13x128x16xf32, #tpu.memory_space<vmem>> -> memref<1x1x128x16xf32, #tpu.memory_space<vmem>>
      %dma_start3A_1201 = tpu.memref_squeeze %dma_start3A_1200 : memref<1x1x128x16xf32, #tpu.memory_space<vmem>> -> memref<128x16xf32, #tpu.memory_space<vmem>>
      %dma_start3A_1202 = arith.constant 0 : i32
      %dma_start3A_1203 = tpu.memref_slice %arg8[%dma_start3A_1196, %dma_start3A_1197, %dma_start3A_1202] : memref<2x13x128xi32, #tpu.memory_space<vmem>> -> memref<1x1x128xi32, #tpu.memory_space<vmem>>
      %dma_start3A_1204 = tpu.memref_squeeze %dma_start3A_1203 : memref<1x1x128xi32, #tpu.memory_space<vmem>> -> memref<128xi32, #tpu.memory_space<vmem>>
      %dma_start3A_1205 = arith.constant 0 : i32
      %dma_start3A_1206 = arith.constant 0 : i32
      %dma_start3A_1207 = tpu.memref_slice %arg10[%dma_start3A_1205, %dma_start3A_1206] : memref<51200x16xf32, #tpu.memory_space<vmem_shared>> -> memref<51200x16xf32, #tpu.memory_space<vmem_shared>>
      tpu.enqueue_indirect_dma source(%dma_start3A_1201 : memref<128x16xf32, #tpu.memory_space<vmem>>) target(%dma_start3A_1207 : memref<51200x16xf32, #tpu.memory_space<vmem_shared>>) offsets(%dma_start3A_1204 : memref<128xi32, #tpu.memory_space<vmem>>) semaphore(%arg12 : memref<!tpu.dma_semaphore, #tpu.memory_space<semaphore_mem>>) {add = true}
      %dma_start3A_1208 = arith.constant 1 : i32
      %dma_start3A_1209 = arith.constant 5 : i32
      %dma_start3A_1210 = arith.constant 1 : i32
      %dma_start3A_1211 = arith.constant 5 : i32
      %dma_start3A_1212 = arith.constant 0 : i32
      %dma_start3A_1213 = arith.constant 0 : i32
      %dma_start3A_1214 = tpu.memref_slice %arg9[%dma_start3A_1208, %dma_start3A_1209, %dma_start3A_1212, %dma_start3A_1213] : memref<2x13x128x16xf32, #tpu.memory_space<vmem>> -> memref<1x1x128x16xf32, #tpu.memory_space<vmem>>
      %dma_start3A_1215 = tpu.memref_squeeze %dma_start3A_1214 : memref<1x1x128x16xf32, #tpu.memory_space<vmem>> -> memref<128x16xf32, #tpu.memory_space<vmem>>
      %dma_start3A_1216 = arith.constant 0 : i32
      %dma_start3A_1217 = tpu.memref_slice %arg8[%dma_start3A_1210, %dma_start3A_1211, %dma_start3A_1216] : memref<2x13x128xi32, #tpu.memory_space<vmem>> -> memref<1x1x128xi32, #tpu.memory_space<vmem>>
      %dma_start3A_1218 = tpu.memref_squeeze %dma_start3A_1217 : memref<1x1x128xi32, #tpu.memory_space<vmem>> -> memref<128xi32, #tpu.memory_space<vmem>>
      %dma_start3A_1219 = arith.constant 0 : i32
      %dma_start3A_1220 = arith.constant 0 : i32
      %dma_start3A_1221 = tpu.memref_slice %arg10[%dma_start3A_1219, %dma_start3A_1220] : memref<51200x16xf32, #tpu.memory_space<vmem_shared>> -> memref<51200x16xf32, #tpu.memory_space<vmem_shared>>
      tpu.enqueue_indirect_dma source(%dma_start3A_1215 : memref<128x16xf32, #tpu.memory_space<vmem>>) target(%dma_start3A_1221 : memref<51200x16xf32, #tpu.memory_space<vmem_shared>>) offsets(%dma_start3A_1218 : memref<128xi32, #tpu.memory_space<vmem>>) semaphore(%arg12 : memref<!tpu.dma_semaphore, #tpu.memory_space<semaphore_mem>>) {add = true}
      %dma_start3A_1222 = arith.constant 1 : i32
      %dma_start3A_1223 = arith.constant 6 : i32
      %dma_start3A_1224 = arith.constant 1 : i32
      %dma_start3A_1225 = arith.constant 6 : i32
      %dma_start3A_1226 = arith.constant 0 : i32
      %dma_start3A_1227 = arith.constant 0 : i32
      %dma_start3A_1228 = tpu.memref_slice %arg9[%dma_start3A_1222, %dma_start3A_1223, %dma_start3A_1226, %dma_start3A_1227] : memref<2x13x128x16xf32, #tpu.memory_space<vmem>> -> memref<1x1x128x16xf32, #tpu.memory_space<vmem>>
      %dma_start3A_1229 = tpu.memref_squeeze %dma_start3A_1228 : memref<1x1x128x16xf32, #tpu.memory_space<vmem>> -> memref<128x16xf32, #tpu.memory_space<vmem>>
      %dma_start3A_1230 = arith.constant 0 : i32
      %dma_start3A_1231 = tpu.memref_slice %arg8[%dma_start3A_1224, %dma_start3A_1225, %dma_start3A_1230] : memref<2x13x128xi32, #tpu.memory_space<vmem>> -> memref<1x1x128xi32, #tpu.memory_space<vmem>>
      %dma_start3A_1232 = tpu.memref_squeeze %dma_start3A_1231 : memref<1x1x128xi32, #tpu.memory_space<vmem>> -> memref<128xi32, #tpu.memory_space<vmem>>
      %dma_start3A_1233 = arith.constant 0 : i32
      %dma_start3A_1234 = arith.constant 0 : i32
      %dma_start3A_1235 = tpu.memref_slice %arg10[%dma_start3A_1233, %dma_start3A_1234] : memref<51200x16xf32, #tpu.memory_space<vmem_shared>> -> memref<51200x16xf32, #tpu.memory_space<vmem_shared>>
      tpu.enqueue_indirect_dma source(%dma_start3A_1229 : memref<128x16xf32, #tpu.memory_space<vmem>>) target(%dma_start3A_1235 : memref<51200x16xf32, #tpu.memory_space<vmem_shared>>) offsets(%dma_start3A_1232 : memref<128xi32, #tpu.memory_space<vmem>>) semaphore(%arg12 : memref<!tpu.dma_semaphore, #tpu.memory_space<semaphore_mem>>) {add = true}
      %dma_start3A_1236 = arith.constant 1 : i32
      %dma_start3A_1237 = arith.constant 7 : i32
      %dma_start3A_1238 = arith.constant 1 : i32
      %dma_start3A_1239 = arith.constant 7 : i32
      %dma_start3A_1240 = arith.constant 0 : i32
      %dma_start3A_1241 = arith.constant 0 : i32
      %dma_start3A_1242 = tpu.memref_slice %arg9[%dma_start3A_1236, %dma_start3A_1237, %dma_start3A_1240, %dma_start3A_1241] : memref<2x13x128x16xf32, #tpu.memory_space<vmem>> -> memref<1x1x128x16xf32, #tpu.memory_space<vmem>>
      %dma_start3A_1243 = tpu.memref_squeeze %dma_start3A_1242 : memref<1x1x128x16xf32, #tpu.memory_space<vmem>> -> memref<128x16xf32, #tpu.memory_space<vmem>>
      %dma_start3A_1244 = arith.constant 0 : i32
      %dma_start3A_1245 = tpu.memref_slice %arg8[%dma_start3A_1238, %dma_start3A_1239, %dma_start3A_1244] : memref<2x13x128xi32, #tpu.memory_space<vmem>> -> memref<1x1x128xi32, #tpu.memory_space<vmem>>
      %dma_start3A_1246 = tpu.memref_squeeze %dma_start3A_1245 : memref<1x1x128xi32, #tpu.memory_space<vmem>> -> memref<128xi32, #tpu.memory_space<vmem>>
      %dma_start3A_1247 = arith.constant 0 : i32
      %dma_start3A_1248 = arith.constant 0 : i32
      %dma_start3A_1249 = tpu.memref_slice %arg10[%dma_start3A_1247, %dma_start3A_1248] : memref<51200x16xf32, #tpu.memory_space<vmem_shared>> -> memref<51200x16xf32, #tpu.memory_space<vmem_shared>>
      tpu.enqueue_indirect_dma source(%dma_start3A_1243 : memref<128x16xf32, #tpu.memory_space<vmem>>) target(%dma_start3A_1249 : memref<51200x16xf32, #tpu.memory_space<vmem_shared>>) offsets(%dma_start3A_1246 : memref<128xi32, #tpu.memory_space<vmem>>) semaphore(%arg12 : memref<!tpu.dma_semaphore, #tpu.memory_space<semaphore_mem>>) {add = true}
      %dma_start3A_1250 = arith.constant 1 : i32
      %dma_start3A_1251 = arith.constant 8 : i32
      %dma_start3A_1252 = arith.constant 1 : i32
      %dma_start3A_1253 = arith.constant 8 : i32
      %dma_start3A_1254 = arith.constant 0 : i32
      %dma_start3A_1255 = arith.constant 0 : i32
      %dma_start3A_1256 = tpu.memref_slice %arg9[%dma_start3A_1250, %dma_start3A_1251, %dma_start3A_1254, %dma_start3A_1255] : memref<2x13x128x16xf32, #tpu.memory_space<vmem>> -> memref<1x1x128x16xf32, #tpu.memory_space<vmem>>
      %dma_start3A_1257 = tpu.memref_squeeze %dma_start3A_1256 : memref<1x1x128x16xf32, #tpu.memory_space<vmem>> -> memref<128x16xf32, #tpu.memory_space<vmem>>
      %dma_start3A_1258 = arith.constant 0 : i32
      %dma_start3A_1259 = tpu.memref_slice %arg8[%dma_start3A_1252, %dma_start3A_1253, %dma_start3A_1258] : memref<2x13x128xi32, #tpu.memory_space<vmem>> -> memref<1x1x128xi32, #tpu.memory_space<vmem>>
      %dma_start3A_1260 = tpu.memref_squeeze %dma_start3A_1259 : memref<1x1x128xi32, #tpu.memory_space<vmem>> -> memref<128xi32, #tpu.memory_space<vmem>>
      %dma_start3A_1261 = arith.constant 0 : i32
      %dma_start3A_1262 = arith.constant 0 : i32
      %dma_start3A_1263 = tpu.memref_slice %arg10[%dma_start3A_1261, %dma_start3A_1262] : memref<51200x16xf32, #tpu.memory_space<vmem_shared>> -> memref<51200x16xf32, #tpu.memory_space<vmem_shared>>
      tpu.enqueue_indirect_dma source(%dma_start3A_1257 : memref<128x16xf32, #tpu.memory_space<vmem>>) target(%dma_start3A_1263 : memref<51200x16xf32, #tpu.memory_space<vmem_shared>>) offsets(%dma_start3A_1260 : memref<128xi32, #tpu.memory_space<vmem>>) semaphore(%arg12 : memref<!tpu.dma_semaphore, #tpu.memory_space<semaphore_mem>>) {add = true}
      %dma_start3A_1264 = arith.constant 1 : i32
      %dma_start3A_1265 = arith.constant 9 : i32
      %dma_start3A_1266 = arith.constant 1 : i32
      %dma_start3A_1267 = arith.constant 9 : i32
      %dma_start3A_1268 = arith.constant 0 : i32
      %dma_start3A_1269 = arith.constant 0 : i32
      %dma_start3A_1270 = tpu.memref_slice %arg9[%dma_start3A_1264, %dma_start3A_1265, %dma_start3A_1268, %dma_start3A_1269] : memref<2x13x128x16xf32, #tpu.memory_space<vmem>> -> memref<1x1x128x16xf32, #tpu.memory_space<vmem>>
      %dma_start3A_1271 = tpu.memref_squeeze %dma_start3A_1270 : memref<1x1x128x16xf32, #tpu.memory_space<vmem>> -> memref<128x16xf32, #tpu.memory_space<vmem>>
      %dma_start3A_1272 = arith.constant 0 : i32
      %dma_start3A_1273 = tpu.memref_slice %arg8[%dma_start3A_1266, %dma_start3A_1267, %dma_start3A_1272] : memref<2x13x128xi32, #tpu.memory_space<vmem>> -> memref<1x1x128xi32, #tpu.memory_space<vmem>>
      %dma_start3A_1274 = tpu.memref_squeeze %dma_start3A_1273 : memref<1x1x128xi32, #tpu.memory_space<vmem>> -> memref<128xi32, #tpu.memory_space<vmem>>
      %dma_start3A_1275 = arith.constant 0 : i32
      %dma_start3A_1276 = arith.constant 0 : i32
      %dma_start3A_1277 = tpu.memref_slice %arg10[%dma_start3A_1275, %dma_start3A_1276] : memref<51200x16xf32, #tpu.memory_space<vmem_shared>> -> memref<51200x16xf32, #tpu.memory_space<vmem_shared>>
      tpu.enqueue_indirect_dma source(%dma_start3A_1271 : memref<128x16xf32, #tpu.memory_space<vmem>>) target(%dma_start3A_1277 : memref<51200x16xf32, #tpu.memory_space<vmem_shared>>) offsets(%dma_start3A_1274 : memref<128xi32, #tpu.memory_space<vmem>>) semaphore(%arg12 : memref<!tpu.dma_semaphore, #tpu.memory_space<semaphore_mem>>) {add = true}
      %dma_start3A_1278 = arith.constant 1 : i32
      %dma_start3A_1279 = arith.constant 10 : i32
      %dma_start3A_1280 = arith.constant 1 : i32
      %dma_start3A_1281 = arith.constant 10 : i32
      %dma_start3A_1282 = arith.constant 0 : i32
      %dma_start3A_1283 = arith.constant 0 : i32
      %dma_start3A_1284 = tpu.memref_slice %arg9[%dma_start3A_1278, %dma_start3A_1279, %dma_start3A_1282, %dma_start3A_1283] : memref<2x13x128x16xf32, #tpu.memory_space<vmem>> -> memref<1x1x128x16xf32, #tpu.memory_space<vmem>>
      %dma_start3A_1285 = tpu.memref_squeeze %dma_start3A_1284 : memref<1x1x128x16xf32, #tpu.memory_space<vmem>> -> memref<128x16xf32, #tpu.memory_space<vmem>>
      %dma_start3A_1286 = arith.constant 0 : i32
      %dma_start3A_1287 = tpu.memref_slice %arg8[%dma_start3A_1280, %dma_start3A_1281, %dma_start3A_1286] : memref<2x13x128xi32, #tpu.memory_space<vmem>> -> memref<1x1x128xi32, #tpu.memory_space<vmem>>
      %dma_start3A_1288 = tpu.memref_squeeze %dma_start3A_1287 : memref<1x1x128xi32, #tpu.memory_space<vmem>> -> memref<128xi32, #tpu.memory_space<vmem>>
      %dma_start3A_1289 = arith.constant 0 : i32
      %dma_start3A_1290 = arith.constant 0 : i32
      %dma_start3A_1291 = tpu.memref_slice %arg10[%dma_start3A_1289, %dma_start3A_1290] : memref<51200x16xf32, #tpu.memory_space<vmem_shared>> -> memref<51200x16xf32, #tpu.memory_space<vmem_shared>>
      tpu.enqueue_indirect_dma source(%dma_start3A_1285 : memref<128x16xf32, #tpu.memory_space<vmem>>) target(%dma_start3A_1291 : memref<51200x16xf32, #tpu.memory_space<vmem_shared>>) offsets(%dma_start3A_1288 : memref<128xi32, #tpu.memory_space<vmem>>) semaphore(%arg12 : memref<!tpu.dma_semaphore, #tpu.memory_space<semaphore_mem>>) {add = true}
      %dma_start3A_1292 = arith.constant 1 : i32
      %dma_start3A_1293 = arith.constant 11 : i32
      %dma_start3A_1294 = arith.constant 1 : i32
      %dma_start3A_1295 = arith.constant 11 : i32
      %dma_start3A_1296 = arith.constant 0 : i32
      %dma_start3A_1297 = arith.constant 0 : i32
      %dma_start3A_1298 = tpu.memref_slice %arg9[%dma_start3A_1292, %dma_start3A_1293, %dma_start3A_1296, %dma_start3A_1297] : memref<2x13x128x16xf32, #tpu.memory_space<vmem>> -> memref<1x1x128x16xf32, #tpu.memory_space<vmem>>
      %dma_start3A_1299 = tpu.memref_squeeze %dma_start3A_1298 : memref<1x1x128x16xf32, #tpu.memory_space<vmem>> -> memref<128x16xf32, #tpu.memory_space<vmem>>
      %dma_start3A_1300 = arith.constant 0 : i32
      %dma_start3A_1301 = tpu.memref_slice %arg8[%dma_start3A_1294, %dma_start3A_1295, %dma_start3A_1300] : memref<2x13x128xi32, #tpu.memory_space<vmem>> -> memref<1x1x128xi32, #tpu.memory_space<vmem>>
      %dma_start3A_1302 = tpu.memref_squeeze %dma_start3A_1301 : memref<1x1x128xi32, #tpu.memory_space<vmem>> -> memref<128xi32, #tpu.memory_space<vmem>>
      %dma_start3A_1303 = arith.constant 0 : i32
      %dma_start3A_1304 = arith.constant 0 : i32
      %dma_start3A_1305 = tpu.memref_slice %arg10[%dma_start3A_1303, %dma_start3A_1304] : memref<51200x16xf32, #tpu.memory_space<vmem_shared>> -> memref<51200x16xf32, #tpu.memory_space<vmem_shared>>
      tpu.enqueue_indirect_dma source(%dma_start3A_1299 : memref<128x16xf32, #tpu.memory_space<vmem>>) target(%dma_start3A_1305 : memref<51200x16xf32, #tpu.memory_space<vmem_shared>>) offsets(%dma_start3A_1302 : memref<128xi32, #tpu.memory_space<vmem>>) semaphore(%arg12 : memref<!tpu.dma_semaphore, #tpu.memory_space<semaphore_mem>>) {add = true}
      %dma_start3A_1306 = arith.constant 1 : i32
      %dma_start3A_1307 = arith.constant 12 : i32
      %dma_start3A_1308 = arith.constant 1 : i32
      %dma_start3A_1309 = arith.constant 12 : i32
      %dma_start3A_1310 = arith.constant 0 : i32
      %dma_start3A_1311 = arith.constant 0 : i32
      %dma_start3A_1312 = tpu.memref_slice %arg9[%dma_start3A_1306, %dma_start3A_1307, %dma_start3A_1310, %dma_start3A_1311] : memref<2x13x128x16xf32, #tpu.memory_space<vmem>> -> memref<1x1x128x16xf32, #tpu.memory_space<vmem>>
      %dma_start3A_1313 = tpu.memref_squeeze %dma_start3A_1312 : memref<1x1x128x16xf32, #tpu.memory_space<vmem>> -> memref<128x16xf32, #tpu.memory_space<vmem>>
      %dma_start3A_1314 = arith.constant 0 : i32
      %dma_start3A_1315 = tpu.memref_slice %arg8[%dma_start3A_1308, %dma_start3A_1309, %dma_start3A_1314] : memref<2x13x128xi32, #tpu.memory_space<vmem>> -> memref<1x1x128xi32, #tpu.memory_space<vmem>>
      %dma_start3A_1316 = tpu.memref_squeeze %dma_start3A_1315 : memref<1x1x128xi32, #tpu.memory_space<vmem>> -> memref<128xi32, #tpu.memory_space<vmem>>
      %dma_start3A_1317 = arith.constant 0 : i32
      %dma_start3A_1318 = arith.constant 0 : i32
      %dma_start3A_1319 = tpu.memref_slice %arg10[%dma_start3A_1317, %dma_start3A_1318] : memref<51200x16xf32, #tpu.memory_space<vmem_shared>> -> memref<51200x16xf32, #tpu.memory_space<vmem_shared>>
      tpu.enqueue_indirect_dma source(%dma_start3A_1313 : memref<128x16xf32, #tpu.memory_space<vmem>>) target(%dma_start3A_1319 : memref<51200x16xf32, #tpu.memory_space<vmem_shared>>) offsets(%dma_start3A_1316 : memref<128xi32, #tpu.memory_space<vmem>>) semaphore(%arg12 : memref<!tpu.dma_semaphore, #tpu.memory_space<semaphore_mem>>) {add = true}
    }
    %scan3A_11 = arith.constant 15 : i32
    %dma_wait3A = arith.constant 1 : i32
    %dma_wait3A_12 = arith.constant 0 : i32
    %dma_wait3A_13 = arith.constant 0 : i32
    %dma_wait3A_14 = arith.constant 0 : i32
    %dma_wait3A_15 = tpu.memref_slice %arg9[%dma_wait3A, %dma_wait3A_12, %dma_wait3A_13, %dma_wait3A_14] : memref<2x13x128x16xf32, #tpu.memory_space<vmem>> -> memref<1x13x128x16xf32, #tpu.memory_space<vmem>>
    %dma_wait3A_16 = tpu.memref_squeeze %dma_wait3A_15 : memref<1x13x128x16xf32, #tpu.memory_space<vmem>> -> memref<13x128x16xf32, #tpu.memory_space<vmem>>
    %dma_wait3A_17 = arith.constant 0 : i32
    %dma_wait3A_18 = arith.constant 0 : i32
    %dma_wait3A_19 = arith.constant 0 : i32
    %dma_wait3A_20 = tpu.memref_slice %arg9[%dma_wait3A, %dma_wait3A_17, %dma_wait3A_18, %dma_wait3A_19] : memref<2x13x128x16xf32, #tpu.memory_space<vmem>> -> memref<1x13x128x16xf32, #tpu.memory_space<vmem>>
    %dma_wait3A_21 = tpu.memref_squeeze %dma_wait3A_20 : memref<1x13x128x16xf32, #tpu.memory_space<vmem>> -> memref<13x128x16xf32, #tpu.memory_space<vmem>>
    tpu.wait_dma2 semaphore(%arg12 : memref<!tpu.dma_semaphore, #tpu.memory_space<semaphore_mem>>) src(%arg5 : memref<13x128x16xf32, #tpu.memory_space<hbm>>) dst(%dma_wait3A_21 : memref<13x128x16xf32, #tpu.memory_space<vmem>>)
    %lt3A = arith.constant 20 : i32
    %lt3A_22 = arith.cmpi slt, %add3A, %lt3A : i32
    %convert_element_type3A = arith.extui %lt3A_22 : i1 to i32
    %cond3A = arith.constant 0 : i32
    %cond3A_23 = arith.cmpi ne, %convert_element_type3A, %cond3A : i32
    scf.if %cond3A_23 {
      %add3A_25 = arith.constant 390 : i32
      %add3A_26 = arith.addi %add3A_6, %add3A_25 : i32
      %run_scoped3A = arith.constant 0 : i32
      %run_scoped3A_27 = arith.constant 0 : i32
      "tpu.region"() ({
        %run_scoped3A_87 = tpu.sem_alloc : memref<!tpu.dma_semaphore, #tpu.memory_space<semaphore_mem>>
        %dma_start3A_88 = arith.constant 0 : i32
        %dma_start3A_89 = tpu.memref_slice %arg7[%run_scoped3A, %run_scoped3A_27, %dma_start3A_88] : memref<2x13x128xi32, #tpu.memory_space<vmem>> -> memref<1x1x128xi32, #tpu.memory_space<vmem>>
        %dma_start3A_90 = tpu.memref_squeeze %dma_start3A_89 : memref<1x1x128xi32, #tpu.memory_space<vmem>> -> memref<128xi32, #tpu.memory_space<vmem>>
        %dma_start3A_91 = arith.constant 0 : i32
        %dma_start3A_92 = tpu.memref_slice %arg3[%add3A_26, %dma_start3A_91] : memref<25000x128xi32, #tpu.memory_space<hbm>> -> memref<1x128xi32, #tpu.memory_space<hbm>>
        %dma_start3A_93 = tpu.memref_squeeze %dma_start3A_92 : memref<1x128xi32, #tpu.memory_space<hbm>> -> memref<128xi32, #tpu.memory_space<hbm>>
        %dma_start3A_94 = arith.constant 0 : i32
        %dma_start3A_95 = tpu.memref_slice %arg7[%run_scoped3A, %run_scoped3A_27, %dma_start3A_94] : memref<2x13x128xi32, #tpu.memory_space<vmem>> -> memref<1x1x128xi32, #tpu.memory_space<vmem>>
        %dma_start3A_96 = tpu.memref_squeeze %dma_start3A_95 : memref<1x1x128xi32, #tpu.memory_space<vmem>> -> memref<128xi32, #tpu.memory_space<vmem>>
        %dma_start3A_97 = arith.constant 0 : i32
        %dma_start3A_98 = tpu.memref_slice %arg3[%add3A_26, %dma_start3A_97] : memref<25000x128xi32, #tpu.memory_space<hbm>> -> memref<1x128xi32, #tpu.memory_space<hbm>>
        %dma_start3A_99 = tpu.memref_squeeze %dma_start3A_98 : memref<1x128xi32, #tpu.memory_space<hbm>> -> memref<128xi32, #tpu.memory_space<hbm>>
        tpu.enqueue_dma source(%dma_start3A_99 : memref<128xi32, #tpu.memory_space<hbm>>) target(%dma_start3A_96 : memref<128xi32, #tpu.memory_space<vmem>>) target_semaphore(%run_scoped3A_87 : memref<!tpu.dma_semaphore, #tpu.memory_space<semaphore_mem>>)
        %dma_wait3A_100 = arith.constant 0 : i32
        %dma_wait3A_101 = tpu.memref_slice %arg7[%run_scoped3A, %run_scoped3A_27, %dma_wait3A_100] : memref<2x13x128xi32, #tpu.memory_space<vmem>> -> memref<1x1x128xi32, #tpu.memory_space<vmem>>
        %dma_wait3A_102 = tpu.memref_squeeze %dma_wait3A_101 : memref<1x1x128xi32, #tpu.memory_space<vmem>> -> memref<128xi32, #tpu.memory_space<vmem>>
        %dma_wait3A_103 = arith.constant 0 : i32
        %dma_wait3A_104 = tpu.memref_slice %arg3[%add3A_26, %dma_wait3A_103] : memref<25000x128xi32, #tpu.memory_space<hbm>> -> memref<1x128xi32, #tpu.memory_space<hbm>>
        %dma_wait3A_105 = tpu.memref_squeeze %dma_wait3A_104 : memref<1x128xi32, #tpu.memory_space<hbm>> -> memref<128xi32, #tpu.memory_space<hbm>>
        %dma_wait3A_106 = arith.constant 0 : i32
        %dma_wait3A_107 = tpu.memref_slice %arg7[%run_scoped3A, %run_scoped3A_27, %dma_wait3A_106] : memref<2x13x128xi32, #tpu.memory_space<vmem>> -> memref<1x1x128xi32, #tpu.memory_space<vmem>>
        %dma_wait3A_108 = tpu.memref_squeeze %dma_wait3A_107 : memref<1x1x128xi32, #tpu.memory_space<vmem>> -> memref<128xi32, #tpu.memory_space<vmem>>
        %dma_wait3A_109 = arith.constant 0 : i32
        %dma_wait3A_110 = tpu.memref_slice %arg3[%add3A_26, %dma_wait3A_109] : memref<25000x128xi32, #tpu.memory_space<hbm>> -> memref<1x128xi32, #tpu.memory_space<hbm>>
        %dma_wait3A_111 = tpu.memref_squeeze %dma_wait3A_110 : memref<1x128xi32, #tpu.memory_space<hbm>> -> memref<128xi32, #tpu.memory_space<hbm>>
        tpu.wait_dma2 semaphore(%run_scoped3A_87 : memref<!tpu.dma_semaphore, #tpu.memory_space<semaphore_mem>>) src(%dma_wait3A_111 : memref<128xi32, #tpu.memory_space<hbm>>) dst(%dma_wait3A_108 : memref<128xi32, #tpu.memory_space<vmem>>)
        tpu.yield
      }) : () -> ()
      %add3A_28 = arith.constant 12500 : i32
      %add3A_29 = arith.addi %add3A_28, %add3A_26 : i32
      %run_scoped3A_30 = arith.constant 0 : i32
      %run_scoped3A_31 = arith.constant 0 : i32
      "tpu.region"() ({
        %run_scoped3A_87 = tpu.sem_alloc : memref<!tpu.dma_semaphore, #tpu.memory_space<semaphore_mem>>
        %dma_start3A_88 = arith.constant 0 : i32
        %dma_start3A_89 = tpu.memref_slice %arg8[%run_scoped3A_30, %run_scoped3A_31, %dma_start3A_88] : memref<2x13x128xi32, #tpu.memory_space<vmem>> -> memref<1x1x128xi32, #tpu.memory_space<vmem>>
        %dma_start3A_90 = tpu.memref_squeeze %dma_start3A_89 : memref<1x1x128xi32, #tpu.memory_space<vmem>> -> memref<128xi32, #tpu.memory_space<vmem>>
        %dma_start3A_91 = arith.constant 0 : i32
        %dma_start3A_92 = tpu.memref_slice %arg3[%add3A_29, %dma_start3A_91] : memref<25000x128xi32, #tpu.memory_space<hbm>> -> memref<1x128xi32, #tpu.memory_space<hbm>>
        %dma_start3A_93 = tpu.memref_squeeze %dma_start3A_92 : memref<1x128xi32, #tpu.memory_space<hbm>> -> memref<128xi32, #tpu.memory_space<hbm>>
        %dma_start3A_94 = arith.constant 0 : i32
        %dma_start3A_95 = tpu.memref_slice %arg8[%run_scoped3A_30, %run_scoped3A_31, %dma_start3A_94] : memref<2x13x128xi32, #tpu.memory_space<vmem>> -> memref<1x1x128xi32, #tpu.memory_space<vmem>>
        %dma_start3A_96 = tpu.memref_squeeze %dma_start3A_95 : memref<1x1x128xi32, #tpu.memory_space<vmem>> -> memref<128xi32, #tpu.memory_space<vmem>>
        %dma_start3A_97 = arith.constant 0 : i32
        %dma_start3A_98 = tpu.memref_slice %arg3[%add3A_29, %dma_start3A_97] : memref<25000x128xi32, #tpu.memory_space<hbm>> -> memref<1x128xi32, #tpu.memory_space<hbm>>
        %dma_start3A_99 = tpu.memref_squeeze %dma_start3A_98 : memref<1x128xi32, #tpu.memory_space<hbm>> -> memref<128xi32, #tpu.memory_space<hbm>>
        tpu.enqueue_dma source(%dma_start3A_99 : memref<128xi32, #tpu.memory_space<hbm>>) target(%dma_start3A_96 : memref<128xi32, #tpu.memory_space<vmem>>) target_semaphore(%run_scoped3A_87 : memref<!tpu.dma_semaphore, #tpu.memory_space<semaphore_mem>>)
        %dma_wait3A_100 = arith.constant 0 : i32
        %dma_wait3A_101 = tpu.memref_slice %arg8[%run_scoped3A_30, %run_scoped3A_31, %dma_wait3A_100] : memref<2x13x128xi32, #tpu.memory_space<vmem>> -> memref<1x1x128xi32, #tpu.memory_space<vmem>>
        %dma_wait3A_102 = tpu.memref_squeeze %dma_wait3A_101 : memref<1x1x128xi32, #tpu.memory_space<vmem>> -> memref<128xi32, #tpu.memory_space<vmem>>
        %dma_wait3A_103 = arith.constant 0 : i32
        %dma_wait3A_104 = tpu.memref_slice %arg3[%add3A_29, %dma_wait3A_103] : memref<25000x128xi32, #tpu.memory_space<hbm>> -> memref<1x128xi32, #tpu.memory_space<hbm>>
        %dma_wait3A_105 = tpu.memref_squeeze %dma_wait3A_104 : memref<1x128xi32, #tpu.memory_space<hbm>> -> memref<128xi32, #tpu.memory_space<hbm>>
        %dma_wait3A_106 = arith.constant 0 : i32
        %dma_wait3A_107 = tpu.memref_slice %arg8[%run_scoped3A_30, %run_scoped3A_31, %dma_wait3A_106] : memref<2x13x128xi32, #tpu.memory_space<vmem>> -> memref<1x1x128xi32, #tpu.memory_space<vmem>>
        %dma_wait3A_108 = tpu.memref_squeeze %dma_wait3A_107 : memref<1x1x128xi32, #tpu.memory_space<vmem>> -> memref<128xi32, #tpu.memory_space<vmem>>
        %dma_wait3A_109 = arith.constant 0 : i32
        %dma_wait3A_110 = tpu.memref_slice %arg3[%add3A_29, %dma_wait3A_109] : memref<25000x128xi32, #tpu.memory_space<hbm>> -> memref<1x128xi32, #tpu.memory_space<hbm>>
        %dma_wait3A_111 = tpu.memref_squeeze %dma_wait3A_110 : memref<1x128xi32, #tpu.memory_space<hbm>> -> memref<128xi32, #tpu.memory_space<hbm>>
        tpu.wait_dma2 semaphore(%run_scoped3A_87 : memref<!tpu.dma_semaphore, #tpu.memory_space<semaphore_mem>>) src(%dma_wait3A_111 : memref<128xi32, #tpu.memory_space<hbm>>) dst(%dma_wait3A_108 : memref<128xi32, #tpu.memory_space<vmem>>)
        tpu.yield
      }) : () -> ()
      %dma_start3A = arith.constant 0 : i32
      %dma_start3A_32 = arith.constant 0 : i32
      %dma_start3A_33 = arith.constant 0 : i32
      %dma_start3A_34 = arith.constant 0 : i32
      %dma_start3A_35 = arith.constant 0 : i32
      %dma_start3A_36 = arith.constant 0 : i32
      %dma_start3A_37 = tpu.memref_slice %arg9[%dma_start3A_33, %dma_start3A_34, %dma_start3A_35, %dma_start3A_36] : memref<2x13x128x16xf32, #tpu.memory_space<vmem>> -> memref<1x1x128x16xf32, #tpu.memory_space<vmem>>
      %dma_start3A_38 = tpu.memref_squeeze %dma_start3A_37 : memref<1x1x128x16xf32, #tpu.memory_space<vmem>> -> memref<128x16xf32, #tpu.memory_space<vmem>>
      %dma_start3A_39 = arith.constant 0 : i32
      %dma_start3A_40 = tpu.memref_slice %arg7[%dma_start3A, %dma_start3A_32, %dma_start3A_39] : memref<2x13x128xi32, #tpu.memory_space<vmem>> -> memref<1x1x128xi32, #tpu.memory_space<vmem>>
      %dma_start3A_41 = tpu.memref_squeeze %dma_start3A_40 : memref<1x1x128xi32, #tpu.memory_space<vmem>> -> memref<128xi32, #tpu.memory_space<vmem>>
      %dma_start3A_42 = arith.constant 0 : i32
      %dma_start3A_43 = arith.constant 0 : i32
      %dma_start3A_44 = tpu.memref_slice %arg2[%dma_start3A_42, %dma_start3A_43] : memref<50176x16xf32, #tpu.memory_space<hbm>> -> memref<50176x16xf32, #tpu.memory_space<hbm>>
      tpu.enqueue_indirect_dma source(%dma_start3A_44 : memref<50176x16xf32, #tpu.memory_space<hbm>>) target(%dma_start3A_38 : memref<128x16xf32, #tpu.memory_space<vmem>>) offsets(%dma_start3A_41 : memref<128xi32, #tpu.memory_space<vmem>>) semaphore(%arg11 : memref<!tpu.dma_semaphore, #tpu.memory_space<semaphore_mem>>)
      %dma_wait3A_45 = arith.constant 0 : i32
      %dma_wait3A_46 = arith.constant 0 : i32
      %dma_wait3A_47 = arith.constant 0 : i32
      %dma_wait3A_48 = arith.constant 0 : i32
      %dma_wait3A_49 = arith.constant 0 : i32
      %dma_wait3A_50 = arith.constant 0 : i32
      %dma_wait3A_51 = tpu.memref_slice %arg9[%dma_wait3A_47, %dma_wait3A_48, %dma_wait3A_49, %dma_wait3A_50] : memref<2x13x128x16xf32, #tpu.memory_space<vmem>> -> memref<1x1x128x16xf32, #tpu.memory_space<vmem>>
      %dma_wait3A_52 = tpu.memref_squeeze %dma_wait3A_51 : memref<1x1x128x16xf32, #tpu.memory_space<vmem>> -> memref<128x16xf32, #tpu.memory_space<vmem>>
      %dma_wait3A_53 = arith.constant 0 : i32
      %dma_wait3A_54 = tpu.memref_slice %arg7[%dma_wait3A_45, %dma_wait3A_46, %dma_wait3A_53] : memref<2x13x128xi32, #tpu.memory_space<vmem>> -> memref<1x1x128xi32, #tpu.memory_space<vmem>>
      %dma_wait3A_55 = tpu.memref_squeeze %dma_wait3A_54 : memref<1x1x128xi32, #tpu.memory_space<vmem>> -> memref<128xi32, #tpu.memory_space<vmem>>
      %dma_wait3A_56 = arith.constant 0 : i32
      %dma_wait3A_57 = arith.constant 0 : i32
      %dma_wait3A_58 = tpu.memref_slice %arg2[%dma_wait3A_56, %dma_wait3A_57] : memref<50176x16xf32, #tpu.memory_space<hbm>> -> memref<50176x16xf32, #tpu.memory_space<hbm>>
      tpu.wait_indirect_dma semaphore(%arg11 : memref<!tpu.dma_semaphore, #tpu.memory_space<semaphore_mem>>) src(%dma_wait3A_58 : memref<50176x16xf32, #tpu.memory_space<hbm>>) dst(%dma_wait3A_52 : memref<128x16xf32, #tpu.memory_space<vmem>>)
      %dma_start3A_59 = arith.constant 0 : i32
      %dma_start3A_60 = arith.constant 0 : i32
      %dma_start3A_61 = arith.constant 0 : i32
      %dma_start3A_62 = arith.constant 0 : i32
      %dma_start3A_63 = arith.constant 0 : i32
      %dma_start3A_64 = arith.constant 0 : i32
      %dma_start3A_65 = tpu.memref_slice %arg9[%dma_start3A_59, %dma_start3A_60, %dma_start3A_63, %dma_start3A_64] : memref<2x13x128x16xf32, #tpu.memory_space<vmem>> -> memref<1x1x128x16xf32, #tpu.memory_space<vmem>>
      %dma_start3A_66 = tpu.memref_squeeze %dma_start3A_65 : memref<1x1x128x16xf32, #tpu.memory_space<vmem>> -> memref<128x16xf32, #tpu.memory_space<vmem>>
      %dma_start3A_67 = arith.constant 0 : i32
      %dma_start3A_68 = tpu.memref_slice %arg8[%dma_start3A_61, %dma_start3A_62, %dma_start3A_67] : memref<2x13x128xi32, #tpu.memory_space<vmem>> -> memref<1x1x128xi32, #tpu.memory_space<vmem>>
      %dma_start3A_69 = tpu.memref_squeeze %dma_start3A_68 : memref<1x1x128xi32, #tpu.memory_space<vmem>> -> memref<128xi32, #tpu.memory_space<vmem>>
      %dma_start3A_70 = arith.constant 0 : i32
      %dma_start3A_71 = arith.constant 0 : i32
      %dma_start3A_72 = tpu.memref_slice %arg10[%dma_start3A_70, %dma_start3A_71] : memref<51200x16xf32, #tpu.memory_space<vmem_shared>> -> memref<51200x16xf32, #tpu.memory_space<vmem_shared>>
      tpu.enqueue_indirect_dma source(%dma_start3A_66 : memref<128x16xf32, #tpu.memory_space<vmem>>) target(%dma_start3A_72 : memref<51200x16xf32, #tpu.memory_space<vmem_shared>>) offsets(%dma_start3A_69 : memref<128xi32, #tpu.memory_space<vmem>>) semaphore(%arg12 : memref<!tpu.dma_semaphore, #tpu.memory_space<semaphore_mem>>) {add = true}
      %dma_wait3A_73 = arith.constant 0 : i32
      %dma_wait3A_74 = arith.constant 0 : i32
      %dma_wait3A_75 = arith.constant 0 : i32
      %dma_wait3A_76 = arith.constant 0 : i32
      %dma_wait3A_77 = arith.constant 0 : i32
      %dma_wait3A_78 = arith.constant 0 : i32
      %dma_wait3A_79 = tpu.memref_slice %arg9[%dma_wait3A_73, %dma_wait3A_74, %dma_wait3A_77, %dma_wait3A_78] : memref<2x13x128x16xf32, #tpu.memory_space<vmem>> -> memref<1x1x128x16xf32, #tpu.memory_space<vmem>>
      %dma_wait3A_80 = tpu.memref_squeeze %dma_wait3A_79 : memref<1x1x128x16xf32, #tpu.memory_space<vmem>> -> memref<128x16xf32, #tpu.memory_space<vmem>>
      %dma_wait3A_81 = arith.constant 0 : i32
      %dma_wait3A_82 = tpu.memref_slice %arg8[%dma_wait3A_75, %dma_wait3A_76, %dma_wait3A_81] : memref<2x13x128xi32, #tpu.memory_space<vmem>> -> memref<1x1x128xi32, #tpu.memory_space<vmem>>
      %dma_wait3A_83 = tpu.memref_squeeze %dma_wait3A_82 : memref<1x1x128xi32, #tpu.memory_space<vmem>> -> memref<128xi32, #tpu.memory_space<vmem>>
      %dma_wait3A_84 = arith.constant 0 : i32
      %dma_wait3A_85 = arith.constant 0 : i32
      %dma_wait3A_86 = tpu.memref_slice %arg10[%dma_wait3A_84, %dma_wait3A_85] : memref<51200x16xf32, #tpu.memory_space<vmem_shared>> -> memref<51200x16xf32, #tpu.memory_space<vmem_shared>>
      tpu.wait_indirect_dma semaphore(%arg12 : memref<!tpu.dma_semaphore, #tpu.memory_space<semaphore_mem>>) src(%dma_wait3A_80 : memref<128x16xf32, #tpu.memory_space<vmem>>) dst(%dma_wait3A_86 : memref<51200x16xf32, #tpu.memory_space<vmem_shared>>)
    } else {
    }
    %barrier3A_24 = arith.constant 0 : index
    tpu.barrier barrier_id(%barrier3A_24)
    "tpu.region"() ({
      %run_scoped3A = tpu.sem_alloc : memref<!tpu.dma_semaphore, #tpu.memory_space<semaphore_mem>>
      %dma_start3A = arith.constant 0 : i32
      %dma_start3A_25 = tpu.memref_slice %arg6[%arg0, %mul3A_2, %dma_start3A] : memref<2x51200x16xf32, #tpu.memory_space<hbm>> -> memref<1x3200x16xf32, #tpu.memory_space<hbm>>
      %dma_start3A_26 = tpu.memref_squeeze %dma_start3A_25 : memref<1x3200x16xf32, #tpu.memory_space<hbm>> -> memref<3200x16xf32, #tpu.memory_space<hbm>>
      %dma_start3A_27 = arith.constant 0 : i32
      %dma_start3A_28 = tpu.memref_slice %arg10[%mul3A_2, %dma_start3A_27] : memref<51200x16xf32, #tpu.memory_space<vmem_shared>> -> memref<3200x16xf32, #tpu.memory_space<vmem_shared>>
      tpu.enqueue_dma source(%dma_start3A_28 : memref<3200x16xf32, #tpu.memory_space<vmem_shared>>) target(%dma_start3A_26 : memref<3200x16xf32, #tpu.memory_space<hbm>>) target_semaphore(%run_scoped3A : memref<!tpu.dma_semaphore, #tpu.memory_space<semaphore_mem>>)
      %dma_wait3A_29 = arith.constant 0 : i32
      %dma_wait3A_30 = tpu.memref_slice %arg6[%arg0, %mul3A_2, %dma_wait3A_29] : memref<2x51200x16xf32, #tpu.memory_space<hbm>> -> memref<1x3200x16xf32, #tpu.memory_space<hbm>>
      %dma_wait3A_31 = tpu.memref_squeeze %dma_wait3A_30 : memref<1x3200x16xf32, #tpu.memory_space<hbm>> -> memref<3200x16xf32, #tpu.memory_space<hbm>>
      %dma_wait3A_32 = arith.constant 0 : i32
      %dma_wait3A_33 = tpu.memref_slice %arg10[%mul3A_2, %dma_wait3A_32] : memref<51200x16xf32, #tpu.memory_space<vmem_shared>> -> memref<3200x16xf32, #tpu.memory_space<vmem_shared>>
      tpu.wait_dma2 semaphore(%run_scoped3A : memref<!tpu.dma_semaphore, #tpu.memory_space<semaphore_mem>>) src(%dma_wait3A_33 : memref<3200x16xf32, #tpu.memory_space<vmem_shared>>) dst(%dma_wait3A_31 : memref<3200x16xf32, #tpu.memory_space<hbm>>)
      tpu.yield
    }) : () -> ()
    return
  }
}

#map = affine_map<(d0, d1) -> (0, 0)>
#map1 = affine_map<(d0, d1) -> (0, 0, 0)>
module attributes {stable_mosaic.version = 14 : i64} {
  func.func @combine(%arg0: i32, %arg1: i32, %arg2: memref<50176x16xf32, #tpu.memory_space<hbm>>, %arg3: memref<2x51200x16xf32, #tpu.memory_space<hbm>>, %arg4: memref<4x16xf32, #tpu.memory_space<hbm>>, %arg5: memref<4x16xf32, #tpu.memory_space<hbm>>, %arg6: memref<50000x12xf32, #tpu.memory_space<hbm>>, %arg7: memref<1568x16xf32, #tpu.memory_space<vmem>>, %arg8: memref<1568x16xf32, #tpu.memory_space<vmem>>, %arg9: memref<1568x16xf32, #tpu.memory_space<vmem>>, %arg10: memref<1568x12xf32, #tpu.memory_space<vmem>>, %arg11: memref<4x16xf32, #tpu.memory_space<vmem>>, %arg12: memref<4x16xf32, #tpu.memory_space<vmem>>, %arg13: memref<!tpu.dma_semaphore, #tpu.memory_space<semaphore_mem>>) attributes {dimension_semantics = [#tpu.dimension_semantics<core_parallel>, #tpu.dimension_semantics<subcore_parallel>], iteration_bounds = array<i64: 2, 16>, scalar_prefetch = 0 : i64, scratch_operands = 7 : i64, tpu.core_type = #tpu.core_type<sc_vector_subcore>, window_params = [{transform_indices = #map}, {transform_indices = #map1}, {transform_indices = #map}, {transform_indices = #map}, {transform_indices = #map}]} {
    %mul3A = arith.constant 16 : i32
    %mul3A_0 = arith.muli %arg0, %mul3A : i32
    %add3A = arith.addi %mul3A_0, %arg1 : i32
    %mul3A_1 = arith.constant 1568 : i32
    %mul3A_2 = arith.muli %add3A, %mul3A_1 : i32
    %lt3A = arith.constant 31 : i32
    %lt3A_3 = arith.cmpi slt, %add3A, %lt3A : i32
    %jit3A = arith.constant 1568 : i32
    %jit3A_4 = arith.constant 1392 : i32
    %select_n3A = arith.select %lt3A_3, %jit3A, %jit3A_4 : i32
    %jit3A_5 = arith.constant 16 : i32
    %div3A = arith.divsi %select_n3A, %jit3A_5 : i32
    %sign3A = arith.constant 0 : i32
    %sign3A_6 = arith.cmpi sgt, %select_n3A, %sign3A : i32
    %sign3A_7 = arith.extui %sign3A_6 : i1 to i32
    %sign3A_8 = arith.constant 0 : i32
    %sign3A_9 = arith.cmpi slt, %select_n3A, %sign3A_8 : i32
    %sign3A_10 = arith.extui %sign3A_9 : i1 to i32
    %sign3A_11 = arith.subi %sign3A_7, %sign3A_10 : i32
    %sign3A_12 = arith.constant 0 : i32
    %sign3A_13 = arith.cmpi sgt, %jit3A_5, %sign3A_12 : i32
    %sign3A_14 = arith.extui %sign3A_13 : i1 to i32
    %sign3A_15 = arith.constant 0 : i32
    %sign3A_16 = arith.cmpi slt, %jit3A_5, %sign3A_15 : i32
    %sign3A_17 = arith.extui %sign3A_16 : i1 to i32
    %sign3A_18 = arith.subi %sign3A_14, %sign3A_17 : i32
    %ne3A = arith.cmpi ne, %sign3A_11, %sign3A_18 : i32
    %rem3A = arith.remsi %select_n3A, %jit3A_5 : i32
    %ne3A_19 = arith.constant 0 : i32
    %ne3A_20 = arith.cmpi ne, %rem3A, %ne3A_19 : i32
    %and3A = arith.andi %ne3A, %ne3A_20 : i1
    %sub3A = arith.constant 1 : i32
    %sub3A_21 = arith.subi %div3A, %sub3A : i32
    %select_n3A_22 = arith.select %and3A, %sub3A_21, %div3A : i32
    %dma_start3A = arith.constant 0 : i32
    %dma_start3A_23 = tpu.memref_slice %arg2[%mul3A_2, %dma_start3A] : memref<50176x16xf32, #tpu.memory_space<hbm>> -> memref<1568x16xf32, #tpu.memory_space<hbm>>
    %dma_start3A_24 = arith.constant 0 : i32
    %dma_start3A_25 = tpu.memref_slice %arg2[%mul3A_2, %dma_start3A_24] : memref<50176x16xf32, #tpu.memory_space<hbm>> -> memref<1568x16xf32, #tpu.memory_space<hbm>>
    tpu.enqueue_dma source(%dma_start3A_25 : memref<1568x16xf32, #tpu.memory_space<hbm>>) target(%arg7 : memref<1568x16xf32, #tpu.memory_space<vmem>>) target_semaphore(%arg13 : memref<!tpu.dma_semaphore, #tpu.memory_space<semaphore_mem>>)
    %dma_start3A_26 = arith.constant 0 : i32
    %dma_start3A_27 = arith.constant 0 : i32
    %dma_start3A_28 = tpu.memref_slice %arg3[%dma_start3A_26, %mul3A_2, %dma_start3A_27] : memref<2x51200x16xf32, #tpu.memory_space<hbm>> -> memref<1x1568x16xf32, #tpu.memory_space<hbm>>
    %dma_start3A_29 = tpu.memref_squeeze %dma_start3A_28 : memref<1x1568x16xf32, #tpu.memory_space<hbm>> -> memref<1568x16xf32, #tpu.memory_space<hbm>>
    %dma_start3A_30 = arith.constant 0 : i32
    %dma_start3A_31 = tpu.memref_slice %arg3[%dma_start3A_26, %mul3A_2, %dma_start3A_30] : memref<2x51200x16xf32, #tpu.memory_space<hbm>> -> memref<1x1568x16xf32, #tpu.memory_space<hbm>>
    %dma_start3A_32 = tpu.memref_squeeze %dma_start3A_31 : memref<1x1568x16xf32, #tpu.memory_space<hbm>> -> memref<1568x16xf32, #tpu.memory_space<hbm>>
    tpu.enqueue_dma source(%dma_start3A_32 : memref<1568x16xf32, #tpu.memory_space<hbm>>) target(%arg8 : memref<1568x16xf32, #tpu.memory_space<vmem>>) target_semaphore(%arg13 : memref<!tpu.dma_semaphore, #tpu.memory_space<semaphore_mem>>)
    %dma_start3A_33 = arith.constant 1 : i32
    %dma_start3A_34 = arith.constant 0 : i32
    %dma_start3A_35 = tpu.memref_slice %arg3[%dma_start3A_33, %mul3A_2, %dma_start3A_34] : memref<2x51200x16xf32, #tpu.memory_space<hbm>> -> memref<1x1568x16xf32, #tpu.memory_space<hbm>>
    %dma_start3A_36 = tpu.memref_squeeze %dma_start3A_35 : memref<1x1568x16xf32, #tpu.memory_space<hbm>> -> memref<1568x16xf32, #tpu.memory_space<hbm>>
    %dma_start3A_37 = arith.constant 0 : i32
    %dma_start3A_38 = tpu.memref_slice %arg3[%dma_start3A_33, %mul3A_2, %dma_start3A_37] : memref<2x51200x16xf32, #tpu.memory_space<hbm>> -> memref<1x1568x16xf32, #tpu.memory_space<hbm>>
    %dma_start3A_39 = tpu.memref_squeeze %dma_start3A_38 : memref<1x1568x16xf32, #tpu.memory_space<hbm>> -> memref<1568x16xf32, #tpu.memory_space<hbm>>
    tpu.enqueue_dma source(%dma_start3A_39 : memref<1568x16xf32, #tpu.memory_space<hbm>>) target(%arg9 : memref<1568x16xf32, #tpu.memory_space<vmem>>) target_semaphore(%arg13 : memref<!tpu.dma_semaphore, #tpu.memory_space<semaphore_mem>>)
    "tpu.region"() ({
      %run_scoped3A = tpu.sem_alloc : memref<!tpu.dma_semaphore, #tpu.memory_space<semaphore_mem>>
      tpu.enqueue_dma source(%arg4 : memref<4x16xf32, #tpu.memory_space<hbm>>) target(%arg11 : memref<4x16xf32, #tpu.memory_space<vmem>>) target_semaphore(%run_scoped3A : memref<!tpu.dma_semaphore, #tpu.memory_space<semaphore_mem>>)
      tpu.wait_dma2 semaphore(%run_scoped3A : memref<!tpu.dma_semaphore, #tpu.memory_space<semaphore_mem>>) src(%arg4 : memref<4x16xf32, #tpu.memory_space<hbm>>) dst(%arg11 : memref<4x16xf32, #tpu.memory_space<vmem>>)
      tpu.yield
    }) : () -> ()
    "tpu.region"() ({
      %run_scoped3A = tpu.sem_alloc : memref<!tpu.dma_semaphore, #tpu.memory_space<semaphore_mem>>
      tpu.enqueue_dma source(%arg5 : memref<4x16xf32, #tpu.memory_space<hbm>>) target(%arg12 : memref<4x16xf32, #tpu.memory_space<vmem>>) target_semaphore(%run_scoped3A : memref<!tpu.dma_semaphore, #tpu.memory_space<semaphore_mem>>)
      tpu.wait_dma2 semaphore(%run_scoped3A : memref<!tpu.dma_semaphore, #tpu.memory_space<semaphore_mem>>) src(%arg5 : memref<4x16xf32, #tpu.memory_space<hbm>>) dst(%arg12 : memref<4x16xf32, #tpu.memory_space<vmem>>)
      tpu.yield
    }) : () -> ()
    %dma_wait3A = arith.constant 0 : i32
    %dma_wait3A_40 = tpu.memref_slice %arg2[%mul3A_2, %dma_wait3A] : memref<50176x16xf32, #tpu.memory_space<hbm>> -> memref<1568x16xf32, #tpu.memory_space<hbm>>
    %dma_wait3A_41 = arith.constant 0 : i32
    %dma_wait3A_42 = tpu.memref_slice %arg2[%mul3A_2, %dma_wait3A_41] : memref<50176x16xf32, #tpu.memory_space<hbm>> -> memref<1568x16xf32, #tpu.memory_space<hbm>>
    tpu.wait_dma2 semaphore(%arg13 : memref<!tpu.dma_semaphore, #tpu.memory_space<semaphore_mem>>) src(%dma_wait3A_42 : memref<1568x16xf32, #tpu.memory_space<hbm>>) dst(%arg7 : memref<1568x16xf32, #tpu.memory_space<vmem>>)
    %dma_wait3A_43 = arith.constant 0 : i32
    %dma_wait3A_44 = arith.constant 0 : i32
    %dma_wait3A_45 = tpu.memref_slice %arg3[%dma_wait3A_43, %mul3A_2, %dma_wait3A_44] : memref<2x51200x16xf32, #tpu.memory_space<hbm>> -> memref<1x1568x16xf32, #tpu.memory_space<hbm>>
    %dma_wait3A_46 = tpu.memref_squeeze %dma_wait3A_45 : memref<1x1568x16xf32, #tpu.memory_space<hbm>> -> memref<1568x16xf32, #tpu.memory_space<hbm>>
    %dma_wait3A_47 = arith.constant 0 : i32
    %dma_wait3A_48 = tpu.memref_slice %arg3[%dma_wait3A_43, %mul3A_2, %dma_wait3A_47] : memref<2x51200x16xf32, #tpu.memory_space<hbm>> -> memref<1x1568x16xf32, #tpu.memory_space<hbm>>
    %dma_wait3A_49 = tpu.memref_squeeze %dma_wait3A_48 : memref<1x1568x16xf32, #tpu.memory_space<hbm>> -> memref<1568x16xf32, #tpu.memory_space<hbm>>
    tpu.wait_dma2 semaphore(%arg13 : memref<!tpu.dma_semaphore, #tpu.memory_space<semaphore_mem>>) src(%dma_wait3A_49 : memref<1568x16xf32, #tpu.memory_space<hbm>>) dst(%arg8 : memref<1568x16xf32, #tpu.memory_space<vmem>>)
    %dma_wait3A_50 = arith.constant 1 : i32
    %dma_wait3A_51 = arith.constant 0 : i32
    %dma_wait3A_52 = tpu.memref_slice %arg3[%dma_wait3A_50, %mul3A_2, %dma_wait3A_51] : memref<2x51200x16xf32, #tpu.memory_space<hbm>> -> memref<1x1568x16xf32, #tpu.memory_space<hbm>>
    %dma_wait3A_53 = tpu.memref_squeeze %dma_wait3A_52 : memref<1x1568x16xf32, #tpu.memory_space<hbm>> -> memref<1568x16xf32, #tpu.memory_space<hbm>>
    %dma_wait3A_54 = arith.constant 0 : i32
    %dma_wait3A_55 = tpu.memref_slice %arg3[%dma_wait3A_50, %mul3A_2, %dma_wait3A_54] : memref<2x51200x16xf32, #tpu.memory_space<hbm>> -> memref<1x1568x16xf32, #tpu.memory_space<hbm>>
    %dma_wait3A_56 = tpu.memref_squeeze %dma_wait3A_55 : memref<1x1568x16xf32, #tpu.memory_space<hbm>> -> memref<1568x16xf32, #tpu.memory_space<hbm>>
    tpu.wait_dma2 semaphore(%arg13 : memref<!tpu.dma_semaphore, #tpu.memory_space<semaphore_mem>>) src(%dma_wait3A_56 : memref<1568x16xf32, #tpu.memory_space<hbm>>) dst(%arg9 : memref<1568x16xf32, #tpu.memory_space<vmem>>)
    %iota3A = tpu.iota {dimensions = array<i32: 0>} : vector<16xi32>
    %get3A = arith.constant 0 : i32
    %get3A_57 = arith.index_cast %get3A : i32 to index
    %get3A_58 = arith.constant 0 : index
    %get3A_59 = tpu.vector_load %arg11[%get3A_57, %get3A_58] {strides = array<i32>} : memref<4x16xf32, #tpu.memory_space<vmem>>, vector<16xf32>,
    %get3A_60 = arith.constant 1 : i32
    %get3A_61 = arith.index_cast %get3A_60 : i32 to index
    %get3A_62 = arith.constant 0 : index
    %get3A_63 = tpu.vector_load %arg11[%get3A_61, %get3A_62] {strides = array<i32>} : memref<4x16xf32, #tpu.memory_space<vmem>>, vector<16xf32>,
    %get3A_64 = arith.constant 2 : i32
    %get3A_65 = arith.index_cast %get3A_64 : i32 to index
    %get3A_66 = arith.constant 0 : index
    %get3A_67 = tpu.vector_load %arg11[%get3A_65, %get3A_66] {strides = array<i32>} : memref<4x16xf32, #tpu.memory_space<vmem>>, vector<16xf32>,
    %get3A_68 = arith.constant 3 : i32
    %get3A_69 = arith.index_cast %get3A_68 : i32 to index
    %get3A_70 = arith.constant 0 : index
    %get3A_71 = tpu.vector_load %arg11[%get3A_69, %get3A_70] {strides = array<i32>} : memref<4x16xf32, #tpu.memory_space<vmem>>, vector<16xf32>,
    %get3A_72 = arith.constant 0 : i32
    %get3A_73 = arith.index_cast %get3A_72 : i32 to index
    %get3A_74 = arith.constant 0 : index
    %get3A_75 = tpu.vector_load %arg12[%get3A_73, %get3A_74] {strides = array<i32>} : memref<4x16xf32, #tpu.memory_space<vmem>>, vector<16xf32>,
    %get3A_76 = arith.constant 1 : i32
    %get3A_77 = arith.index_cast %get3A_76 : i32 to index
    %get3A_78 = arith.constant 0 : index
    %get3A_79 = tpu.vector_load %arg12[%get3A_77, %get3A_78] {strides = array<i32>} : memref<4x16xf32, #tpu.memory_space<vmem>>, vector<16xf32>,
    %get3A_80 = arith.constant 2 : i32
    %get3A_81 = arith.index_cast %get3A_80 : i32 to index
    %get3A_82 = arith.constant 0 : index
    %get3A_83 = tpu.vector_load %arg12[%get3A_81, %get3A_82] {strides = array<i32>} : memref<4x16xf32, #tpu.memory_space<vmem>>, vector<16xf32>,
    %get3A_84 = arith.constant 3 : i32
    %get3A_85 = arith.index_cast %get3A_84 : i32 to index
    %get3A_86 = arith.constant 0 : index
    %get3A_87 = tpu.vector_load %arg12[%get3A_85, %get3A_86] {strides = array<i32>} : memref<4x16xf32, #tpu.memory_space<vmem>>, vector<16xf32>,
    %while3A = arith.constant 0 : i32
    %while3A_88 = arith.constant 0 : i32
    %while3A_89 = arith.subi %select_n3A_22, %while3A_88 : i32
    %while3A_90 = arith.addi %while3A_88, %while3A_89 : i32
    %while3A_91 = arith.constant 1 : i32
    %while3A_92 = arith.divsi %while3A_89, %while3A_91 : i32
    %while3A_93 = arith.muli %while3A_92, %while3A_91 : i32
    %while3A_94 = arith.addi %while3A_88, %while3A_93 : i32
    %while3A_95 = arith.constant 1 : i32
    scf.for %while3A_104 = %while3A_88 to %while3A_94 step %while3A_95  : i32 {
      %mul3A_105 = arith.constant 16 : i32
      %mul3A_106 = arith.muli %while3A_104, %mul3A_105 : i32
      %add3A_107 = vector.broadcast %mul3A_106 : i32 to vector<16xi32>
      %add3A_108 = arith.addi %add3A_107, %iota3A : vector<16xi32>
      %broadcast_in_dim3A = arith.constant 12 : i32
      %broadcast_in_dim3A_109 = vector.broadcast %broadcast_in_dim3A : i32 to vector<16xi32>
      %gather3A = tpu.vector_load_idx %arg8[%add3A_108, %broadcast_in_dim3A_109] : memref<1568x16xf32, #tpu.memory_space<vmem>>[vector<16xi32>, vector<16xi32>], vector<16xf32>,
      %broadcast_in_dim3A_110 = arith.constant 12 : i32
      %broadcast_in_dim3A_111 = vector.broadcast %broadcast_in_dim3A_110 : i32 to vector<16xi32>
      %gather3A_112 = tpu.vector_load_idx %arg9[%add3A_108, %broadcast_in_dim3A_111] : memref<1568x16xf32, #tpu.memory_space<vmem>>[vector<16xi32>, vector<16xi32>], vector<16xf32>,
      %add3A_113 = arith.addf %gather3A, %gather3A_112 : vector<16xf32>
      %max3A = arith.constant 1.000000e+00 : f32
      %max3A_114 = vector.broadcast %max3A : f32 to vector<16xf32>
      %max3A_115 = arith.maximumf %add3A_113, %max3A_114 : vector<16xf32>
      %broadcast_in_dim3A_116 = arith.constant 0 : i32
      %broadcast_in_dim3A_117 = vector.broadcast %broadcast_in_dim3A_116 : i32 to vector<16xi32>
      %gather3A_118 = tpu.vector_load_idx %arg8[%add3A_108, %broadcast_in_dim3A_117] : memref<1568x16xf32, #tpu.memory_space<vmem>>[vector<16xi32>, vector<16xi32>], vector<16xf32>,
      %broadcast_in_dim3A_119 = arith.constant 0 : i32
      %broadcast_in_dim3A_120 = vector.broadcast %broadcast_in_dim3A_119 : i32 to vector<16xi32>
      %gather3A_121 = tpu.vector_load_idx %arg9[%add3A_108, %broadcast_in_dim3A_120] : memref<1568x16xf32, #tpu.memory_space<vmem>>[vector<16xi32>, vector<16xi32>], vector<16xf32>,
      %add3A_122 = arith.addf %gather3A_118, %gather3A_121 : vector<16xf32>
      %broadcast_in_dim3A_123 = arith.constant 0 : i32
      %broadcast_in_dim3A_124 = vector.broadcast %broadcast_in_dim3A_123 : i32 to vector<16xi32>
      %gather3A_125 = tpu.vector_load_idx %arg7[%add3A_108, %broadcast_in_dim3A_124] : memref<1568x16xf32, #tpu.memory_space<vmem>>[vector<16xi32>, vector<16xi32>], vector<16xf32>,
      %mul3A_126 = arith.mulf %add3A_113, %gather3A_125 : vector<16xf32>
      %sub3A_127 = arith.subf %mul3A_126, %add3A_122 : vector<16xf32>
      %div3A_128 = arith.divf %sub3A_127, %max3A_115 : vector<16xf32>
      %broadcast_in_dim3A_129 = arith.constant 1 : i32
      %broadcast_in_dim3A_130 = vector.broadcast %broadcast_in_dim3A_129 : i32 to vector<16xi32>
      %gather3A_131 = tpu.vector_load_idx %arg8[%add3A_108, %broadcast_in_dim3A_130] : memref<1568x16xf32, #tpu.memory_space<vmem>>[vector<16xi32>, vector<16xi32>], vector<16xf32>,
      %broadcast_in_dim3A_132 = arith.constant 1 : i32
      %broadcast_in_dim3A_133 = vector.broadcast %broadcast_in_dim3A_132 : i32 to vector<16xi32>
      %gather3A_134 = tpu.vector_load_idx %arg9[%add3A_108, %broadcast_in_dim3A_133] : memref<1568x16xf32, #tpu.memory_space<vmem>>[vector<16xi32>, vector<16xi32>], vector<16xf32>,
      %add3A_135 = arith.addf %gather3A_131, %gather3A_134 : vector<16xf32>
      %broadcast_in_dim3A_136 = arith.constant 1 : i32
      %broadcast_in_dim3A_137 = vector.broadcast %broadcast_in_dim3A_136 : i32 to vector<16xi32>
      %gather3A_138 = tpu.vector_load_idx %arg7[%add3A_108, %broadcast_in_dim3A_137] : memref<1568x16xf32, #tpu.memory_space<vmem>>[vector<16xi32>, vector<16xi32>], vector<16xf32>,
      %mul3A_139 = arith.mulf %add3A_113, %gather3A_138 : vector<16xf32>
      %sub3A_140 = arith.subf %mul3A_139, %add3A_135 : vector<16xf32>
      %div3A_141 = arith.divf %sub3A_140, %max3A_115 : vector<16xf32>
      %broadcast_in_dim3A_142 = arith.constant 2 : i32
      %broadcast_in_dim3A_143 = vector.broadcast %broadcast_in_dim3A_142 : i32 to vector<16xi32>
      %gather3A_144 = tpu.vector_load_idx %arg8[%add3A_108, %broadcast_in_dim3A_143] : memref<1568x16xf32, #tpu.memory_space<vmem>>[vector<16xi32>, vector<16xi32>], vector<16xf32>,
      %broadcast_in_dim3A_145 = arith.constant 2 : i32
      %broadcast_in_dim3A_146 = vector.broadcast %broadcast_in_dim3A_145 : i32 to vector<16xi32>
      %gather3A_147 = tpu.vector_load_idx %arg9[%add3A_108, %broadcast_in_dim3A_146] : memref<1568x16xf32, #tpu.memory_space<vmem>>[vector<16xi32>, vector<16xi32>], vector<16xf32>,
      %add3A_148 = arith.addf %gather3A_144, %gather3A_147 : vector<16xf32>
      %broadcast_in_dim3A_149 = arith.constant 2 : i32
      %broadcast_in_dim3A_150 = vector.broadcast %broadcast_in_dim3A_149 : i32 to vector<16xi32>
      %gather3A_151 = tpu.vector_load_idx %arg7[%add3A_108, %broadcast_in_dim3A_150] : memref<1568x16xf32, #tpu.memory_space<vmem>>[vector<16xi32>, vector<16xi32>], vector<16xf32>,
      %mul3A_152 = arith.mulf %add3A_113, %gather3A_151 : vector<16xf32>
      %sub3A_153 = arith.subf %mul3A_152, %add3A_148 : vector<16xf32>
      %div3A_154 = arith.divf %sub3A_153, %max3A_115 : vector<16xf32>
      %mul3A_155 = arith.mulf %div3A_128, %div3A_128 : vector<16xf32>
      %mul3A_156 = arith.mulf %div3A_141, %div3A_141 : vector<16xf32>
      %add3A_157 = arith.addf %mul3A_155, %mul3A_156 : vector<16xf32>
      %mul3A_158 = arith.mulf %div3A_154, %div3A_154 : vector<16xf32>
      %add3A_159 = arith.addf %add3A_157, %mul3A_158 : vector<16xf32>
      %add3A_160 = arith.constant 2.22044605E-16 : f32
      %add3A_161 = vector.broadcast %add3A_160 : f32 to vector<16xf32>
      %add3A_162 = arith.addf %add3A_159, %add3A_161 : vector<16xf32>
      %bitcast3A = vector.bitcast %add3A_162 : vector<16xf32> to vector<16xi32>
      %shift_right_arithmetic3A = arith.constant 1 : i32
      %shift_right_arithmetic3A_163 = vector.broadcast %shift_right_arithmetic3A : i32 to vector<16xi32>
      %shift_right_arithmetic3A_164 = arith.shrsi %bitcast3A, %shift_right_arithmetic3A_163 : vector<16xi32>
      %sub3A_165 = arith.constant 1597463007 : i32
      %sub3A_166 = vector.broadcast %sub3A_165 : i32 to vector<16xi32>
      %sub3A_167 = arith.subi %sub3A_166, %shift_right_arithmetic3A_164 : vector<16xi32>
      %bitcast3A_168 = vector.bitcast %sub3A_167 : vector<16xi32> to vector<16xf32>
      %mul3A_169 = arith.constant 5.000000e-01 : f32
      %mul3A_170 = vector.broadcast %mul3A_169 : f32 to vector<16xf32>
      %mul3A_171 = arith.mulf %mul3A_170, %add3A_162 : vector<16xf32>
      %mul3A_172 = arith.mulf %mul3A_171, %bitcast3A_168 : vector<16xf32>
      %mul3A_173 = arith.mulf %mul3A_172, %bitcast3A_168 : vector<16xf32>
      %sub3A_174 = arith.constant 1.500000e+00 : f32
      %sub3A_175 = vector.broadcast %sub3A_174 : f32 to vector<16xf32>
      %sub3A_176 = arith.subf %sub3A_175, %mul3A_173 : vector<16xf32>
      %mul3A_177 = arith.mulf %bitcast3A_168, %sub3A_176 : vector<16xf32>
      %mul3A_178 = arith.constant 5.000000e-01 : f32
      %mul3A_179 = vector.broadcast %mul3A_178 : f32 to vector<16xf32>
      %mul3A_180 = arith.mulf %mul3A_179, %add3A_162 : vector<16xf32>
      %mul3A_181 = arith.mulf %mul3A_180, %mul3A_177 : vector<16xf32>
      %mul3A_182 = arith.mulf %mul3A_181, %mul3A_177 : vector<16xf32>
      %sub3A_183 = arith.constant 1.500000e+00 : f32
      %sub3A_184 = vector.broadcast %sub3A_183 : f32 to vector<16xf32>
      %sub3A_185 = arith.subf %sub3A_184, %mul3A_182 : vector<16xf32>
      %mul3A_186 = arith.mulf %mul3A_177, %sub3A_185 : vector<16xf32>
      %mul3A_187 = arith.constant 5.000000e-01 : f32
      %mul3A_188 = vector.broadcast %mul3A_187 : f32 to vector<16xf32>
      %mul3A_189 = arith.mulf %mul3A_188, %add3A_162 : vector<16xf32>
      %mul3A_190 = arith.mulf %mul3A_189, %mul3A_186 : vector<16xf32>
      %mul3A_191 = arith.mulf %mul3A_190, %mul3A_186 : vector<16xf32>
      %sub3A_192 = arith.constant 1.500000e+00 : f32
      %sub3A_193 = vector.broadcast %sub3A_192 : f32 to vector<16xf32>
      %sub3A_194 = arith.subf %sub3A_193, %mul3A_191 : vector<16xf32>
      %mul3A_195 = arith.mulf %mul3A_186, %sub3A_194 : vector<16xf32>
      %mul3A_196 = arith.mulf %add3A_162, %mul3A_195 : vector<16xf32>
      %sub3A_197 = arith.subf %get3A_75, %mul3A_196 : vector<16xf32>
      %exp3A = math.exp %sub3A_197 : vector<16xf32>
      %add3A_198 = arith.constant 1.000000e+00 : f32
      %add3A_199 = vector.broadcast %add3A_198 : f32 to vector<16xf32>
      %add3A_200 = arith.addf %add3A_199, %exp3A : vector<16xf32>
      %div3A_201 = arith.constant 1.000000e+00 : f32
      %div3A_202 = vector.broadcast %div3A_201 : f32 to vector<16xf32>
      %div3A_203 = arith.divf %div3A_202, %add3A_200 : vector<16xf32>
      %mul3A_204 = arith.mulf %mul3A_196, %div3A_203 : vector<16xf32>
      %le3A = arith.constant 1.000000e+00 : f32
      %le3A_205 = vector.broadcast %le3A : f32 to vector<16xf32>
      %le3A_206 = arith.cmpf ole, %mul3A_204, %le3A_205 : vector<16xf32>
      %select_n3A_207 = arith.select %le3A_206, %div3A_203, %mul3A_195 : vector<16xi1>, vector<16xf32>
      %mul3A_208 = arith.mulf %get3A_59, %select_n3A_207 : vector<16xf32>
      %broadcast_in_dim3A_209 = arith.constant 0 : i32
      %broadcast_in_dim3A_210 = vector.broadcast %broadcast_in_dim3A_209 : i32 to vector<16xi32>
      %gather3A_211 = tpu.vector_load_idx %arg7[%add3A_108, %broadcast_in_dim3A_210] : memref<1568x16xf32, #tpu.memory_space<vmem>>[vector<16xi32>, vector<16xi32>], vector<16xf32>,
      %mul3A_212 = arith.mulf %mul3A_208, %div3A_128 : vector<16xf32>
      %sub3A_213 = arith.subf %gather3A_211, %mul3A_212 : vector<16xf32>
      %broadcast_in_dim3A_214 = arith.constant 1 : i32
      %broadcast_in_dim3A_215 = vector.broadcast %broadcast_in_dim3A_214 : i32 to vector<16xi32>
      %gather3A_216 = tpu.vector_load_idx %arg7[%add3A_108, %broadcast_in_dim3A_215] : memref<1568x16xf32, #tpu.memory_space<vmem>>[vector<16xi32>, vector<16xi32>], vector<16xf32>,
      %mul3A_217 = arith.mulf %mul3A_208, %div3A_141 : vector<16xf32>
      %sub3A_218 = arith.subf %gather3A_216, %mul3A_217 : vector<16xf32>
      %broadcast_in_dim3A_219 = arith.constant 2 : i32
      %broadcast_in_dim3A_220 = vector.broadcast %broadcast_in_dim3A_219 : i32 to vector<16xi32>
      %gather3A_221 = tpu.vector_load_idx %arg7[%add3A_108, %broadcast_in_dim3A_220] : memref<1568x16xf32, #tpu.memory_space<vmem>>[vector<16xi32>, vector<16xi32>], vector<16xf32>,
      %mul3A_222 = arith.mulf %mul3A_208, %div3A_154 : vector<16xf32>
      %sub3A_223 = arith.subf %gather3A_221, %mul3A_222 : vector<16xf32>
      %broadcast_in_dim3A_224 = arith.constant 3 : i32
      %broadcast_in_dim3A_225 = vector.broadcast %broadcast_in_dim3A_224 : i32 to vector<16xi32>
      %gather3A_226 = tpu.vector_load_idx %arg8[%add3A_108, %broadcast_in_dim3A_225] : memref<1568x16xf32, #tpu.memory_space<vmem>>[vector<16xi32>, vector<16xi32>], vector<16xf32>,
      %broadcast_in_dim3A_227 = arith.constant 3 : i32
      %broadcast_in_dim3A_228 = vector.broadcast %broadcast_in_dim3A_227 : i32 to vector<16xi32>
      %gather3A_229 = tpu.vector_load_idx %arg9[%add3A_108, %broadcast_in_dim3A_228] : memref<1568x16xf32, #tpu.memory_space<vmem>>[vector<16xi32>, vector<16xi32>], vector<16xf32>,
      %add3A_230 = arith.addf %gather3A_226, %gather3A_229 : vector<16xf32>
      %broadcast_in_dim3A_231 = arith.constant 3 : i32
      %broadcast_in_dim3A_232 = vector.broadcast %broadcast_in_dim3A_231 : i32 to vector<16xi32>
      %gather3A_233 = tpu.vector_load_idx %arg7[%add3A_108, %broadcast_in_dim3A_232] : memref<1568x16xf32, #tpu.memory_space<vmem>>[vector<16xi32>, vector<16xi32>], vector<16xf32>,
      %mul3A_234 = arith.mulf %add3A_113, %gather3A_233 : vector<16xf32>
      %sub3A_235 = arith.subf %mul3A_234, %add3A_230 : vector<16xf32>
      %div3A_236 = arith.divf %sub3A_235, %max3A_115 : vector<16xf32>
      %broadcast_in_dim3A_237 = arith.constant 4 : i32
      %broadcast_in_dim3A_238 = vector.broadcast %broadcast_in_dim3A_237 : i32 to vector<16xi32>
      %gather3A_239 = tpu.vector_load_idx %arg8[%add3A_108, %broadcast_in_dim3A_238] : memref<1568x16xf32, #tpu.memory_space<vmem>>[vector<16xi32>, vector<16xi32>], vector<16xf32>,
      %broadcast_in_dim3A_240 = arith.constant 4 : i32
      %broadcast_in_dim3A_241 = vector.broadcast %broadcast_in_dim3A_240 : i32 to vector<16xi32>
      %gather3A_242 = tpu.vector_load_idx %arg9[%add3A_108, %broadcast_in_dim3A_241] : memref<1568x16xf32, #tpu.memory_space<vmem>>[vector<16xi32>, vector<16xi32>], vector<16xf32>,
      %add3A_243 = arith.addf %gather3A_239, %gather3A_242 : vector<16xf32>
      %broadcast_in_dim3A_244 = arith.constant 4 : i32
      %broadcast_in_dim3A_245 = vector.broadcast %broadcast_in_dim3A_244 : i32 to vector<16xi32>
      %gather3A_246 = tpu.vector_load_idx %arg7[%add3A_108, %broadcast_in_dim3A_245] : memref<1568x16xf32, #tpu.memory_space<vmem>>[vector<16xi32>, vector<16xi32>], vector<16xf32>,
      %mul3A_247 = arith.mulf %add3A_113, %gather3A_246 : vector<16xf32>
      %sub3A_248 = arith.subf %mul3A_247, %add3A_243 : vector<16xf32>
      %div3A_249 = arith.divf %sub3A_248, %max3A_115 : vector<16xf32>
      %broadcast_in_dim3A_250 = arith.constant 5 : i32
      %broadcast_in_dim3A_251 = vector.broadcast %broadcast_in_dim3A_250 : i32 to vector<16xi32>
      %gather3A_252 = tpu.vector_load_idx %arg8[%add3A_108, %broadcast_in_dim3A_251] : memref<1568x16xf32, #tpu.memory_space<vmem>>[vector<16xi32>, vector<16xi32>], vector<16xf32>,
      %broadcast_in_dim3A_253 = arith.constant 5 : i32
      %broadcast_in_dim3A_254 = vector.broadcast %broadcast_in_dim3A_253 : i32 to vector<16xi32>
      %gather3A_255 = tpu.vector_load_idx %arg9[%add3A_108, %broadcast_in_dim3A_254] : memref<1568x16xf32, #tpu.memory_space<vmem>>[vector<16xi32>, vector<16xi32>], vector<16xf32>,
      %add3A_256 = arith.addf %gather3A_252, %gather3A_255 : vector<16xf32>
      %broadcast_in_dim3A_257 = arith.constant 5 : i32
      %broadcast_in_dim3A_258 = vector.broadcast %broadcast_in_dim3A_257 : i32 to vector<16xi32>
      %gather3A_259 = tpu.vector_load_idx %arg7[%add3A_108, %broadcast_in_dim3A_258] : memref<1568x16xf32, #tpu.memory_space<vmem>>[vector<16xi32>, vector<16xi32>], vector<16xf32>,
      %mul3A_260 = arith.mulf %add3A_113, %gather3A_259 : vector<16xf32>
      %sub3A_261 = arith.subf %mul3A_260, %add3A_256 : vector<16xf32>
      %div3A_262 = arith.divf %sub3A_261, %max3A_115 : vector<16xf32>
      %mul3A_263 = arith.mulf %div3A_236, %div3A_236 : vector<16xf32>
      %mul3A_264 = arith.mulf %div3A_249, %div3A_249 : vector<16xf32>
      %add3A_265 = arith.addf %mul3A_263, %mul3A_264 : vector<16xf32>
      %mul3A_266 = arith.mulf %div3A_262, %div3A_262 : vector<16xf32>
      %add3A_267 = arith.addf %add3A_265, %mul3A_266 : vector<16xf32>
      %add3A_268 = arith.constant 2.22044605E-16 : f32
      %add3A_269 = vector.broadcast %add3A_268 : f32 to vector<16xf32>
      %add3A_270 = arith.addf %add3A_267, %add3A_269 : vector<16xf32>
      %bitcast3A_271 = vector.bitcast %add3A_270 : vector<16xf32> to vector<16xi32>
      %shift_right_arithmetic3A_272 = arith.constant 1 : i32
      %shift_right_arithmetic3A_273 = vector.broadcast %shift_right_arithmetic3A_272 : i32 to vector<16xi32>
      %shift_right_arithmetic3A_274 = arith.shrsi %bitcast3A_271, %shift_right_arithmetic3A_273 : vector<16xi32>
      %sub3A_275 = arith.constant 1597463007 : i32
      %sub3A_276 = vector.broadcast %sub3A_275 : i32 to vector<16xi32>
      %sub3A_277 = arith.subi %sub3A_276, %shift_right_arithmetic3A_274 : vector<16xi32>
      %bitcast3A_278 = vector.bitcast %sub3A_277 : vector<16xi32> to vector<16xf32>
      %mul3A_279 = arith.constant 5.000000e-01 : f32
      %mul3A_280 = vector.broadcast %mul3A_279 : f32 to vector<16xf32>
      %mul3A_281 = arith.mulf %mul3A_280, %add3A_270 : vector<16xf32>
      %mul3A_282 = arith.mulf %mul3A_281, %bitcast3A_278 : vector<16xf32>
      %mul3A_283 = arith.mulf %mul3A_282, %bitcast3A_278 : vector<16xf32>
      %sub3A_284 = arith.constant 1.500000e+00 : f32
      %sub3A_285 = vector.broadcast %sub3A_284 : f32 to vector<16xf32>
      %sub3A_286 = arith.subf %sub3A_285, %mul3A_283 : vector<16xf32>
      %mul3A_287 = arith.mulf %bitcast3A_278, %sub3A_286 : vector<16xf32>
      %mul3A_288 = arith.constant 5.000000e-01 : f32
      %mul3A_289 = vector.broadcast %mul3A_288 : f32 to vector<16xf32>
      %mul3A_290 = arith.mulf %mul3A_289, %add3A_270 : vector<16xf32>
      %mul3A_291 = arith.mulf %mul3A_290, %mul3A_287 : vector<16xf32>
      %mul3A_292 = arith.mulf %mul3A_291, %mul3A_287 : vector<16xf32>
      %sub3A_293 = arith.constant 1.500000e+00 : f32
      %sub3A_294 = vector.broadcast %sub3A_293 : f32 to vector<16xf32>
      %sub3A_295 = arith.subf %sub3A_294, %mul3A_292 : vector<16xf32>
      %mul3A_296 = arith.mulf %mul3A_287, %sub3A_295 : vector<16xf32>
      %mul3A_297 = arith.constant 5.000000e-01 : f32
      %mul3A_298 = vector.broadcast %mul3A_297 : f32 to vector<16xf32>
      %mul3A_299 = arith.mulf %mul3A_298, %add3A_270 : vector<16xf32>
      %mul3A_300 = arith.mulf %mul3A_299, %mul3A_296 : vector<16xf32>
      %mul3A_301 = arith.mulf %mul3A_300, %mul3A_296 : vector<16xf32>
      %sub3A_302 = arith.constant 1.500000e+00 : f32
      %sub3A_303 = vector.broadcast %sub3A_302 : f32 to vector<16xf32>
      %sub3A_304 = arith.subf %sub3A_303, %mul3A_301 : vector<16xf32>
      %mul3A_305 = arith.mulf %mul3A_296, %sub3A_304 : vector<16xf32>
      %mul3A_306 = arith.mulf %add3A_270, %mul3A_305 : vector<16xf32>
      %sub3A_307 = arith.subf %get3A_79, %mul3A_306 : vector<16xf32>
      %exp3A_308 = math.exp %sub3A_307 : vector<16xf32>
      %add3A_309 = arith.constant 1.000000e+00 : f32
      %add3A_310 = vector.broadcast %add3A_309 : f32 to vector<16xf32>
      %add3A_311 = arith.addf %add3A_310, %exp3A_308 : vector<16xf32>
      %div3A_312 = arith.constant 1.000000e+00 : f32
      %div3A_313 = vector.broadcast %div3A_312 : f32 to vector<16xf32>
      %div3A_314 = arith.divf %div3A_313, %add3A_311 : vector<16xf32>
      %mul3A_315 = arith.mulf %mul3A_306, %div3A_314 : vector<16xf32>
      %le3A_316 = arith.constant 1.000000e+00 : f32
      %le3A_317 = vector.broadcast %le3A_316 : f32 to vector<16xf32>
      %le3A_318 = arith.cmpf ole, %mul3A_315, %le3A_317 : vector<16xf32>
      %select_n3A_319 = arith.select %le3A_318, %div3A_314, %mul3A_305 : vector<16xi1>, vector<16xf32>
      %mul3A_320 = arith.mulf %get3A_63, %select_n3A_319 : vector<16xf32>
      %broadcast_in_dim3A_321 = arith.constant 3 : i32
      %broadcast_in_dim3A_322 = vector.broadcast %broadcast_in_dim3A_321 : i32 to vector<16xi32>
      %gather3A_323 = tpu.vector_load_idx %arg7[%add3A_108, %broadcast_in_dim3A_322] : memref<1568x16xf32, #tpu.memory_space<vmem>>[vector<16xi32>, vector<16xi32>], vector<16xf32>,
      %mul3A_324 = arith.mulf %mul3A_320, %div3A_236 : vector<16xf32>
      %sub3A_325 = arith.subf %gather3A_323, %mul3A_324 : vector<16xf32>
      %broadcast_in_dim3A_326 = arith.constant 4 : i32
      %broadcast_in_dim3A_327 = vector.broadcast %broadcast_in_dim3A_326 : i32 to vector<16xi32>
      %gather3A_328 = tpu.vector_load_idx %arg7[%add3A_108, %broadcast_in_dim3A_327] : memref<1568x16xf32, #tpu.memory_space<vmem>>[vector<16xi32>, vector<16xi32>], vector<16xf32>,
      %mul3A_329 = arith.mulf %mul3A_320, %div3A_249 : vector<16xf32>
      %sub3A_330 = arith.subf %gather3A_328, %mul3A_329 : vector<16xf32>
      %broadcast_in_dim3A_331 = arith.constant 5 : i32
      %broadcast_in_dim3A_332 = vector.broadcast %broadcast_in_dim3A_331 : i32 to vector<16xi32>
      %gather3A_333 = tpu.vector_load_idx %arg7[%add3A_108, %broadcast_in_dim3A_332] : memref<1568x16xf32, #tpu.memory_space<vmem>>[vector<16xi32>, vector<16xi32>], vector<16xf32>,
      %mul3A_334 = arith.mulf %mul3A_320, %div3A_262 : vector<16xf32>
      %sub3A_335 = arith.subf %gather3A_333, %mul3A_334 : vector<16xf32>
      %broadcast_in_dim3A_336 = arith.constant 6 : i32
      %broadcast_in_dim3A_337 = vector.broadcast %broadcast_in_dim3A_336 : i32 to vector<16xi32>
      %gather3A_338 = tpu.vector_load_idx %arg8[%add3A_108, %broadcast_in_dim3A_337] : memref<1568x16xf32, #tpu.memory_space<vmem>>[vector<16xi32>, vector<16xi32>], vector<16xf32>,
      %broadcast_in_dim3A_339 = arith.constant 6 : i32
      %broadcast_in_dim3A_340 = vector.broadcast %broadcast_in_dim3A_339 : i32 to vector<16xi32>
      %gather3A_341 = tpu.vector_load_idx %arg9[%add3A_108, %broadcast_in_dim3A_340] : memref<1568x16xf32, #tpu.memory_space<vmem>>[vector<16xi32>, vector<16xi32>], vector<16xf32>,
      %add3A_342 = arith.addf %gather3A_338, %gather3A_341 : vector<16xf32>
      %broadcast_in_dim3A_343 = arith.constant 6 : i32
      %broadcast_in_dim3A_344 = vector.broadcast %broadcast_in_dim3A_343 : i32 to vector<16xi32>
      %gather3A_345 = tpu.vector_load_idx %arg7[%add3A_108, %broadcast_in_dim3A_344] : memref<1568x16xf32, #tpu.memory_space<vmem>>[vector<16xi32>, vector<16xi32>], vector<16xf32>,
      %mul3A_346 = arith.mulf %add3A_113, %gather3A_345 : vector<16xf32>
      %sub3A_347 = arith.subf %mul3A_346, %add3A_342 : vector<16xf32>
      %div3A_348 = arith.divf %sub3A_347, %max3A_115 : vector<16xf32>
      %broadcast_in_dim3A_349 = arith.constant 7 : i32
      %broadcast_in_dim3A_350 = vector.broadcast %broadcast_in_dim3A_349 : i32 to vector<16xi32>
      %gather3A_351 = tpu.vector_load_idx %arg8[%add3A_108, %broadcast_in_dim3A_350] : memref<1568x16xf32, #tpu.memory_space<vmem>>[vector<16xi32>, vector<16xi32>], vector<16xf32>,
      %broadcast_in_dim3A_352 = arith.constant 7 : i32
      %broadcast_in_dim3A_353 = vector.broadcast %broadcast_in_dim3A_352 : i32 to vector<16xi32>
      %gather3A_354 = tpu.vector_load_idx %arg9[%add3A_108, %broadcast_in_dim3A_353] : memref<1568x16xf32, #tpu.memory_space<vmem>>[vector<16xi32>, vector<16xi32>], vector<16xf32>,
      %add3A_355 = arith.addf %gather3A_351, %gather3A_354 : vector<16xf32>
      %broadcast_in_dim3A_356 = arith.constant 7 : i32
      %broadcast_in_dim3A_357 = vector.broadcast %broadcast_in_dim3A_356 : i32 to vector<16xi32>
      %gather3A_358 = tpu.vector_load_idx %arg7[%add3A_108, %broadcast_in_dim3A_357] : memref<1568x16xf32, #tpu.memory_space<vmem>>[vector<16xi32>, vector<16xi32>], vector<16xf32>,
      %mul3A_359 = arith.mulf %add3A_113, %gather3A_358 : vector<16xf32>
      %sub3A_360 = arith.subf %mul3A_359, %add3A_355 : vector<16xf32>
      %div3A_361 = arith.divf %sub3A_360, %max3A_115 : vector<16xf32>
      %broadcast_in_dim3A_362 = arith.constant 8 : i32
      %broadcast_in_dim3A_363 = vector.broadcast %broadcast_in_dim3A_362 : i32 to vector<16xi32>
      %gather3A_364 = tpu.vector_load_idx %arg8[%add3A_108, %broadcast_in_dim3A_363] : memref<1568x16xf32, #tpu.memory_space<vmem>>[vector<16xi32>, vector<16xi32>], vector<16xf32>,
      %broadcast_in_dim3A_365 = arith.constant 8 : i32
      %broadcast_in_dim3A_366 = vector.broadcast %broadcast_in_dim3A_365 : i32 to vector<16xi32>
      %gather3A_367 = tpu.vector_load_idx %arg9[%add3A_108, %broadcast_in_dim3A_366] : memref<1568x16xf32, #tpu.memory_space<vmem>>[vector<16xi32>, vector<16xi32>], vector<16xf32>,
      %add3A_368 = arith.addf %gather3A_364, %gather3A_367 : vector<16xf32>
      %broadcast_in_dim3A_369 = arith.constant 8 : i32
      %broadcast_in_dim3A_370 = vector.broadcast %broadcast_in_dim3A_369 : i32 to vector<16xi32>
      %gather3A_371 = tpu.vector_load_idx %arg7[%add3A_108, %broadcast_in_dim3A_370] : memref<1568x16xf32, #tpu.memory_space<vmem>>[vector<16xi32>, vector<16xi32>], vector<16xf32>,
      %mul3A_372 = arith.mulf %add3A_113, %gather3A_371 : vector<16xf32>
      %sub3A_373 = arith.subf %mul3A_372, %add3A_368 : vector<16xf32>
      %div3A_374 = arith.divf %sub3A_373, %max3A_115 : vector<16xf32>
      %mul3A_375 = arith.mulf %div3A_348, %div3A_348 : vector<16xf32>
      %mul3A_376 = arith.mulf %div3A_361, %div3A_361 : vector<16xf32>
      %add3A_377 = arith.addf %mul3A_375, %mul3A_376 : vector<16xf32>
      %mul3A_378 = arith.mulf %div3A_374, %div3A_374 : vector<16xf32>
      %add3A_379 = arith.addf %add3A_377, %mul3A_378 : vector<16xf32>
      %add3A_380 = arith.constant 2.22044605E-16 : f32
      %add3A_381 = vector.broadcast %add3A_380 : f32 to vector<16xf32>
      %add3A_382 = arith.addf %add3A_379, %add3A_381 : vector<16xf32>
      %bitcast3A_383 = vector.bitcast %add3A_382 : vector<16xf32> to vector<16xi32>
      %shift_right_arithmetic3A_384 = arith.constant 1 : i32
      %shift_right_arithmetic3A_385 = vector.broadcast %shift_right_arithmetic3A_384 : i32 to vector<16xi32>
      %shift_right_arithmetic3A_386 = arith.shrsi %bitcast3A_383, %shift_right_arithmetic3A_385 : vector<16xi32>
      %sub3A_387 = arith.constant 1597463007 : i32
      %sub3A_388 = vector.broadcast %sub3A_387 : i32 to vector<16xi32>
      %sub3A_389 = arith.subi %sub3A_388, %shift_right_arithmetic3A_386 : vector<16xi32>
      %bitcast3A_390 = vector.bitcast %sub3A_389 : vector<16xi32> to vector<16xf32>
      %mul3A_391 = arith.constant 5.000000e-01 : f32
      %mul3A_392 = vector.broadcast %mul3A_391 : f32 to vector<16xf32>
      %mul3A_393 = arith.mulf %mul3A_392, %add3A_382 : vector<16xf32>
      %mul3A_394 = arith.mulf %mul3A_393, %bitcast3A_390 : vector<16xf32>
      %mul3A_395 = arith.mulf %mul3A_394, %bitcast3A_390 : vector<16xf32>
      %sub3A_396 = arith.constant 1.500000e+00 : f32
      %sub3A_397 = vector.broadcast %sub3A_396 : f32 to vector<16xf32>
      %sub3A_398 = arith.subf %sub3A_397, %mul3A_395 : vector<16xf32>
      %mul3A_399 = arith.mulf %bitcast3A_390, %sub3A_398 : vector<16xf32>
      %mul3A_400 = arith.constant 5.000000e-01 : f32
      %mul3A_401 = vector.broadcast %mul3A_400 : f32 to vector<16xf32>
      %mul3A_402 = arith.mulf %mul3A_401, %add3A_382 : vector<16xf32>
      %mul3A_403 = arith.mulf %mul3A_402, %mul3A_399 : vector<16xf32>
      %mul3A_404 = arith.mulf %mul3A_403, %mul3A_399 : vector<16xf32>
      %sub3A_405 = arith.constant 1.500000e+00 : f32
      %sub3A_406 = vector.broadcast %sub3A_405 : f32 to vector<16xf32>
      %sub3A_407 = arith.subf %sub3A_406, %mul3A_404 : vector<16xf32>
      %mul3A_408 = arith.mulf %mul3A_399, %sub3A_407 : vector<16xf32>
      %mul3A_409 = arith.constant 5.000000e-01 : f32
      %mul3A_410 = vector.broadcast %mul3A_409 : f32 to vector<16xf32>
      %mul3A_411 = arith.mulf %mul3A_410, %add3A_382 : vector<16xf32>
      %mul3A_412 = arith.mulf %mul3A_411, %mul3A_408 : vector<16xf32>
      %mul3A_413 = arith.mulf %mul3A_412, %mul3A_408 : vector<16xf32>
      %sub3A_414 = arith.constant 1.500000e+00 : f32
      %sub3A_415 = vector.broadcast %sub3A_414 : f32 to vector<16xf32>
      %sub3A_416 = arith.subf %sub3A_415, %mul3A_413 : vector<16xf32>
      %mul3A_417 = arith.mulf %mul3A_408, %sub3A_416 : vector<16xf32>
      %mul3A_418 = arith.mulf %add3A_382, %mul3A_417 : vector<16xf32>
      %sub3A_419 = arith.subf %get3A_83, %mul3A_418 : vector<16xf32>
      %exp3A_420 = math.exp %sub3A_419 : vector<16xf32>
      %add3A_421 = arith.constant 1.000000e+00 : f32
      %add3A_422 = vector.broadcast %add3A_421 : f32 to vector<16xf32>
      %add3A_423 = arith.addf %add3A_422, %exp3A_420 : vector<16xf32>
      %div3A_424 = arith.constant 1.000000e+00 : f32
      %div3A_425 = vector.broadcast %div3A_424 : f32 to vector<16xf32>
      %div3A_426 = arith.divf %div3A_425, %add3A_423 : vector<16xf32>
      %mul3A_427 = arith.mulf %mul3A_418, %div3A_426 : vector<16xf32>
      %le3A_428 = arith.constant 1.000000e+00 : f32
      %le3A_429 = vector.broadcast %le3A_428 : f32 to vector<16xf32>
      %le3A_430 = arith.cmpf ole, %mul3A_427, %le3A_429 : vector<16xf32>
      %select_n3A_431 = arith.select %le3A_430, %div3A_426, %mul3A_417 : vector<16xi1>, vector<16xf32>
      %mul3A_432 = arith.mulf %get3A_67, %select_n3A_431 : vector<16xf32>
      %broadcast_in_dim3A_433 = arith.constant 6 : i32
      %broadcast_in_dim3A_434 = vector.broadcast %broadcast_in_dim3A_433 : i32 to vector<16xi32>
      %gather3A_435 = tpu.vector_load_idx %arg7[%add3A_108, %broadcast_in_dim3A_434] : memref<1568x16xf32, #tpu.memory_space<vmem>>[vector<16xi32>, vector<16xi32>], vector<16xf32>,
      %mul3A_436 = arith.mulf %mul3A_432, %div3A_348 : vector<16xf32>
      %sub3A_437 = arith.subf %gather3A_435, %mul3A_436 : vector<16xf32>
      %broadcast_in_dim3A_438 = arith.constant 7 : i32
      %broadcast_in_dim3A_439 = vector.broadcast %broadcast_in_dim3A_438 : i32 to vector<16xi32>
      %gather3A_440 = tpu.vector_load_idx %arg7[%add3A_108, %broadcast_in_dim3A_439] : memref<1568x16xf32, #tpu.memory_space<vmem>>[vector<16xi32>, vector<16xi32>], vector<16xf32>,
      %mul3A_441 = arith.mulf %mul3A_432, %div3A_361 : vector<16xf32>
      %sub3A_442 = arith.subf %gather3A_440, %mul3A_441 : vector<16xf32>
      %broadcast_in_dim3A_443 = arith.constant 8 : i32
      %broadcast_in_dim3A_444 = vector.broadcast %broadcast_in_dim3A_443 : i32 to vector<16xi32>
      %gather3A_445 = tpu.vector_load_idx %arg7[%add3A_108, %broadcast_in_dim3A_444] : memref<1568x16xf32, #tpu.memory_space<vmem>>[vector<16xi32>, vector<16xi32>], vector<16xf32>,
      %mul3A_446 = arith.mulf %mul3A_432, %div3A_374 : vector<16xf32>
      %sub3A_447 = arith.subf %gather3A_445, %mul3A_446 : vector<16xf32>
      %broadcast_in_dim3A_448 = arith.constant 9 : i32
      %broadcast_in_dim3A_449 = vector.broadcast %broadcast_in_dim3A_448 : i32 to vector<16xi32>
      %gather3A_450 = tpu.vector_load_idx %arg8[%add3A_108, %broadcast_in_dim3A_449] : memref<1568x16xf32, #tpu.memory_space<vmem>>[vector<16xi32>, vector<16xi32>], vector<16xf32>,
      %broadcast_in_dim3A_451 = arith.constant 9 : i32
      %broadcast_in_dim3A_452 = vector.broadcast %broadcast_in_dim3A_451 : i32 to vector<16xi32>
      %gather3A_453 = tpu.vector_load_idx %arg9[%add3A_108, %broadcast_in_dim3A_452] : memref<1568x16xf32, #tpu.memory_space<vmem>>[vector<16xi32>, vector<16xi32>], vector<16xf32>,
      %add3A_454 = arith.addf %gather3A_450, %gather3A_453 : vector<16xf32>
      %broadcast_in_dim3A_455 = arith.constant 9 : i32
      %broadcast_in_dim3A_456 = vector.broadcast %broadcast_in_dim3A_455 : i32 to vector<16xi32>
      %gather3A_457 = tpu.vector_load_idx %arg7[%add3A_108, %broadcast_in_dim3A_456] : memref<1568x16xf32, #tpu.memory_space<vmem>>[vector<16xi32>, vector<16xi32>], vector<16xf32>,
      %mul3A_458 = arith.mulf %add3A_113, %gather3A_457 : vector<16xf32>
      %sub3A_459 = arith.subf %mul3A_458, %add3A_454 : vector<16xf32>
      %div3A_460 = arith.divf %sub3A_459, %max3A_115 : vector<16xf32>
      %broadcast_in_dim3A_461 = arith.constant 10 : i32
      %broadcast_in_dim3A_462 = vector.broadcast %broadcast_in_dim3A_461 : i32 to vector<16xi32>
      %gather3A_463 = tpu.vector_load_idx %arg8[%add3A_108, %broadcast_in_dim3A_462] : memref<1568x16xf32, #tpu.memory_space<vmem>>[vector<16xi32>, vector<16xi32>], vector<16xf32>,
      %broadcast_in_dim3A_464 = arith.constant 10 : i32
      %broadcast_in_dim3A_465 = vector.broadcast %broadcast_in_dim3A_464 : i32 to vector<16xi32>
      %gather3A_466 = tpu.vector_load_idx %arg9[%add3A_108, %broadcast_in_dim3A_465] : memref<1568x16xf32, #tpu.memory_space<vmem>>[vector<16xi32>, vector<16xi32>], vector<16xf32>,
      %add3A_467 = arith.addf %gather3A_463, %gather3A_466 : vector<16xf32>
      %broadcast_in_dim3A_468 = arith.constant 10 : i32
      %broadcast_in_dim3A_469 = vector.broadcast %broadcast_in_dim3A_468 : i32 to vector<16xi32>
      %gather3A_470 = tpu.vector_load_idx %arg7[%add3A_108, %broadcast_in_dim3A_469] : memref<1568x16xf32, #tpu.memory_space<vmem>>[vector<16xi32>, vector<16xi32>], vector<16xf32>,
      %mul3A_471 = arith.mulf %add3A_113, %gather3A_470 : vector<16xf32>
      %sub3A_472 = arith.subf %mul3A_471, %add3A_467 : vector<16xf32>
      %div3A_473 = arith.divf %sub3A_472, %max3A_115 : vector<16xf32>
      %broadcast_in_dim3A_474 = arith.constant 11 : i32
      %broadcast_in_dim3A_475 = vector.broadcast %broadcast_in_dim3A_474 : i32 to vector<16xi32>
      %gather3A_476 = tpu.vector_load_idx %arg8[%add3A_108, %broadcast_in_dim3A_475] : memref<1568x16xf32, #tpu.memory_space<vmem>>[vector<16xi32>, vector<16xi32>], vector<16xf32>,
      %broadcast_in_dim3A_477 = arith.constant 11 : i32
      %broadcast_in_dim3A_478 = vector.broadcast %broadcast_in_dim3A_477 : i32 to vector<16xi32>
      %gather3A_479 = tpu.vector_load_idx %arg9[%add3A_108, %broadcast_in_dim3A_478] : memref<1568x16xf32, #tpu.memory_space<vmem>>[vector<16xi32>, vector<16xi32>], vector<16xf32>,
      %add3A_480 = arith.addf %gather3A_476, %gather3A_479 : vector<16xf32>
      %broadcast_in_dim3A_481 = arith.constant 11 : i32
      %broadcast_in_dim3A_482 = vector.broadcast %broadcast_in_dim3A_481 : i32 to vector<16xi32>
      %gather3A_483 = tpu.vector_load_idx %arg7[%add3A_108, %broadcast_in_dim3A_482] : memref<1568x16xf32, #tpu.memory_space<vmem>>[vector<16xi32>, vector<16xi32>], vector<16xf32>,
      %mul3A_484 = arith.mulf %add3A_113, %gather3A_483 : vector<16xf32>
      %sub3A_485 = arith.subf %mul3A_484, %add3A_480 : vector<16xf32>
      %div3A_486 = arith.divf %sub3A_485, %max3A_115 : vector<16xf32>
      %mul3A_487 = arith.mulf %div3A_460, %div3A_460 : vector<16xf32>
      %mul3A_488 = arith.mulf %div3A_473, %div3A_473 : vector<16xf32>
      %add3A_489 = arith.addf %mul3A_487, %mul3A_488 : vector<16xf32>
      %mul3A_490 = arith.mulf %div3A_486, %div3A_486 : vector<16xf32>
      %add3A_491 = arith.addf %add3A_489, %mul3A_490 : vector<16xf32>
      %add3A_492 = arith.constant 2.22044605E-16 : f32
      %add3A_493 = vector.broadcast %add3A_492 : f32 to vector<16xf32>
      %add3A_494 = arith.addf %add3A_491, %add3A_493 : vector<16xf32>
      %bitcast3A_495 = vector.bitcast %add3A_494 : vector<16xf32> to vector<16xi32>
      %shift_right_arithmetic3A_496 = arith.constant 1 : i32
      %shift_right_arithmetic3A_497 = vector.broadcast %shift_right_arithmetic3A_496 : i32 to vector<16xi32>
      %shift_right_arithmetic3A_498 = arith.shrsi %bitcast3A_495, %shift_right_arithmetic3A_497 : vector<16xi32>
      %sub3A_499 = arith.constant 1597463007 : i32
      %sub3A_500 = vector.broadcast %sub3A_499 : i32 to vector<16xi32>
      %sub3A_501 = arith.subi %sub3A_500, %shift_right_arithmetic3A_498 : vector<16xi32>
      %bitcast3A_502 = vector.bitcast %sub3A_501 : vector<16xi32> to vector<16xf32>
      %mul3A_503 = arith.constant 5.000000e-01 : f32
      %mul3A_504 = vector.broadcast %mul3A_503 : f32 to vector<16xf32>
      %mul3A_505 = arith.mulf %mul3A_504, %add3A_494 : vector<16xf32>
      %mul3A_506 = arith.mulf %mul3A_505, %bitcast3A_502 : vector<16xf32>
      %mul3A_507 = arith.mulf %mul3A_506, %bitcast3A_502 : vector<16xf32>
      %sub3A_508 = arith.constant 1.500000e+00 : f32
      %sub3A_509 = vector.broadcast %sub3A_508 : f32 to vector<16xf32>
      %sub3A_510 = arith.subf %sub3A_509, %mul3A_507 : vector<16xf32>
      %mul3A_511 = arith.mulf %bitcast3A_502, %sub3A_510 : vector<16xf32>
      %mul3A_512 = arith.constant 5.000000e-01 : f32
      %mul3A_513 = vector.broadcast %mul3A_512 : f32 to vector<16xf32>
      %mul3A_514 = arith.mulf %mul3A_513, %add3A_494 : vector<16xf32>
      %mul3A_515 = arith.mulf %mul3A_514, %mul3A_511 : vector<16xf32>
      %mul3A_516 = arith.mulf %mul3A_515, %mul3A_511 : vector<16xf32>
      %sub3A_517 = arith.constant 1.500000e+00 : f32
      %sub3A_518 = vector.broadcast %sub3A_517 : f32 to vector<16xf32>
      %sub3A_519 = arith.subf %sub3A_518, %mul3A_516 : vector<16xf32>
      %mul3A_520 = arith.mulf %mul3A_511, %sub3A_519 : vector<16xf32>
      %mul3A_521 = arith.constant 5.000000e-01 : f32
      %mul3A_522 = vector.broadcast %mul3A_521 : f32 to vector<16xf32>
      %mul3A_523 = arith.mulf %mul3A_522, %add3A_494 : vector<16xf32>
      %mul3A_524 = arith.mulf %mul3A_523, %mul3A_520 : vector<16xf32>
      %mul3A_525 = arith.mulf %mul3A_524, %mul3A_520 : vector<16xf32>
      %sub3A_526 = arith.constant 1.500000e+00 : f32
      %sub3A_527 = vector.broadcast %sub3A_526 : f32 to vector<16xf32>
      %sub3A_528 = arith.subf %sub3A_527, %mul3A_525 : vector<16xf32>
      %mul3A_529 = arith.mulf %mul3A_520, %sub3A_528 : vector<16xf32>
      %mul3A_530 = arith.mulf %add3A_494, %mul3A_529 : vector<16xf32>
      %sub3A_531 = arith.subf %get3A_87, %mul3A_530 : vector<16xf32>
      %exp3A_532 = math.exp %sub3A_531 : vector<16xf32>
      %add3A_533 = arith.constant 1.000000e+00 : f32
      %add3A_534 = vector.broadcast %add3A_533 : f32 to vector<16xf32>
      %add3A_535 = arith.addf %add3A_534, %exp3A_532 : vector<16xf32>
      %div3A_536 = arith.constant 1.000000e+00 : f32
      %div3A_537 = vector.broadcast %div3A_536 : f32 to vector<16xf32>
      %div3A_538 = arith.divf %div3A_537, %add3A_535 : vector<16xf32>
      %mul3A_539 = arith.mulf %mul3A_530, %div3A_538 : vector<16xf32>
      %le3A_540 = arith.constant 1.000000e+00 : f32
      %le3A_541 = vector.broadcast %le3A_540 : f32 to vector<16xf32>
      %le3A_542 = arith.cmpf ole, %mul3A_539, %le3A_541 : vector<16xf32>
      %select_n3A_543 = arith.select %le3A_542, %div3A_538, %mul3A_529 : vector<16xi1>, vector<16xf32>
      %mul3A_544 = arith.mulf %get3A_71, %select_n3A_543 : vector<16xf32>
      %broadcast_in_dim3A_545 = arith.constant 9 : i32
      %broadcast_in_dim3A_546 = vector.broadcast %broadcast_in_dim3A_545 : i32 to vector<16xi32>
      %gather3A_547 = tpu.vector_load_idx %arg7[%add3A_108, %broadcast_in_dim3A_546] : memref<1568x16xf32, #tpu.memory_space<vmem>>[vector<16xi32>, vector<16xi32>], vector<16xf32>,
      %mul3A_548 = arith.mulf %mul3A_544, %div3A_460 : vector<16xf32>
      %sub3A_549 = arith.subf %gather3A_547, %mul3A_548 : vector<16xf32>
      %broadcast_in_dim3A_550 = arith.constant 10 : i32
      %broadcast_in_dim3A_551 = vector.broadcast %broadcast_in_dim3A_550 : i32 to vector<16xi32>
      %gather3A_552 = tpu.vector_load_idx %arg7[%add3A_108, %broadcast_in_dim3A_551] : memref<1568x16xf32, #tpu.memory_space<vmem>>[vector<16xi32>, vector<16xi32>], vector<16xf32>,
      %mul3A_553 = arith.mulf %mul3A_544, %div3A_473 : vector<16xf32>
      %sub3A_554 = arith.subf %gather3A_552, %mul3A_553 : vector<16xf32>
      %broadcast_in_dim3A_555 = arith.constant 11 : i32
      %broadcast_in_dim3A_556 = vector.broadcast %broadcast_in_dim3A_555 : i32 to vector<16xi32>
      %gather3A_557 = tpu.vector_load_idx %arg7[%add3A_108, %broadcast_in_dim3A_556] : memref<1568x16xf32, #tpu.memory_space<vmem>>[vector<16xi32>, vector<16xi32>], vector<16xf32>,
      %mul3A_558 = arith.mulf %mul3A_544, %div3A_486 : vector<16xf32>
      %sub3A_559 = arith.subf %gather3A_557, %mul3A_558 : vector<16xf32>
      %broadcast_in_dim3A_560 = arith.constant 0 : i32
      %broadcast_in_dim3A_561 = vector.broadcast %broadcast_in_dim3A_560 : i32 to vector<16xi32>
      tpu.vector_store_idx %arg10[%add3A_108, %broadcast_in_dim3A_561], %sub3A_213 : memref<1568x12xf32, #tpu.memory_space<vmem>>[vector<16xi32>, vector<16xi32>], vector<16xf32>,
      %broadcast_in_dim3A_562 = arith.constant 1 : i32
      %broadcast_in_dim3A_563 = vector.broadcast %broadcast_in_dim3A_562 : i32 to vector<16xi32>
      tpu.vector_store_idx %arg10[%add3A_108, %broadcast_in_dim3A_563], %sub3A_218 : memref<1568x12xf32, #tpu.memory_space<vmem>>[vector<16xi32>, vector<16xi32>], vector<16xf32>,
      %broadcast_in_dim3A_564 = arith.constant 2 : i32
      %broadcast_in_dim3A_565 = vector.broadcast %broadcast_in_dim3A_564 : i32 to vector<16xi32>
      tpu.vector_store_idx %arg10[%add3A_108, %broadcast_in_dim3A_565], %sub3A_223 : memref<1568x12xf32, #tpu.memory_space<vmem>>[vector<16xi32>, vector<16xi32>], vector<16xf32>,
      %broadcast_in_dim3A_566 = arith.constant 3 : i32
      %broadcast_in_dim3A_567 = vector.broadcast %broadcast_in_dim3A_566 : i32 to vector<16xi32>
      tpu.vector_store_idx %arg10[%add3A_108, %broadcast_in_dim3A_567], %sub3A_325 : memref<1568x12xf32, #tpu.memory_space<vmem>>[vector<16xi32>, vector<16xi32>], vector<16xf32>,
      %broadcast_in_dim3A_568 = arith.constant 4 : i32
      %broadcast_in_dim3A_569 = vector.broadcast %broadcast_in_dim3A_568 : i32 to vector<16xi32>
      tpu.vector_store_idx %arg10[%add3A_108, %broadcast_in_dim3A_569], %sub3A_330 : memref<1568x12xf32, #tpu.memory_space<vmem>>[vector<16xi32>, vector<16xi32>], vector<16xf32>,
      %broadcast_in_dim3A_570 = arith.constant 5 : i32
      %broadcast_in_dim3A_571 = vector.broadcast %broadcast_in_dim3A_570 : i32 to vector<16xi32>
      tpu.vector_store_idx %arg10[%add3A_108, %broadcast_in_dim3A_571], %sub3A_335 : memref<1568x12xf32, #tpu.memory_space<vmem>>[vector<16xi32>, vector<16xi32>], vector<16xf32>,
      %broadcast_in_dim3A_572 = arith.constant 6 : i32
      %broadcast_in_dim3A_573 = vector.broadcast %broadcast_in_dim3A_572 : i32 to vector<16xi32>
      tpu.vector_store_idx %arg10[%add3A_108, %broadcast_in_dim3A_573], %sub3A_437 : memref<1568x12xf32, #tpu.memory_space<vmem>>[vector<16xi32>, vector<16xi32>], vector<16xf32>,
      %broadcast_in_dim3A_574 = arith.constant 7 : i32
      %broadcast_in_dim3A_575 = vector.broadcast %broadcast_in_dim3A_574 : i32 to vector<16xi32>
      tpu.vector_store_idx %arg10[%add3A_108, %broadcast_in_dim3A_575], %sub3A_442 : memref<1568x12xf32, #tpu.memory_space<vmem>>[vector<16xi32>, vector<16xi32>], vector<16xf32>,
      %broadcast_in_dim3A_576 = arith.constant 8 : i32
      %broadcast_in_dim3A_577 = vector.broadcast %broadcast_in_dim3A_576 : i32 to vector<16xi32>
      tpu.vector_store_idx %arg10[%add3A_108, %broadcast_in_dim3A_577], %sub3A_447 : memref<1568x12xf32, #tpu.memory_space<vmem>>[vector<16xi32>, vector<16xi32>], vector<16xf32>,
      %broadcast_in_dim3A_578 = arith.constant 9 : i32
      %broadcast_in_dim3A_579 = vector.broadcast %broadcast_in_dim3A_578 : i32 to vector<16xi32>
      tpu.vector_store_idx %arg10[%add3A_108, %broadcast_in_dim3A_579], %sub3A_549 : memref<1568x12xf32, #tpu.memory_space<vmem>>[vector<16xi32>, vector<16xi32>], vector<16xf32>,
      %broadcast_in_dim3A_580 = arith.constant 10 : i32
      %broadcast_in_dim3A_581 = vector.broadcast %broadcast_in_dim3A_580 : i32 to vector<16xi32>
      tpu.vector_store_idx %arg10[%add3A_108, %broadcast_in_dim3A_581], %sub3A_554 : memref<1568x12xf32, #tpu.memory_space<vmem>>[vector<16xi32>, vector<16xi32>], vector<16xf32>,
      %broadcast_in_dim3A_582 = arith.constant 11 : i32
      %broadcast_in_dim3A_583 = vector.broadcast %broadcast_in_dim3A_582 : i32 to vector<16xi32>
      tpu.vector_store_idx %arg10[%add3A_108, %broadcast_in_dim3A_583], %sub3A_559 : memref<1568x12xf32, #tpu.memory_space<vmem>>[vector<16xi32>, vector<16xi32>], vector<16xf32>,
    }
    %while3A_96 = arith.constant 1 : i32
    scf.for %while3A_104 = %while3A_94 to %while3A_90 step %while3A_96  : i32 {
      %mul3A_105 = arith.constant 16 : i32
      %mul3A_106 = arith.muli %while3A_104, %mul3A_105 : i32
      %add3A_107 = vector.broadcast %mul3A_106 : i32 to vector<16xi32>
      %add3A_108 = arith.addi %add3A_107, %iota3A : vector<16xi32>
      %broadcast_in_dim3A = arith.constant 12 : i32
      %broadcast_in_dim3A_109 = vector.broadcast %broadcast_in_dim3A : i32 to vector<16xi32>
      %gather3A = tpu.vector_load_idx %arg8[%add3A_108, %broadcast_in_dim3A_109] : memref<1568x16xf32, #tpu.memory_space<vmem>>[vector<16xi32>, vector<16xi32>], vector<16xf32>,
      %broadcast_in_dim3A_110 = arith.constant 12 : i32
      %broadcast_in_dim3A_111 = vector.broadcast %broadcast_in_dim3A_110 : i32 to vector<16xi32>
      %gather3A_112 = tpu.vector_load_idx %arg9[%add3A_108, %broadcast_in_dim3A_111] : memref<1568x16xf32, #tpu.memory_space<vmem>>[vector<16xi32>, vector<16xi32>], vector<16xf32>,
      %add3A_113 = arith.addf %gather3A, %gather3A_112 : vector<16xf32>
      %max3A = arith.constant 1.000000e+00 : f32
      %max3A_114 = vector.broadcast %max3A : f32 to vector<16xf32>
      %max3A_115 = arith.maximumf %add3A_113, %max3A_114 : vector<16xf32>
      %broadcast_in_dim3A_116 = arith.constant 0 : i32
      %broadcast_in_dim3A_117 = vector.broadcast %broadcast_in_dim3A_116 : i32 to vector<16xi32>
      %gather3A_118 = tpu.vector_load_idx %arg8[%add3A_108, %broadcast_in_dim3A_117] : memref<1568x16xf32, #tpu.memory_space<vmem>>[vector<16xi32>, vector<16xi32>], vector<16xf32>,
      %broadcast_in_dim3A_119 = arith.constant 0 : i32
      %broadcast_in_dim3A_120 = vector.broadcast %broadcast_in_dim3A_119 : i32 to vector<16xi32>
      %gather3A_121 = tpu.vector_load_idx %arg9[%add3A_108, %broadcast_in_dim3A_120] : memref<1568x16xf32, #tpu.memory_space<vmem>>[vector<16xi32>, vector<16xi32>], vector<16xf32>,
      %add3A_122 = arith.addf %gather3A_118, %gather3A_121 : vector<16xf32>
      %broadcast_in_dim3A_123 = arith.constant 0 : i32
      %broadcast_in_dim3A_124 = vector.broadcast %broadcast_in_dim3A_123 : i32 to vector<16xi32>
      %gather3A_125 = tpu.vector_load_idx %arg7[%add3A_108, %broadcast_in_dim3A_124] : memref<1568x16xf32, #tpu.memory_space<vmem>>[vector<16xi32>, vector<16xi32>], vector<16xf32>,
      %mul3A_126 = arith.mulf %add3A_113, %gather3A_125 : vector<16xf32>
      %sub3A_127 = arith.subf %mul3A_126, %add3A_122 : vector<16xf32>
      %div3A_128 = arith.divf %sub3A_127, %max3A_115 : vector<16xf32>
      %broadcast_in_dim3A_129 = arith.constant 1 : i32
      %broadcast_in_dim3A_130 = vector.broadcast %broadcast_in_dim3A_129 : i32 to vector<16xi32>
      %gather3A_131 = tpu.vector_load_idx %arg8[%add3A_108, %broadcast_in_dim3A_130] : memref<1568x16xf32, #tpu.memory_space<vmem>>[vector<16xi32>, vector<16xi32>], vector<16xf32>,
      %broadcast_in_dim3A_132 = arith.constant 1 : i32
      %broadcast_in_dim3A_133 = vector.broadcast %broadcast_in_dim3A_132 : i32 to vector<16xi32>
      %gather3A_134 = tpu.vector_load_idx %arg9[%add3A_108, %broadcast_in_dim3A_133] : memref<1568x16xf32, #tpu.memory_space<vmem>>[vector<16xi32>, vector<16xi32>], vector<16xf32>,
      %add3A_135 = arith.addf %gather3A_131, %gather3A_134 : vector<16xf32>
      %broadcast_in_dim3A_136 = arith.constant 1 : i32
      %broadcast_in_dim3A_137 = vector.broadcast %broadcast_in_dim3A_136 : i32 to vector<16xi32>
      %gather3A_138 = tpu.vector_load_idx %arg7[%add3A_108, %broadcast_in_dim3A_137] : memref<1568x16xf32, #tpu.memory_space<vmem>>[vector<16xi32>, vector<16xi32>], vector<16xf32>,
      %mul3A_139 = arith.mulf %add3A_113, %gather3A_138 : vector<16xf32>
      %sub3A_140 = arith.subf %mul3A_139, %add3A_135 : vector<16xf32>
      %div3A_141 = arith.divf %sub3A_140, %max3A_115 : vector<16xf32>
      %broadcast_in_dim3A_142 = arith.constant 2 : i32
      %broadcast_in_dim3A_143 = vector.broadcast %broadcast_in_dim3A_142 : i32 to vector<16xi32>
      %gather3A_144 = tpu.vector_load_idx %arg8[%add3A_108, %broadcast_in_dim3A_143] : memref<1568x16xf32, #tpu.memory_space<vmem>>[vector<16xi32>, vector<16xi32>], vector<16xf32>,
      %broadcast_in_dim3A_145 = arith.constant 2 : i32
      %broadcast_in_dim3A_146 = vector.broadcast %broadcast_in_dim3A_145 : i32 to vector<16xi32>
      %gather3A_147 = tpu.vector_load_idx %arg9[%add3A_108, %broadcast_in_dim3A_146] : memref<1568x16xf32, #tpu.memory_space<vmem>>[vector<16xi32>, vector<16xi32>], vector<16xf32>,
      %add3A_148 = arith.addf %gather3A_144, %gather3A_147 : vector<16xf32>
      %broadcast_in_dim3A_149 = arith.constant 2 : i32
      %broadcast_in_dim3A_150 = vector.broadcast %broadcast_in_dim3A_149 : i32 to vector<16xi32>
      %gather3A_151 = tpu.vector_load_idx %arg7[%add3A_108, %broadcast_in_dim3A_150] : memref<1568x16xf32, #tpu.memory_space<vmem>>[vector<16xi32>, vector<16xi32>], vector<16xf32>,
      %mul3A_152 = arith.mulf %add3A_113, %gather3A_151 : vector<16xf32>
      %sub3A_153 = arith.subf %mul3A_152, %add3A_148 : vector<16xf32>
      %div3A_154 = arith.divf %sub3A_153, %max3A_115 : vector<16xf32>
      %mul3A_155 = arith.mulf %div3A_128, %div3A_128 : vector<16xf32>
      %mul3A_156 = arith.mulf %div3A_141, %div3A_141 : vector<16xf32>
      %add3A_157 = arith.addf %mul3A_155, %mul3A_156 : vector<16xf32>
      %mul3A_158 = arith.mulf %div3A_154, %div3A_154 : vector<16xf32>
      %add3A_159 = arith.addf %add3A_157, %mul3A_158 : vector<16xf32>
      %add3A_160 = arith.constant 2.22044605E-16 : f32
      %add3A_161 = vector.broadcast %add3A_160 : f32 to vector<16xf32>
      %add3A_162 = arith.addf %add3A_159, %add3A_161 : vector<16xf32>
      %bitcast3A = vector.bitcast %add3A_162 : vector<16xf32> to vector<16xi32>
      %shift_right_arithmetic3A = arith.constant 1 : i32
      %shift_right_arithmetic3A_163 = vector.broadcast %shift_right_arithmetic3A : i32 to vector<16xi32>
      %shift_right_arithmetic3A_164 = arith.shrsi %bitcast3A, %shift_right_arithmetic3A_163 : vector<16xi32>
      %sub3A_165 = arith.constant 1597463007 : i32
      %sub3A_166 = vector.broadcast %sub3A_165 : i32 to vector<16xi32>
      %sub3A_167 = arith.subi %sub3A_166, %shift_right_arithmetic3A_164 : vector<16xi32>
      %bitcast3A_168 = vector.bitcast %sub3A_167 : vector<16xi32> to vector<16xf32>
      %mul3A_169 = arith.constant 5.000000e-01 : f32
      %mul3A_170 = vector.broadcast %mul3A_169 : f32 to vector<16xf32>
      %mul3A_171 = arith.mulf %mul3A_170, %add3A_162 : vector<16xf32>
      %mul3A_172 = arith.mulf %mul3A_171, %bitcast3A_168 : vector<16xf32>
      %mul3A_173 = arith.mulf %mul3A_172, %bitcast3A_168 : vector<16xf32>
      %sub3A_174 = arith.constant 1.500000e+00 : f32
      %sub3A_175 = vector.broadcast %sub3A_174 : f32 to vector<16xf32>
      %sub3A_176 = arith.subf %sub3A_175, %mul3A_173 : vector<16xf32>
      %mul3A_177 = arith.mulf %bitcast3A_168, %sub3A_176 : vector<16xf32>
      %mul3A_178 = arith.constant 5.000000e-01 : f32
      %mul3A_179 = vector.broadcast %mul3A_178 : f32 to vector<16xf32>
      %mul3A_180 = arith.mulf %mul3A_179, %add3A_162 : vector<16xf32>
      %mul3A_181 = arith.mulf %mul3A_180, %mul3A_177 : vector<16xf32>
      %mul3A_182 = arith.mulf %mul3A_181, %mul3A_177 : vector<16xf32>
      %sub3A_183 = arith.constant 1.500000e+00 : f32
      %sub3A_184 = vector.broadcast %sub3A_183 : f32 to vector<16xf32>
      %sub3A_185 = arith.subf %sub3A_184, %mul3A_182 : vector<16xf32>
      %mul3A_186 = arith.mulf %mul3A_177, %sub3A_185 : vector<16xf32>
      %mul3A_187 = arith.constant 5.000000e-01 : f32
      %mul3A_188 = vector.broadcast %mul3A_187 : f32 to vector<16xf32>
      %mul3A_189 = arith.mulf %mul3A_188, %add3A_162 : vector<16xf32>
      %mul3A_190 = arith.mulf %mul3A_189, %mul3A_186 : vector<16xf32>
      %mul3A_191 = arith.mulf %mul3A_190, %mul3A_186 : vector<16xf32>
      %sub3A_192 = arith.constant 1.500000e+00 : f32
      %sub3A_193 = vector.broadcast %sub3A_192 : f32 to vector<16xf32>
      %sub3A_194 = arith.subf %sub3A_193, %mul3A_191 : vector<16xf32>
      %mul3A_195 = arith.mulf %mul3A_186, %sub3A_194 : vector<16xf32>
      %mul3A_196 = arith.mulf %add3A_162, %mul3A_195 : vector<16xf32>
      %sub3A_197 = arith.subf %get3A_75, %mul3A_196 : vector<16xf32>
      %exp3A = math.exp %sub3A_197 : vector<16xf32>
      %add3A_198 = arith.constant 1.000000e+00 : f32
      %add3A_199 = vector.broadcast %add3A_198 : f32 to vector<16xf32>
      %add3A_200 = arith.addf %add3A_199, %exp3A : vector<16xf32>
      %div3A_201 = arith.constant 1.000000e+00 : f32
      %div3A_202 = vector.broadcast %div3A_201 : f32 to vector<16xf32>
      %div3A_203 = arith.divf %div3A_202, %add3A_200 : vector<16xf32>
      %mul3A_204 = arith.mulf %mul3A_196, %div3A_203 : vector<16xf32>
      %le3A = arith.constant 1.000000e+00 : f32
      %le3A_205 = vector.broadcast %le3A : f32 to vector<16xf32>
      %le3A_206 = arith.cmpf ole, %mul3A_204, %le3A_205 : vector<16xf32>
      %select_n3A_207 = arith.select %le3A_206, %div3A_203, %mul3A_195 : vector<16xi1>, vector<16xf32>
      %mul3A_208 = arith.mulf %get3A_59, %select_n3A_207 : vector<16xf32>
      %broadcast_in_dim3A_209 = arith.constant 0 : i32
      %broadcast_in_dim3A_210 = vector.broadcast %broadcast_in_dim3A_209 : i32 to vector<16xi32>
      %gather3A_211 = tpu.vector_load_idx %arg7[%add3A_108, %broadcast_in_dim3A_210] : memref<1568x16xf32, #tpu.memory_space<vmem>>[vector<16xi32>, vector<16xi32>], vector<16xf32>,
      %mul3A_212 = arith.mulf %mul3A_208, %div3A_128 : vector<16xf32>
      %sub3A_213 = arith.subf %gather3A_211, %mul3A_212 : vector<16xf32>
      %broadcast_in_dim3A_214 = arith.constant 1 : i32
      %broadcast_in_dim3A_215 = vector.broadcast %broadcast_in_dim3A_214 : i32 to vector<16xi32>
      %gather3A_216 = tpu.vector_load_idx %arg7[%add3A_108, %broadcast_in_dim3A_215] : memref<1568x16xf32, #tpu.memory_space<vmem>>[vector<16xi32>, vector<16xi32>], vector<16xf32>,
      %mul3A_217 = arith.mulf %mul3A_208, %div3A_141 : vector<16xf32>
      %sub3A_218 = arith.subf %gather3A_216, %mul3A_217 : vector<16xf32>
      %broadcast_in_dim3A_219 = arith.constant 2 : i32
      %broadcast_in_dim3A_220 = vector.broadcast %broadcast_in_dim3A_219 : i32 to vector<16xi32>
      %gather3A_221 = tpu.vector_load_idx %arg7[%add3A_108, %broadcast_in_dim3A_220] : memref<1568x16xf32, #tpu.memory_space<vmem>>[vector<16xi32>, vector<16xi32>], vector<16xf32>,
      %mul3A_222 = arith.mulf %mul3A_208, %div3A_154 : vector<16xf32>
      %sub3A_223 = arith.subf %gather3A_221, %mul3A_222 : vector<16xf32>
      %broadcast_in_dim3A_224 = arith.constant 3 : i32
      %broadcast_in_dim3A_225 = vector.broadcast %broadcast_in_dim3A_224 : i32 to vector<16xi32>
      %gather3A_226 = tpu.vector_load_idx %arg8[%add3A_108, %broadcast_in_dim3A_225] : memref<1568x16xf32, #tpu.memory_space<vmem>>[vector<16xi32>, vector<16xi32>], vector<16xf32>,
      %broadcast_in_dim3A_227 = arith.constant 3 : i32
      %broadcast_in_dim3A_228 = vector.broadcast %broadcast_in_dim3A_227 : i32 to vector<16xi32>
      %gather3A_229 = tpu.vector_load_idx %arg9[%add3A_108, %broadcast_in_dim3A_228] : memref<1568x16xf32, #tpu.memory_space<vmem>>[vector<16xi32>, vector<16xi32>], vector<16xf32>,
      %add3A_230 = arith.addf %gather3A_226, %gather3A_229 : vector<16xf32>
      %broadcast_in_dim3A_231 = arith.constant 3 : i32
      %broadcast_in_dim3A_232 = vector.broadcast %broadcast_in_dim3A_231 : i32 to vector<16xi32>
      %gather3A_233 = tpu.vector_load_idx %arg7[%add3A_108, %broadcast_in_dim3A_232] : memref<1568x16xf32, #tpu.memory_space<vmem>>[vector<16xi32>, vector<16xi32>], vector<16xf32>,
      %mul3A_234 = arith.mulf %add3A_113, %gather3A_233 : vector<16xf32>
      %sub3A_235 = arith.subf %mul3A_234, %add3A_230 : vector<16xf32>
      %div3A_236 = arith.divf %sub3A_235, %max3A_115 : vector<16xf32>
      %broadcast_in_dim3A_237 = arith.constant 4 : i32
      %broadcast_in_dim3A_238 = vector.broadcast %broadcast_in_dim3A_237 : i32 to vector<16xi32>
      %gather3A_239 = tpu.vector_load_idx %arg8[%add3A_108, %broadcast_in_dim3A_238] : memref<1568x16xf32, #tpu.memory_space<vmem>>[vector<16xi32>, vector<16xi32>], vector<16xf32>,
      %broadcast_in_dim3A_240 = arith.constant 4 : i32
      %broadcast_in_dim3A_241 = vector.broadcast %broadcast_in_dim3A_240 : i32 to vector<16xi32>
      %gather3A_242 = tpu.vector_load_idx %arg9[%add3A_108, %broadcast_in_dim3A_241] : memref<1568x16xf32, #tpu.memory_space<vmem>>[vector<16xi32>, vector<16xi32>], vector<16xf32>,
      %add3A_243 = arith.addf %gather3A_239, %gather3A_242 : vector<16xf32>
      %broadcast_in_dim3A_244 = arith.constant 4 : i32
      %broadcast_in_dim3A_245 = vector.broadcast %broadcast_in_dim3A_244 : i32 to vector<16xi32>
      %gather3A_246 = tpu.vector_load_idx %arg7[%add3A_108, %broadcast_in_dim3A_245] : memref<1568x16xf32, #tpu.memory_space<vmem>>[vector<16xi32>, vector<16xi32>], vector<16xf32>,
      %mul3A_247 = arith.mulf %add3A_113, %gather3A_246 : vector<16xf32>
      %sub3A_248 = arith.subf %mul3A_247, %add3A_243 : vector<16xf32>
      %div3A_249 = arith.divf %sub3A_248, %max3A_115 : vector<16xf32>
      %broadcast_in_dim3A_250 = arith.constant 5 : i32
      %broadcast_in_dim3A_251 = vector.broadcast %broadcast_in_dim3A_250 : i32 to vector<16xi32>
      %gather3A_252 = tpu.vector_load_idx %arg8[%add3A_108, %broadcast_in_dim3A_251] : memref<1568x16xf32, #tpu.memory_space<vmem>>[vector<16xi32>, vector<16xi32>], vector<16xf32>,
      %broadcast_in_dim3A_253 = arith.constant 5 : i32
      %broadcast_in_dim3A_254 = vector.broadcast %broadcast_in_dim3A_253 : i32 to vector<16xi32>
      %gather3A_255 = tpu.vector_load_idx %arg9[%add3A_108, %broadcast_in_dim3A_254] : memref<1568x16xf32, #tpu.memory_space<vmem>>[vector<16xi32>, vector<16xi32>], vector<16xf32>,
      %add3A_256 = arith.addf %gather3A_252, %gather3A_255 : vector<16xf32>
      %broadcast_in_dim3A_257 = arith.constant 5 : i32
      %broadcast_in_dim3A_258 = vector.broadcast %broadcast_in_dim3A_257 : i32 to vector<16xi32>
      %gather3A_259 = tpu.vector_load_idx %arg7[%add3A_108, %broadcast_in_dim3A_258] : memref<1568x16xf32, #tpu.memory_space<vmem>>[vector<16xi32>, vector<16xi32>], vector<16xf32>,
      %mul3A_260 = arith.mulf %add3A_113, %gather3A_259 : vector<16xf32>
      %sub3A_261 = arith.subf %mul3A_260, %add3A_256 : vector<16xf32>
      %div3A_262 = arith.divf %sub3A_261, %max3A_115 : vector<16xf32>
      %mul3A_263 = arith.mulf %div3A_236, %div3A_236 : vector<16xf32>
      %mul3A_264 = arith.mulf %div3A_249, %div3A_249 : vector<16xf32>
      %add3A_265 = arith.addf %mul3A_263, %mul3A_264 : vector<16xf32>
      %mul3A_266 = arith.mulf %div3A_262, %div3A_262 : vector<16xf32>
      %add3A_267 = arith.addf %add3A_265, %mul3A_266 : vector<16xf32>
      %add3A_268 = arith.constant 2.22044605E-16 : f32
      %add3A_269 = vector.broadcast %add3A_268 : f32 to vector<16xf32>
      %add3A_270 = arith.addf %add3A_267, %add3A_269 : vector<16xf32>
      %bitcast3A_271 = vector.bitcast %add3A_270 : vector<16xf32> to vector<16xi32>
      %shift_right_arithmetic3A_272 = arith.constant 1 : i32
      %shift_right_arithmetic3A_273 = vector.broadcast %shift_right_arithmetic3A_272 : i32 to vector<16xi32>
      %shift_right_arithmetic3A_274 = arith.shrsi %bitcast3A_271, %shift_right_arithmetic3A_273 : vector<16xi32>
      %sub3A_275 = arith.constant 1597463007 : i32
      %sub3A_276 = vector.broadcast %sub3A_275 : i32 to vector<16xi32>
      %sub3A_277 = arith.subi %sub3A_276, %shift_right_arithmetic3A_274 : vector<16xi32>
      %bitcast3A_278 = vector.bitcast %sub3A_277 : vector<16xi32> to vector<16xf32>
      %mul3A_279 = arith.constant 5.000000e-01 : f32
      %mul3A_280 = vector.broadcast %mul3A_279 : f32 to vector<16xf32>
      %mul3A_281 = arith.mulf %mul3A_280, %add3A_270 : vector<16xf32>
      %mul3A_282 = arith.mulf %mul3A_281, %bitcast3A_278 : vector<16xf32>
      %mul3A_283 = arith.mulf %mul3A_282, %bitcast3A_278 : vector<16xf32>
      %sub3A_284 = arith.constant 1.500000e+00 : f32
      %sub3A_285 = vector.broadcast %sub3A_284 : f32 to vector<16xf32>
      %sub3A_286 = arith.subf %sub3A_285, %mul3A_283 : vector<16xf32>
      %mul3A_287 = arith.mulf %bitcast3A_278, %sub3A_286 : vector<16xf32>
      %mul3A_288 = arith.constant 5.000000e-01 : f32
      %mul3A_289 = vector.broadcast %mul3A_288 : f32 to vector<16xf32>
      %mul3A_290 = arith.mulf %mul3A_289, %add3A_270 : vector<16xf32>
      %mul3A_291 = arith.mulf %mul3A_290, %mul3A_287 : vector<16xf32>
      %mul3A_292 = arith.mulf %mul3A_291, %mul3A_287 : vector<16xf32>
      %sub3A_293 = arith.constant 1.500000e+00 : f32
      %sub3A_294 = vector.broadcast %sub3A_293 : f32 to vector<16xf32>
      %sub3A_295 = arith.subf %sub3A_294, %mul3A_292 : vector<16xf32>
      %mul3A_296 = arith.mulf %mul3A_287, %sub3A_295 : vector<16xf32>
      %mul3A_297 = arith.constant 5.000000e-01 : f32
      %mul3A_298 = vector.broadcast %mul3A_297 : f32 to vector<16xf32>
      %mul3A_299 = arith.mulf %mul3A_298, %add3A_270 : vector<16xf32>
      %mul3A_300 = arith.mulf %mul3A_299, %mul3A_296 : vector<16xf32>
      %mul3A_301 = arith.mulf %mul3A_300, %mul3A_296 : vector<16xf32>
      %sub3A_302 = arith.constant 1.500000e+00 : f32
      %sub3A_303 = vector.broadcast %sub3A_302 : f32 to vector<16xf32>
      %sub3A_304 = arith.subf %sub3A_303, %mul3A_301 : vector<16xf32>
      %mul3A_305 = arith.mulf %mul3A_296, %sub3A_304 : vector<16xf32>
      %mul3A_306 = arith.mulf %add3A_270, %mul3A_305 : vector<16xf32>
      %sub3A_307 = arith.subf %get3A_79, %mul3A_306 : vector<16xf32>
      %exp3A_308 = math.exp %sub3A_307 : vector<16xf32>
      %add3A_309 = arith.constant 1.000000e+00 : f32
      %add3A_310 = vector.broadcast %add3A_309 : f32 to vector<16xf32>
      %add3A_311 = arith.addf %add3A_310, %exp3A_308 : vector<16xf32>
      %div3A_312 = arith.constant 1.000000e+00 : f32
      %div3A_313 = vector.broadcast %div3A_312 : f32 to vector<16xf32>
      %div3A_314 = arith.divf %div3A_313, %add3A_311 : vector<16xf32>
      %mul3A_315 = arith.mulf %mul3A_306, %div3A_314 : vector<16xf32>
      %le3A_316 = arith.constant 1.000000e+00 : f32
      %le3A_317 = vector.broadcast %le3A_316 : f32 to vector<16xf32>
      %le3A_318 = arith.cmpf ole, %mul3A_315, %le3A_317 : vector<16xf32>
      %select_n3A_319 = arith.select %le3A_318, %div3A_314, %mul3A_305 : vector<16xi1>, vector<16xf32>
      %mul3A_320 = arith.mulf %get3A_63, %select_n3A_319 : vector<16xf32>
      %broadcast_in_dim3A_321 = arith.constant 3 : i32
      %broadcast_in_dim3A_322 = vector.broadcast %broadcast_in_dim3A_321 : i32 to vector<16xi32>
      %gather3A_323 = tpu.vector_load_idx %arg7[%add3A_108, %broadcast_in_dim3A_322] : memref<1568x16xf32, #tpu.memory_space<vmem>>[vector<16xi32>, vector<16xi32>], vector<16xf32>,
      %mul3A_324 = arith.mulf %mul3A_320, %div3A_236 : vector<16xf32>
      %sub3A_325 = arith.subf %gather3A_323, %mul3A_324 : vector<16xf32>
      %broadcast_in_dim3A_326 = arith.constant 4 : i32
      %broadcast_in_dim3A_327 = vector.broadcast %broadcast_in_dim3A_326 : i32 to vector<16xi32>
      %gather3A_328 = tpu.vector_load_idx %arg7[%add3A_108, %broadcast_in_dim3A_327] : memref<1568x16xf32, #tpu.memory_space<vmem>>[vector<16xi32>, vector<16xi32>], vector<16xf32>,
      %mul3A_329 = arith.mulf %mul3A_320, %div3A_249 : vector<16xf32>
      %sub3A_330 = arith.subf %gather3A_328, %mul3A_329 : vector<16xf32>
      %broadcast_in_dim3A_331 = arith.constant 5 : i32
      %broadcast_in_dim3A_332 = vector.broadcast %broadcast_in_dim3A_331 : i32 to vector<16xi32>
      %gather3A_333 = tpu.vector_load_idx %arg7[%add3A_108, %broadcast_in_dim3A_332] : memref<1568x16xf32, #tpu.memory_space<vmem>>[vector<16xi32>, vector<16xi32>], vector<16xf32>,
      %mul3A_334 = arith.mulf %mul3A_320, %div3A_262 : vector<16xf32>
      %sub3A_335 = arith.subf %gather3A_333, %mul3A_334 : vector<16xf32>
      %broadcast_in_dim3A_336 = arith.constant 6 : i32
      %broadcast_in_dim3A_337 = vector.broadcast %broadcast_in_dim3A_336 : i32 to vector<16xi32>
      %gather3A_338 = tpu.vector_load_idx %arg8[%add3A_108, %broadcast_in_dim3A_337] : memref<1568x16xf32, #tpu.memory_space<vmem>>[vector<16xi32>, vector<16xi32>], vector<16xf32>,
      %broadcast_in_dim3A_339 = arith.constant 6 : i32
      %broadcast_in_dim3A_340 = vector.broadcast %broadcast_in_dim3A_339 : i32 to vector<16xi32>
      %gather3A_341 = tpu.vector_load_idx %arg9[%add3A_108, %broadcast_in_dim3A_340] : memref<1568x16xf32, #tpu.memory_space<vmem>>[vector<16xi32>, vector<16xi32>], vector<16xf32>,
      %add3A_342 = arith.addf %gather3A_338, %gather3A_341 : vector<16xf32>
      %broadcast_in_dim3A_343 = arith.constant 6 : i32
      %broadcast_in_dim3A_344 = vector.broadcast %broadcast_in_dim3A_343 : i32 to vector<16xi32>
      %gather3A_345 = tpu.vector_load_idx %arg7[%add3A_108, %broadcast_in_dim3A_344] : memref<1568x16xf32, #tpu.memory_space<vmem>>[vector<16xi32>, vector<16xi32>], vector<16xf32>,
      %mul3A_346 = arith.mulf %add3A_113, %gather3A_345 : vector<16xf32>
      %sub3A_347 = arith.subf %mul3A_346, %add3A_342 : vector<16xf32>
      %div3A_348 = arith.divf %sub3A_347, %max3A_115 : vector<16xf32>
      %broadcast_in_dim3A_349 = arith.constant 7 : i32
      %broadcast_in_dim3A_350 = vector.broadcast %broadcast_in_dim3A_349 : i32 to vector<16xi32>
      %gather3A_351 = tpu.vector_load_idx %arg8[%add3A_108, %broadcast_in_dim3A_350] : memref<1568x16xf32, #tpu.memory_space<vmem>>[vector<16xi32>, vector<16xi32>], vector<16xf32>,
      %broadcast_in_dim3A_352 = arith.constant 7 : i32
      %broadcast_in_dim3A_353 = vector.broadcast %broadcast_in_dim3A_352 : i32 to vector<16xi32>
      %gather3A_354 = tpu.vector_load_idx %arg9[%add3A_108, %broadcast_in_dim3A_353] : memref<1568x16xf32, #tpu.memory_space<vmem>>[vector<16xi32>, vector<16xi32>], vector<16xf32>,
      %add3A_355 = arith.addf %gather3A_351, %gather3A_354 : vector<16xf32>
      %broadcast_in_dim3A_356 = arith.constant 7 : i32
      %broadcast_in_dim3A_357 = vector.broadcast %broadcast_in_dim3A_356 : i32 to vector<16xi32>
      %gather3A_358 = tpu.vector_load_idx %arg7[%add3A_108, %broadcast_in_dim3A_357] : memref<1568x16xf32, #tpu.memory_space<vmem>>[vector<16xi32>, vector<16xi32>], vector<16xf32>,
      %mul3A_359 = arith.mulf %add3A_113, %gather3A_358 : vector<16xf32>
      %sub3A_360 = arith.subf %mul3A_359, %add3A_355 : vector<16xf32>
      %div3A_361 = arith.divf %sub3A_360, %max3A_115 : vector<16xf32>
      %broadcast_in_dim3A_362 = arith.constant 8 : i32
      %broadcast_in_dim3A_363 = vector.broadcast %broadcast_in_dim3A_362 : i32 to vector<16xi32>
      %gather3A_364 = tpu.vector_load_idx %arg8[%add3A_108, %broadcast_in_dim3A_363] : memref<1568x16xf32, #tpu.memory_space<vmem>>[vector<16xi32>, vector<16xi32>], vector<16xf32>,
      %broadcast_in_dim3A_365 = arith.constant 8 : i32
      %broadcast_in_dim3A_366 = vector.broadcast %broadcast_in_dim3A_365 : i32 to vector<16xi32>
      %gather3A_367 = tpu.vector_load_idx %arg9[%add3A_108, %broadcast_in_dim3A_366] : memref<1568x16xf32, #tpu.memory_space<vmem>>[vector<16xi32>, vector<16xi32>], vector<16xf32>,
      %add3A_368 = arith.addf %gather3A_364, %gather3A_367 : vector<16xf32>
      %broadcast_in_dim3A_369 = arith.constant 8 : i32
      %broadcast_in_dim3A_370 = vector.broadcast %broadcast_in_dim3A_369 : i32 to vector<16xi32>
      %gather3A_371 = tpu.vector_load_idx %arg7[%add3A_108, %broadcast_in_dim3A_370] : memref<1568x16xf32, #tpu.memory_space<vmem>>[vector<16xi32>, vector<16xi32>], vector<16xf32>,
      %mul3A_372 = arith.mulf %add3A_113, %gather3A_371 : vector<16xf32>
      %sub3A_373 = arith.subf %mul3A_372, %add3A_368 : vector<16xf32>
      %div3A_374 = arith.divf %sub3A_373, %max3A_115 : vector<16xf32>
      %mul3A_375 = arith.mulf %div3A_348, %div3A_348 : vector<16xf32>
      %mul3A_376 = arith.mulf %div3A_361, %div3A_361 : vector<16xf32>
      %add3A_377 = arith.addf %mul3A_375, %mul3A_376 : vector<16xf32>
      %mul3A_378 = arith.mulf %div3A_374, %div3A_374 : vector<16xf32>
      %add3A_379 = arith.addf %add3A_377, %mul3A_378 : vector<16xf32>
      %add3A_380 = arith.constant 2.22044605E-16 : f32
      %add3A_381 = vector.broadcast %add3A_380 : f32 to vector<16xf32>
      %add3A_382 = arith.addf %add3A_379, %add3A_381 : vector<16xf32>
      %bitcast3A_383 = vector.bitcast %add3A_382 : vector<16xf32> to vector<16xi32>
      %shift_right_arithmetic3A_384 = arith.constant 1 : i32
      %shift_right_arithmetic3A_385 = vector.broadcast %shift_right_arithmetic3A_384 : i32 to vector<16xi32>
      %shift_right_arithmetic3A_386 = arith.shrsi %bitcast3A_383, %shift_right_arithmetic3A_385 : vector<16xi32>
      %sub3A_387 = arith.constant 1597463007 : i32
      %sub3A_388 = vector.broadcast %sub3A_387 : i32 to vector<16xi32>
      %sub3A_389 = arith.subi %sub3A_388, %shift_right_arithmetic3A_386 : vector<16xi32>
      %bitcast3A_390 = vector.bitcast %sub3A_389 : vector<16xi32> to vector<16xf32>
      %mul3A_391 = arith.constant 5.000000e-01 : f32
      %mul3A_392 = vector.broadcast %mul3A_391 : f32 to vector<16xf32>
      %mul3A_393 = arith.mulf %mul3A_392, %add3A_382 : vector<16xf32>
      %mul3A_394 = arith.mulf %mul3A_393, %bitcast3A_390 : vector<16xf32>
      %mul3A_395 = arith.mulf %mul3A_394, %bitcast3A_390 : vector<16xf32>
      %sub3A_396 = arith.constant 1.500000e+00 : f32
      %sub3A_397 = vector.broadcast %sub3A_396 : f32 to vector<16xf32>
      %sub3A_398 = arith.subf %sub3A_397, %mul3A_395 : vector<16xf32>
      %mul3A_399 = arith.mulf %bitcast3A_390, %sub3A_398 : vector<16xf32>
      %mul3A_400 = arith.constant 5.000000e-01 : f32
      %mul3A_401 = vector.broadcast %mul3A_400 : f32 to vector<16xf32>
      %mul3A_402 = arith.mulf %mul3A_401, %add3A_382 : vector<16xf32>
      %mul3A_403 = arith.mulf %mul3A_402, %mul3A_399 : vector<16xf32>
      %mul3A_404 = arith.mulf %mul3A_403, %mul3A_399 : vector<16xf32>
      %sub3A_405 = arith.constant 1.500000e+00 : f32
      %sub3A_406 = vector.broadcast %sub3A_405 : f32 to vector<16xf32>
      %sub3A_407 = arith.subf %sub3A_406, %mul3A_404 : vector<16xf32>
      %mul3A_408 = arith.mulf %mul3A_399, %sub3A_407 : vector<16xf32>
      %mul3A_409 = arith.constant 5.000000e-01 : f32
      %mul3A_410 = vector.broadcast %mul3A_409 : f32 to vector<16xf32>
      %mul3A_411 = arith.mulf %mul3A_410, %add3A_382 : vector<16xf32>
      %mul3A_412 = arith.mulf %mul3A_411, %mul3A_408 : vector<16xf32>
      %mul3A_413 = arith.mulf %mul3A_412, %mul3A_408 : vector<16xf32>
      %sub3A_414 = arith.constant 1.500000e+00 : f32
      %sub3A_415 = vector.broadcast %sub3A_414 : f32 to vector<16xf32>
      %sub3A_416 = arith.subf %sub3A_415, %mul3A_413 : vector<16xf32>
      %mul3A_417 = arith.mulf %mul3A_408, %sub3A_416 : vector<16xf32>
      %mul3A_418 = arith.mulf %add3A_382, %mul3A_417 : vector<16xf32>
      %sub3A_419 = arith.subf %get3A_83, %mul3A_418 : vector<16xf32>
      %exp3A_420 = math.exp %sub3A_419 : vector<16xf32>
      %add3A_421 = arith.constant 1.000000e+00 : f32
      %add3A_422 = vector.broadcast %add3A_421 : f32 to vector<16xf32>
      %add3A_423 = arith.addf %add3A_422, %exp3A_420 : vector<16xf32>
      %div3A_424 = arith.constant 1.000000e+00 : f32
      %div3A_425 = vector.broadcast %div3A_424 : f32 to vector<16xf32>
      %div3A_426 = arith.divf %div3A_425, %add3A_423 : vector<16xf32>
      %mul3A_427 = arith.mulf %mul3A_418, %div3A_426 : vector<16xf32>
      %le3A_428 = arith.constant 1.000000e+00 : f32
      %le3A_429 = vector.broadcast %le3A_428 : f32 to vector<16xf32>
      %le3A_430 = arith.cmpf ole, %mul3A_427, %le3A_429 : vector<16xf32>
      %select_n3A_431 = arith.select %le3A_430, %div3A_426, %mul3A_417 : vector<16xi1>, vector<16xf32>
      %mul3A_432 = arith.mulf %get3A_67, %select_n3A_431 : vector<16xf32>
      %broadcast_in_dim3A_433 = arith.constant 6 : i32
      %broadcast_in_dim3A_434 = vector.broadcast %broadcast_in_dim3A_433 : i32 to vector<16xi32>
      %gather3A_435 = tpu.vector_load_idx %arg7[%add3A_108, %broadcast_in_dim3A_434] : memref<1568x16xf32, #tpu.memory_space<vmem>>[vector<16xi32>, vector<16xi32>], vector<16xf32>,
      %mul3A_436 = arith.mulf %mul3A_432, %div3A_348 : vector<16xf32>
      %sub3A_437 = arith.subf %gather3A_435, %mul3A_436 : vector<16xf32>
      %broadcast_in_dim3A_438 = arith.constant 7 : i32
      %broadcast_in_dim3A_439 = vector.broadcast %broadcast_in_dim3A_438 : i32 to vector<16xi32>
      %gather3A_440 = tpu.vector_load_idx %arg7[%add3A_108, %broadcast_in_dim3A_439] : memref<1568x16xf32, #tpu.memory_space<vmem>>[vector<16xi32>, vector<16xi32>], vector<16xf32>,
      %mul3A_441 = arith.mulf %mul3A_432, %div3A_361 : vector<16xf32>
      %sub3A_442 = arith.subf %gather3A_440, %mul3A_441 : vector<16xf32>
      %broadcast_in_dim3A_443 = arith.constant 8 : i32
      %broadcast_in_dim3A_444 = vector.broadcast %broadcast_in_dim3A_443 : i32 to vector<16xi32>
      %gather3A_445 = tpu.vector_load_idx %arg7[%add3A_108, %broadcast_in_dim3A_444] : memref<1568x16xf32, #tpu.memory_space<vmem>>[vector<16xi32>, vector<16xi32>], vector<16xf32>,
      %mul3A_446 = arith.mulf %mul3A_432, %div3A_374 : vector<16xf32>
      %sub3A_447 = arith.subf %gather3A_445, %mul3A_446 : vector<16xf32>
      %broadcast_in_dim3A_448 = arith.constant 9 : i32
      %broadcast_in_dim3A_449 = vector.broadcast %broadcast_in_dim3A_448 : i32 to vector<16xi32>
      %gather3A_450 = tpu.vector_load_idx %arg8[%add3A_108, %broadcast_in_dim3A_449] : memref<1568x16xf32, #tpu.memory_space<vmem>>[vector<16xi32>, vector<16xi32>], vector<16xf32>,
      %broadcast_in_dim3A_451 = arith.constant 9 : i32
      %broadcast_in_dim3A_452 = vector.broadcast %broadcast_in_dim3A_451 : i32 to vector<16xi32>
      %gather3A_453 = tpu.vector_load_idx %arg9[%add3A_108, %broadcast_in_dim3A_452] : memref<1568x16xf32, #tpu.memory_space<vmem>>[vector<16xi32>, vector<16xi32>], vector<16xf32>,
      %add3A_454 = arith.addf %gather3A_450, %gather3A_453 : vector<16xf32>
      %broadcast_in_dim3A_455 = arith.constant 9 : i32
      %broadcast_in_dim3A_456 = vector.broadcast %broadcast_in_dim3A_455 : i32 to vector<16xi32>
      %gather3A_457 = tpu.vector_load_idx %arg7[%add3A_108, %broadcast_in_dim3A_456] : memref<1568x16xf32, #tpu.memory_space<vmem>>[vector<16xi32>, vector<16xi32>], vector<16xf32>,
      %mul3A_458 = arith.mulf %add3A_113, %gather3A_457 : vector<16xf32>
      %sub3A_459 = arith.subf %mul3A_458, %add3A_454 : vector<16xf32>
      %div3A_460 = arith.divf %sub3A_459, %max3A_115 : vector<16xf32>
      %broadcast_in_dim3A_461 = arith.constant 10 : i32
      %broadcast_in_dim3A_462 = vector.broadcast %broadcast_in_dim3A_461 : i32 to vector<16xi32>
      %gather3A_463 = tpu.vector_load_idx %arg8[%add3A_108, %broadcast_in_dim3A_462] : memref<1568x16xf32, #tpu.memory_space<vmem>>[vector<16xi32>, vector<16xi32>], vector<16xf32>,
      %broadcast_in_dim3A_464 = arith.constant 10 : i32
      %broadcast_in_dim3A_465 = vector.broadcast %broadcast_in_dim3A_464 : i32 to vector<16xi32>
      %gather3A_466 = tpu.vector_load_idx %arg9[%add3A_108, %broadcast_in_dim3A_465] : memref<1568x16xf32, #tpu.memory_space<vmem>>[vector<16xi32>, vector<16xi32>], vector<16xf32>,
      %add3A_467 = arith.addf %gather3A_463, %gather3A_466 : vector<16xf32>
      %broadcast_in_dim3A_468 = arith.constant 10 : i32
      %broadcast_in_dim3A_469 = vector.broadcast %broadcast_in_dim3A_468 : i32 to vector<16xi32>
      %gather3A_470 = tpu.vector_load_idx %arg7[%add3A_108, %broadcast_in_dim3A_469] : memref<1568x16xf32, #tpu.memory_space<vmem>>[vector<16xi32>, vector<16xi32>], vector<16xf32>,
      %mul3A_471 = arith.mulf %add3A_113, %gather3A_470 : vector<16xf32>
      %sub3A_472 = arith.subf %mul3A_471, %add3A_467 : vector<16xf32>
      %div3A_473 = arith.divf %sub3A_472, %max3A_115 : vector<16xf32>
      %broadcast_in_dim3A_474 = arith.constant 11 : i32
      %broadcast_in_dim3A_475 = vector.broadcast %broadcast_in_dim3A_474 : i32 to vector<16xi32>
      %gather3A_476 = tpu.vector_load_idx %arg8[%add3A_108, %broadcast_in_dim3A_475] : memref<1568x16xf32, #tpu.memory_space<vmem>>[vector<16xi32>, vector<16xi32>], vector<16xf32>,
      %broadcast_in_dim3A_477 = arith.constant 11 : i32
      %broadcast_in_dim3A_478 = vector.broadcast %broadcast_in_dim3A_477 : i32 to vector<16xi32>
      %gather3A_479 = tpu.vector_load_idx %arg9[%add3A_108, %broadcast_in_dim3A_478] : memref<1568x16xf32, #tpu.memory_space<vmem>>[vector<16xi32>, vector<16xi32>], vector<16xf32>,
      %add3A_480 = arith.addf %gather3A_476, %gather3A_479 : vector<16xf32>
      %broadcast_in_dim3A_481 = arith.constant 11 : i32
      %broadcast_in_dim3A_482 = vector.broadcast %broadcast_in_dim3A_481 : i32 to vector<16xi32>
      %gather3A_483 = tpu.vector_load_idx %arg7[%add3A_108, %broadcast_in_dim3A_482] : memref<1568x16xf32, #tpu.memory_space<vmem>>[vector<16xi32>, vector<16xi32>], vector<16xf32>,
      %mul3A_484 = arith.mulf %add3A_113, %gather3A_483 : vector<16xf32>
      %sub3A_485 = arith.subf %mul3A_484, %add3A_480 : vector<16xf32>
      %div3A_486 = arith.divf %sub3A_485, %max3A_115 : vector<16xf32>
      %mul3A_487 = arith.mulf %div3A_460, %div3A_460 : vector<16xf32>
      %mul3A_488 = arith.mulf %div3A_473, %div3A_473 : vector<16xf32>
      %add3A_489 = arith.addf %mul3A_487, %mul3A_488 : vector<16xf32>
      %mul3A_490 = arith.mulf %div3A_486, %div3A_486 : vector<16xf32>
      %add3A_491 = arith.addf %add3A_489, %mul3A_490 : vector<16xf32>
      %add3A_492 = arith.constant 2.22044605E-16 : f32
      %add3A_493 = vector.broadcast %add3A_492 : f32 to vector<16xf32>
      %add3A_494 = arith.addf %add3A_491, %add3A_493 : vector<16xf32>
      %bitcast3A_495 = vector.bitcast %add3A_494 : vector<16xf32> to vector<16xi32>
      %shift_right_arithmetic3A_496 = arith.constant 1 : i32
      %shift_right_arithmetic3A_497 = vector.broadcast %shift_right_arithmetic3A_496 : i32 to vector<16xi32>
      %shift_right_arithmetic3A_498 = arith.shrsi %bitcast3A_495, %shift_right_arithmetic3A_497 : vector<16xi32>
      %sub3A_499 = arith.constant 1597463007 : i32
      %sub3A_500 = vector.broadcast %sub3A_499 : i32 to vector<16xi32>
      %sub3A_501 = arith.subi %sub3A_500, %shift_right_arithmetic3A_498 : vector<16xi32>
      %bitcast3A_502 = vector.bitcast %sub3A_501 : vector<16xi32> to vector<16xf32>
      %mul3A_503 = arith.constant 5.000000e-01 : f32
      %mul3A_504 = vector.broadcast %mul3A_503 : f32 to vector<16xf32>
      %mul3A_505 = arith.mulf %mul3A_504, %add3A_494 : vector<16xf32>
      %mul3A_506 = arith.mulf %mul3A_505, %bitcast3A_502 : vector<16xf32>
      %mul3A_507 = arith.mulf %mul3A_506, %bitcast3A_502 : vector<16xf32>
      %sub3A_508 = arith.constant 1.500000e+00 : f32
      %sub3A_509 = vector.broadcast %sub3A_508 : f32 to vector<16xf32>
      %sub3A_510 = arith.subf %sub3A_509, %mul3A_507 : vector<16xf32>
      %mul3A_511 = arith.mulf %bitcast3A_502, %sub3A_510 : vector<16xf32>
      %mul3A_512 = arith.constant 5.000000e-01 : f32
      %mul3A_513 = vector.broadcast %mul3A_512 : f32 to vector<16xf32>
      %mul3A_514 = arith.mulf %mul3A_513, %add3A_494 : vector<16xf32>
      %mul3A_515 = arith.mulf %mul3A_514, %mul3A_511 : vector<16xf32>
      %mul3A_516 = arith.mulf %mul3A_515, %mul3A_511 : vector<16xf32>
      %sub3A_517 = arith.constant 1.500000e+00 : f32
      %sub3A_518 = vector.broadcast %sub3A_517 : f32 to vector<16xf32>
      %sub3A_519 = arith.subf %sub3A_518, %mul3A_516 : vector<16xf32>
      %mul3A_520 = arith.mulf %mul3A_511, %sub3A_519 : vector<16xf32>
      %mul3A_521 = arith.constant 5.000000e-01 : f32
      %mul3A_522 = vector.broadcast %mul3A_521 : f32 to vector<16xf32>
      %mul3A_523 = arith.mulf %mul3A_522, %add3A_494 : vector<16xf32>
      %mul3A_524 = arith.mulf %mul3A_523, %mul3A_520 : vector<16xf32>
      %mul3A_525 = arith.mulf %mul3A_524, %mul3A_520 : vector<16xf32>
      %sub3A_526 = arith.constant 1.500000e+00 : f32
      %sub3A_527 = vector.broadcast %sub3A_526 : f32 to vector<16xf32>
      %sub3A_528 = arith.subf %sub3A_527, %mul3A_525 : vector<16xf32>
      %mul3A_529 = arith.mulf %mul3A_520, %sub3A_528 : vector<16xf32>
      %mul3A_530 = arith.mulf %add3A_494, %mul3A_529 : vector<16xf32>
      %sub3A_531 = arith.subf %get3A_87, %mul3A_530 : vector<16xf32>
      %exp3A_532 = math.exp %sub3A_531 : vector<16xf32>
      %add3A_533 = arith.constant 1.000000e+00 : f32
      %add3A_534 = vector.broadcast %add3A_533 : f32 to vector<16xf32>
      %add3A_535 = arith.addf %add3A_534, %exp3A_532 : vector<16xf32>
      %div3A_536 = arith.constant 1.000000e+00 : f32
      %div3A_537 = vector.broadcast %div3A_536 : f32 to vector<16xf32>
      %div3A_538 = arith.divf %div3A_537, %add3A_535 : vector<16xf32>
      %mul3A_539 = arith.mulf %mul3A_530, %div3A_538 : vector<16xf32>
      %le3A_540 = arith.constant 1.000000e+00 : f32
      %le3A_541 = vector.broadcast %le3A_540 : f32 to vector<16xf32>
      %le3A_542 = arith.cmpf ole, %mul3A_539, %le3A_541 : vector<16xf32>
      %select_n3A_543 = arith.select %le3A_542, %div3A_538, %mul3A_529 : vector<16xi1>, vector<16xf32>
      %mul3A_544 = arith.mulf %get3A_71, %select_n3A_543 : vector<16xf32>
      %broadcast_in_dim3A_545 = arith.constant 9 : i32
      %broadcast_in_dim3A_546 = vector.broadcast %broadcast_in_dim3A_545 : i32 to vector<16xi32>
      %gather3A_547 = tpu.vector_load_idx %arg7[%add3A_108, %broadcast_in_dim3A_546] : memref<1568x16xf32, #tpu.memory_space<vmem>>[vector<16xi32>, vector<16xi32>], vector<16xf32>,
      %mul3A_548 = arith.mulf %mul3A_544, %div3A_460 : vector<16xf32>
      %sub3A_549 = arith.subf %gather3A_547, %mul3A_548 : vector<16xf32>
      %broadcast_in_dim3A_550 = arith.constant 10 : i32
      %broadcast_in_dim3A_551 = vector.broadcast %broadcast_in_dim3A_550 : i32 to vector<16xi32>
      %gather3A_552 = tpu.vector_load_idx %arg7[%add3A_108, %broadcast_in_dim3A_551] : memref<1568x16xf32, #tpu.memory_space<vmem>>[vector<16xi32>, vector<16xi32>], vector<16xf32>,
      %mul3A_553 = arith.mulf %mul3A_544, %div3A_473 : vector<16xf32>
      %sub3A_554 = arith.subf %gather3A_552, %mul3A_553 : vector<16xf32>
      %broadcast_in_dim3A_555 = arith.constant 11 : i32
      %broadcast_in_dim3A_556 = vector.broadcast %broadcast_in_dim3A_555 : i32 to vector<16xi32>
      %gather3A_557 = tpu.vector_load_idx %arg7[%add3A_108, %broadcast_in_dim3A_556] : memref<1568x16xf32, #tpu.memory_space<vmem>>[vector<16xi32>, vector<16xi32>], vector<16xf32>,
      %mul3A_558 = arith.mulf %mul3A_544, %div3A_486 : vector<16xf32>
      %sub3A_559 = arith.subf %gather3A_557, %mul3A_558 : vector<16xf32>
      %broadcast_in_dim3A_560 = arith.constant 0 : i32
      %broadcast_in_dim3A_561 = vector.broadcast %broadcast_in_dim3A_560 : i32 to vector<16xi32>
      tpu.vector_store_idx %arg10[%add3A_108, %broadcast_in_dim3A_561], %sub3A_213 : memref<1568x12xf32, #tpu.memory_space<vmem>>[vector<16xi32>, vector<16xi32>], vector<16xf32>,
      %broadcast_in_dim3A_562 = arith.constant 1 : i32
      %broadcast_in_dim3A_563 = vector.broadcast %broadcast_in_dim3A_562 : i32 to vector<16xi32>
      tpu.vector_store_idx %arg10[%add3A_108, %broadcast_in_dim3A_563], %sub3A_218 : memref<1568x12xf32, #tpu.memory_space<vmem>>[vector<16xi32>, vector<16xi32>], vector<16xf32>,
      %broadcast_in_dim3A_564 = arith.constant 2 : i32
      %broadcast_in_dim3A_565 = vector.broadcast %broadcast_in_dim3A_564 : i32 to vector<16xi32>
      tpu.vector_store_idx %arg10[%add3A_108, %broadcast_in_dim3A_565], %sub3A_223 : memref<1568x12xf32, #tpu.memory_space<vmem>>[vector<16xi32>, vector<16xi32>], vector<16xf32>,
      %broadcast_in_dim3A_566 = arith.constant 3 : i32
      %broadcast_in_dim3A_567 = vector.broadcast %broadcast_in_dim3A_566 : i32 to vector<16xi32>
      tpu.vector_store_idx %arg10[%add3A_108, %broadcast_in_dim3A_567], %sub3A_325 : memref<1568x12xf32, #tpu.memory_space<vmem>>[vector<16xi32>, vector<16xi32>], vector<16xf32>,
      %broadcast_in_dim3A_568 = arith.constant 4 : i32
      %broadcast_in_dim3A_569 = vector.broadcast %broadcast_in_dim3A_568 : i32 to vector<16xi32>
      tpu.vector_store_idx %arg10[%add3A_108, %broadcast_in_dim3A_569], %sub3A_330 : memref<1568x12xf32, #tpu.memory_space<vmem>>[vector<16xi32>, vector<16xi32>], vector<16xf32>,
      %broadcast_in_dim3A_570 = arith.constant 5 : i32
      %broadcast_in_dim3A_571 = vector.broadcast %broadcast_in_dim3A_570 : i32 to vector<16xi32>
      tpu.vector_store_idx %arg10[%add3A_108, %broadcast_in_dim3A_571], %sub3A_335 : memref<1568x12xf32, #tpu.memory_space<vmem>>[vector<16xi32>, vector<16xi32>], vector<16xf32>,
      %broadcast_in_dim3A_572 = arith.constant 6 : i32
      %broadcast_in_dim3A_573 = vector.broadcast %broadcast_in_dim3A_572 : i32 to vector<16xi32>
      tpu.vector_store_idx %arg10[%add3A_108, %broadcast_in_dim3A_573], %sub3A_437 : memref<1568x12xf32, #tpu.memory_space<vmem>>[vector<16xi32>, vector<16xi32>], vector<16xf32>,
      %broadcast_in_dim3A_574 = arith.constant 7 : i32
      %broadcast_in_dim3A_575 = vector.broadcast %broadcast_in_dim3A_574 : i32 to vector<16xi32>
      tpu.vector_store_idx %arg10[%add3A_108, %broadcast_in_dim3A_575], %sub3A_442 : memref<1568x12xf32, #tpu.memory_space<vmem>>[vector<16xi32>, vector<16xi32>], vector<16xf32>,
      %broadcast_in_dim3A_576 = arith.constant 8 : i32
      %broadcast_in_dim3A_577 = vector.broadcast %broadcast_in_dim3A_576 : i32 to vector<16xi32>
      tpu.vector_store_idx %arg10[%add3A_108, %broadcast_in_dim3A_577], %sub3A_447 : memref<1568x12xf32, #tpu.memory_space<vmem>>[vector<16xi32>, vector<16xi32>], vector<16xf32>,
      %broadcast_in_dim3A_578 = arith.constant 9 : i32
      %broadcast_in_dim3A_579 = vector.broadcast %broadcast_in_dim3A_578 : i32 to vector<16xi32>
      tpu.vector_store_idx %arg10[%add3A_108, %broadcast_in_dim3A_579], %sub3A_549 : memref<1568x12xf32, #tpu.memory_space<vmem>>[vector<16xi32>, vector<16xi32>], vector<16xf32>,
      %broadcast_in_dim3A_580 = arith.constant 10 : i32
      %broadcast_in_dim3A_581 = vector.broadcast %broadcast_in_dim3A_580 : i32 to vector<16xi32>
      tpu.vector_store_idx %arg10[%add3A_108, %broadcast_in_dim3A_581], %sub3A_554 : memref<1568x12xf32, #tpu.memory_space<vmem>>[vector<16xi32>, vector<16xi32>], vector<16xf32>,
      %broadcast_in_dim3A_582 = arith.constant 11 : i32
      %broadcast_in_dim3A_583 = vector.broadcast %broadcast_in_dim3A_582 : i32 to vector<16xi32>
      tpu.vector_store_idx %arg10[%add3A_108, %broadcast_in_dim3A_583], %sub3A_559 : memref<1568x12xf32, #tpu.memory_space<vmem>>[vector<16xi32>, vector<16xi32>], vector<16xf32>,
    }
    %lt3A_97 = arith.constant 31 : i32
    %lt3A_98 = arith.cmpi slt, %add3A, %lt3A_97 : i32
    %convert_element_type3A = arith.extui %lt3A_98 : i1 to i32
    %cond3A = arith.constant 0 : i32
    %cond3A_99 = arith.cmpi ne, %convert_element_type3A, %cond3A : i32
    scf.if %cond3A_99 {
      "tpu.region"() ({
        %run_scoped3A = tpu.sem_alloc : memref<!tpu.dma_semaphore, #tpu.memory_space<semaphore_mem>>
        %dma_start3A_104 = arith.constant 0 : i32
        %dma_start3A_105 = arith.constant 0 : i32
        %dma_start3A_106 = tpu.memref_slice %arg10[%dma_start3A_104, %dma_start3A_105] : memref<1568x12xf32, #tpu.memory_space<vmem>> -> memref<1568x12xf32, #tpu.memory_space<vmem>>
        %dma_start3A_107 = arith.constant 0 : i32
        %dma_start3A_108 = tpu.memref_slice %arg6[%mul3A_2, %dma_start3A_107] : memref<50000x12xf32, #tpu.memory_space<hbm>> -> memref<1568x12xf32, #tpu.memory_space<hbm>>
        %dma_start3A_109 = arith.constant 0 : i32
        %dma_start3A_110 = tpu.memref_slice %arg6[%mul3A_2, %dma_start3A_109] : memref<50000x12xf32, #tpu.memory_space<hbm>> -> memref<1568x12xf32, #tpu.memory_space<hbm>>
        %dma_start3A_111 = arith.constant 0 : i32
        %dma_start3A_112 = arith.constant 0 : i32
        %dma_start3A_113 = tpu.memref_slice %arg10[%dma_start3A_111, %dma_start3A_112] : memref<1568x12xf32, #tpu.memory_space<vmem>> -> memref<1568x12xf32, #tpu.memory_space<vmem>>
        tpu.enqueue_dma source(%dma_start3A_113 : memref<1568x12xf32, #tpu.memory_space<vmem>>) target(%dma_start3A_110 : memref<1568x12xf32, #tpu.memory_space<hbm>>) target_semaphore(%run_scoped3A : memref<!tpu.dma_semaphore, #tpu.memory_space<semaphore_mem>>)
        %dma_wait3A_114 = arith.constant 0 : i32
        %dma_wait3A_115 = arith.constant 0 : i32
        %dma_wait3A_116 = tpu.memref_slice %arg10[%dma_wait3A_114, %dma_wait3A_115] : memref<1568x12xf32, #tpu.memory_space<vmem>> -> memref<1568x12xf32, #tpu.memory_space<vmem>>
        %dma_wait3A_117 = arith.constant 0 : i32
        %dma_wait3A_118 = tpu.memref_slice %arg6[%mul3A_2, %dma_wait3A_117] : memref<50000x12xf32, #tpu.memory_space<hbm>> -> memref<1568x12xf32, #tpu.memory_space<hbm>>
        %dma_wait3A_119 = arith.constant 0 : i32
        %dma_wait3A_120 = tpu.memref_slice %arg6[%mul3A_2, %dma_wait3A_119] : memref<50000x12xf32, #tpu.memory_space<hbm>> -> memref<1568x12xf32, #tpu.memory_space<hbm>>
        %dma_wait3A_121 = arith.constant 0 : i32
        %dma_wait3A_122 = arith.constant 0 : i32
        %dma_wait3A_123 = tpu.memref_slice %arg10[%dma_wait3A_121, %dma_wait3A_122] : memref<1568x12xf32, #tpu.memory_space<vmem>> -> memref<1568x12xf32, #tpu.memory_space<vmem>>
        tpu.wait_dma2 semaphore(%run_scoped3A : memref<!tpu.dma_semaphore, #tpu.memory_space<semaphore_mem>>) src(%dma_wait3A_123 : memref<1568x12xf32, #tpu.memory_space<vmem>>) dst(%dma_wait3A_120 : memref<1568x12xf32, #tpu.memory_space<hbm>>)
        tpu.yield
      }) : () -> ()
    } else {
    }
    %eq3A = arith.constant 31 : i32
    %eq3A_100 = arith.cmpi eq, %add3A, %eq3A : i32
    %convert_element_type3A_101 = arith.extui %eq3A_100 : i1 to i32
    %cond3A_102 = arith.constant 0 : i32
    %cond3A_103 = arith.cmpi ne, %convert_element_type3A_101, %cond3A_102 : i32
    scf.if %cond3A_103 {
      "tpu.region"() ({
        %run_scoped3A = tpu.sem_alloc : memref<!tpu.dma_semaphore, #tpu.memory_space<semaphore_mem>>
        %dma_start3A_104 = arith.constant 0 : i32
        %dma_start3A_105 = arith.constant 0 : i32
        %dma_start3A_106 = tpu.memref_slice %arg10[%dma_start3A_104, %dma_start3A_105] : memref<1568x12xf32, #tpu.memory_space<vmem>> -> memref<1392x12xf32, #tpu.memory_space<vmem>>
        %dma_start3A_107 = arith.constant 0 : i32
        %dma_start3A_108 = tpu.memref_slice %arg6[%mul3A_2, %dma_start3A_107] : memref<50000x12xf32, #tpu.memory_space<hbm>> -> memref<1392x12xf32, #tpu.memory_space<hbm>>
        %dma_start3A_109 = arith.constant 0 : i32
        %dma_start3A_110 = tpu.memref_slice %arg6[%mul3A_2, %dma_start3A_109] : memref<50000x12xf32, #tpu.memory_space<hbm>> -> memref<1392x12xf32, #tpu.memory_space<hbm>>
        %dma_start3A_111 = arith.constant 0 : i32
        %dma_start3A_112 = arith.constant 0 : i32
        %dma_start3A_113 = tpu.memref_slice %arg10[%dma_start3A_111, %dma_start3A_112] : memref<1568x12xf32, #tpu.memory_space<vmem>> -> memref<1392x12xf32, #tpu.memory_space<vmem>>
        tpu.enqueue_dma source(%dma_start3A_113 : memref<1392x12xf32, #tpu.memory_space<vmem>>) target(%dma_start3A_110 : memref<1392x12xf32, #tpu.memory_space<hbm>>) target_semaphore(%run_scoped3A : memref<!tpu.dma_semaphore, #tpu.memory_space<semaphore_mem>>)
        %dma_wait3A_114 = arith.constant 0 : i32
        %dma_wait3A_115 = arith.constant 0 : i32
        %dma_wait3A_116 = tpu.memref_slice %arg10[%dma_wait3A_114, %dma_wait3A_115] : memref<1568x12xf32, #tpu.memory_space<vmem>> -> memref<1392x12xf32, #tpu.memory_space<vmem>>
        %dma_wait3A_117 = arith.constant 0 : i32
        %dma_wait3A_118 = tpu.memref_slice %arg6[%mul3A_2, %dma_wait3A_117] : memref<50000x12xf32, #tpu.memory_space<hbm>> -> memref<1392x12xf32, #tpu.memory_space<hbm>>
        %dma_wait3A_119 = arith.constant 0 : i32
        %dma_wait3A_120 = tpu.memref_slice %arg6[%mul3A_2, %dma_wait3A_119] : memref<50000x12xf32, #tpu.memory_space<hbm>> -> memref<1392x12xf32, #tpu.memory_space<hbm>>
        %dma_wait3A_121 = arith.constant 0 : i32
        %dma_wait3A_122 = arith.constant 0 : i32
        %dma_wait3A_123 = tpu.memref_slice %arg10[%dma_wait3A_121, %dma_wait3A_122] : memref<1568x12xf32, #tpu.memory_space<vmem>> -> memref<1392x12xf32, #tpu.memory_space<vmem>>
        tpu.wait_dma2 semaphore(%run_scoped3A : memref<!tpu.dma_semaphore, #tpu.memory_space<semaphore_mem>>) src(%dma_wait3A_123 : memref<1392x12xf32, #tpu.memory_space<vmem>>) dst(%dma_wait3A_120 : memref<1392x12xf32, #tpu.memory_space<hbm>>)
        tpu.yield
      }) : () -> ()
    } else {
    }
    return
  }
}

</mosaic_0001>

<sc_bundles>
// kernel: kernel.4.cloned.1.call-start
scs
__scs_entry_jumppad:
0x0: {  	(pc) =	sbr.rel $0x88, $3  }
0x1: {  	(tag) =	ssettag $0x0;
	lr =	simm.s32 $0x1  }
0x2: {  	[smem:$0x3F9D] =	sst lr;
	_ =	strace $0xD0000000  }
0x3: {  	_ = 	snop  }
0x4: {  	_ = 	snop  }
0x5: {  	_ = 	snop  }
0x6: {  	_ = 	snop  }
0x7: {  	_ = 	snop  }
__scs_overlays_trampoline_lowered:
0x8: {  	[smem:$0x3FAC] =	sst s0  }
0x9: {  	[smem:$0x3FAD] =	sst s1  }
0xa: {  	[smem:$0x3FAE] =	sst s2  }
0xb: {  	[smem:$0x3FAF] =	sst s3  }
0xc: {  	[smem:$0x3FB0] =	sst s4  }
0xd: {  	[smem:$0x3FB1] =	sst s5  }
0xe: {  	[smem:$0x3FB2] =	sst s6  }
0xf: {  	[smem:$0x3FB3] =	sst s7  }
0x10: {  	[smem:$0x3FB4] =	sst s8  }
0x11: {  	[smem:$0x3FB5] =	sst s9;
	s0 =	simm.s32 @!p0 $0x0  }
0x12: {  	s1 =	sld [smem:$0x3F9B];
	s0 =	simm.s32 @p0 $0x1  }
0x13: {  	[smem:$0x3FB6] =	sst s0;
	s0 =	simm.s32 @!p1 $0x0  }
0x14: {  	s2 =	sld [smem:$0x3F9A];
	s0 =	simm.s32 @p1 $0x1  }
0x15: {  	[smem:$0x3FB7] =	sst s0;
	s0 =	simm.s32 @!p2 $0x0  }
0x16: {  	s3 =	sld [smem:$0x3FDB];
	s0 =	simm.s32 @p2 $0x1  }
0x17: {  	s4 =	simm.s32 $0x1BF5;
	[smem:$0x3FB9] =	sst s0  }
0x18: {  	s0 =	sld [smem:$0x3F9C];
	_ =	swait.ge [sflag:s4], $0x0  }
0x19: {  	s7 =	sld [smem:$0x3F9D]  }
0x1a: {  	s8 =	sadd.s32 $0xFFFFE003, lr  }
0x1b: {  	s9 =	sadd.s32 $0xFFFFFEF7, lr;
	s5 =	simm.s32 $0xFFFFFFFF;
	p2 =	slt.u32 s8, $0xFFFFF086  }
0x1c: {  	p1 =	slt.u32 s9, $0xF7A;
	s5 =	simm.s32 @!p2 $0x0  }
0x1d: {  	s5 =	simm.s32 @p1 $0x1;
	p0 =	seq.s32 s7, s2  }
0x1e: {  	s7 =	smul.u32 @!p0 $0xF7A, s2;
	p2 =	seq.s32 @!p0 s5, $0x0  }
0x1f: {  	s9 =	smul.u32 $0xF7A, s1;
	s8 =	simm.s32 @!p0 $0x1BF5;
	p2 =	por !p2, p0  }
0x20: {  	[sflag:s8] =	ssyncset.s32 @!p0 $0xFFFFF086;
	s6 =	sadd.s32 @!p0 s3, s7;
	s7 =	simm.s32 @!p0 $0x108  }
0x21: {  	s3 =	sadd.s32 s3, s9;
	s6 =	sadd.s32 @!p0 $0x88, s6;
	s7 =	simm.s32 @p2 $0x1082  }
0x22: {  	[simem:s7], [sflag:s8] =	dma.local @!p0 [hbm:s6], $0xF7A  }
0x23: {  	s9 =	sor.u32 $0xD0000000, s2;
	s6 =	simm.s32 $0x108;
	_ =	swait.ge @!p0 [sflag:s8], $0x0  }
0x24: {  	s3 =	sadd.s32 $0x88, s3;
	s6 =	simm.s32 @!p1 $0x1082;
	[sflag:s4] =	ssyncset.s32 $0xFFFFF086  }
0x25: {  	[simem:s6], [sflag:s4] =	dma.local [hbm:s3], $0xF7A  }
0x26: {  	[smem:$0x3F9D] =	sst s1;
	(tag) =	ssettag s2;
	_ =	strace s9  }
0x27: {  	s1 =	sld [smem:$0x3FAD]  }
0x28: {  	s2 =	sld [smem:$0x3FAE]  }
0x29: {  	s4 =	sld [smem:$0x3FB0]  }
0x2a: {  	p0 =	seq.s32 s5, $0x0;
	s5 =	sld [smem:$0x3FB1]  }
0x2b: {  	s6 =	sld [smem:$0x3FB2]  }
0x2c: {  	s7 =	sld [smem:$0x3FB3]  }
0x2d: {  	s3 =	simm.s32 $0x108;
	s8 =	sld [smem:$0x3FB4]  }
0x2e: {  	s3 =	simm.s32 @!p0 $0x1082;
	s9 =	sld [smem:$0x3FB5]  }
0x2f: {  	lr =	sadd.s32 s0, s3;
	s0 =	sld [smem:$0x3FAC]  }
0x30: {  	s3 =	sld [smem:$0x3FAF]  }
0x31: {  	[smem:$0x3FB8] =	sst s10  }
0x32: {  	s10 =	sld [smem:$0x3FB6];
	_ =	sdelay $0x3  }
0x33: {  	p0 =	seq.s32 s10, $0x1;
	s10 =	sld [smem:$0x3FB8];
	_ =	sdelay $0x3  }
0x34: {  	[smem:$0x3FB8] =	sst s10  }
0x35: {  	s10 =	sld [smem:$0x3FB7];
	_ =	sdelay $0x3  }
0x36: {  	p1 =	seq.s32 s10, $0x1;
	s10 =	sld [smem:$0x3FB8];
	_ =	sdelay $0x3  }
0x37: {  	[smem:$0x3FB8] =	sst s10  }
0x38: {  	s10 =	sld [smem:$0x3FB9]  }
0x39: {  	_ = 	snop;
	(pc) =	sbr.ind lr, $3  }
0x3a: {  	_ = 	snop  }
0x3b: {  	_ = 	snop  }
0x3c: {  	p2 =	seq.s32 s10, $0x1;
	s10 =	sld [smem:$0x3FB8]  }
0x3d: {  	_ =	shalt  }
0x3e: {  	_ =	shalt  }
0x3f: {  	_ =	shalt  }
0x40: {  	_ =	shalt  }
0x41: {  	_ =	shalt  }
0x42: {  	_ =	shalt  }
0x43: {  	_ =	shalt  }
0x44: {  	_ =	shalt  }
0x45: {  	_ =	shalt  }
0x46: {  	_ =	shalt  }
0x47: {  	_ =	shalt  }
0x48: {  	_ =	shalt  }
0x49: {  	_ =	shalt  }
0x4a: {  	_ =	shalt  }
0x4b: {  	_ =	shalt  }
0x4c: {  	_ =	shalt  }
0x4d: {  	_ =	shalt  }
0x4e: {  	_ =	shalt  }
0x4f: {  	_ =	shalt  }
0x50: {  	_ =	shalt  }
0x51: {  	_ =	shalt  }
0x52: {  	_ =	shalt  }
0x53: {  	_ =	shalt  }
0x54: {  	_ =	shalt  }
0x55: {  	_ =	shalt  }
0x56: {  	_ =	shalt  }
0x57: {  	_ =	shalt  }
0x58: {  	_ =	shalt  }
0x59: {  	_ =	shalt  }
0x5a: {  	_ =	shalt  }
0x5b: {  	_ =	shalt  }
0x5c: {  	_ =	shalt  }
0x5d: {  	_ =	shalt  }
0x5e: {  	_ =	shalt  }
0x5f: {  	_ =	shalt  }
0x60: {  	_ =	shalt  }
0x61: {  	_ =	shalt  }
0x62: {  	_ =	shalt  }
0x63: {  	_ =	shalt  }
0x64: {  	_ =	shalt  }
0x65: {  	_ =	shalt  }
0x66: {  	_ =	shalt  }
0x67: {  	_ =	shalt  }
0x68: {  	_ =	shalt  }
0x69: {  	_ =	shalt  }
0x6a: {  	_ =	shalt  }
0x6b: {  	_ =	shalt  }
0x6c: {  	_ =	shalt  }
0x6d: {  	_ =	shalt  }
0x6e: {  	_ =	shalt  }
0x6f: {  	_ =	shalt  }
0x70: {  	_ =	shalt  }
0x71: {  	_ =	shalt  }
0x72: {  	_ =	shalt  }
0x73: {  	_ =	shalt  }
0x74: {  	_ =	shalt  }
0x75: {  	_ =	shalt  }
0x76: {  	_ =	shalt  }
0x77: {  	_ =	shalt  }
0x78: {  	_ =	shalt  }
0x79: {  	_ =	shalt  }
0x7a: {  	_ =	shalt  }
0x7b: {  	_ =	shalt  }
0x7c: {  	_ =	shalt  }
0x7d: {  	_ =	shalt  }
0x7e: {  	_ =	shalt  }
0x7f: {  	_ =	shalt  }
0x80: {  	_ =	shalt  }
0x81: {  	_ =	shalt  }
0x82: {  	_ =	shalt  }
0x83: {  	_ =	shalt  }
0x84: {  	_ =	shalt  }
0x85: {  	_ =	shalt  }
0x86: {  	_ =	shalt  }
0x87: {  	_ =	shalt  }
.Lfunc_end0:
.L_simem_size_0:
called_computation_lowered:
.L_overlay_start_0:
0x88: {  	s2 =	sld [smem:$0x3FD9]  }
0x89: {  	s3 =	sld [smem:$0x3FFE];
	_ =	sdelay $0x1  }
0x8a: {  	s1 =	srdreg.scid  }
0x8b: {  	s0 =	sand.u32 $0x1, s1  }
0x8c: {  	s17 =	sshll.u32 s0, $0xA;
	s2 =	sadd.s32 s3, s2  }
0x8d: {  	s2 =	sadd.s32 s2, s17  }
0x8e: {  	[smem:$0x3FC4] =	sst s2  }
0x8f: {  	_ = 	snop  }
0x90: {  	s2 =	sld [smem:$0x3FD0];
	(tm) =	ssettm $0x1  }
0x91: {  	s18 =	sld [smem:$0x3FFB];
	_ =	sdelay $0x3  }
0x92: {  	_ =	strace s18  }
0x93: {  	s3 =	sld [smem:$0x3FFC];
	_ =	sdelay $0x3  }
0x94: {  	_ =	strace s3  }
0x95: {  	s3 =	sld [smem:$0x3FFD];
	_ =	sdelay $0x3  }
0x96: {  	_ =	strace s3  }
0x97: {  	_ =	strace $0x8FFFFFFF  }
0x98: {  	s19 =	sld [smem:$0x3FDB];
	_ =	sdelay $0x1  }
0x99: {  	s4 =	simm.s32 $_scs_section_size  }
0x9a: {  	s5 =	simm.s32 $_size__tile_overlayer_lowered;
	s6 =	simm.s32 $_tile_overlayer_lowered  }
0x9b: {  	s22 =	simm.s32 $0x1BFF;
	s21 =	sshll.u32 s6, $0x1;
	s3 =	sadd.s32 s4, s19  }
0x9c: {  	s7 =	simm.s32 $0x0;
	s20 =	sshll.u32 s5, $0x1;
	s5 =	sadd.s32 s21, s3  }
0x9d: {  	[timem:s7], [sflag:s22] =	dma.local [hbm:s5], s20  }
0x9e: {  	_ =	swait.ge [sflag:s22], s20  }
0x9f: {  	s4 =	ssub.s32 $0x0, s20;
	[sflag:s22] =	ssyncset.done $0x0  }
0xa0: {  	[sflag:s22] =	ssyncadd.s32 s4;
	_ =	sdelay $0x1  }
0xa1: {  	s23 =	simm.s32 $0x1B8B  }
0xa2: {  	_ =	swait.ge [sflag:s23], $0x1  }
0xa3: {  	[sflag:s23] =	ssyncset.done $0x0  }
0xa4: {  	s25 =	simm.s32 $0x1B8E;
	s24 =	sld [smem:$0x3FFE];
	[sflag:s23] =	ssyncadd.s32 $0xFFFFFFFF  }
0xa5: {  	s26 =	simm.s32 $execute0_lowered;
	[smem:$0x3FD2] =	sst s25  }
0xa6: {  	s5 =	sshll.u32 s26, $0x1;
	_ =	strace $0x80000046;
	[dreg:$0x1] =	wrdreg $0xFFFFFFFF  }
0xa7: {  	s28 =	simm.s32 $_size_execute0_lowered;
	s3 =	sadd.s32 s3, s5;
	[dreg:$0x0] =	wrdreg $0x0  }
0xa8: {  	s5 =	sshll.u32 s28, $0x1;
	[dreg:$0x2] =	wrdreg s3  }
0xa9: {  	[dreg:$0x3] =	wrdreg s5  }
0xaa: {  	[dreg:$0x4] =	wrdreg $0xC0  }
0xab: {  	_ =	task [dreg:s7], $0x5FFFF  }
0xac: {  	[dreg:$0x1] =	wrdreg $0xFFFFFFFF  }
0xad: {  	[dreg:$0x0] =	wrdreg $0x60  }
0xae: {  	[dreg:$0x2] =	wrdreg s24  }
0xaf: {  	[dreg:$0x3] =	wrdreg s2  }
0xb0: {  	[dreg:$0x4] =	wrdreg $0xEA000  }
0xb1: {  	[dreg:$0x5] =	wrdreg $0x9  }
0xb2: {  	_ =	task.clear_ibuf [dreg:s7], $0x6FFFF;
	_ =	strace $0x90000046  }
0xb3: {  	s29 =	simm.s32 $0x9;
	_ =	strace $0x80000048  }
0xb4: {  	_ =	swait.ge [sflag:s29], $0x1  }
0xb5: {  	[sflag:s29] =	ssyncadd.s32 $0xFFFFFFFF  }
0xb6: {  	_ =	strace $0x90000048  }
0xb7: {  	_ =	sfence  }
0xb8: {  	s30 =	sld [smem:$0x0];
	_ =	sdelay $0x2  }
0xb9: {  	s31 =	sshll.u32 s1, $0xD;
	s1 =	sshrl.u32 s1, $0x2  }
0xba: {  	s3 =	sand.u32 $0x4000, s31;
	s1 =	sadd.s32 s1, s30  }
0xbb: {  	s0 =	sor.u32 s3, s0;
	s1 =	sshll.u32 s1, $0x11  }
0xbc: {  	s0 =	sor.u32 s1, s0  }
0xbd: {  	s0 =	sadd.s32 $0x8F2B, s0  }
0xbe: {  	[sflag:s0] =	ssyncadd.remote.s32 $0x1  }
0xbf: {  	_ =	sfence.sel $0xFFFF  }
0xc0: {  	[dreg:$0x0] =	wrdreg $0xFFFFFFFF;
	(pc) =	sbr.abs _section_cstart, $3  }
0xc1: {  	[dreg:$0x1] =	wrdreg $0xFFFFFFFF  }
0xc2: {  	_ =	task.clear_ibuf [dreg:s7], $0x2FFFF;
	_ =	strace $0x9FFFFFFF  }
0xc3: {  	(tm) =	ssettm $0x7FFFFFFF  }
tec
execute0_lowered:
.L_overlay_start_1:
0x0: {  	(tag) =	ssettag $0x1  }
0x1: {  	s5 =	rddreg [dreg:$0x0]  }
0x2: {  	s3 =	rddreg [dreg:$0x2];
	s4 =	simm.s32 $0x0  }
0x3: {  	s14 =	simm.s32 $0x100;
	[smem:$0x7FF] =	sst s4  }
0x4: {  	s15 =	simm.s32 $0x180;
	_ =	strace $0x80000047;
	[dreg:$0x6] =	wrdreg s14  }
0x5: {  	s16 =	simm.s32 $0x200;
	[dreg:$0x7] =	wrdreg s15  }
0x6: {  	s17 =	simm.s32 $0x280;
	[dreg:$0x8] =	wrdreg s16  }
0x7: {  	s18 =	simm.s32 $0x300;
	[dreg:$0x9] =	wrdreg s17  }
0x8: {  	s0 =	srdreg.scid;
	s19 =	simm.s32 $0x380;
	[dreg:$0xa] =	wrdreg s18  }
0x9: {  	s12 =	stileid.u32;
	s20 =	simm.s32 $0x400;
	[dreg:$0xb] =	wrdreg s19  }
0xa: {  	s21 =	simm.s32 $0x480;
	s22 =	simm.s32 $0x500;
	[dreg:$0xc] =	wrdreg s20  }
0xb: {  	s23 =	simm.s32 $0x580;
	s25 =	simm.s32 $0x600;
	[dreg:$0xd] =	wrdreg s21  }
0xc: {  	s26 =	simm.s32 $0x700;
	s28 =	simm.s32 $0x2A00;
	[dreg:$0xe] =	wrdreg s22  }
0xd: {  	s29 =	simm.s32 $0x3200;
	s30 =	simm.s32 $0x4200;
	[dreg:$0xf] =	wrdreg s23  }
0xe: {  	s31 =	simm.s32 $0x6A00;
	s7 =	sand.u32 $0x1, s0;
	[dreg:$0x10] =	wrdreg s25  }
0xf: {  	s8 =	smul.u32 $0x186, s12;
	[dreg:$0x11] =	wrdreg s26;
	s15 =	simm.s32 $0xA00  }
0x10: {  	s1 =	sadd.s32 $0x19400, s5;
	s17 =	simm.s32 $0xA80;
	[dreg:$0x17] =	wrdreg s15  }
0x11: {  	s10 =	smul.u32 $0x1860, s12;
	s18 =	simm.s32 $0xB00;
	[dreg:$0x18] =	wrdreg s17  }
0x12: {  	s6 =	smul.u32 $0x1860, s7;
	s19 =	simm.s32 $0xB80;
	[dreg:$0x19] =	wrdreg s18  }
0x13: {  	s0 =	sshll.u32 s7, $0x4;
	s20 =	simm.s32 $0xC00;
	[dreg:$0x1a] =	wrdreg s19  }
0x14: {  	s9 =	smul.u32 $0x18600, s7;
	s21 =	simm.s32 $0xC80;
	[dreg:$0x1b] =	wrdreg s20  }
0x15: {  	s14 =	smul.u32 $0xC800, s12;
	s22 =	simm.s32 $0xD80;
	[dreg:$0x1c] =	wrdreg s21  }
0x16: {  	s16 =	smul.u32 $0xC8000, s7;
	s25 =	simm.s32 $0xE00;
	[dreg:$0x1d] =	wrdreg s22  }
0x17: {  	s7 =	ssub.s32 $0x2, s7;
	s26 =	simm.s32 $0xE80;
	[dreg:$0x1e] =	wrdreg s25  }
0x18: {  	s0 =	sor.u32 s12, s0;
	s23 =	sshrl.u32 s7, $0x1;
	[dreg:$0x1f] =	wrdreg s26  }
0x19: {  	s15 =	sshll.u32 s12, $0x6;
	s17 =	simm.s32 $0x1100;
	s18 =	simm.s32 $0x1180  }
0x1a: {  	s19 =	simm.s32 $0x1200;
	s22 =	simm.s32 $0x1280;
	[smem:$0x7E5] =	sst s17  }
0x1b: {  	s26 =	simm.s32 $0x1400;
	s12 =	simm.s32 $0x1680;
	[smem:$0x7E6] =	sst s18  }
0x1c: {  	s2 =	smin.u32 s0, $0x14;
	s6 =	sadd.s32 s8, s6;
	[smem:$0x7E8] =	sst s19  }
0x1d: {  	s11 =	sadd.s32 s9, s1;
	s9 =	simm.s32 $0x800;
	[smem:$0x7EA] =	sst s22  }
0x1e: {  	s7 =	ssub.s32 s7, s23;
	s21 =	sor.u32 $0x1C03, s15;
	[smem:$0x7EE] =	sst s26  }
0x1f: {  	s23 =	simm.s32 $0x1300;
	s15 =	simm.s32 $0x80;
	[smem:$0x7F3] =	sst s12  }
0x20: {  	s26 =	simm.s32 $0x2200;
	s17 =	simm.s32 $0x1800;
	[dreg:$0x13] =	wrdreg s9  }
0x21: {  	s18 =	simm.s32 $0x1880;
	s19 =	simm.s32 $0x1900;
	[smem:$0x7EC] =	sst s23  }
0x22: {  	p0 =	sgt.u32 s0, $0x13;
	s12 =	simm.s32 $0x680;
	[smem:$0x7F6] =	sst s17  }
0x23: {  	s6 =	sadd.s32 s2, s6;
	s8 =	sadd.s32 s10, s11;
	[smem:$0x7F7] =	sst s18  }
0x24: {  	s13 =	sshll.u32 s2, $0x4;
	s10 =	simm.s32 $0x880;
	[smem:$0x7F8] =	sst s19  }
0x25: {  	s11 =	simm.s32 $0x900;
	s9 =	sadd.s32 s14, s16;
	[smem:$0x7FB] =	sst s21  }
0x26: {  	s16 =	simm.s32 $0x1080;
	s23 =	simm.s32 $0xD00;
	[dreg:$0x14] =	wrdreg s10  }
0x27: {  	s17 =	simm.s32 $0x8A00;
	s18 =	simm.s32 $0x9200;
	[dreg:$0x15] =	wrdreg s11  }
0x28: {  	s19 =	simm.s32 $0x2;
	s8 =	sadd.s32 s13, s8;
	[smem:$0x7E4] =	sst s16  }
0x29: {  	s6 =	sshll.u32 s6, $0x4;
	s13 =	simm.s32 $0x980;
	[dreg:$0x4] =	wrdreg s8  }
0x2a: {  	s9 =	sshrl.u32 s9, $0x3;
	s10 =	simm.s32 $0xF00;
	[dreg:$0x16] =	wrdreg s13  }
0x2b: {  	s11 =	smul.u32 $0x186, s0;
	s16 =	simm.s32 $0x1780;
	[smem:$0x7E1] =	sst s10  }
0x2c: {  	s0 =	simm.s32 $0x1;
	s8 =	simm.s32 $0x780;
	[smem:$0x7F5] =	sst s16  }
0x2d: {  	s24 =	sadd.s32 s6, s1;
	s13 =	simm.s32 $0xF80;
	[dreg:$0x12] =	wrdreg s8  }
0x2e: {  	s10 =	simm.s32 $0x1580;
	s16 =	simm.s32 $0x8200;
	[smem:$0x7E2] =	sst s13  }
0x2f: {  	s6 =	sadd.s32 $0xD0, s24;
	s2 =	sadd.s32 s2, s11;
	[smem:$0x7F1] =	sst s10  }
0x30: {  	s8 =	sadd.s32 s14, s3;
	s14 =	simm.s32 $0x1000;
	[smem:$0x7FD] =	sst s24  }
0x31: {  	s13 =	simm.s32 $0x3;
	s11 =	simm.s32 $0x1600;
	[dreg:$0x5] =	wrdreg s6  }
0x32: {  	s10 =	simm.s32 $0x6200;
	s6 =	sadd.s32 $0xC00, s5;
	[smem:$0x7E3] =	sst s14  }
0x33: {  	s5 =	sadd.s32 s9, s5;
	s9 =	simm.s32 $0x1500;
	[smem:$0x7F2] =	sst s11  }
0x34: {  	s2 =	sshll.u32 s2, $0x4;
	s14 =	simm.s32 $0x1700;
	[smem:$0x7F0] =	sst s9  }
0x35: {  	s22 =	sshrl.u32 s8, $0x3;
	s8 =	simm.s32 $0x4A00;
	[smem:$0x7F4] =	sst s14  }
0x36: {  	s11 =	simm.s32 $0x7200;
	s25 =	sadd.s32 $0x7BE00, s5;
	[smem:$0x7FC] =	sst s22  }
0x37: {  	s1 =	sadd.s32 s1, s2;
	s5 =	smax.u32 s7, $0x1;
	[smem:$0x7EB] =	sst s25  }
0x38: {  	s7 =	simm.s32 $0x1480;
	s2 =	simm.s32 $0x3A00;
	[smem:$0x7ED] =	sst s5  }
0x39: {  	s9 =	simm.s32 $0x5200;
	s20 =	sadd.s32 $0x1860, s1;
	[smem:$0x7EF] =	sst s7  }
0x3a: {  	s14 =	simm.s32 $0x1380;
	s1 =	sadd.s32 $0x325A0, s1;
	[smem:$0x7E7] =	sst s20  }
0x3b: {  	s25 =	simm.s32 $0x1A00;
	[smem:$0x7E9] =	sst s1;
	s20 =	simm.s32 $0x1980  }
0x3c: {  	s5 =	simm.s32 $0x7A00;
	[smem:$0x7F9] =	sst s20;
	s20 =	simm.s32 $0x0  }
0x3d: {  	s7 =	simm.s32 $0xE200;
	s1 =	simm.s32 $0x5A00;
	[smem:$0x7FA] =	sst s20  }
.LBB2_1:
0x3e: {  	s20 =	rddreg [dreg:$0x1]  }
0x3f: {  	[spmem:s22], [sflag:s21] =	dma.local [hbm:s20], $0x1900  }
0x40: {  	_ =	swait.ge [sflag:s13], $0x1900  }
0x41: {  	[sflag:s13] =	ssyncset.done $0x0  }
0x42: {  	[sflag:s13] =	ssyncadd.s32 $0xFFFFE700  }
0x43: {  	s22 =	sadd.s32 $0x0, s24;
	[bflag:$0x0] =	sbarrier.arrive $0xFFFF  }
0x44: {  	[tilespmem:s4], [sflag:$0x3] =	stream.linear.gather [hbm4b:s22+s4], $0x680, $0x38;
	[tilespmem:$0x1B200] =	vst v63  }
0x45: {  	_ =	swait.ge [sflag:s13], $0x680  }
0x46: {  	s21 =	rddreg [dreg:$0x4]  }
0x47: {  	[sflag:s13] =	ssyncset.done $0x0;
	s20 =	sadd.s32 $0x0, s21  }
0x48: {  	[sflag:s13] =	ssyncadd.s32 $0xFFFFF980;
	s22 =	sadd.s32 $0x30D40, s20  }
0x49: {  	[tilespmem:s23], [sflag:$0x3] =	stream.linear.gather [hbm4b:s22+s4], $0x680, $0x38;
	[tilespmem:$0x1B200] =	vst v63  }
0x4a: {  	_ =	swait.ge [sflag:s13], $0x680  }
0x4b: {  	[sflag:s13] =	ssyncset.done $0x0  }
0x4c: {  	[sflag:s13] =	ssyncadd.s32 $0xFFFFF980  }
0x4d: {  	[tilespmem:s25], [sflag:$0x1] =	stream.indirect.gather [hbm4b:s6+s15], $0x10, s4, s15, $0xb8;
	[tilespmem:$0x1B200] =	vst v63  }
0x4e: {  	_ = 	snop  }
0x4f: {  	[tilespmem:s26], [sflag:$0x1] =	stream.indirect.gather [hbm4b:s6+s15], $0x10, s15, s15, $0xb8;
	[tilespmem:$0x1B200] =	vst v63  }
0x50: {  	s21 =	rddreg [dreg:$0x6]  }
0x51: {  	[tilespmem:s28], [sflag:$0x1] =	stream.indirect.gather [hbm4b:s6+s15], $0x10, s21, s15, $0xb8;
	[tilespmem:$0x1B200] =	vst v63  }
0x52: {  	s22 =	rddreg [dreg:$0x7]  }
0x53: {  	[tilespmem:s29], [sflag:$0x1] =	stream.indirect.gather [hbm4b:s6+s15], $0x10, s22, s15, $0xb8;
	[tilespmem:$0x1B200] =	vst v63  }
0x54: {  	s21 =	rddreg [dreg:$0x8]  }
0x55: {  	[tilespmem:s2], [sflag:$0x1] =	stream.indirect.gather [hbm4b:s6+s15], $0x10, s21, s15, $0xb8;
	[tilespmem:$0x1B200] =	vst v63  }
0x56: {  	s22 =	rddreg [dreg:$0x9]  }
0x57: {  	[tilespmem:s30], [sflag:$0x1] =	stream.indirect.gather [hbm4b:s6+s15], $0x10, s22, s15, $0xb8;
	[tilespmem:$0x1B200] =	vst v63  }
0x58: {  	s21 =	rddreg [dreg:$0xa]  }
0x59: {  	[tilespmem:s8], [sflag:$0x1] =	stream.indirect.gather [hbm4b:s6+s15], $0x10, s21, s15, $0xb8;
	[tilespmem:$0x1B200] =	vst v63  }
0x5a: {  	s22 =	rddreg [dreg:$0xb]  }
0x5b: {  	[tilespmem:s9], [sflag:$0x1] =	stream.indirect.gather [hbm4b:s6+s15], $0x10, s22, s15, $0xb8;
	[tilespmem:$0x1B200] =	vst v63  }
0x5c: {  	s21 =	rddreg [dreg:$0xc]  }
0x5d: {  	[tilespmem:s1], [sflag:$0x1] =	stream.indirect.gather [hbm4b:s6+s15], $0x10, s21, s15, $0xb8;
	[tilespmem:$0x1B200] =	vst v63  }
0x5e: {  	s22 =	rddreg [dreg:$0xd]  }
0x5f: {  	[tilespmem:s10], [sflag:$0x1] =	stream.indirect.gather [hbm4b:s6+s15], $0x10, s22, s15, $0xb8;
	[tilespmem:$0x1B200] =	vst v63  }
0x60: {  	s21 =	rddreg [dreg:$0xe]  }
0x61: {  	[tilespmem:s31], [sflag:$0x1] =	stream.indirect.gather [hbm4b:s6+s15], $0x10, s21, s15, $0xb8;
	[tilespmem:$0x1B200] =	vst v63  }
0x62: {  	s22 =	rddreg [dreg:$0xf]  }
0x63: {  	[tilespmem:s11], [sflag:$0x1] =	stream.indirect.gather [hbm4b:s6+s15], $0x10, s22, s15, $0xb8;
	[tilespmem:$0x1B200] =	vst v63  }
0x64: {  	p1 =	por $0x1, $0x1;
	s21 =	rddreg [dreg:$0x10]  }
0x65: {  	[tilespmem:s5], [sflag:$0x1] =	stream.indirect.gather [hbm4b:s6+s15], $0x10, s21, s15, $0xb8;
	[tilespmem:$0x1B200] =	vst v63  }
0x66: {  	s21 =	simm.s32 @!p1 $0x2  }
0x67: {  	_ =	swait.ge @!p1 [sflag:s21], $0x6800  }
0x68: {  	s22 =	rddreg [dreg:$0x5];
	[sflag:s21] =	ssyncset.done @!p1 $0x0  }
0x69: {  	[sflag:s21] =	ssyncadd.s32 @!p1 $0xFFFF9800;
	s22 =	sadd.s32 $0x0, s22  }
0x6a: {  	[tilespmem:s12], [sflag:$0x3] =	stream.linear.gather [hbm4b:s22+s4], $0x680, $0x38;
	[tilespmem:$0x1B200] =	vst v63  }
0x6b: {  	_ =	swait.ge [sflag:s13], $0x680  }
0x6c: {  	[sflag:s13] =	ssyncset.done $0x0  }
0x6d: {  	s20 =	sadd.s32 $0x30E10, s20;
	[sflag:s13] =	ssyncadd.s32 $0xFFFFF980  }
0x6e: {  	[tilespmem:s14], [sflag:$0x3] =	stream.linear.gather [hbm4b:s20+s4], $0x680, $0x38;
	[tilespmem:$0x1B200] =	vst v63  }
0x6f: {  	_ =	swait.ge [sflag:s13], $0x680  }
0x70: {  	[sflag:s13] =	ssyncset.done $0x0  }
0x71: {  	[sflag:s13] =	ssyncadd.s32 $0xFFFFF980  }
0x72: {  	_ =	swait.ge [sflag:s0], $0x800  }
0x73: {  	[sflag:s0] =	ssyncset.done $0x0  }
0x74: {  	[sflag:s0] =	ssyncadd.s32 $0xFFFFF800  }
0x75: {  	_ =	swait.ge [sflag:s0], $0x800  }
0x76: {  	[sflag:s0] =	ssyncset.done $0x0  }
0x77: {  	[sflag:s0] =	ssyncadd.s32 $0xFFFFF800  }
0x78: {  	_ =	swait.ge [sflag:s0], $0x800  }
0x79: {  	[sflag:s0] =	ssyncset.done $0x0  }
0x7a: {  	[sflag:s0] =	ssyncadd.s32 $0xFFFFF800  }
0x7b: {  	_ =	swait.ge [sflag:s0], $0x800  }
0x7c: {  	[sflag:s0] =	ssyncset.done $0x0  }
0x7d: {  	[sflag:s0] =	ssyncadd.s32 $0xFFFFF800  }
0x7e: {  	_ =	swait.ge [sflag:s0], $0x800  }
0x7f: {  	[sflag:s0] =	ssyncset.done $0x0  }
0x80: {  	[sflag:s0] =	ssyncadd.s32 $0xFFFFF800  }
0x81: {  	_ =	swait.ge [sflag:s0], $0x800  }
0x82: {  	[sflag:s0] =	ssyncset.done $0x0  }
0x83: {  	[sflag:s0] =	ssyncadd.s32 $0xFFFFF800  }
0x84: {  	_ =	swait.ge [sflag:s0], $0x800  }
0x85: {  	[sflag:s0] =	ssyncset.done $0x0  }
0x86: {  	[sflag:s0] =	ssyncadd.s32 $0xFFFFF800  }
0x87: {  	_ =	swait.ge [sflag:s0], $0x800  }
0x88: {  	[sflag:s0] =	ssyncset.done $0x0  }
0x89: {  	[sflag:s0] =	ssyncadd.s32 $0xFFFFF800  }
0x8a: {  	_ =	swait.ge [sflag:s0], $0x800  }
0x8b: {  	[sflag:s0] =	ssyncset.done $0x0  }
0x8c: {  	[sflag:s0] =	ssyncadd.s32 $0xFFFFF800  }
0x8d: {  	_ =	swait.ge [sflag:s0], $0x800  }
0x8e: {  	[sflag:s0] =	ssyncset.done $0x0  }
0x8f: {  	[sflag:s0] =	ssyncadd.s32 $0xFFFFF800  }
0x90: {  	_ =	swait.ge [sflag:s0], $0x800  }
0x91: {  	[sflag:s0] =	ssyncset.done $0x0  }
0x92: {  	[sflag:s0] =	ssyncadd.s32 $0xFFFFF800  }
0x93: {  	_ =	swait.ge [sflag:s0], $0x800  }
0x94: {  	[sflag:s0] =	ssyncset.done $0x0  }
0x95: {  	[sflag:s0] =	ssyncadd.s32 $0xFFFFF800  }
0x96: {  	_ =	swait.ge [sflag:s0], $0x800  }
0x97: {  	[sflag:s0] =	ssyncset.done $0x0  }
0x98: {  	[sflag:s0] =	ssyncadd.s32 $0xFFFFF800  }
0x99: {  	[tilespmem:s16], [sflag:$0x1] =	stream.indirect.gather [hbm4b:s6+s15], $0x10, s12, s15, $0xb8;
	[tilespmem:$0x1B200] =	vst v63  }
0x9a: {  	s21 =	rddreg [dreg:$0x11]  }
0x9b: {  	[tilespmem:s17], [sflag:$0x1] =	stream.indirect.gather [hbm4b:s6+s15], $0x10, s21, s15, $0xb8;
	[tilespmem:$0x1B200] =	vst v63  }
0x9c: {  	s22 =	rddreg [dreg:$0x12]  }
0x9d: {  	[tilespmem:s18], [sflag:$0x1] =	stream.indirect.gather [hbm4b:s6+s15], $0x10, s22, s15, $0xb8;
	[tilespmem:$0x1B200] =	vst v63  }
0x9e: {  	s12 =	rddreg [dreg:$0x13];
	s22 =	simm.s32 $0x9A00  }
0x9f: {  	[tilespmem:s22], [sflag:$0x1] =	stream.indirect.gather [hbm4b:s6+s15], $0x10, s12, s15, $0xb8;
	[tilespmem:$0x1B200] =	vst v63  }
0xa0: {  	s21 =	rddreg [dreg:$0x14];
	s22 =	simm.s32 $0xA200  }
0xa1: {  	[tilespmem:s22], [sflag:$0x1] =	stream.indirect.gather [hbm4b:s6+s15], $0x10, s21, s15, $0xb8;
	[tilespmem:$0x1B200] =	vst v63  }
0xa2: {  	s20 =	rddreg [dreg:$0x15];
	s22 =	simm.s32 $0xAA00  }
0xa3: {  	[tilespmem:s22], [sflag:$0x1] =	stream.indirect.gather [hbm4b:s6+s15], $0x10, s20, s15, $0xb8;
	[tilespmem:$0x1B200] =	vst v63  }
0xa4: {  	s12 =	simm.s32 $0xB200;
	s21 =	rddreg [dreg:$0x16]  }
0xa5: {  	[tilespmem:s12], [sflag:$0x1] =	stream.indirect.gather [hbm4b:s6+s15], $0x10, s21, s15, $0xb8;
	[tilespmem:$0x1B200] =	vst v63  }
0xa6: {  	s20 =	rddreg [dreg:$0x17];
	s12 =	simm.s32 $0xBA00  }
0xa7: {  	[tilespmem:s12], [sflag:$0x1] =	stream.indirect.gather [hbm4b:s6+s15], $0x10, s20, s15, $0xb8;
	[tilespmem:$0x1B200] =	vst v63  }
0xa8: {  	s21 =	rddreg [dreg:$0x18];
	s12 =	simm.s32 $0xC200  }
0xa9: {  	[tilespmem:s12], [sflag:$0x1] =	stream.indirect.gather [hbm4b:s6+s15], $0x10, s21, s15, $0xb8;
	[tilespmem:$0x1B200] =	vst v63  }
0xaa: {  	s20 =	rddreg [dreg:$0x19];
	s12 =	simm.s32 $0xCA00  }
0xab: {  	[tilespmem:s12], [sflag:$0x1] =	stream.indirect.gather [hbm4b:s6+s15], $0x10, s20, s15, $0xb8;
	[tilespmem:$0x1B200] =	vst v63  }
0xac: {  	s21 =	rddreg [dreg:$0x1a];
	s12 =	simm.s32 $0xD200  }
0xad: {  	[tilespmem:s12], [sflag:$0x1] =	stream.indirect.gather [hbm4b:s6+s15], $0x10, s21, s15, $0xb8;
	[tilespmem:$0x1B200] =	vst v63  }
0xae: {  	s20 =	rddreg [dreg:$0x1b];
	s12 =	simm.s32 $0xDA00  }
0xaf: {  	[tilespmem:s12], [sflag:$0x1] =	stream.indirect.gather [hbm4b:s6+s15], $0x10, s20, s15, $0xb8;
	[tilespmem:$0x1B200] =	vst v63  }
0xb0: {  	s21 =	rddreg [dreg:$0x1c]  }
0xb1: {  	[tilespmem:s7], [sflag:$0x1] =	stream.indirect.gather [hbm4b:s6+s15], $0x10, s21, s15, $0xb8;
	[tilespmem:$0x1B200] =	vst v63  }
0xb2: {  	s21 =	rddreg [dreg:$0x1d]  }
0xb3: {  	[spmem:s3] =	stream.indirect.scatter.add.f32 [tilespmem:s25], [sflag:$0x2], $0x10, s23, s15, $0xb8;
	[tilespmem:$0x1B200] =	vst v63  }
0xb4: {  	s7 =	sld [smem:$0x7E1]  }
0xb5: {  	[spmem:s3] =	stream.indirect.scatter.add.f32 [tilespmem:s26], [sflag:$0x2], $0x10, s21, s15, $0xb8;
	[tilespmem:$0x1B200] =	vst v63  }
0xb6: {  	s25 =	rddreg [dreg:$0x1e]  }
0xb7: {  	[spmem:s3] =	stream.indirect.scatter.add.f32 [tilespmem:s28], [sflag:$0x2], $0x10, s25, s15, $0xb8;
	[tilespmem:$0x1B200] =	vst v63  }
0xb8: {  	s26 =	rddreg [dreg:$0x1f]  }
0xb9: {  	[spmem:s3] =	stream.indirect.scatter.add.f32 [tilespmem:s29], [sflag:$0x2], $0x10, s26, s15, $0xb8;
	[tilespmem:$0x1B200] =	vst v63  }
0xba: {  	s23 =	sld [smem:$0x7E2]  }
0xbb: {  	[spmem:s3] =	stream.indirect.scatter.add.f32 [tilespmem:s2], [sflag:$0x2], $0x10, s7, s15, $0xb8;
	[tilespmem:$0x1B200] =	vst v63  }
0xbc: {  	s25 =	sld [smem:$0x7E3]  }
0xbd: {  	[spmem:s3] =	stream.indirect.scatter.add.f32 [tilespmem:s30], [sflag:$0x2], $0x10, s23, s15, $0xb8;
	[tilespmem:$0x1B200] =	vst v63  }
0xbe: {  	s26 =	sld [smem:$0x7E4]  }
0xbf: {  	[spmem:s3] =	stream.indirect.scatter.add.f32 [tilespmem:s8], [sflag:$0x2], $0x10, s25, s15, $0xb8;
	[tilespmem:$0x1B200] =	vst v63  }
0xc0: {  	s28 =	sld [smem:$0x7E5]  }
0xc1: {  	[spmem:s3] =	stream.indirect.scatter.add.f32 [tilespmem:s9], [sflag:$0x2], $0x10, s26, s15, $0xb8;
	[tilespmem:$0x1B200] =	vst v63  }
0xc2: {  	s29 =	sld [smem:$0x7E6]  }
0xc3: {  	[spmem:s3] =	stream.indirect.scatter.add.f32 [tilespmem:s1], [sflag:$0x2], $0x10, s28, s15, $0xb8;
	[tilespmem:$0x1B200] =	vst v63  }
0xc4: {  	s30 =	sld [smem:$0x7E8]  }
0xc5: {  	[spmem:s3] =	stream.indirect.scatter.add.f32 [tilespmem:s10], [sflag:$0x2], $0x10, s29, s15, $0xb8;
	[tilespmem:$0x1B200] =	vst v63  }
0xc6: {  	s1 =	sld [smem:$0x7EA]  }
0xc7: {  	[spmem:s3] =	stream.indirect.scatter.add.f32 [tilespmem:s31], [sflag:$0x2], $0x10, s30, s15, $0xb8;
	[tilespmem:$0x1B200] =	vst v63  }
0xc8: {  	s2 =	sld [smem:$0x7EC]  }
0xc9: {  	[spmem:s3] =	stream.indirect.scatter.add.f32 [tilespmem:s11], [sflag:$0x2], $0x10, s1, s15, $0xb8;
	[tilespmem:$0x1B200] =	vst v63  }
0xca: {  	_ = 	snop  }
0xcb: {  	[spmem:s3] =	stream.indirect.scatter.add.f32 [tilespmem:s5], [sflag:$0x2], $0x10, s2, s15, $0xb8;
	[tilespmem:$0x1B200] =	vst v63  }
0xcc: {  	_ =	swait.ge [sflag:s0], $0x800  }
0xcd: {  	[sflag:s0] =	ssyncset.done $0x0  }
0xce: {  	[sflag:s0] =	ssyncadd.s32 $0xFFFFF800  }
0xcf: {  	_ =	swait.ge [sflag:s0], $0x800  }
0xd0: {  	[sflag:s0] =	ssyncset.done $0x0  }
0xd1: {  	[sflag:s0] =	ssyncadd.s32 $0xFFFFF800  }
0xd2: {  	_ =	swait.ge [sflag:s0], $0x800  }
0xd3: {  	[sflag:s0] =	ssyncset.done $0x0  }
0xd4: {  	[sflag:s0] =	ssyncadd.s32 $0xFFFFF800  }
0xd5: {  	_ =	swait.ge [sflag:s0], $0x800  }
0xd6: {  	[sflag:s0] =	ssyncset.done $0x0  }
0xd7: {  	[sflag:s0] =	ssyncadd.s32 $0xFFFFF800  }
0xd8: {  	_ =	swait.ge [sflag:s0], $0x800  }
0xd9: {  	[sflag:s0] =	ssyncset.done $0x0  }
0xda: {  	[sflag:s0] =	ssyncadd.s32 $0xFFFFF800  }
0xdb: {  	_ =	swait.ge [sflag:s0], $0x800  }
0xdc: {  	[sflag:s0] =	ssyncset.done $0x0  }
0xdd: {  	[sflag:s0] =	ssyncadd.s32 $0xFFFFF800  }
0xde: {  	_ =	swait.ge [sflag:s0], $0x800  }
0xdf: {  	[sflag:s0] =	ssyncset.done $0x0  }
0xe0: {  	[sflag:s0] =	ssyncadd.s32 $0xFFFFF800  }
0xe1: {  	_ =	swait.ge [sflag:s0], $0x800  }
0xe2: {  	[sflag:s0] =	ssyncset.done $0x0  }
0xe3: {  	[sflag:s0] =	ssyncadd.s32 $0xFFFFF800  }
0xe4: {  	_ =	swait.ge [sflag:s0], $0x800  }
0xe5: {  	[sflag:s0] =	ssyncset.done $0x0  }
0xe6: {  	[sflag:s0] =	ssyncadd.s32 $0xFFFFF800  }
0xe7: {  	_ =	swait.ge [sflag:s0], $0x800  }
0xe8: {  	[sflag:s0] =	ssyncset.done $0x0  }
0xe9: {  	[sflag:s0] =	ssyncadd.s32 $0xFFFFF800  }
0xea: {  	_ =	swait.ge [sflag:s0], $0x800  }
0xeb: {  	[sflag:s0] =	ssyncset.done $0x0  }
0xec: {  	[sflag:s0] =	ssyncadd.s32 $0xFFFFF800  }
0xed: {  	_ =	swait.ge [sflag:s0], $0x800  }
0xee: {  	[sflag:s0] =	ssyncset.done $0x0  }
0xef: {  	[sflag:s0] =	ssyncadd.s32 $0xFFFFF800  }
0xf0: {  	_ =	swait.ge [sflag:s0], $0x800  }
0xf1: {  	[sflag:s0] =	ssyncset.done $0x0  }
0xf2: {  	[sflag:s0] =	ssyncadd.s32 $0xFFFFF800  }
0xf3: {  	_ =	swait.ge [sflag:s19], $0x800  }
0xf4: {  	[sflag:s19] =	ssyncset.done $0x0  }
0xf5: {  	[sflag:s19] =	ssyncadd.s32 $0xFFFFF800  }
0xf6: {  	_ =	swait.ge [sflag:s19], $0x800  }
0xf7: {  	[sflag:s19] =	ssyncset.done $0x0  }
0xf8: {  	[sflag:s19] =	ssyncadd.s32 $0xFFFFF800  }
0xf9: {  	_ =	swait.ge [sflag:s19], $0x800  }
0xfa: {  	[sflag:s19] =	ssyncset.done $0x0  }
0xfb: {  	[sflag:s19] =	ssyncadd.s32 $0xFFFFF800  }
0xfc: {  	_ =	swait.ge [sflag:s19], $0x800  }
0xfd: {  	[sflag:s19] =	ssyncset.done $0x0  }
0xfe: {  	[sflag:s19] =	ssyncadd.s32 $0xFFFFF800  }
0xff: {  	_ =	swait.ge [sflag:s19], $0x800  }
0x100: {  	[sflag:s19] =	ssyncset.done $0x0  }
0x101: {  	[sflag:s19] =	ssyncadd.s32 $0xFFFFF800  }
0x102: {  	_ =	swait.ge [sflag:s19], $0x800  }
0x103: {  	[sflag:s19] =	ssyncset.done $0x0  }
0x104: {  	[sflag:s19] =	ssyncadd.s32 $0xFFFFF800  }
0x105: {  	_ =	swait.ge [sflag:s19], $0x800  }
0x106: {  	[sflag:s19] =	ssyncset.done $0x0  }
0x107: {  	[sflag:s19] =	ssyncadd.s32 $0xFFFFF800  }
0x108: {  	_ =	swait.ge [sflag:s19], $0x800  }
0x109: {  	[sflag:s19] =	ssyncset.done $0x0  }
0x10a: {  	[sflag:s19] =	ssyncadd.s32 $0xFFFFF800  }
0x10b: {  	_ =	swait.ge [sflag:s19], $0x800  }
0x10c: {  	[sflag:s19] =	ssyncset.done $0x0  }
0x10d: {  	[sflag:s19] =	ssyncadd.s32 $0xFFFFF800  }
0x10e: {  	_ =	swait.ge [sflag:s19], $0x800  }
0x10f: {  	[sflag:s19] =	ssyncset.done $0x0  }
0x110: {  	[sflag:s19] =	ssyncadd.s32 $0xFFFFF800  }
0x111: {  	_ =	swait.ge [sflag:s19], $0x800  }
0x112: {  	[sflag:s19] =	ssyncset.done $0x0  }
0x113: {  	[sflag:s19] =	ssyncadd.s32 $0xFFFFF800  }
0x114: {  	_ =	swait.ge [sflag:s19], $0x800  }
0x115: {  	[sflag:s19] =	ssyncset.done $0x0  }
0x116: {  	[sflag:s19] =	ssyncadd.s32 $0xFFFFF800  }
0x117: {  	_ =	swait.ge [sflag:s19], $0x800  }
0x118: {  	[sflag:s19] =	ssyncset.done $0x0  }
0x119: {  	s5 =	sld [smem:$0x7EE];
	[sflag:s19] =	ssyncadd.s32 $0xFFFFF800  }
0x11a: {  	[spmem:s3] =	stream.indirect.scatter.add.f32 [tilespmem:s16], [sflag:$0x2], $0x10, s14, s15, $0xb8;
	[tilespmem:$0x1B200] =	vst v63  }
0x11b: {  	s7 =	sld [smem:$0x7EF]  }
0x11c: {  	[spmem:s3] =	stream.indirect.scatter.add.f32 [tilespmem:s17], [sflag:$0x2], $0x10, s5, s15, $0xb8;
	[tilespmem:$0x1B200] =	vst v63  }
0x11d: {  	s8 =	sld [smem:$0x7F0]  }
0x11e: {  	[spmem:s3] =	stream.indirect.scatter.add.f32 [tilespmem:s18], [sflag:$0x2], $0x10, s7, s15, $0xb8;
	[tilespmem:$0x1B200] =	vst v63  }
0x11f: {  	s10 =	simm.s32 $0x9A00;
	s9 =	sld [smem:$0x7F1]  }
0x120: {  	[spmem:s3] =	stream.indirect.scatter.add.f32 [tilespmem:s10], [sflag:$0x2], $0x10, s8, s15, $0xb8;
	[tilespmem:$0x1B200] =	vst v63  }
0x121: {  	s11 =	sld [smem:$0x7F2];
	s14 =	simm.s32 $0xA200  }
0x122: {  	[spmem:s3] =	stream.indirect.scatter.add.f32 [tilespmem:s14], [sflag:$0x2], $0x10, s9, s15, $0xb8;
	[tilespmem:$0x1B200] =	vst v63  }
0x123: {  	s16 =	sld [smem:$0x7F3]  }
0x124: {  	[spmem:s3] =	stream.indirect.scatter.add.f32 [tilespmem:s22], [sflag:$0x2], $0x10, s11, s15, $0xb8;
	[tilespmem:$0x1B200] =	vst v63  }
0x125: {  	s17 =	sld [smem:$0x7F4];
	s18 =	simm.s32 $0xB200  }
0x126: {  	[spmem:s3] =	stream.indirect.scatter.add.f32 [tilespmem:s18], [sflag:$0x2], $0x10, s16, s15, $0xb8;
	[tilespmem:$0x1B200] =	vst v63  }
0x127: {  	s23 =	simm.s32 $0xBA00;
	s22 =	sld [smem:$0x7F5]  }
0x128: {  	[spmem:s3] =	stream.indirect.scatter.add.f32 [tilespmem:s23], [sflag:$0x2], $0x10, s17, s15, $0xb8;
	[tilespmem:$0x1B200] =	vst v63  }
0x129: {  	s26 =	simm.s32 $0xC200;
	s25 =	sld [smem:$0x7F6]  }
0x12a: {  	[spmem:s3] =	stream.indirect.scatter.add.f32 [tilespmem:s26], [sflag:$0x2], $0x10, s22, s15, $0xb8;
	[tilespmem:$0x1B200] =	vst v63  }
0x12b: {  	s29 =	simm.s32 $0xCA00;
	s28 =	sld [smem:$0x7F7]  }
0x12c: {  	[spmem:s3] =	stream.indirect.scatter.add.f32 [tilespmem:s29], [sflag:$0x2], $0x10, s25, s15, $0xb8;
	[tilespmem:$0x1B200] =	vst v63  }
0x12d: {  	s31 =	simm.s32 $0xD200;
	s30 =	sld [smem:$0x7F8]  }
0x12e: {  	[spmem:s3] =	stream.indirect.scatter.add.f32 [tilespmem:s31], [sflag:$0x2], $0x10, s28, s15, $0xb8;
	[tilespmem:$0x1B200] =	vst v63  }
0x12f: {  	s20 =	simm.s32 $0x1A0;
	s22 =	sld [smem:$0x7F9]  }
0x130: {  	[spmem:s3] =	stream.indirect.scatter.add.f32 [tilespmem:s12], [sflag:$0x2], $0x10, s30, s15, $0xb8;
	[tilespmem:$0x1B200] =	vst v63  }
.LBB2_2:
0x131: {  	s21 =	smov.u32 s20;
	s29 =	simm.s32 $0xE200  }
0x132: {  	[spmem:s3] =	stream.indirect.scatter.add.f32 [tilespmem:s29], [sflag:$0x2], $0x10, s22, s15, $0xb8;
	[tilespmem:$0x1B200] =	vst v63  }
0x133: {  	s5 =	sadd.s32 s21, s24  }
0x134: {  	[tilespmem:s4], [sflag:$0x3] =	stream.linear.gather [hbm4b:s5+s4], $0x680, $0x38;
	[tilespmem:$0x1B200] =	vst v63  }
0x135: {  	_ =	swait.ge [sflag:s13], $0x680  }
0x136: {  	s7 =	rddreg [dreg:$0x4]  }
0x137: {  	[sflag:s13] =	ssyncset.done $0x0;
	s22 =	sadd.s32 s21, s7  }
0x138: {  	s26 =	simm.s32 $0xD00;
	[sflag:s13] =	ssyncadd.s32 $0xFFFFF980;
	s23 =	sadd.s32 $0x30D40, s22  }
0x139: {  	[tilespmem:s26], [sflag:$0x3] =	stream.linear.gather [hbm4b:s23+s4], $0x680, $0x38;
	[tilespmem:$0x1B200] =	vst v63  }
0x13a: {  	_ =	swait.ge [sflag:s13], $0x680  }
0x13b: {  	[sflag:s13] =	ssyncset.done $0x0  }
0x13c: {  	s11 =	simm.s32 $0x1A00;
	[sflag:s13] =	ssyncadd.s32 $0xFFFFF980  }
0x13d: {  	[tilespmem:s11], [sflag:$0x1] =	stream.indirect.gather [hbm4b:s6+s15], $0x10, s4, s15, $0xb8;
	[tilespmem:$0x1B200] =	vst v63  }
0x13e: {  	s25 =	simm.s32 $0x2200  }
0x13f: {  	[tilespmem:s25], [sflag:$0x1] =	stream.indirect.gather [hbm4b:s6+s15], $0x10, s15, s15, $0xb8;
	[tilespmem:$0x1B200] =	vst v63  }
0x140: {  	s10 =	simm.s32 $0x2A00;
	s8 =	rddreg [dreg:$0x6]  }
0x141: {  	[tilespmem:s10], [sflag:$0x1] =	stream.indirect.gather [hbm4b:s6+s15], $0x10, s8, s15, $0xb8;
	[tilespmem:$0x1B200] =	vst v63  }
0x142: {  	s17 =	simm.s32 $0x3200;
	s9 =	rddreg [dreg:$0x7]  }
0x143: {  	[tilespmem:s17], [sflag:$0x1] =	stream.indirect.gather [hbm4b:s6+s15], $0x10, s9, s15, $0xb8;
	[tilespmem:$0x1B200] =	vst v63  }
0x144: {  	s16 =	simm.s32 $0x3A00;
	s12 =	rddreg [dreg:$0x8]  }
0x145: {  	[tilespmem:s16], [sflag:$0x1] =	stream.indirect.gather [hbm4b:s6+s15], $0x10, s12, s15, $0xb8;
	[tilespmem:$0x1B200] =	vst v63  }
0x146: {  	s14 =	rddreg [dreg:$0x9];
	s8 =	simm.s32 $0x4200  }
0x147: {  	[tilespmem:s8], [sflag:$0x1] =	stream.indirect.gather [hbm4b:s6+s15], $0x10, s14, s15, $0xb8;
	[tilespmem:$0x1B200] =	vst v63  }
0x148: {  	s18 =	rddreg [dreg:$0xa];
	s12 =	simm.s32 $0x4A00  }
0x149: {  	[tilespmem:s12], [sflag:$0x1] =	stream.indirect.gather [hbm4b:s6+s15], $0x10, s18, s15, $0xb8;
	[tilespmem:$0x1B200] =	vst v63  }
0x14a: {  	s28 =	rddreg [dreg:$0xb];
	s14 =	simm.s32 $0x5200  }
0x14b: {  	[tilespmem:s14], [sflag:$0x1] =	stream.indirect.gather [hbm4b:s6+s15], $0x10, s28, s15, $0xb8;
	[tilespmem:$0x1B200] =	vst v63  }
0x14c: {  	s30 =	rddreg [dreg:$0xc];
	s4 =	simm.s32 $0x5A00  }
0x14d: {  	[tilespmem:s4], [sflag:$0x1] =	stream.indirect.gather [hbm4b:s6+s15], $0x10, s30, s15, $0xb8;
	[tilespmem:$0x1B200] =	vst v63  }
0x14e: {  	s31 =	rddreg [dreg:$0xd];
	s28 =	simm.s32 $0x6200  }
0x14f: {  	[tilespmem:s28], [sflag:$0x1] =	stream.indirect.gather [hbm4b:s6+s15], $0x10, s31, s15, $0xb8;
	[tilespmem:$0x1B200] =	vst v63  }
0x150: {  	s1 =	rddreg [dreg:$0xe];
	s18 =	simm.s32 $0x6A00  }
0x151: {  	[tilespmem:s18], [sflag:$0x1] =	stream.indirect.gather [hbm4b:s6+s15], $0x10, s1, s15, $0xb8;
	[tilespmem:$0x1B200] =	vst v63  }
0x152: {  	p2 =	seq.s32 s21, $0x0;
	s2 =	rddreg [dreg:$0xf];
	s9 =	simm.s32 $0x7200  }
0x153: {  	[tilespmem:s9], [sflag:$0x1] =	stream.indirect.gather [hbm4b:s6+s15], $0x10, s2, s15, $0xb8;
	[tilespmem:$0x1B200] =	vst v63  }
0x154: {  	s23 =	simm.s32 @!p2 $0x2;
	s7 =	rddreg [dreg:$0x10];
	s2 =	simm.s32 $0x7A00  }
0x155: {  	[tilespmem:s2], [sflag:$0x1] =	stream.indirect.gather [hbm4b:s6+s15], $0x10, s7, s15, $0xb8;
	[tilespmem:$0x1B200] =	vst v63  }
0x156: {  	_ =	swait.ge @!p2 [sflag:s23], $0x6800  }
0x157: {  	s5 =	simm.s32 $0x0;
	[sflag:s23] =	ssyncset.done @!p2 $0x0;
	s30 =	rddreg [dreg:$0x5]  }
0x158: {  	s1 =	simm.s32 $0x680;
	[sflag:s23] =	ssyncadd.s32 @!p2 $0xFFFF9800;
	s21 =	sadd.s32 s21, s30  }
0x159: {  	[tilespmem:s1], [sflag:$0x3] =	stream.linear.gather [hbm4b:s21+s5], $0x680, $0x38;
	[tilespmem:$0x1B200] =	vst v63  }
0x15a: {  	_ =	swait.ge [sflag:s13], $0x680  }
0x15b: {  	[sflag:s13] =	ssyncset.done $0x0  }
0x15c: {  	s31 =	sadd.s32 $0x30E10, s22;
	s7 =	simm.s32 $0x1380;
	[sflag:s13] =	ssyncadd.s32 $0xFFFFF980  }
0x15d: {  	[tilespmem:s7], [sflag:$0x3] =	stream.linear.gather [hbm4b:s31+s5], $0x680, $0x38;
	[tilespmem:$0x1B200] =	vst v63  }
0x15e: {  	_ =	swait.ge [sflag:s13], $0x680  }
0x15f: {  	[sflag:s13] =	ssyncset.done $0x0  }
0x160: {  	[sflag:s13] =	ssyncadd.s32 $0xFFFFF980  }
0x161: {  	_ =	swait.ge [sflag:s0], $0x800  }
0x162: {  	[sflag:s0] =	ssyncset.done $0x0  }
0x163: {  	[sflag:s0] =	ssyncadd.s32 $0xFFFFF800  }
0x164: {  	_ =	swait.ge [sflag:s0], $0x800  }
0x165: {  	[sflag:s0] =	ssyncset.done $0x0  }
0x166: {  	[sflag:s0] =	ssyncadd.s32 $0xFFFFF800  }
0x167: {  	_ =	swait.ge [sflag:s0], $0x800  }
0x168: {  	[sflag:s0] =	ssyncset.done $0x0  }
0x169: {  	[sflag:s0] =	ssyncadd.s32 $0xFFFFF800  }
0x16a: {  	_ =	swait.ge [sflag:s0], $0x800  }
0x16b: {  	[sflag:s0] =	ssyncset.done $0x0  }
0x16c: {  	[sflag:s0] =	ssyncadd.s32 $0xFFFFF800  }
0x16d: {  	_ =	swait.ge [sflag:s0], $0x800  }
0x16e: {  	[sflag:s0] =	ssyncset.done $0x0  }
0x16f: {  	[sflag:s0] =	ssyncadd.s32 $0xFFFFF800  }
0x170: {  	_ =	swait.ge [sflag:s0], $0x800  }
0x171: {  	[sflag:s0] =	ssyncset.done $0x0  }
0x172: {  	[sflag:s0] =	ssyncadd.s32 $0xFFFFF800  }
0x173: {  	_ =	swait.ge [sflag:s0], $0x800  }
0x174: {  	[sflag:s0] =	ssyncset.done $0x0  }
0x175: {  	[sflag:s0] =	ssyncadd.s32 $0xFFFFF800  }
0x176: {  	_ =	swait.ge [sflag:s0], $0x800  }
0x177: {  	[sflag:s0] =	ssyncset.done $0x0  }
0x178: {  	[sflag:s0] =	ssyncadd.s32 $0xFFFFF800  }
0x179: {  	_ =	swait.ge [sflag:s0], $0x800  }
0x17a: {  	[sflag:s0] =	ssyncset.done $0x0  }
0x17b: {  	[sflag:s0] =	ssyncadd.s32 $0xFFFFF800  }
0x17c: {  	_ =	swait.ge [sflag:s0], $0x800  }
0x17d: {  	[sflag:s0] =	ssyncset.done $0x0  }
0x17e: {  	[sflag:s0] =	ssyncadd.s32 $0xFFFFF800  }
0x17f: {  	_ =	swait.ge [sflag:s0], $0x800  }
0x180: {  	[sflag:s0] =	ssyncset.done $0x0  }
0x181: {  	[sflag:s0] =	ssyncadd.s32 $0xFFFFF800  }
0x182: {  	_ =	swait.ge [sflag:s0], $0x800  }
0x183: {  	[sflag:s0] =	ssyncset.done $0x0  }
0x184: {  	[sflag:s0] =	ssyncadd.s32 $0xFFFFF800  }
0x185: {  	_ =	swait.ge [sflag:s0], $0x800  }
0x186: {  	[sflag:s0] =	ssyncset.done $0x0  }
0x187: {  	s31 =	simm.s32 $0x8200;
	[sflag:s0] =	ssyncadd.s32 $0xFFFFF800  }
0x188: {  	[tilespmem:s31], [sflag:$0x1] =	stream.indirect.gather [hbm4b:s6+s15], $0x10, s1, s15, $0xb8;
	[tilespmem:$0x1B200] =	vst v63  }
0x189: {  	s30 =	simm.s32 $0x8A00;
	s22 =	rddreg [dreg:$0x11]  }
0x18a: {  	[tilespmem:s30], [sflag:$0x1] =	stream.indirect.gather [hbm4b:s6+s15], $0x10, s22, s15, $0xb8;
	[tilespmem:$0x1B200] =	vst v63  }
0x18b: {  	s5 =	simm.s32 $0x9200;
	s23 =	rddreg [dreg:$0x12]  }
0x18c: {  	[tilespmem:s5], [sflag:$0x1] =	stream.indirect.gather [hbm4b:s6+s15], $0x10, s23, s15, $0xb8;
	[tilespmem:$0x1B200] =	vst v63  }
0x18d: {  	s24 =	rddreg [dreg:$0x13];
	s30 =	simm.s32 $0x9A00  }
0x18e: {  	[tilespmem:s30], [sflag:$0x1] =	stream.indirect.gather [hbm4b:s6+s15], $0x10, s24, s15, $0xb8;
	[tilespmem:$0x1B200] =	vst v63  }
0x18f: {  	s21 =	rddreg [dreg:$0x14];
	s24 =	simm.s32 $0xA200  }
0x190: {  	[tilespmem:s24], [sflag:$0x1] =	stream.indirect.gather [hbm4b:s6+s15], $0x10, s21, s15, $0xb8;
	[tilespmem:$0x1B200] =	vst v63  }
0x191: {  	s7 =	rddreg [dreg:$0x15];
	s5 =	simm.s32 $0xAA00  }
0x192: {  	[tilespmem:s5], [sflag:$0x1] =	stream.indirect.gather [hbm4b:s6+s15], $0x10, s7, s15, $0xb8;
	[tilespmem:$0x1B200] =	vst v63  }
0x193: {  	s23 =	rddreg [dreg:$0x16];
	s30 =	simm.s32 $0xB200  }
0x194: {  	[tilespmem:s30], [sflag:$0x1] =	stream.indirect.gather [hbm4b:s6+s15], $0x10, s23, s15, $0xb8;
	[tilespmem:$0x1B200] =	vst v63  }
0x195: {  	s1 =	simm.s32 $0xBA00;
	s21 =	rddreg [dreg:$0x17]  }
0x196: {  	[tilespmem:s1], [sflag:$0x1] =	stream.indirect.gather [hbm4b:s6+s15], $0x10, s21, s15, $0xb8;
	[tilespmem:$0x1B200] =	vst v63  }
0x197: {  	s7 =	rddreg [dreg:$0x18];
	s5 =	simm.s32 $0xC200  }
0x198: {  	[tilespmem:s5], [sflag:$0x1] =	stream.indirect.gather [hbm4b:s6+s15], $0x10, s7, s15, $0xb8;
	[tilespmem:$0x1B200] =	vst v63  }
0x199: {  	s23 =	rddreg [dreg:$0x19];
	s7 =	simm.s32 $0xCA00  }
0x19a: {  	[tilespmem:s7], [sflag:$0x1] =	stream.indirect.gather [hbm4b:s6+s15], $0x10, s23, s15, $0xb8;
	[tilespmem:$0x1B200] =	vst v63  }
0x19b: {  	s21 =	rddreg [dreg:$0x1a];
	s7 =	simm.s32 $0xD200  }
0x19c: {  	[tilespmem:s7], [sflag:$0x1] =	stream.indirect.gather [hbm4b:s6+s15], $0x10, s21, s15, $0xb8;
	[tilespmem:$0x1B200] =	vst v63  }
0x19d: {  	s22 =	rddreg [dreg:$0x1b];
	s21 =	simm.s32 $0xDA00  }
0x19e: {  	[tilespmem:s21], [sflag:$0x1] =	stream.indirect.gather [hbm4b:s6+s15], $0x10, s22, s15, $0xb8;
	[tilespmem:$0x1B200] =	vst v63  }
0x19f: {  	s23 =	rddreg [dreg:$0x1c]  }
0x1a0: {  	[tilespmem:s29], [sflag:$0x1] =	stream.indirect.gather [hbm4b:s6+s15], $0x10, s23, s15, $0xb8;
	[tilespmem:$0x1B200] =	vst v63  }
0x1a1: {  	s22 =	rddreg [dreg:$0x1d]  }
0x1a2: {  	[spmem:s3] =	stream.indirect.scatter.add.f32 [tilespmem:s11], [sflag:$0x2], $0x10, s26, s15, $0xb8;
	[tilespmem:$0x1B200] =	vst v63  }
0x1a3: {  	s29 =	rddreg [dreg:$0x1e]  }
0x1a4: {  	[spmem:s3] =	stream.indirect.scatter.add.f32 [tilespmem:s25], [sflag:$0x2], $0x10, s22, s15, $0xb8;
	[tilespmem:$0x1B200] =	vst v63  }
0x1a5: {  	s11 =	rddreg [dreg:$0x1f]  }
0x1a6: {  	[spmem:s3] =	stream.indirect.scatter.add.f32 [tilespmem:s10], [sflag:$0x2], $0x10, s29, s15, $0xb8;
	[tilespmem:$0x1B200] =	vst v63  }
0x1a7: {  	s25 =	sld [smem:$0x7E1]  }
0x1a8: {  	[spmem:s3] =	stream.indirect.scatter.add.f32 [tilespmem:s17], [sflag:$0x2], $0x10, s11, s15, $0xb8;
	[tilespmem:$0x1B200] =	vst v63  }
0x1a9: {  	s26 =	sld [smem:$0x7E2]  }
0x1aa: {  	[spmem:s3] =	stream.indirect.scatter.add.f32 [tilespmem:s16], [sflag:$0x2], $0x10, s25, s15, $0xb8;
	[tilespmem:$0x1B200] =	vst v63  }
0x1ab: {  	s29 =	sld [smem:$0x7E3]  }
0x1ac: {  	[spmem:s3] =	stream.indirect.scatter.add.f32 [tilespmem:s8], [sflag:$0x2], $0x10, s26, s15, $0xb8;
	[tilespmem:$0x1B200] =	vst v63  }
0x1ad: {  	s10 =	sld [smem:$0x7E4]  }
0x1ae: {  	[spmem:s3] =	stream.indirect.scatter.add.f32 [tilespmem:s12], [sflag:$0x2], $0x10, s29, s15, $0xb8;
	[tilespmem:$0x1B200] =	vst v63  }
0x1af: {  	s11 =	sld [smem:$0x7E5]  }
0x1b0: {  	[spmem:s3] =	stream.indirect.scatter.add.f32 [tilespmem:s14], [sflag:$0x2], $0x10, s10, s15, $0xb8;
	[tilespmem:$0x1B200] =	vst v63  }
0x1b1: {  	s12 =	sld [smem:$0x7E6]  }
0x1b2: {  	[spmem:s3] =	stream.indirect.scatter.add.f32 [tilespmem:s4], [sflag:$0x2], $0x10, s11, s15, $0xb8;
	[tilespmem:$0x1B200] =	vst v63  }
0x1b3: {  	s16 =	sld [smem:$0x7E8]  }
0x1b4: {  	[spmem:s3] =	stream.indirect.scatter.add.f32 [tilespmem:s28], [sflag:$0x2], $0x10, s12, s15, $0xb8;
	[tilespmem:$0x1B200] =	vst v63  }
0x1b5: {  	s17 =	sld [smem:$0x7EA]  }
0x1b6: {  	[spmem:s3] =	stream.indirect.scatter.add.f32 [tilespmem:s18], [sflag:$0x2], $0x10, s16, s15, $0xb8;
	[tilespmem:$0x1B200] =	vst v63  }
0x1b7: {  	s25 =	sld [smem:$0x7EC]  }
0x1b8: {  	[spmem:s3] =	stream.indirect.scatter.add.f32 [tilespmem:s9], [sflag:$0x2], $0x10, s17, s15, $0xb8;
	[tilespmem:$0x1B200] =	vst v63  }
0x1b9: {  	_ = 	snop  }
0x1ba: {  	[spmem:s3] =	stream.indirect.scatter.add.f32 [tilespmem:s2], [sflag:$0x2], $0x10, s25, s15, $0xb8;
	[tilespmem:$0x1B200] =	vst v63  }
0x1bb: {  	_ =	swait.ge [sflag:s0], $0x800  }
0x1bc: {  	[sflag:s0] =	ssyncset.done $0x0  }
0x1bd: {  	[sflag:s0] =	ssyncadd.s32 $0xFFFFF800  }
0x1be: {  	_ =	swait.ge [sflag:s0], $0x800  }
0x1bf: {  	[sflag:s0] =	ssyncset.done $0x0  }
0x1c0: {  	[sflag:s0] =	ssyncadd.s32 $0xFFFFF800  }
0x1c1: {  	_ =	swait.ge [sflag:s0], $0x800  }
0x1c2: {  	[sflag:s0] =	ssyncset.done $0x0  }
0x1c3: {  	[sflag:s0] =	ssyncadd.s32 $0xFFFFF800  }
0x1c4: {  	_ =	swait.ge [sflag:s0], $0x800  }
0x1c5: {  	[sflag:s0] =	ssyncset.done $0x0  }
0x1c6: {  	[sflag:s0] =	ssyncadd.s32 $0xFFFFF800  }
0x1c7: {  	_ =	swait.ge [sflag:s0], $0x800  }
0x1c8: {  	[sflag:s0] =	ssyncset.done $0x0  }
0x1c9: {  	[sflag:s0] =	ssyncadd.s32 $0xFFFFF800  }
0x1ca: {  	_ =	swait.ge [sflag:s0], $0x800  }
0x1cb: {  	[sflag:s0] =	ssyncset.done $0x0  }
0x1cc: {  	[sflag:s0] =	ssyncadd.s32 $0xFFFFF800  }
0x1cd: {  	_ =	swait.ge [sflag:s0], $0x800  }
0x1ce: {  	[sflag:s0] =	ssyncset.done $0x0  }
0x1cf: {  	[sflag:s0] =	ssyncadd.s32 $0xFFFFF800  }
0x1d0: {  	_ =	swait.ge [sflag:s0], $0x800  }
0x1d1: {  	[sflag:s0] =	ssyncset.done $0x0  }
0x1d2: {  	[sflag:s0] =	ssyncadd.s32 $0xFFFFF800  }
0x1d3: {  	_ =	swait.ge [sflag:s0], $0x800  }
0x1d4: {  	[sflag:s0] =	ssyncset.done $0x0  }
0x1d5: {  	[sflag:s0] =	ssyncadd.s32 $0xFFFFF800  }
0x1d6: {  	_ =	swait.ge [sflag:s0], $0x800  }
0x1d7: {  	[sflag:s0] =	ssyncset.done $0x0  }
0x1d8: {  	[sflag:s0] =	ssyncadd.s32 $0xFFFFF800  }
0x1d9: {  	_ =	swait.ge [sflag:s0], $0x800  }
0x1da: {  	[sflag:s0] =	ssyncset.done $0x0  }
0x1db: {  	[sflag:s0] =	ssyncadd.s32 $0xFFFFF800  }
0x1dc: {  	_ =	swait.ge [sflag:s0], $0x800  }
0x1dd: {  	[sflag:s0] =	ssyncset.done $0x0  }
0x1de: {  	[sflag:s0] =	ssyncadd.s32 $0xFFFFF800  }
0x1df: {  	_ =	swait.ge [sflag:s0], $0x800  }
0x1e0: {  	[sflag:s0] =	ssyncset.done $0x0  }
0x1e1: {  	[sflag:s0] =	ssyncadd.s32 $0xFFFFF800  }
0x1e2: {  	_ =	swait.ge [sflag:s19], $0x800  }
0x1e3: {  	[sflag:s19] =	ssyncset.done $0x0  }
0x1e4: {  	[sflag:s19] =	ssyncadd.s32 $0xFFFFF800  }
0x1e5: {  	_ =	swait.ge [sflag:s19], $0x800  }
0x1e6: {  	[sflag:s19] =	ssyncset.done $0x0  }
0x1e7: {  	[sflag:s19] =	ssyncadd.s32 $0xFFFFF800  }
0x1e8: {  	_ =	swait.ge [sflag:s19], $0x800  }
0x1e9: {  	[sflag:s19] =	ssyncset.done $0x0  }
0x1ea: {  	[sflag:s19] =	ssyncadd.s32 $0xFFFFF800  }
0x1eb: {  	_ =	swait.ge [sflag:s19], $0x800  }
0x1ec: {  	[sflag:s19] =	ssyncset.done $0x0  }
0x1ed: {  	[sflag:s19] =	ssyncadd.s32 $0xFFFFF800  }
0x1ee: {  	_ =	swait.ge [sflag:s19], $0x800  }
0x1ef: {  	[sflag:s19] =	ssyncset.done $0x0  }
0x1f0: {  	[sflag:s19] =	ssyncadd.s32 $0xFFFFF800  }
0x1f1: {  	_ =	swait.ge [sflag:s19], $0x800  }
0x1f2: {  	[sflag:s19] =	ssyncset.done $0x0  }
0x1f3: {  	[sflag:s19] =	ssyncadd.s32 $0xFFFFF800  }
0x1f4: {  	_ =	swait.ge [sflag:s19], $0x800  }
0x1f5: {  	[sflag:s19] =	ssyncset.done $0x0  }
0x1f6: {  	[sflag:s19] =	ssyncadd.s32 $0xFFFFF800  }
0x1f7: {  	_ =	swait.ge [sflag:s19], $0x800  }
0x1f8: {  	[sflag:s19] =	ssyncset.done $0x0  }
0x1f9: {  	[sflag:s19] =	ssyncadd.s32 $0xFFFFF800  }
0x1fa: {  	_ =	swait.ge [sflag:s19], $0x800  }
0x1fb: {  	[sflag:s19] =	ssyncset.done $0x0  }
0x1fc: {  	[sflag:s19] =	ssyncadd.s32 $0xFFFFF800  }
0x1fd: {  	_ =	swait.ge [sflag:s19], $0x800  }
0x1fe: {  	[sflag:s19] =	ssyncset.done $0x0  }
0x1ff: {  	[sflag:s19] =	ssyncadd.s32 $0xFFFFF800  }
0x200: {  	_ =	swait.ge [sflag:s19], $0x800  }
0x201: {  	[sflag:s19] =	ssyncset.done $0x0  }
0x202: {  	[sflag:s19] =	ssyncadd.s32 $0xFFFFF800  }
0x203: {  	_ =	swait.ge [sflag:s19], $0x800  }
0x204: {  	[sflag:s19] =	ssyncset.done $0x0  }
0x205: {  	[sflag:s19] =	ssyncadd.s32 $0xFFFFF800  }
0x206: {  	_ =	swait.ge [sflag:s19], $0x800  }
0x207: {  	[sflag:s19] =	ssyncset.done $0x0  }
0x208: {  	s29 =	simm.s32 $0x1380;
	s26 =	sld [smem:$0x7EE];
	[sflag:s19] =	ssyncadd.s32 $0xFFFFF800  }
0x209: {  	[spmem:s3] =	stream.indirect.scatter.add.f32 [tilespmem:s31], [sflag:$0x2], $0x10, s29, s15, $0xb8;
	[tilespmem:$0x1B200] =	vst v63  }
0x20a: {  	s9 =	simm.s32 $0x8A00;
	s28 =	sld [smem:$0x7EF]  }
0x20b: {  	[spmem:s3] =	stream.indirect.scatter.add.f32 [tilespmem:s9], [sflag:$0x2], $0x10, s26, s15, $0xb8;
	[tilespmem:$0x1B200] =	vst v63  }
0x20c: {  	s11 =	simm.s32 $0x9200;
	s8 =	sld [smem:$0x7F0]  }
0x20d: {  	[spmem:s3] =	stream.indirect.scatter.add.f32 [tilespmem:s11], [sflag:$0x2], $0x10, s28, s15, $0xb8;
	[tilespmem:$0x1B200] =	vst v63  }
0x20e: {  	s14 =	simm.s32 $0x9A00;
	s10 =	sld [smem:$0x7F1]  }
0x20f: {  	[spmem:s3] =	stream.indirect.scatter.add.f32 [tilespmem:s14], [sflag:$0x2], $0x10, s8, s15, $0xb8;
	[tilespmem:$0x1B200] =	vst v63  }
0x210: {  	s12 =	sld [smem:$0x7F2]  }
0x211: {  	[spmem:s3] =	stream.indirect.scatter.add.f32 [tilespmem:s24], [sflag:$0x2], $0x10, s10, s15, $0xb8;
	[tilespmem:$0x1B200] =	vst v63  }
0x212: {  	s18 =	simm.s32 $0xAA00;
	s16 =	sld [smem:$0x7F3]  }
0x213: {  	[spmem:s3] =	stream.indirect.scatter.add.f32 [tilespmem:s18], [sflag:$0x2], $0x10, s12, s15, $0xb8;
	[tilespmem:$0x1B200] =	vst v63  }
0x214: {  	s17 =	sld [smem:$0x7F4]  }
0x215: {  	[spmem:s3] =	stream.indirect.scatter.add.f32 [tilespmem:s30], [sflag:$0x2], $0x10, s16, s15, $0xb8;
	[tilespmem:$0x1B200] =	vst v63  }
0x216: {  	s24 =	sld [smem:$0x7F5]  }
0x217: {  	[spmem:s3] =	stream.indirect.scatter.add.f32 [tilespmem:s1], [sflag:$0x2], $0x10, s17, s15, $0xb8;
	[tilespmem:$0x1B200] =	vst v63  }
0x218: {  	s20 =	sadd.s32 $0x1A0, s20;
	s25 =	sld [smem:$0x7F6]  }
0x219: {  	[spmem:s3] =	stream.indirect.scatter.add.f32 [tilespmem:s5], [sflag:$0x2], $0x10, s24, s15, $0xb8;
	[tilespmem:$0x1B200] =	vst v63  }
0x21a: {  	p1 =	sne.s32 s20, $0x1860;
	s29 =	simm.s32 $0xCA00;
	s26 =	sld [smem:$0x7F7]  }
0x21b: {  	[spmem:s3] =	stream.indirect.scatter.add.f32 [tilespmem:s29], [sflag:$0x2], $0x10, s25, s15, $0xb8;
	[tilespmem:$0x1B200] =	vst v63  }
.Ltmp0:
0x21c: {  	s22 =	sld [smem:$0x7F9];
	(pc) =	sbr.rel @p1 .LBB2_2-.Ltmp0, $4  }
0x21d: {  	s7 =	simm.s32 $0xE200;
	s28 =	sld [smem:$0x7F8];
	s30 =	simm.s32 $0xD200  }
0x21e: {  	[spmem:s3] =	stream.indirect.scatter.add.f32 [tilespmem:s30], [sflag:$0x2], $0x10, s26, s15, $0xb8;
	[tilespmem:$0x1B200] =	vst v63  }
0x21f: {  	s4 =	simm.s32 $0x0;
	s31 =	simm.s32 $0xDA00;
	s24 =	sld [smem:$0x7FD]  }
0x220: {  	[spmem:s3] =	stream.indirect.scatter.add.f32 [tilespmem:s31], [sflag:$0x2], $0x10, s28, s15, $0xb8;
	[tilespmem:$0x1B200] =	vst v63  }
0x221: {  	[spmem:s3] =	stream.indirect.scatter.add.f32 [tilespmem:s7], [sflag:$0x2], $0x10, s22, s15, $0xb8;
	[tilespmem:$0x1B200] =	vst v63  }
0x222: {  	_ =	swait.ge [sflag:s19], $0x6800  }
0x223: {  	s21 =	sld [smem:$0x7E7]  }
0x224: {  	[sflag:s19] =	ssyncset.done $0x0  }
0x225: {  	s20 =	simm.s32 @!p0 $0x0;
	[sflag:s19] =	ssyncadd.s32 $0xFFFF9800  }
0x226: {  	[tilespmem:s20], [sflag:$0x3] =	stream.linear.gather @!p0 [hbm4b:s21+s20], $0x80, $0x38;
	[tilespmem:$0x1B200] =	vst v63  }
0x227: {  	s21 =	simm.s32 @!p0 $0x3  }
0x228: {  	_ =	swait.ge @!p0 [sflag:s21], $0x80  }
0x229: {  	s23 =	sld [smem:$0x7E9]  }
0x22a: {  	[sflag:s21] =	ssyncset.done @!p0 $0x0  }
0x22b: {  	s22 =	simm.s32 @!p0 $0xD00;
	[sflag:s21] =	ssyncadd.s32 @!p0 $0xFFFFFF80  }
0x22c: {  	[tilespmem:s22], [sflag:$0x3] =	stream.linear.gather @!p0 [hbm4b:s23+s20], $0x80, $0x38;
	[tilespmem:$0x1B200] =	vst v63  }
0x22d: {  	_ =	swait.ge @!p0 [sflag:s21], $0x80  }
0x22e: {  	[sflag:s21] =	ssyncset.done @!p0 $0x0  }
0x22f: {  	s23 =	simm.s32 @!p0 $0x1A00;
	[sflag:s21] =	ssyncadd.s32 @!p0 $0xFFFFFF80;
	s21 =	simm.s32 @!p0 $0x80  }
0x230: {  	[tilespmem:s23], [sflag:$0x1] =	stream.indirect.gather @!p0 [hbm4b:s6+s21], $0x10, s20, s21, $0xb8;
	[tilespmem:$0x1B200] =	vst v63  }
0x231: {  	s20 =	simm.s32 @!p0 $0x1  }
0x232: {  	_ =	swait.ge @!p0 [sflag:s20], $0x800  }
0x233: {  	[sflag:s20] =	ssyncset.done @!p0 $0x0  }
0x234: {  	[sflag:s20] =	ssyncadd.s32 @!p0 $0xFFFFF800;
	s20 =	simm.s32 @!p0 $0x2  }
0x235: {  	[spmem:s3] =	stream.indirect.scatter.add.f32 @!p0 [tilespmem:s23], [sflag:$0x2], $0x10, s22, s21, $0xb8;
	[tilespmem:$0x1B200] =	vst v63  }
0x236: {  	_ =	swait.ge @!p0 [sflag:s20], $0x800  }
0x237: {  	[sflag:s20] =	ssyncset.done @!p0 $0x0  }
0x238: {  	[sflag:s20] =	ssyncadd.s32 @!p0 $0xFFFFF800  }
0x239: {  	[bflag:$0x0] =	sbarrier.arrive $0xFFFF  }
0x23a: {  	s21 =	sld [smem:$0x7FB]  }
0x23b: {  	s25 =	sld [smem:$0x7EB]  }
0x23c: {  	s22 =	sld [smem:$0x7FC];
	_ =	sdelay $0x2  }
0x23d: {  	[hbm:s25], [sflag:s21] =	dma.local [spmem:s22], $0x1900  }
0x23e: {  	_ =	swait.ge [sflag:s13], $0x1900  }
0x23f: {  	s1 =	sld [smem:$0x7FA]  }
0x240: {  	s28 =	simm.s32 $0x2A00;
	s26 =	sld [smem:$0x7ED]  }
0x241: {  	s29 =	simm.s32 $0x3200;
	s2 =	simm.s32 $0x3A00;
	s30 =	simm.s32 $0x4200  }
0x242: {  	s8 =	simm.s32 $0x4A00;
	s9 =	simm.s32 $0x5200;
	s1 =	sadd.s32 $0x1, s1  }
0x243: {  	s10 =	simm.s32 $0x6200;
	s31 =	simm.s32 $0x6A00;
	p1 =	sne.s32 s1, s26  }
.Ltmp1:
0x244: {  	s11 =	simm.s32 $0x7200;
	s5 =	simm.s32 $0x7A00;
	(pc) =	sbr.rel @p1 .LBB2_1-.Ltmp1, $4  }
0x245: {  	s12 =	simm.s32 $0x680;
	s14 =	simm.s32 $0x1380;
	s16 =	simm.s32 $0x8200  }
0x246: {  	s17 =	simm.s32 $0x8A00;
	s18 =	simm.s32 $0x9200;
	[sflag:s13] =	ssyncset.done $0x0  }
0x247: {  	s23 =	simm.s32 $0xD00;
	s25 =	simm.s32 $0x1A00;
	[sflag:s13] =	ssyncadd.s32 $0xFFFFE700  }
0x248: {  	[smem:$0x7FA] =	sst s1;
	s26 =	simm.s32 $0x2200;
	s1 =	simm.s32 $0x5A00  }
0x249: {  	_ =	sfence.sel $0x180000  }
0x24a: {  	[bflag:$0x0] =	sbarrier.arrive $0xFFFF  }
0x24b: {  	_ =	strace $0x90000047  }
0x24c: {  	s0 =	stileid.u32;
	[bflag:$0x2] =	sbarrier.arrive $0xFFFF  }
0x24d: {  	p0 =	sne.s32 s0, $0x0;
	s0 =	rddreg [dreg:$0x3]  }
0x24e: {  	s0 =	sadd.s32 @!p0 $0x100000, s0  }
0x24f: {  	[sflag:s0] =	ssyncadd.tile.s32 @!p0 $0x1;
	_ =	shalt  }
.Lfunc_end2:
_tile_overlayer_lowered:
.L_overlay_start_2:
0x250: {  	(tag) =	ssettag $0x2  }
0x251: {  	s0 =	rddreg [dreg:$0x0];
	s2 =	stileid.u32  }
0x252: {  	s1 =	rddreg [dreg:$0x1];
	p0 =	sne.s32 s2, $0x0  }
0x253: {  	s3 =	rddreg [dreg:$0x2];
	[bflag:$0x3] =	sbarrier.arrive $0xFFFF;
	s2 =	simm.s32 @!p0 $0x1C03  }
0x254: {  	[timem:s3], [sflag:s2] =	dma.local @!p0 [hbm:s0], s1  }
0x255: {  	s0 =	simm.s32 @!p0 $0x3  }
0x256: {  	_ =	swait.ge @!p0 [sflag:s0], s1  }
0x257: {  	s1 =	ssub.s32 @!p0 $0x0, s1;
	[sflag:s0] =	ssyncset.done @!p0 $0x0  }
0x258: {  	[sflag:s0] =	ssyncadd.s32 @!p0 s1  }
0x259: {  	[bflag:$0x3] =	sbarrier.arrive $0xFFFF  }
0x25a: {  	_ =	shalt  }

// kernel: kernel.7.cloned.1.call-start
scs
__scs_entry_jumppad:
0x0: {  	(pc) =	sbr.rel $0x88, $3  }
0x1: {  	(tag) =	ssettag $0x0;
	lr =	simm.s32 $0x1  }
0x2: {  	[smem:$0x3F9D] =	sst lr;
	_ =	strace $0xD0000000  }
0x3: {  	_ = 	snop  }
0x4: {  	_ = 	snop  }
0x5: {  	_ = 	snop  }
0x6: {  	_ = 	snop  }
0x7: {  	_ = 	snop  }
__scs_overlays_trampoline_lowered:
0x8: {  	[smem:$0x3FAC] =	sst s0  }
0x9: {  	[smem:$0x3FAD] =	sst s1  }
0xa: {  	[smem:$0x3FAE] =	sst s2  }
0xb: {  	[smem:$0x3FAF] =	sst s3  }
0xc: {  	[smem:$0x3FB0] =	sst s4  }
0xd: {  	[smem:$0x3FB1] =	sst s5  }
0xe: {  	[smem:$0x3FB2] =	sst s6  }
0xf: {  	[smem:$0x3FB3] =	sst s7  }
0x10: {  	[smem:$0x3FB4] =	sst s8  }
0x11: {  	[smem:$0x3FB5] =	sst s9;
	s0 =	simm.s32 @!p0 $0x0  }
0x12: {  	s1 =	sld [smem:$0x3F9B];
	s0 =	simm.s32 @p0 $0x1  }
0x13: {  	[smem:$0x3FB6] =	sst s0;
	s0 =	simm.s32 @!p1 $0x0  }
0x14: {  	s2 =	sld [smem:$0x3F9A];
	s0 =	simm.s32 @p1 $0x1  }
0x15: {  	[smem:$0x3FB7] =	sst s0;
	s0 =	simm.s32 @!p2 $0x0  }
0x16: {  	s3 =	sld [smem:$0x3FDB];
	s0 =	simm.s32 @p2 $0x1  }
0x17: {  	s4 =	simm.s32 $0x1BF5;
	[smem:$0x3FB9] =	sst s0  }
0x18: {  	s0 =	sld [smem:$0x3F9C];
	_ =	swait.ge [sflag:s4], $0x0  }
0x19: {  	s7 =	sld [smem:$0x3F9D]  }
0x1a: {  	s8 =	sadd.s32 $0xFFFFE003, lr  }
0x1b: {  	s9 =	sadd.s32 $0xFFFFFEF7, lr;
	s5 =	simm.s32 $0xFFFFFFFF;
	p2 =	slt.u32 s8, $0xFFFFF086  }
0x1c: {  	p1 =	slt.u32 s9, $0xF7A;
	s5 =	simm.s32 @!p2 $0x0  }
0x1d: {  	s5 =	simm.s32 @p1 $0x1;
	p0 =	seq.s32 s7, s2  }
0x1e: {  	s7 =	smul.u32 @!p0 $0xF7A, s2;
	p2 =	seq.s32 @!p0 s5, $0x0  }
0x1f: {  	s9 =	smul.u32 $0xF7A, s1;
	s8 =	simm.s32 @!p0 $0x1BF5;
	p2 =	por !p2, p0  }
0x20: {  	[sflag:s8] =	ssyncset.s32 @!p0 $0xFFFFF086;
	s6 =	sadd.s32 @!p0 s3, s7;
	s7 =	simm.s32 @!p0 $0x108  }
0x21: {  	s3 =	sadd.s32 s3, s9;
	s6 =	sadd.s32 @!p0 $0x88, s6;
	s7 =	simm.s32 @p2 $0x1082  }
0x22: {  	[simem:s7], [sflag:s8] =	dma.local @!p0 [hbm:s6], $0xF7A  }
0x23: {  	s9 =	sor.u32 $0xD0000000, s2;
	s6 =	simm.s32 $0x108;
	_ =	swait.ge @!p0 [sflag:s8], $0x0  }
0x24: {  	s3 =	sadd.s32 $0x88, s3;
	s6 =	simm.s32 @!p1 $0x1082;
	[sflag:s4] =	ssyncset.s32 $0xFFFFF086  }
0x25: {  	[simem:s6], [sflag:s4] =	dma.local [hbm:s3], $0xF7A  }
0x26: {  	[smem:$0x3F9D] =	sst s1;
	(tag) =	ssettag s2;
	_ =	strace s9  }
0x27: {  	s1 =	sld [smem:$0x3FAD]  }
0x28: {  	s2 =	sld [smem:$0x3FAE]  }
0x29: {  	s4 =	sld [smem:$0x3FB0]  }
0x2a: {  	p0 =	seq.s32 s5, $0x0;
	s5 =	sld [smem:$0x3FB1]  }
0x2b: {  	s6 =	sld [smem:$0x3FB2]  }
0x2c: {  	s7 =	sld [smem:$0x3FB3]  }
0x2d: {  	s3 =	simm.s32 $0x108;
	s8 =	sld [smem:$0x3FB4]  }
0x2e: {  	s3 =	simm.s32 @!p0 $0x1082;
	s9 =	sld [smem:$0x3FB5]  }
0x2f: {  	lr =	sadd.s32 s0, s3;
	s0 =	sld [smem:$0x3FAC]  }
0x30: {  	s3 =	sld [smem:$0x3FAF]  }
0x31: {  	[smem:$0x3FB8] =	sst s10  }
0x32: {  	s10 =	sld [smem:$0x3FB6];
	_ =	sdelay $0x3  }
0x33: {  	p0 =	seq.s32 s10, $0x1;
	s10 =	sld [smem:$0x3FB8];
	_ =	sdelay $0x3  }
0x34: {  	[smem:$0x3FB8] =	sst s10  }
0x35: {  	s10 =	sld [smem:$0x3FB7];
	_ =	sdelay $0x3  }
0x36: {  	p1 =	seq.s32 s10, $0x1;
	s10 =	sld [smem:$0x3FB8];
	_ =	sdelay $0x3  }
0x37: {  	[smem:$0x3FB8] =	sst s10  }
0x38: {  	s10 =	sld [smem:$0x3FB9]  }
0x39: {  	_ = 	snop;
	(pc) =	sbr.ind lr, $3  }
0x3a: {  	_ = 	snop  }
0x3b: {  	_ = 	snop  }
0x3c: {  	p2 =	seq.s32 s10, $0x1;
	s10 =	sld [smem:$0x3FB8]  }
0x3d: {  	_ =	shalt  }
0x3e: {  	_ =	shalt  }
0x3f: {  	_ =	shalt  }
0x40: {  	_ =	shalt  }
0x41: {  	_ =	shalt  }
0x42: {  	_ =	shalt  }
0x43: {  	_ =	shalt  }
0x44: {  	_ =	shalt  }
0x45: {  	_ =	shalt  }
0x46: {  	_ =	shalt  }
0x47: {  	_ =	shalt  }
0x48: {  	_ =	shalt  }
0x49: {  	_ =	shalt  }
0x4a: {  	_ =	shalt  }
0x4b: {  	_ =	shalt  }
0x4c: {  	_ =	shalt  }
0x4d: {  	_ =	shalt  }
0x4e: {  	_ =	shalt  }
0x4f: {  	_ =	shalt  }
0x50: {  	_ =	shalt  }
0x51: {  	_ =	shalt  }
0x52: {  	_ =	shalt  }
0x53: {  	_ =	shalt  }
0x54: {  	_ =	shalt  }
0x55: {  	_ =	shalt  }
0x56: {  	_ =	shalt  }
0x57: {  	_ =	shalt  }
0x58: {  	_ =	shalt  }
0x59: {  	_ =	shalt  }
0x5a: {  	_ =	shalt  }
0x5b: {  	_ =	shalt  }
0x5c: {  	_ =	shalt  }
0x5d: {  	_ =	shalt  }
0x5e: {  	_ =	shalt  }
0x5f: {  	_ =	shalt  }
0x60: {  	_ =	shalt  }
0x61: {  	_ =	shalt  }
0x62: {  	_ =	shalt  }
0x63: {  	_ =	shalt  }
0x64: {  	_ =	shalt  }
0x65: {  	_ =	shalt  }
0x66: {  	_ =	shalt  }
0x67: {  	_ =	shalt  }
0x68: {  	_ =	shalt  }
0x69: {  	_ =	shalt  }
0x6a: {  	_ =	shalt  }
0x6b: {  	_ =	shalt  }
0x6c: {  	_ =	shalt  }
0x6d: {  	_ =	shalt  }
0x6e: {  	_ =	shalt  }
0x6f: {  	_ =	shalt  }
0x70: {  	_ =	shalt  }
0x71: {  	_ =	shalt  }
0x72: {  	_ =	shalt  }
0x73: {  	_ =	shalt  }
0x74: {  	_ =	shalt  }
0x75: {  	_ =	shalt  }
0x76: {  	_ =	shalt  }
0x77: {  	_ =	shalt  }
0x78: {  	_ =	shalt  }
0x79: {  	_ =	shalt  }
0x7a: {  	_ =	shalt  }
0x7b: {  	_ =	shalt  }
0x7c: {  	_ =	shalt  }
0x7d: {  	_ =	shalt  }
0x7e: {  	_ =	shalt  }
0x7f: {  	_ =	shalt  }
0x80: {  	_ =	shalt  }
0x81: {  	_ =	shalt  }
0x82: {  	_ =	shalt  }
0x83: {  	_ =	shalt  }
0x84: {  	_ =	shalt  }
0x85: {  	_ =	shalt  }
0x86: {  	_ =	shalt  }
0x87: {  	_ =	shalt  }
.Lfunc_end0:
.L_simem_size_0:
called_computation.1_lowered:
.L_overlay_start_0:
0x88: {  	s2 =	sld [smem:$0x3FD9]  }
0x89: {  	s3 =	sld [smem:$0x3FFE];
	_ =	sdelay $0x1  }
0x8a: {  	s1 =	srdreg.scid  }
0x8b: {  	s0 =	sand.u32 $0x1, s1  }
0x8c: {  	s16 =	sshll.u32 s0, $0xA;
	s2 =	sadd.s32 s3, s2  }
0x8d: {  	s2 =	sadd.s32 s2, s16  }
0x8e: {  	[smem:$0x3FC4] =	sst s2  }
0x8f: {  	_ = 	snop  }
0x90: {  	(tm) =	ssettm $0x1  }
0x91: {  	s17 =	sld [smem:$0x3FFB];
	_ =	sdelay $0x3  }
0x92: {  	_ =	strace s17  }
0x93: {  	s2 =	sld [smem:$0x3FFC];
	_ =	sdelay $0x3  }
0x94: {  	_ =	strace s2  }
0x95: {  	s2 =	sld [smem:$0x3FFD];
	_ =	sdelay $0x3  }
0x96: {  	_ =	strace s2  }
0x97: {  	_ =	strace $0x8FFFFFFF  }
0x98: {  	s18 =	sld [smem:$0x3FDB];
	_ =	sdelay $0x1  }
0x99: {  	s19 =	simm.s32 $_scs_section_size  }
0x9a: {  	s4 =	simm.s32 $_size__tile_overlayer_lowered;
	s5 =	simm.s32 $_tile_overlayer_lowered  }
0x9b: {  	s22 =	simm.s32 $0x1BFF;
	s21 =	sshll.u32 s5, $0x1;
	s2 =	sadd.s32 s19, s18  }
0x9c: {  	s6 =	simm.s32 $0x0;
	s20 =	sshll.u32 s4, $0x1;
	s4 =	sadd.s32 s21, s2  }
0x9d: {  	[timem:s6], [sflag:s22] =	dma.local [hbm:s4], s20  }
0x9e: {  	_ =	swait.ge [sflag:s22], s20  }
0x9f: {  	s3 =	ssub.s32 $0x0, s20;
	[sflag:s22] =	ssyncset.done $0x0  }
0xa0: {  	[sflag:s22] =	ssyncadd.s32 s3;
	_ =	sdelay $0x1  }
0xa1: {  	s23 =	simm.s32 $0x1B8B  }
0xa2: {  	_ =	swait.ge [sflag:s23], $0x1  }
0xa3: {  	[sflag:s23] =	ssyncset.done $0x0  }
0xa4: {  	s25 =	simm.s32 $0x1B8E;
	s24 =	sld [smem:$0x3FFE];
	[sflag:s23] =	ssyncadd.s32 $0xFFFFFFFF  }
0xa5: {  	s26 =	simm.s32 $execute0_lowered;
	[smem:$0x3FD2] =	sst s25  }
0xa6: {  	s4 =	sshll.u32 s26, $0x1;
	_ =	strace $0x80000049;
	[dreg:$0x1] =	wrdreg $0xFFFFFFFF  }
0xa7: {  	s28 =	simm.s32 $_size_execute0_lowered;
	s2 =	sadd.s32 s2, s4;
	[dreg:$0x0] =	wrdreg $0x0  }
0xa8: {  	s4 =	sshll.u32 s28, $0x1;
	[dreg:$0x2] =	wrdreg s2  }
0xa9: {  	[dreg:$0x3] =	wrdreg s4  }
0xaa: {  	[dreg:$0x4] =	wrdreg $0xC0  }
0xab: {  	_ =	task [dreg:s6], $0x5FFFF  }
0xac: {  	[dreg:$0x1] =	wrdreg $0xFFFFFFFF  }
0xad: {  	[dreg:$0x0] =	wrdreg $0x60  }
0xae: {  	[dreg:$0x2] =	wrdreg s24  }
0xaf: {  	[dreg:$0x3] =	wrdreg $0x9  }
0xb0: {  	_ =	task.clear_ibuf [dreg:s6], $0x4FFFF;
	_ =	strace $0x90000049  }
0xb1: {  	s29 =	simm.s32 $0x9;
	_ =	strace $0x8000004B  }
0xb2: {  	_ =	swait.ge [sflag:s29], $0x1  }
0xb3: {  	[sflag:s29] =	ssyncadd.s32 $0xFFFFFFFF  }
0xb4: {  	_ =	strace $0x9000004B  }
0xb5: {  	_ =	sfence  }
0xb6: {  	s30 =	sld [smem:$0x0];
	_ =	sdelay $0x2  }
0xb7: {  	s31 =	sshll.u32 s1, $0xD;
	s1 =	sshrl.u32 s1, $0x2  }
0xb8: {  	s3 =	sand.u32 $0x4000, s31;
	s1 =	sadd.s32 s1, s30  }
0xb9: {  	s0 =	sor.u32 s3, s0;
	s1 =	sshll.u32 s1, $0x11  }
0xba: {  	s0 =	sor.u32 s1, s0  }
0xbb: {  	s0 =	sadd.s32 $0x8F2B, s0  }
0xbc: {  	[sflag:s0] =	ssyncadd.remote.s32 $0x1  }
0xbd: {  	_ =	sfence.sel $0xFFFF  }
0xbe: {  	[dreg:$0x0] =	wrdreg $0xFFFFFFFF;
	(pc) =	sbr.abs _section_cstart, $3  }
0xbf: {  	[dreg:$0x1] =	wrdreg $0xFFFFFFFF  }
0xc0: {  	_ =	task.clear_ibuf [dreg:s6], $0x2FFFF;
	_ =	strace $0x9FFFFFFF  }
0xc1: {  	(tm) =	ssettm $0x7FFFFFFF  }
tec
execute0_lowered:
.L_overlay_start_1:
0x0: {  	(tag) =	ssettag $0x1  }
0x1: {  	s0 =	srdreg.scid  }
0x2: {  	s6 =	rddreg [dreg:$0x0];
	s2 =	simm.s32 $0x0;
	s11 =	simm.s32 $0x6200  }
0x3: {  	s12 =	simm.s32 $0xC400;
	s13 =	simm.s32 $0x18800;
	s14 =	simm.s32 $0x2  }
0x4: {  	s15 =	simm.s32 $0x18840;
	s16 =	simm.s32 $0x1;
	s5 =	sand.u32 $0x1, s0  }
0x5: {  	s17 =	simm.s32 $0x12600;
	s0 =	stileid.u32;
	s1 =	sshll.u32 s5, $0x4  }
0x6: {  	s18 =	simm.s32 $0x0;
	[smem:$0x7FF] =	sst s2;
	s7 =	sor.u32 s0, s1  }
0x7: {  	s3 =	sadd.s32 $0xAE000, s6;
	s30 =	ssub.s32 $0x2, s5;
	s4 =	smul.u32 $0x6200, s7  }
0x8: {  	s5 =	simm.s32 $0x570;
	s1 =	rddreg [dreg:$0x1];
	_ =	strace $0x8000004A  }
0x9: {  	s31 =	sshrl.u32 s30, $0x1;
	p0 =	seq.s32 s7, $0x1F;
	s8 =	sshrl.u32 s4, $0x3  }
0xa: {  	s10 =	ssub.s32 s30, s31;
	s5 =	simm.s32 @!p0 $0x620;
	s9 =	sadd.s32 s8, s6  }
0xb: {  	v0 =	vlaneseq.u32;
	s10 =	smax.u32 s10, $0x1;
	s4 =	sadd.s32 $0xADE00, s6;
	s6 =	sadd.s32 $0xC00, s9  }
0xc: {  	v0 =	vmul.u32 $0x10, v0;
	s7 =	sadd.s32 $0x7BE00, s9;
	s8 =	sadd.s32 $0x94E00, s9;
	s9 =	sadd.s32 $0x19400, s9  }
.LBB2_1:
0xd: {  	[tilespmem:s2], [sflag:$0x1] =	stream.linear.gather [hbm4b:s6+s2], $0x6200, $0x38;
	[tilespmem:$0x18880] =	vst v63  }
0xe: {  	_ = 	snop  }
0xf: {  	[tilespmem:s11], [sflag:$0x1] =	stream.linear.gather [hbm4b:s7+s2], $0x6200, $0x38;
	[tilespmem:$0x18880] =	vst v63  }
0x10: {  	_ = 	snop  }
0x11: {  	[tilespmem:s12], [sflag:$0x1] =	stream.linear.gather [hbm4b:s8+s2], $0x6200, $0x38;
	[tilespmem:$0x18880] =	vst v63  }
0x12: {  	_ = 	snop  }
0x13: {  	[tilespmem:s13], [sflag:$0x2] =	stream.linear.gather [hbm4b:s3+s2], $0x40, $0x38;
	[tilespmem:$0x18880] =	vst v63  }
0x14: {  	_ =	swait.ge [sflag:s14], $0x40  }
0x15: {  	[sflag:s14] =	ssyncset.done $0x0  }
0x16: {  	[sflag:s14] =	ssyncadd.s32 $0xFFFFFFC0  }
0x17: {  	[tilespmem:s15], [sflag:$0x2] =	stream.linear.gather [hbm4b:s4+s2], $0x40, $0x38;
	[tilespmem:$0x18880] =	vst v63  }
0x18: {  	_ =	swait.ge [sflag:s14], $0x40  }
0x19: {  	[sflag:s14] =	ssyncset.done $0x0  }
0x1a: {  	[sflag:s14] =	ssyncadd.s32 $0xFFFFFFC0  }
0x1b: {  	_ =	swait.ge [sflag:s16], $0x6200  }
0x1c: {  	[sflag:s16] =	ssyncset.done $0x0  }
0x1d: {  	v1 =	vmov s2;
	[sflag:s16] =	ssyncadd.s32 $0xFFFF9E00  }
0x1e: {  	v1 =	vshll.u32 v1, $0x4;
	_ =	swait.ge [sflag:s16], $0x6200  }
0x1f: {  	v5 =	vor.u32 v0, v1;
	[sflag:s16] =	ssyncset.done $0x0  }
0x20: {  	[sflag:s16] =	ssyncadd.s32 $0xFFFF9E00  }
0x21: {  	v1 =	vor.u32 $0x8, v5;
	_ =	swait.ge [sflag:s16], $0x6200  }
0x22: {  	[sflag:s16] =	ssyncset.done $0x0  }
0x23: {  	[sflag:s16] =	ssyncadd.s32 $0xFFFF9E00  }
0x24: {  	v22 =	vld.idx.msk [tilespmem:v5+s12+$0x0], $0xffff  }
0x25: {  	v2 =	vor.u32 $0x4, v5;
	v13 =	vld.idx.msk [tilespmem:v5+s2+$0x0], $0xffff  }
0x26: {  	v3 =	vor.u32 $0x5, v5;
	v25 =	vld.idx.msk [tilespmem:v1+s12+$0x0], $0xffff  }
0x27: {  	v23 =	vld.idx.msk [tilespmem:v5+s11+$0x0], $0xffff  }
0x28: {  	v7 =	vor.u32 $0x3, v5;
	v6 =	vld.idx.msk [tilespmem:v1+s2+$0x0], $0xffff  }
0x29: {  	v12 =	vor.u32 $0xC, v5;
	v26 =	vld.idx.msk [tilespmem:v1+s11+$0x0], $0xffff  }
0x2a: {  	v4 =	vor.u32 $0x7, v5;
	v16 =	vld.idx.msk [tilespmem:v2+s2+$0x0], $0xffff  }
0x2b: {  	v15 =	vld.idx.msk [tilespmem:v3+s2+$0x0], $0xffff  }
0x2c: {  	v27 =	vld.idx.msk [tilespmem:v3+s11+$0x0], $0xffff  }
0x2d: {  	v9 =	vor.u32 $0x2, v5;
	v28 =	vld.idx.msk [tilespmem:v7+s11+$0x0], $0xffff  }
0x2e: {  	v20 =	vld.idx.msk [tilespmem:v12+s11+$0x0], $0xffff  }
0x2f: {  	v29 =	vld.idx.msk [tilespmem:v4+s11+$0x0], $0xffff  }
0x30: {  	v30 =	vld.idx.msk [tilespmem:v4+s12+$0x0], $0xffff  }
0x31: {  	v10 =	vor.u32 $0x1, v5;
	v31 =	vld.idx.msk [tilespmem:v7+s12+$0x0], $0xffff  }
0x32: {  	v32 =	vld.idx.msk [tilespmem:v9+s11+$0x0], $0xffff  }
0x33: {  	v33 =	vld.idx.msk [tilespmem:v3+s12+$0x0], $0xffff  }
0x34: {  	v17 =	vld.idx.msk [tilespmem:v4+s2+$0x0], $0xffff  }
0x35: {  	v11 =	vor.u32 $0x9, v5;
	v34 =	vld.idx.msk [tilespmem:v9+s12+$0x0], $0xffff  }
0x36: {  	v8 =	vor.u32 $0xB, v5;
	v18 =	vld.idx.msk [tilespmem:v10+s2+$0x0], $0xffff  }
0x37: {  	v24 =	vld.idx.msk [tilespmem:v12+s12+$0x0], $0xffff  }
0x38: {  	v21 =	vld.idx.msk [tilespmem:v7+s2+$0x0], $0xffff  }
0x39: {  	v19 =	vld.idx.msk [tilespmem:v9+s2+$0x0], $0xffff  }
0x3a: {  	v14 =	vor.u32 $0x6, v5;
	v35 =	vld.idx.msk [tilespmem:v11+s11+$0x0], $0xffff  }
0x3b: {  	v36 =	vld.idx.msk [tilespmem:v8+s11+$0x0], $0xffff  }
0x3c: {  	v12 =	vor.u32 $0xA, v5;
	v37 =	vld.idx.msk [tilespmem:v8+s12+$0x0], $0xffff;
	v38 =	vadd.f32 v24, v20  }
0x3d: {  	v39 =	vld.idx.msk [tilespmem:v11+s12+$0x0], $0xffff  }
0x3e: {  	v53 =	vld.idx.msk [tilespmem:v2+s12+$0x0], $0xffff;
	v40 =	vmax.f32 v38, $1.000000000e+00  }
0x3f: {  	v24 =	vld.idx.msk [tilespmem:v14+s2+$0x0], $0xffff;
	(erf) = vrcp.f32 v40  }
0x40: {  	v20 =	vld.idx.msk [tilespmem:v11+s2+$0x0], $0xffff;
	v28 =	vadd.f32 v31, v28;
	v31 =	vadd.f32 v22, v23;
	v41 =	vmul.f32 v13, v38  }
0x41: {  	v61 =	vld.idx.msk [tilespmem:v12+s11+$0x0], $0xffff;
	v32 =	vadd.f32 v34, v32  }
0x42: {  	v22 =	vld.idx.msk [tilespmem:v8+s2+$0x0], $0xffff;
	v29 =	vadd.f32 v30, v29;
	v30 =	vsub.f32 v41, v31;
	v31 =	vmul.f32 v21, v38  }
0x43: {  	v27 =	vadd.f32 v33, v27;
	v23 =	vld.idx.msk [tilespmem:v12+s2+$0x0], $0xffff;
	v25 =	vadd.f32 v25, v26  }
0x44: {  	v62 =	vmul.f32 v15, v38;
	v52 =	vmul.f32 v17, v38;
	v26 =	vsub.f32 v31, v28;
	v28 =	vld.idx.msk [tilespmem:v2+s11+$0x0], $0xffff  }
0x45: {  	v63 =	vld.idx.msk [tilespmem:v12+s12+$0x0], $0xffff;
	v36 =	vadd.f32 v37, v36;
	v42 =	vmul.f32 v16, v38;
	v44 =	vmul.f32 v18, v38  }
0x46: {  	v43 =	vld.idx.msk [tilespmem:v10+s11+$0x0], $0xffff;
	v35 =	vadd.f32 v39, v35;
	v45 =	vmul.f32 v19, v38;
	v31 =	vmul.f32 v6, v38  }
0x47: {  	v47 =	vld.idx.msk [tilespmem:v14+s12+$0x0], $0xffff;
	v27 =	vsub.f32 v62, v27;
	v29 =	vsub.f32 v52, v29;
	v46 =	vmul.f32 v24, v38  }
0x48: {  	v54 =	vmul.f32 v20, v38;
	v55 =	vmul.f32 v22, v38;
	v25 =	vsub.f32 v31, v25;
	v31 =	vld.idx.msk [tilespmem:v14+s11+$0x0], $0xffff;
	v48 =	vpop (erf)  }
0x49: {  	v49 =	vld.idx.msk [tilespmem:v10+s12+$0x0], $0xffff;
	v50 =	vmul.f32 v23, v38;
	v28 =	vadd.f32 v53, v28;
	v39 =	vmul.f32 v30, v48  }
0x4a: {  	v30 =	vadd.f32 v63, v61;
	v38 =	vmul.f32 v27, v48;
	v27 =	vsub.f32 v55, v36  }
0x4b: {  	v36 =	vmul.f32 v29, v48;
	v34 =	vmul.f32 v25, v48;
	v25 =	vsub.f32 v42, v28  }
0x4c: {  	v40 =	vmul.f32 v26, v48;
	v29 =	vsub.f32 v50, v30;
	v30 =	vsub.f32 v54, v35  }
0x4d: {  	v33 =	vmul.f32 v27, v48;
	v27 =	vadd.f32 v47, v31;
	v41 =	vmul.f32 v25, v48  }
0x4e: {  	v28 =	vadd.f32 v49, v43;
	v56 =	vmul.f32 v40, v40;
	v35 =	vmul.f32 v29, v48  }
0x4f: {  	v37 =	vmul.f32 v30, v48;
	v25 =	vsub.f32 v46, v27;
	v27 =	vmul.f32 v33, v33  }
0x50: {  	v29 =	vsub.f32 v45, v32;
	v30 =	vmul.f32 v41, v41;
	v26 =	vmul.f32 v35, v35  }
0x51: {  	v31 =	vmul.f32 v37, v37;
	v42 =	vmul.f32 v25, v48  }
0x52: {  	v25 =	vsub.f32 v44, v28;
	v43 =	vmul.f32 v29, v48;
	v28 =	vmul.f32 v36, v36  }
0x53: {  	v29 =	vadd.f32 v30, v56;
	v30 =	vmul.f32 v38, v38;
	v26 =	vadd.f32 v26, v31  }
0x54: {  	v31 =	vmul.f32 v42, v42;
	v44 =	vmul.f32 v25, v48  }
0x55: {  	v25 =	vmul.f32 v34, v34;
	v26 =	vadd.f32 v27, v26;
	v27 =	vadd.f32 v30, v29  }
0x56: {  	v29 =	vmul.f32 v39, v39;
	v28 =	vadd.f32 v28, v31;
	v30 =	vmul.f32 v44, v44  }
0x57: {  	v31 =	vadd.f32 $2.220446050e-16, v26;
	v27 =	vadd.f32 $2.220446050e-16, v27  }
0x58: {  	v26 =	vmul.f32 v43, v43;
	v25 =	vadd.f32 v25, v28;
	v28 =	vadd.f32 v30, v29  }
0x59: {  	v29 =	vshra.s32 v31, $0x1  }
0x5a: {  	v30 =	vshra.s32 v27, $0x1;
	v32 =	vadd.f32 $2.220446050e-16, v25;
	v25 =	vadd.f32 v26, v28  }
0x5b: {  	v26 =	vmul.f32 $5.000000000e-01, v31;
	v28 =	vmul.f32 $5.000000000e-01, v27;
	v30 =	vsub.s32 $0x5F3759DF, v30  }
0x5c: {  	v57 =	vshra.s32 v32, $0x1;
	v58 =	vmul.f32 $5.000000000e-01, v32;
	v52 =	vadd.f32 $2.220446050e-16, v25  }
0x5d: {  	v25 =	vsub.s32 $0x5F3759DF, v29;
	v29 =	vmul.f32 v30, v28;
	v45 =	vsub.s32 $0x5F3759DF, v57  }
0x5e: {  	v59 =	vmul.f32 v45, v58;
	v60 =	vshra.s32 v52, $0x1;
	v61 =	vmul.f32 $5.000000000e-01, v52  }
0x5f: {  	v62 =	vmul.f32 v25, v26;
	v29 =	vmul.f32 v30, v29;
	v48 =	vsub.s32 $0x5F3759DF, v60  }
0x60: {  	v47 =	vmul.f32 v45, v59;
	v51 =	vmul.f32 v48, v61  }
0x61: {  	v50 =	vmul.f32 v25, v62;
	v29 =	vsub.f32 $1.500000000e+00, v29  }
0x62: {  	v47 =	vsub.f32 $1.500000000e+00, v47;
	v51 =	vmul.f32 v48, v51  }
0x63: {  	v50 =	vsub.f32 $1.500000000e+00, v50;
	v29 =	vmul.f32 v30, v29  }
0x64: {  	v30 =	vmul.f32 v45, v47;
	v63 =	vsub.f32 $1.500000000e+00, v51  }
0x65: {  	v25 =	vmul.f32 v25, v50;
	v53 =	vmul.f32 v29, v28  }
0x66: {  	v54 =	vmul.f32 v30, v58;
	v45 =	vmul.f32 v48, v63  }
0x67: {  	v55 =	vmul.f32 v25, v26;
	v47 =	vmul.f32 v53, v29  }
0x68: {  	v50 =	vmul.f32 v54, v30;
	v56 =	vmul.f32 v45, v61  }
0x69: {  	v48 =	vmul.f32 v55, v25;
	v47 =	vsub.f32 $1.500000000e+00, v47  }
0x6a: {  	v50 =	vsub.f32 $1.500000000e+00, v50;
	v51 =	vmul.f32 v56, v45  }
0x6b: {  	v48 =	vsub.f32 $1.500000000e+00, v48;
	v29 =	vmul.f32 v47, v29  }
0x6c: {  	v30 =	vmul.f32 v50, v30;
	v57 =	vsub.f32 $1.500000000e+00, v51  }
0x6d: {  	v48 =	vmul.f32 v48, v25;
	v25 =	vmul.f32 v29, v28  }
0x6e: {  	v28 =	vmul.f32 v30, v58;
	v53 =	vmul.f32 v57, v45  }
0x6f: {  	v26 =	vmul.f32 v48, v26;
	v25 =	vmul.f32 v25, v29  }
0x70: {  	v28 =	vmul.f32 v28, v30;
	v45 =	vmul.f32 v53, v61  }
0x71: {  	v58 =	vmul.f32 v26, v48;
	v59 =	vsub.f32 $1.500000000e+00, v25  }
0x72: {  	v25 =	vld [tilespmem:$0x18850];
	v60 =	vsub.f32 $1.500000000e+00, v28;
	v45 =	vmul.f32 v45, v53  }
0x73: {  	v26 =	vld [tilespmem:$0x18860];
	v61 =	vsub.f32 $1.500000000e+00, v58;
	v47 =	vmul.f32 v59, v29  }
0x74: {  	v28 =	vld [tilespmem:$0x18870];
	v46 =	vmul.f32 v60, v30;
	v30 =	vsub.f32 $1.500000000e+00, v45  }
0x75: {  	v29 =	vld [tilespmem:$0x18840];
	v45 =	vmul.f32 v61, v48;
	v51 =	vmul.f32 v47, v27  }
0x76: {  	v50 =	vmul.f32 v46, v32;
	v48 =	vmul.f32 v30, v53  }
0x77: {  	v49 =	vmul.f32 v45, v31;
	v27 =	vsub.f32 v25, v51  }
0x78: {  	v30 =	vsub.f32 v26, v50;
	v52 =	vmul.f32 v48, v52  }
0x79: {  	v31 =	vsub.f32 v28, v49;
	v27 =	vmul.f32 $1.442695020e+00, v27  }
0x7a: {  	v30 =	vmul.f32 $1.442695020e+00, v30;
	v62 =	vsub.f32 v29, v52  }
0x7b: {  	v31 =	vmul.f32 $1.442695020e+00, v31;
	(erf) = vpow2.f32 v27  }
0x7c: {  	(erf) = vpow2.f32 v30;
	v27 =	vmul.f32 $1.442695020e+00, v62  }
0x7d: {  	(erf) = vpow2.f32 v31  }
0x7e: {  	(erf) = vpow2.f32 v27;
	_ =	sdelay $0x5  }
0x7f: {  	p1 =	sne.s32 s5, $0x10;
	v27 =	vpop (erf)  }
.Ltmp0:
0x80: {  	v27 =	vadd.f32 $1.000000000e+00, v27;
	v30 =	vpop (erf);
	(pc) =	sbr.rel @!p1 .LBB2_3-.Ltmp0, $4  }
0x81: {  	v32 =	vld [tilespmem:$0x18800];
	v63 =	vadd.f32 $1.000000000e+00, v30;
	v30 =	vpop (erf)  }
0x82: {  	v31 =	vld [tilespmem:$0x18810];
	(erf) = vrcp.f32 v27;
	v54 =	vadd.f32 $1.000000000e+00, v30;
	v55 =	vpop (erf)  }
0x83: {  	v27 =	vld [tilespmem:$0x18830];
	(erf) = vrcp.f32 v63;
	v53 =	vadd.f32 $1.000000000e+00, v55  }
0x84: {  	s19 =	simm.s32 $0x10;
	v30 =	vld [tilespmem:$0x18820];
	(erf) = vrcp.f32 v54  }
.LBB2_2:
0x85: {  	(erf) = vrcp.f32 v53;
	s20 =	smov.u32 s19;
	s19 =	sadd.s32 $0x10, s19  }
0x86: {  	p1 =	sne.s32 s5, s19;
	_ =	sdelay $0x4  }
0x87: {  	v53 =	vpop (erf)  }
0x88: {  	v56 =	vmul.f32 v53, v51;
	v54 =	vpop (erf)  }
0x89: {  	v50 =	vmul.f32 v54, v50;
	v55 =	vpop (erf)  }
0x8a: {  	vm0 =	vle.f32 v56, $1.000000000e+00;
	v49 =	vmul.f32 v55, v49;
	v51 =	vpop (erf)  }
0x8b: {  	v52 =	vmul.f32 v51, v52;
	v47 =	vsel vm0, v53, v47;
	vm0 =	vle.f32 v50, $1.000000000e+00  }
0x8c: {  	v47 =	vmul.f32 v47, v31;
	v46 =	vsel vm0, v54, v46;
	vm0 =	vle.f32 v49, $1.000000000e+00  }
0x8d: {  	vm1 =	vle.f32 v52, $1.000000000e+00;
	v46 =	vmul.f32 v46, v30;
	v45 =	vsel vm0, v55, v45  }
0x8e: {  	v48 =	vsel vm1, v51, v48;
	v40 =	vmul.f32 v47, v40;
	v41 =	vmul.f32 v47, v41  }
0x8f: {  	v38 =	vmul.f32 v47, v38;
	v48 =	vmul.f32 v48, v32  }
0x90: {  	v21 =	vsub.f32 v21, v40;
	v16 =	vsub.f32 v16, v41;
	v40 =	vmul.f32 v46, v42  }
0x91: {  	v15 =	vsub.f32 v15, v38;
	v39 =	vmul.f32 v48, v39;
	v41 =	vmul.f32 v48, v44  }
0x92: {  	v36 =	vmul.f32 v46, v36;
	v38 =	vmul.f32 v48, v43;
	v24 =	vsub.f32 v24, v40  }
0x93: {  	v34 =	vmul.f32 v46, v34;
	v13 =	vsub.f32 v13, v39;
	v18 =	vsub.f32 v18, v41  }
0x94: {  	v17 =	vsub.f32 v17, v36;
	v36 =	vmul.f32 v45, v27;
	v19 =	vsub.f32 v19, v38  }
0x95: {  	[tilespmem:v5+s17+$0x0] =	vst.idx.msk $0xffff, v13  }
0x96: {  	v5 =	vmul.f32 v36, v37;
	v13 =	vmul.f32 v36, v35;
	[tilespmem:v10+s17+$0x0] =	vst.idx.msk $0xffff, v18  }
0x97: {  	v10 =	vmul.f32 v36, v33;
	[tilespmem:v9+s17+$0x0] =	vst.idx.msk $0xffff, v19  }
0x98: {  	v5 =	vsub.f32 v20, v5;
	v9 =	vsub.f32 v23, v13;
	[tilespmem:v7+s17+$0x0] =	vst.idx.msk $0xffff, v21  }
0x99: {  	v7 =	vsub.f32 v22, v10;
	[tilespmem:v2+s17+$0x0] =	vst.idx.msk $0xffff, v16  }
0x9a: {  	[tilespmem:v3+s17+$0x0] =	vst.idx.msk $0xffff, v15  }
0x9b: {  	v2 =	vsub.f32 v6, v34;
	[tilespmem:v14+s17+$0x0] =	vst.idx.msk $0xffff, v24  }
0x9c: {  	[tilespmem:v4+s17+$0x0] =	vst.idx.msk $0xffff, v17  }
0x9d: {  	v3 =	vmov s20;
	[tilespmem:v1+s17+$0x0] =	vst.idx.msk $0xffff, v2  }
0x9e: {  	v1 =	vshll.u32 v3, $0x4;
	[tilespmem:v11+s17+$0x0] =	vst.idx.msk $0xffff, v5  }
0x9f: {  	v5 =	vor.u32 v0, v1;
	[tilespmem:v12+s17+$0x0] =	vst.idx.msk $0xffff, v9  }
0xa0: {  	v1 =	vor.u32 $0x8, v5;
	v19 =	vor.u32 $0xC, v5;
	v2 =	vor.u32 $0x4, v5;
	[tilespmem:v8+s17+$0x0] =	vst.idx.msk $0xffff, v7;
	_ =	sdelay $0x2  }
0xa1: {  	v3 =	vor.u32 $0x5, v5  }
0xa2: {  	v10 =	vor.u32 $0x1, v5;
	v20 =	vld.idx.msk [tilespmem:v5+s12+$0x0], $0xffff  }
0xa3: {  	v9 =	vor.u32 $0x2, v5;
	v7 =	vor.u32 $0x3, v5;
	v13 =	vld.idx.msk [tilespmem:v5+s2+$0x0], $0xffff  }
0xa4: {  	v22 =	vld.idx.msk [tilespmem:v1+s12+$0x0], $0xffff  }
0xa5: {  	v4 =	vor.u32 $0x7, v5;
	v23 =	vld.idx.msk [tilespmem:v5+s11+$0x0], $0xffff  }
0xa6: {  	v6 =	vld.idx.msk [tilespmem:v1+s2+$0x0], $0xffff  }
0xa7: {  	v33 =	vld.idx.msk [tilespmem:v1+s11+$0x0], $0xffff  }
0xa8: {  	v16 =	vld.idx.msk [tilespmem:v2+s2+$0x0], $0xffff  }
0xa9: {  	v15 =	vld.idx.msk [tilespmem:v3+s2+$0x0], $0xffff  }
0xaa: {  	v24 =	vld.idx.msk [tilespmem:v3+s11+$0x0], $0xffff  }
0xab: {  	v34 =	vld.idx.msk [tilespmem:v7+s11+$0x0], $0xffff  }
0xac: {  	v35 =	vld.idx.msk [tilespmem:v19+s11+$0x0], $0xffff  }
0xad: {  	v36 =	vld.idx.msk [tilespmem:v4+s11+$0x0], $0xffff  }
0xae: {  	v37 =	vld.idx.msk [tilespmem:v4+s12+$0x0], $0xffff  }
0xaf: {  	v14 =	vor.u32 $0x6, v5;
	v38 =	vld.idx.msk [tilespmem:v7+s12+$0x0], $0xffff  }
0xb0: {  	v39 =	vld.idx.msk [tilespmem:v9+s11+$0x0], $0xffff  }
0xb1: {  	v40 =	vld.idx.msk [tilespmem:v3+s12+$0x0], $0xffff  }
0xb2: {  	v12 =	vor.u32 $0xA, v5;
	v8 =	vor.u32 $0xB, v5;
	v17 =	vld.idx.msk [tilespmem:v4+s2+$0x0], $0xffff  }
0xb3: {  	v11 =	vor.u32 $0x9, v5;
	v41 =	vld.idx.msk [tilespmem:v9+s12+$0x0], $0xffff  }
0xb4: {  	v18 =	vld.idx.msk [tilespmem:v10+s2+$0x0], $0xffff  }
0xb5: {  	v21 =	vld.idx.msk [tilespmem:v7+s2+$0x0], $0xffff  }
0xb6: {  	v42 =	vld.idx.msk [tilespmem:v19+s12+$0x0], $0xffff  }
0xb7: {  	v34 =	vadd.f32 v38, v34;
	v19 =	vld.idx.msk [tilespmem:v9+s2+$0x0], $0xffff  }
0xb8: {  	v38 =	vld.idx.msk [tilespmem:v11+s11+$0x0], $0xffff  }
0xb9: {  	v39 =	vadd.f32 v41, v39;
	v43 =	vld.idx.msk [tilespmem:v10+s11+$0x0], $0xffff  }
0xba: {  	v41 =	vld.idx.msk [tilespmem:v8+s11+$0x0], $0xffff  }
0xbb: {  	v44 =	vld.idx.msk [tilespmem:v8+s12+$0x0], $0xffff  }
0xbc: {  	v36 =	vadd.f32 v37, v36;
	v35 =	vadd.f32 v42, v35;
	v37 =	vld.idx.msk [tilespmem:v11+s12+$0x0], $0xffff  }
0xbd: {  	v23 =	vadd.f32 v20, v23;
	v42 =	vld.idx.msk [tilespmem:v10+s12+$0x0], $0xffff  }
0xbe: {  	v40 =	vadd.f32 v40, v24;
	v45 =	vmax.f32 v35, $1.000000000e+00;
	v46 =	vmul.f32 v13, v35;
	v24 =	vld.idx.msk [tilespmem:v14+s2+$0x0], $0xffff  }
0xbf: {  	v47 =	vmul.f32 v15, v35;
	v20 =	vld.idx.msk [tilespmem:v11+s2+$0x0], $0xffff;
	(erf) = vrcp.f32 v45  }
0xc0: {  	v45 =	vsub.f32 v46, v23;
	v23 =	vmul.f32 v21, v35;
	v46 =	vmul.f32 v17, v35;
	v48 =	vld.idx.msk [tilespmem:v12+s11+$0x0], $0xffff  }
0xc1: {  	v33 =	vadd.f32 v22, v33;
	v49 =	vmul.f32 v16, v35;
	v40 =	vsub.f32 v47, v40;
	v22 =	vld.idx.msk [tilespmem:v8+s2+$0x0], $0xffff  }
0xc2: {  	v47 =	vsub.f32 v23, v34;
	v34 =	vsub.f32 v46, v36;
	v23 =	vld.idx.msk [tilespmem:v12+s2+$0x0], $0xffff  }
0xc3: {  	v46 =	vmul.f32 v18, v35;
	v36 =	vld.idx.msk [tilespmem:v12+s12+$0x0], $0xffff  }
0xc4: {  	v42 =	vadd.f32 v42, v43;
	v43 =	vmul.f32 v19, v35;
	v51 =	vmul.f32 v24, v35;
	v50 =	vld.idx.msk [tilespmem:v2+s12+$0x0], $0xffff  }
0xc5: {  	v57 =	vmul.f32 v6, v35;
	v54 =	vmul.f32 v20, v35;
	v52 =	vld.idx.msk [tilespmem:v2+s11+$0x0], $0xffff  }
0xc6: {  	v43 =	vsub.f32 v43, v39;
	v55 =	vld.idx.msk [tilespmem:v14+s12+$0x0], $0xffff  }
0xc7: {  	v33 =	vsub.f32 v57, v33;
	v41 =	vadd.f32 v44, v41;
	v44 =	vmul.f32 v22, v35;
	v56 =	vld.idx.msk [tilespmem:v14+s11+$0x0], $0xffff  }
0xc8: {  	v37 =	vadd.f32 v37, v38;
	v35 =	vmul.f32 v23, v35;
	v53 =	vpop (erf)  }
0xc9: {  	v39 =	vmul.f32 v45, v53;
	v38 =	vmul.f32 v40, v53;
	v40 =	vadd.f32 v36, v48  }
0xca: {  	v36 =	vmul.f32 v34, v53;
	v34 =	vmul.f32 v33, v53;
	v33 =	vsub.f32 v44, v41  }
0xcb: {  	v41 =	vadd.f32 v50, v52;
	v35 =	vsub.f32 v35, v40  }
0xcc: {  	v37 =	vsub.f32 v54, v37;
	v33 =	vmul.f32 v33, v53  }
0xcd: {  	v41 =	vsub.f32 v49, v41;
	v44 =	vadd.f32 v55, v56;
	v35 =	vmul.f32 v35, v53  }
0xce: {  	v37 =	vmul.f32 v37, v53  }
0xcf: {  	v40 =	vmul.f32 v47, v53;
	v41 =	vmul.f32 v41, v53;
	v44 =	vsub.f32 v51, v44  }
0xd0: {  	v47 =	vmul.f32 v33, v33;
	v45 =	vmul.f32 v35, v35  }
0xd1: {  	v49 =	vmul.f32 v37, v37;
	v48 =	vmul.f32 v41, v41  }
0xd2: {  	v46 =	vsub.f32 v46, v42;
	v50 =	vmul.f32 v40, v40;
	v42 =	vmul.f32 v44, v53  }
0xd3: {  	v43 =	vmul.f32 v43, v53;
	v51 =	vmul.f32 v36, v36;
	v45 =	vadd.f32 v45, v49  }
0xd4: {  	v49 =	vmul.f32 v38, v38;
	v48 =	vadd.f32 v48, v50;
	v50 =	vmul.f32 v42, v42  }
0xd5: {  	v44 =	vmul.f32 v46, v53;
	v46 =	vmul.f32 v34, v34;
	v45 =	vadd.f32 v47, v45  }
0xd6: {  	v47 =	vmul.f32 v39, v39;
	v48 =	vadd.f32 v49, v48;
	v49 =	vadd.f32 v51, v50  }
0xd7: {  	v50 =	vmul.f32 v44, v44;
	v52 =	vadd.f32 $2.220446050e-16, v45  }
0xd8: {  	v45 =	vmul.f32 v43, v43;
	v48 =	vadd.f32 $2.220446050e-16, v48;
	v46 =	vadd.f32 v46, v49  }
0xd9: {  	v47 =	vadd.f32 v50, v47;
	v49 =	vshra.s32 v52, $0x1;
	v50 =	vmul.f32 $5.000000000e-01, v52  }
0xda: {  	v51 =	vshra.s32 v48, $0x1;
	v53 =	vmul.f32 $5.000000000e-01, v48;
	v54 =	vadd.f32 $2.220446050e-16, v46  }
0xdb: {  	v45 =	vadd.f32 v45, v47;
	v46 =	vsub.s32 $0x5F3759DF, v49  }
0xdc: {  	v47 =	vsub.s32 $0x5F3759DF, v51;
	v49 =	vshra.s32 v54, $0x1;
	v51 =	vmul.f32 $5.000000000e-01, v54  }
0xdd: {  	v55 =	vadd.f32 $2.220446050e-16, v45;
	v45 =	vmul.f32 v47, v53;
	v49 =	vsub.s32 $0x5F3759DF, v49  }
0xde: {  	v57 =	vmul.f32 v46, v50;
	v56 =	vmul.f32 v49, v51  }
0xdf: {  	v58 =	vshra.s32 v55, $0x1;
	v59 =	vmul.f32 $5.000000000e-01, v55  }
0xe0: {  	v45 =	vmul.f32 v47, v45;
	v58 =	vsub.s32 $0x5F3759DF, v58;
	v56 =	vmul.f32 v49, v56  }
0xe1: {  	v57 =	vmul.f32 v46, v57;
	v60 =	vmul.f32 v58, v59  }
0xe2: {  	v45 =	vsub.f32 $1.500000000e+00, v45;
	v56 =	vsub.f32 $1.500000000e+00, v56  }
0xe3: {  	v57 =	vsub.f32 $1.500000000e+00, v57;
	v60 =	vmul.f32 v58, v60  }
0xe4: {  	v45 =	vmul.f32 v47, v45;
	v47 =	vmul.f32 v49, v56  }
0xe5: {  	v46 =	vmul.f32 v46, v57;
	v49 =	vsub.f32 $1.500000000e+00, v60  }
0xe6: {  	v56 =	vmul.f32 v45, v53;
	v57 =	vmul.f32 v47, v51  }
0xe7: {  	v49 =	vmul.f32 v58, v49;
	v58 =	vmul.f32 v46, v50  }
0xe8: {  	v56 =	vmul.f32 v56, v45;
	v57 =	vmul.f32 v57, v47  }
0xe9: {  	v60 =	vmul.f32 v49, v59;
	v58 =	vmul.f32 v58, v46  }
0xea: {  	v56 =	vsub.f32 $1.500000000e+00, v56;
	v57 =	vsub.f32 $1.500000000e+00, v57  }
0xeb: {  	v60 =	vmul.f32 v60, v49;
	v58 =	vsub.f32 $1.500000000e+00, v58  }
0xec: {  	v45 =	vmul.f32 v56, v45;
	v56 =	vmul.f32 v57, v47  }
0xed: {  	v47 =	vsub.f32 $1.500000000e+00, v60;
	v57 =	vmul.f32 v58, v46  }
0xee: {  	v46 =	vmul.f32 v45, v53;
	v51 =	vmul.f32 v56, v51  }
0xef: {  	v49 =	vmul.f32 v47, v49;
	v47 =	vmul.f32 v57, v50  }
0xf0: {  	v46 =	vmul.f32 v46, v45;
	v50 =	vmul.f32 v51, v56  }
0xf1: {  	v51 =	vmul.f32 v49, v59;
	v47 =	vmul.f32 v47, v57  }
0xf2: {  	v46 =	vsub.f32 $1.500000000e+00, v46;
	v50 =	vsub.f32 $1.500000000e+00, v50  }
0xf3: {  	v51 =	vmul.f32 v51, v49;
	v53 =	vsub.f32 $1.500000000e+00, v47  }
0xf4: {  	v47 =	vmul.f32 v46, v45;
	v46 =	vmul.f32 v50, v56  }
0xf5: {  	v56 =	vsub.f32 $1.500000000e+00, v51;
	v45 =	vmul.f32 v53, v57  }
0xf6: {  	v51 =	vmul.f32 v47, v48;
	v50 =	vmul.f32 v46, v54  }
0xf7: {  	v48 =	vmul.f32 v56, v49;
	v49 =	vmul.f32 v45, v52  }
0xf8: {  	v53 =	vsub.f32 v25, v51;
	v54 =	vsub.f32 v26, v50  }
0xf9: {  	v52 =	vmul.f32 v48, v55;
	v55 =	vsub.f32 v28, v49  }
0xfa: {  	v53 =	vmul.f32 $1.442695020e+00, v53;
	v54 =	vmul.f32 $1.442695020e+00, v54  }
0xfb: {  	v56 =	vsub.f32 v29, v52;
	v55 =	vmul.f32 $1.442695020e+00, v55  }
0xfc: {  	(erf) = vpow2.f32 v53  }
0xfd: {  	v53 =	vmul.f32 $1.442695020e+00, v56;
	(erf) = vpow2.f32 v54  }
0xfe: {  	(erf) = vpow2.f32 v55  }
0xff: {  	(erf) = vpow2.f32 v53;
	_ =	sdelay $0x5  }
0x100: {  	v53 =	vpop (erf)  }
.Ltmp1:
0x101: {  	v53 =	vadd.f32 $1.000000000e+00, v53;
	v54 =	vpop (erf);
	(pc) =	sbr.rel @p1 .LBB2_2-.Ltmp1, $4  }
0x102: {  	v54 =	vadd.f32 $1.000000000e+00, v54;
	v55 =	vpop (erf)  }
0x103: {  	v55 =	vadd.f32 $1.000000000e+00, v55;
	v56 =	vpop (erf);
	(erf) = vrcp.f32 v53  }
0x104: {  	v53 =	vadd.f32 $1.000000000e+00, v56;
	(erf) = vrcp.f32 v54  }
0x105: {  	(erf) = vrcp.f32 v55  }
.LBB2_3:
0x106: {  	(erf) = vrcp.f32 v53;
	_ =	sdelay $0x5  }
0x107: {  	v25 =	vpop (erf)  }
0x108: {  	v26 =	vpop (erf)  }
0x109: {  	v28 =	vpop (erf)  }
0x10a: {  	v29 =	vpop (erf)  }
0x10b: {  	v52 =	vmul.f32 v29, v52;
	_ =	sdelay $0x1  }
0x10c: {  	v51 =	vmul.f32 v25, v51;
	vm0 =	vle.f32 v52, $1.000000000e+00  }
0x10d: {  	v50 =	vmul.f32 v26, v50;
	v29 =	vsel vm0, v29, v48  }
0x10e: {  	vm13 =	vle.f32 v51, $1.000000000e+00;
	v29 =	vmul.f32 v29, v32  }
0x10f: {  	v49 =	vmul.f32 v28, v49;
	v25 =	vsel vm13, v25, v47;
	vm14 =	vle.f32 v50, $1.000000000e+00  }
0x110: {  	v25 =	vmul.f32 v25, v31;
	v26 =	vsel vm14, v26, v46;
	v50 =	vmul.f32 v29, v39  }
0x111: {  	vm15 =	vle.f32 v49, $1.000000000e+00;
	v26 =	vmul.f32 v26, v30;
	v51 =	vmul.f32 v29, v44  }
0x112: {  	v28 =	vsel vm15, v28, v45;
	v29 =	vmul.f32 v29, v43;
	v13 =	vsub.f32 v13, v50  }
0x113: {  	v52 =	vmul.f32 v25, v40;
	v53 =	vmul.f32 v25, v41;
	v18 =	vsub.f32 v18, v51  }
0x114: {  	v25 =	vmul.f32 v25, v38;
	v19 =	vsub.f32 v19, v29;
	[tilespmem:v5+s17+$0x0] =	vst.idx.msk $0xffff, v13  }
0x115: {  	v58 =	vmul.f32 v28, v27;
	v54 =	vsub.f32 v21, v52;
	[tilespmem:v10+s17+$0x0] =	vst.idx.msk $0xffff, v18  }
0x116: {  	v56 =	vmul.f32 v26, v42;
	v55 =	vsub.f32 v16, v53;
	[tilespmem:v9+s17+$0x0] =	vst.idx.msk $0xffff, v19  }
0x117: {  	v57 =	vmul.f32 v26, v36;
	v15 =	vsub.f32 v15, v25;
	[tilespmem:v7+s17+$0x0] =	vst.idx.msk $0xffff, v54  }
0x118: {  	v60 =	vmul.f32 v26, v34;
	v59 =	vsub.f32 v24, v56;
	[tilespmem:v2+s17+$0x0] =	vst.idx.msk $0xffff, v55  }
0x119: {  	v61 =	vmul.f32 v58, v37;
	v2 =	vsub.f32 v17, v57;
	[tilespmem:v3+s17+$0x0] =	vst.idx.msk $0xffff, v15  }
0x11a: {  	v6 =	vsub.f32 v6, v60;
	v3 =	vmul.f32 v58, v35;
	[tilespmem:v14+s17+$0x0] =	vst.idx.msk $0xffff, v59  }
0x11b: {  	v62 =	vmul.f32 v58, v33;
	v63 =	vsub.f32 v20, v61;
	[tilespmem:v4+s17+$0x0] =	vst.idx.msk $0xffff, v2  }
0x11c: {  	v2 =	vsub.f32 v23, v3;
	[tilespmem:v1+s17+$0x0] =	vst.idx.msk $0xffff, v6  }
0x11d: {  	v1 =	vsub.f32 v22, v62;
	[tilespmem:v11+s17+$0x0] =	vst.idx.msk $0xffff, v63  }
0x11e: {  	[tilespmem:v12+s17+$0x0] =	vst.idx.msk $0xffff, v2  }
0x11f: {  	s19 =	simm.s32 @p0 $0x0;
	s20 =	simm.s32 @p0 $0x12600;
	[tilespmem:v8+s17+$0x0] =	vst.idx.msk $0xffff, v1  }
0x120: {  	[hbm4b:s9+s19] =	stream.linear.scatter @p0 [tilespmem:s20], [sflag:$0x2], $0x5700, $0x38;
	[tilespmem:$0x18880] =	vst v63  }
0x121: {  	s19 =	simm.s32 @p0 $0x2  }
0x122: {  	s18 =	sadd.s32 $0x1, s18;
	_ =	swait.ge @p0 [sflag:s19], $0x5700  }
0x123: {  	p1 =	sne.s32 s18, s10;
	[sflag:s19] =	ssyncset.done @p0 $0x0  }
0x124: {  	s20 =	simm.s32 @!p0 $0x12600;
	[sflag:s19] =	ssyncadd.s32 @p0 $0xFFFFA900;
	s19 =	simm.s32 @!p0 $0x0  }
0x125: {  	[hbm4b:s9+s19] =	stream.linear.scatter @!p0 [tilespmem:s20], [sflag:$0x2], $0x6200, $0x38;
	[tilespmem:$0x18880] =	vst v63  }
.Ltmp2:
0x126: {  	_ = 	snop;
	(pc) =	sbr.rel @p1 .LBB2_1-.Ltmp2, $4  }
0x127: {  	s19 =	simm.s32 @!p0 $0x2  }
0x128: {  	_ =	swait.ge @!p0 [sflag:s19], $0x6200  }
0x129: {  	[sflag:s19] =	ssyncset.done @!p0 $0x0  }
0x12a: {  	[sflag:s19] =	ssyncadd.s32 @!p0 $0xFFFF9E00  }
0x12b: {  	_ =	sfence.sel $0x180000  }
0x12c: {  	[bflag:$0x0] =	sbarrier.arrive $0xFFFF  }
0x12d: {  	p0 =	sne.s32 s0, $0x0;
	_ =	strace $0x9000004A  }
0x12e: {  	s0 =	sadd.s32 @!p0 $0x100000, s1;
	[bflag:$0x2] =	sbarrier.arrive $0xFFFF  }
0x12f: {  	[sflag:s0] =	ssyncadd.tile.s32 @!p0 $0x1;
	_ =	shalt  }
.Lfunc_end2:
_tile_overlayer_lowered:
.L_overlay_start_2:
0x130: {  	(tag) =	ssettag $0x2  }
0x131: {  	s0 =	rddreg [dreg:$0x0];
	s2 =	stileid.u32  }
0x132: {  	s1 =	rddreg [dreg:$0x1];
	p0 =	sne.s32 s2, $0x0  }
0x133: {  	s3 =	rddreg [dreg:$0x2];
	[bflag:$0x3] =	sbarrier.arrive $0xFFFF;
	s2 =	simm.s32 @!p0 $0x1C02  }
0x134: {  	[timem:s3], [sflag:s2] =	dma.local @!p0 [hbm:s0], s1  }
0x135: {  	s0 =	simm.s32 @!p0 $0x2  }
0x136: {  	_ =	swait.ge @!p0 [sflag:s0], s1  }
0x137: {  	s1 =	ssub.s32 @!p0 $0x0, s1;
	[sflag:s0] =	ssyncset.done @!p0 $0x0  }
0x138: {  	[sflag:s0] =	ssyncadd.s32 @!p0 s1  }
0x139: {  	[bflag:$0x3] =	sbarrier.arrive $0xFFFF  }
0x13a: {  	_ =	shalt  }

</sc_bundles>
